<compile_context>
chip_gen: v7x
topology: tpu7x:2x2x1
jax: 0.10.2.dev20260603
libtpu: 0.0.44.dev20260713+nightly
codegen_flags: <defaults>
</compile_context>

<pallas_src>
import functools

import jax
import jax.numpy as jnp
from jax import lax
from jax.experimental import pallas as pl
from jax.experimental.pallas import tpu as pltpu
from jax.experimental.pallas import tpu_sc as plsc

N = 10000
E = 320000
D = 128

NC = 2
NS = 16
NW = NC * NS
EPW = E // NW
CH = 125
CPT = EPW // CH
SUBS = ((0, 32), (32, 32), (64, 32), (96, 29))
NBUF = len(SUBS)
NPAD = 10240
RPT = NPAD // NS


def _fill2d(ref, value):
    rows, cols = ref.shape
    cpr = cols // 16

    def body(k, _):
        r = k // cpr
        c = (k % cpr) * 16
        ref[r, pl.ds(c, 16)] = jnp.full((16,), value, ref.dtype)
        return 0

    lax.fori_loop(0, rows * cpr, body, 0)


def _fill1d(ref, value):
    n = ref.shape[0]

    def body(k, _):
        ref[pl.ds(k * 16, 16)] = jnp.full((16,), value, ref.dtype)
        return 0

    lax.fori_loop(0, n // 16, body, 0)


def _zero_stripe(acc_s, buf, s, sem):
    base = s * RPT
    nrows = buf.shape[0]
    nfull = RPT // nrows
    descs = []
    for j in range(nfull):
        descs.append(pltpu.async_copy(
            buf, acc_s.at[pl.ds(base + j * nrows, nrows)], sem))
    rem = RPT - nfull * nrows
    if rem:
        descs.append(pltpu.async_copy(
            buf.at[pl.ds(0, rem)],
            acc_s.at[pl.ds(base + nfull * nrows, rem)], sem))
    for d in descs:
        d.wait()


def _sc_edge_accum(ea_r, dst_r):
    mesh = plsc.VectorSubcoreMesh(core_axis_name="c", subcore_axis_name="s")

    @functools.partial(
        pl.kernel,
        out_type=(
            jax.ShapeDtypeStruct((NC, NPAD, D), jnp.float32),
            jax.ShapeDtypeStruct((NC * NPAD,), jnp.float32),
            jax.ShapeDtypeStruct((NW, CPT, CH, D), jnp.float32),
        ),
        mesh=mesh,
        scratch_types=[
            pltpu.VMEM((CPT, CH), jnp.int32),
            tuple(pltpu.VMEM((32, D), jnp.float32) for _ in range(NBUF)),
            pltpu.VMEM((128,), jnp.float32),
            pltpu.VMEM((RPT,), jnp.float32),
            pltpu.VMEM_SHARED((NPAD, D), jnp.float32),
            pltpu.VMEM_SHARED((NPAD,), jnp.float32),
            pltpu.SemaphoreType.DMA((NBUF,)),
            pltpu.SemaphoreType.DMA((NBUF,)),
            pltpu.SemaphoreType.DMA((NBUF,)),
            pltpu.SemaphoreType.DMA((NBUF,)),
        ],
    )
    def k(ea_hbm, dst_hbm, acc_out, cnt_out, ea_out, idx_v, bufs, ones_v,
          zc_v, acc_s, cnt_s, gsem, ssem, csem, wsem):
        c = lax.axis_index("c")
        s = lax.axis_index("s")
        w = c * NS + s

        _fill2d(bufs[0], 0.0)
        _fill1d(zc_v, 0.0)
        idxd = pltpu.async_copy(dst_hbm.at[w], idx_v, ssem.at[0])
        zcd = pltpu.async_copy(zc_v, cnt_s.at[pl.ds(s * RPT, RPT)],
                               csem.at[0])
        _fill1d(ones_v, 1.0)
        _zero_stripe(acc_s, bufs[0], s, gsem.at[0])
        idxd.wait()
        zcd.wait()
        plsc.subcore_barrier()

        for b, (off, ln) in enumerate(SUBS):
            pltpu.async_copy(ea_hbm.at[w, 0, pl.ds(off, ln)],
                             bufs[b].at[pl.ds(0, ln)], gsem.at[b])

        def body(j, _):
            for b, (off, ln) in enumerate(SUBS):
                pltpu.make_async_copy(ea_hbm.at[w, j, pl.ds(off, ln)],
                                      bufs[b].at[pl.ds(0, ln)],
                                      gsem.at[b]).wait()
                sd = pltpu.async_copy(bufs[b].at[pl.ds(0, ln)],
                                      acc_s.at[idx_v.at[j, pl.ds(off, ln)]],
                                      ssem.at[b], add=True)
                cd = pltpu.async_copy(ones_v.at[pl.ds(0, ln)],
                                      cnt_s.at[idx_v.at[j, pl.ds(off, ln)]],
                                      csem.at[b], add=True)
                wd = pltpu.async_copy(bufs[b].at[pl.ds(0, ln)],
                                      ea_out.at[w, j, pl.ds(off, ln)],
                                      wsem.at[b])
                sd.wait()
                cd.wait()
                wd.wait()

                @pl.when(j + 1 < CPT)
                def _():
                    pltpu.async_copy(ea_hbm.at[w, j + 1, pl.ds(off, ln)],
                                     bufs[b].at[pl.ds(0, ln)], gsem.at[b])

            return 0

        lax.fori_loop(0, CPT, body, 0)
        plsc.subcore_barrier()

        fa = pltpu.async_copy(acc_s.at[pl.ds(s * RPT, RPT)],
                              acc_out.at[c, pl.ds(s * RPT, RPT)], gsem.at[0])
        fb = pltpu.async_copy(cnt_s.at[pl.ds(s * RPT, RPT)],
                              cnt_out.at[pl.ds(c * NPAD + s * RPT, RPT)],
                              csem.at[0])
        fa.wait()
        fb.wait()

    return k(ea_r, dst_r)


def _sc_propagate(g, src_r, dst_r):
    mesh = plsc.VectorSubcoreMesh(core_axis_name="c", subcore_axis_name="s")

    @functools.partial(
        pl.kernel,
        out_type=jax.ShapeDtypeStruct((NC, NPAD, D), jnp.float32),
        mesh=mesh,
        scratch_types=[
            pltpu.VMEM((CPT, CH), jnp.int32),
            pltpu.VMEM((CPT, CH), jnp.int32),
            tuple(pltpu.VMEM((32, D), jnp.float32) for _ in range(NBUF)),
            pltpu.VMEM_SHARED((NPAD, D), jnp.float32),
            pltpu.SemaphoreType.DMA((NBUF,)),
            pltpu.SemaphoreType.DMA((NBUF,)),
        ],
    )
    def k(g_hbm, src_hbm, dst_hbm, acc_out, sidx_v, didx_v, bufs,
          acc_s, gsem, ssem):
        c = lax.axis_index("c")
        s = lax.axis_index("s")
        w = c * NS + s

        _fill2d(bufs[0], 0.0)
        sd1 = pltpu.async_copy(src_hbm.at[w], sidx_v, ssem.at[0])
        sd2 = pltpu.async_copy(dst_hbm.at[w], didx_v, ssem.at[1])
        _zero_stripe(acc_s, bufs[0], s, gsem.at[0])
        sd1.wait()
        sd2.wait()
        plsc.subcore_barrier()

        for b, (off, ln) in enumerate(SUBS):
            pltpu.async_copy(g_hbm.at[sidx_v.at[0, pl.ds(off, ln)]],
                             bufs[b].at[pl.ds(0, ln)], gsem.at[b])

        def body(j, _):
            for b, (off, ln) in enumerate(SUBS):
                pltpu.make_async_copy(
                    g_hbm.at[sidx_v.at[j, pl.ds(off, ln)]],
                    bufs[b].at[pl.ds(0, ln)], gsem.at[b]).wait()
                sd = pltpu.async_copy(bufs[b].at[pl.ds(0, ln)],
                                      acc_s.at[didx_v.at[j, pl.ds(off, ln)]],
                                      ssem.at[b], add=True)
                sd.wait()

                @pl.when(j + 1 < CPT)
                def _():
                    pltpu.async_copy(
                        g_hbm.at[sidx_v.at[j + 1, pl.ds(off, ln)]],
                        bufs[b].at[pl.ds(0, ln)], gsem.at[b])

            return 0

        lax.fori_loop(0, CPT, body, 0)
        plsc.subcore_barrier()

        pltpu.sync_copy(acc_s.at[pl.ds(s * RPT, RPT)],
                        acc_out.at[c, pl.ds(s * RPT, RPT)])

    return k(g, src_r, dst_r)


_BLK = 2000


def _tc_stage1_body(x_ref, p0_ref, p1_ref, rcnt_ref, dis_ref, w_ref, b_ref,
                    o_ref):
    z = x_ref[...] + (p0_ref[0] + p1_ref[0]) * rcnt_ref[...]
    h = jnp.dot(z, w_ref[...], preferred_element_type=jnp.float32) + b_ref[...]
    o_ref[...] = h * dis_ref[...]


def _tc_stage1(x, acc_p, rcnt, dis, wt, b):
    grid = (N // _BLK,)
    row = pl.BlockSpec((_BLK, D), lambda i: (i, 0))
    col = pl.BlockSpec((_BLK, 1), lambda i: (i, 0))
    part0 = pl.BlockSpec((1, _BLK, D), lambda i: (0, i, 0))
    part1 = pl.BlockSpec((1, _BLK, D), lambda i: (1, i, 0))
    full = pl.BlockSpec((D, D), lambda i: (0, 0))
    bias = pl.BlockSpec((1, D), lambda i: (0, 0))
    return pl.pallas_call(
        _tc_stage1_body,
        grid=grid,
        in_specs=[row, part0, part1, col, col, full, bias],
        out_specs=row,
        out_shape=jax.ShapeDtypeStruct((N, D), jnp.float32),
    )(x, acc_p, acc_p, rcnt, dis, wt, b)


def _tc_conv_body(relu_out, scale_out, s0_ref, s1_ref, g_ref, dis_ref, w_ref,
                  b_ref, o_ref):
    q = (s0_ref[0] + s1_ref[0] + g_ref[...]) * dis_ref[...]
    h = jnp.dot(q, w_ref[...], preferred_element_type=jnp.float32) + b_ref[...]
    if relu_out:
        h = jnp.maximum(h, 0.0)
    if scale_out:
        h = h * dis_ref[...]
    o_ref[...] = h


def _tc_conv(s_p, g, dis, wt, b, relu_out, scale_out):
    grid = (N // _BLK,)
    row = pl.BlockSpec((_BLK, D), lambda i: (i, 0))
    col = pl.BlockSpec((_BLK, 1), lambda i: (i, 0))
    part0 = pl.BlockSpec((1, _BLK, D), lambda i: (0, i, 0))
    part1 = pl.BlockSpec((1, _BLK, D), lambda i: (1, i, 0))
    full = pl.BlockSpec((D, D), lambda i: (0, 0))
    bias = pl.BlockSpec((1, D), lambda i: (0, 0))
    return pl.pallas_call(
        functools.partial(_tc_conv_body, relu_out, scale_out),
        grid=grid,
        in_specs=[part0, part1, row, col, full, bias],
        out_specs=row,
        out_shape=jax.ShapeDtypeStruct((N, D), jnp.float32),
    )(s_p, s_p, g, dis, wt, b)


def kernel(x, edge_index, edge_attr, W_ne, b_ne, W1, b1, W2, b2):
    src = edge_index[0]
    dst = edge_index[1]
    src_r = src.reshape(NW, CPT, CH)
    dst_r = dst.reshape(NW, CPT, CH)
    ea_r = edge_attr.reshape(NW, CPT, CH, D)

    acc_p, cnt_flat, ea_copy = _sc_edge_accum(ea_r, dst_r)
    cnt_p = cnt_flat.reshape(NC, NPAD)
    cnt = cnt_p[0, :N] + cnt_p[1, :N]

    rcnt = 1.0 / jnp.maximum(cnt, 1.0)
    dis = lax.rsqrt(cnt + 1.0)
    rcnt_c = rcnt[:, None]
    dis_c = dis[:, None]

    g0 = _tc_stage1(x, acc_p, rcnt_c, dis_c, W_ne.T, b_ne[None, :])

    s_p = _sc_propagate(g0, src_r, dst_r)
    g1 = _tc_conv(s_p, g0, dis_c, W1.T, b1[None, :],
                  relu_out=True, scale_out=True)

    s_p2 = _sc_propagate(g1, src_r, dst_r)
    out = _tc_conv(s_p2, g1, dis_c, W2.T, b2[None, :],
                   relu_out=False, scale_out=False)

    return (out, ea_copy.reshape(E, D))

# --- scband reference (transcript-rebuilt; emitter-appended) ---
"""Pipeline reference for scband-mpblock-36988258353722 (READ-ONLY COPY).

The authoritative reference and input builder live on the scoring server;
editing this copy changes nothing except your own understanding.
"""

import jax, jax.numpy as jnp
import numpy as np

N = 10000
E = 320000
D = 128


def setup_inputs(seed: int = 0) -> dict:
    key = jax.random.key(seed)
    ks = jax.random.split(key, 8)
    x = jax.random.normal(ks[0], (N, D), dtype=jnp.float32)
    edge_index = jax.random.randint(ks[1], (2, E), 0, N, dtype=jnp.int32)
    edge_attr = jax.random.normal(ks[2], (E, D), dtype=jnp.float32)
    scale = 1.0 / np.sqrt(D)
    # node_edge_update: nn.Linear(in_dim, in_dim) -- weight [out,in], bias zero-init per module
    W_ne = jax.random.uniform(ks[3], (D, D), dtype=jnp.float32, minval=-scale, maxval=scale)
    b_ne = jnp.zeros((D,), dtype=jnp.float32)
    # GCN (PyG BasicGNN) with num_layers=2: GCNConv(D->D), ReLU, GCNConv(D->D)
    W1 = jax.random.uniform(ks[4], (D, D), dtype=jnp.float32, minval=-scale, maxval=scale)
    b1 = jnp.zeros((D,), dtype=jnp.float32)
    W2 = jax.random.uniform(ks[5], (D, D), dtype=jnp.float32, minval=-scale, maxval=scale)
    b2 = jnp.zeros((D,), dtype=jnp.float32)
    return {"x": x, "edge_index": edge_index, "edge_attr": edge_attr,
            "W_ne": W_ne, "b_ne": b_ne, "W1": W1, "b1": b1, "W2": W2, "b2": b2}


def _gcn_conv(x, src, dst, W, b):
    # PyG GCNConv: lin(x) -> symmetric-normalized propagate with self loops -> + bias
    loop = jnp.arange(N, dtype=src.dtype)
    s = jnp.concatenate([src, loop])
    d = jnp.concatenate([dst, loop])
    deg = jax.ops.segment_sum(jnp.ones(s.shape[0], jnp.float32), d, num_segments=N)
    dis = jnp.where(deg > 0, 1.0 / jnp.sqrt(deg), 0.0)
    norm = dis[s] * dis[d]
    h = x @ W.T
    msg = h[s] * norm[:, None]
    out = jax.ops.segment_sum(msg, d, num_segments=N)
    return out + b


def reference(x, edge_index, edge_attr, W_ne, b_ne, W1, b1, W2, b2):
    src = edge_index[0]
    dst = edge_index[1]
    # node_edge_update path: scatter-mean of edge_attr onto dst nodes, add, linear
    seg_sum = jax.ops.segment_sum(edge_attr, dst, num_segments=N)
    cnt = jax.ops.segment_sum(jnp.ones((E, 1), jnp.float32), dst, num_segments=N)
    e_message = seg_sum / jnp.clip(cnt, 1.0, None)
    h = (x + e_message) @ W_ne.T + b_ne
    # GCN model: conv1 -> relu -> conv2 (edge_attr passed but unsupported by GCNConv, ignored)
    h = _gcn_conv(h, src, dst, W1, b1)
    h = jax.nn.relu(h)
    h = _gcn_conv(h, src, dst, W2, b2)
    return (h, edge_attr)

if __name__ == "__main__":
    import jax
    _d = setup_inputs()
    print(jax.jit(kernel)(*tuple(_d.values())))

</pallas_src>

<mosaic_0001>
#map = affine_map<(d0, d1) -> (0, 0)>
#map1 = affine_map<(d0, d1) -> (0, 0, 0)>
module attributes {stable_mosaic.version = 14 : i64} {
  func.func @k(%arg0: i32, %arg1: i32, %arg2: memref<10000x128xf32, #tpu.memory_space<hbm>>, %arg3: memref<32x80x125xi32, #tpu.memory_space<hbm>>, %arg4: memref<32x80x125xi32, #tpu.memory_space<hbm>>, %arg5: memref<2x10240x128xf32, #tpu.memory_space<hbm>>, %arg6: memref<80x125xi32, #tpu.memory_space<vmem>>, %arg7: memref<80x125xi32, #tpu.memory_space<vmem>>, %arg8: memref<32x128xf32, #tpu.memory_space<vmem>>, %arg9: memref<32x128xf32, #tpu.memory_space<vmem>>, %arg10: memref<32x128xf32, #tpu.memory_space<vmem>>, %arg11: memref<32x128xf32, #tpu.memory_space<vmem>>, %arg12: memref<10240x128xf32, #tpu.memory_space<vmem_shared>>, %arg13: memref<4x!tpu.dma_semaphore, #tpu.memory_space<semaphore_mem>>, %arg14: memref<4x!tpu.dma_semaphore, #tpu.memory_space<semaphore_mem>>) attributes {dimension_semantics = [#tpu.dimension_semantics<core_parallel>, #tpu.dimension_semantics<subcore_parallel>], iteration_bounds = array<i64: 2, 16>, scalar_prefetch = 0 : i64, scratch_operands = 9 : i64, tpu.core_type = #tpu.core_type<sc_vector_subcore>, window_params = [{transform_indices = #map}, {transform_indices = #map1}, {transform_indices = #map1}, {transform_indices = #map1}]} {
    %mul3A = arith.constant 16 : i32
    %mul3A_0 = arith.muli %arg0, %mul3A : i32
    %add3A = arith.addi %mul3A_0, %arg1 : i32
    %scan3A = arith.constant 0 : i32
    %scan3A_1 = arith.constant 0 : i32
    %scan3A_2 = arith.constant 256 : i32
    %scan3A_3 = arith.addi %scan3A_1, %scan3A_2 : i32
    %scan3A_4 = arith.constant 1 : i32
    %scan3A_5 = scf.for %scan3A_435 = %scan3A_1 to %scan3A_3 step %scan3A_4 iter_args(%scan3A_436 = %scan3A) -> (i32)  : i32 {
      %jit3A = arith.constant 8 : i32
      %div3A = arith.divsi %scan3A_435, %jit3A : i32
      %sign3A = arith.constant 0 : i32
      %sign3A_437 = arith.cmpi sgt, %scan3A_435, %sign3A : i32
      %sign3A_438 = arith.extui %sign3A_437 : i1 to i32
      %sign3A_439 = arith.constant 0 : i32
      %sign3A_440 = arith.cmpi slt, %scan3A_435, %sign3A_439 : i32
      %sign3A_441 = arith.extui %sign3A_440 : i1 to i32
      %sign3A_442 = arith.subi %sign3A_438, %sign3A_441 : i32
      %sign3A_443 = arith.constant 0 : i32
      %sign3A_444 = arith.cmpi sgt, %jit3A, %sign3A_443 : i32
      %sign3A_445 = arith.extui %sign3A_444 : i1 to i32
      %sign3A_446 = arith.constant 0 : i32
      %sign3A_447 = arith.cmpi slt, %jit3A, %sign3A_446 : i32
      %sign3A_448 = arith.extui %sign3A_447 : i1 to i32
      %sign3A_449 = arith.subi %sign3A_445, %sign3A_448 : i32
      %ne3A = arith.cmpi ne, %sign3A_442, %sign3A_449 : i32
      %rem3A = arith.remsi %scan3A_435, %jit3A : i32
      %ne3A_450 = arith.constant 0 : i32
      %ne3A_451 = arith.cmpi ne, %rem3A, %ne3A_450 : i32
      %and3A = arith.andi %ne3A, %ne3A_451 : i1
      %sub3A = arith.constant 1 : i32
      %sub3A_452 = arith.subi %div3A, %sub3A : i32
      %select_n3A = arith.select %and3A, %sub3A_452, %div3A : i32
      %jit3A_453 = arith.constant 8 : i32
      %eq3A = arith.constant 0 : i32
      %eq3A_454 = arith.cmpi eq, %jit3A_453, %eq3A : i32
      %jit3A_455 = arith.constant 1 : i32
      %select_n3A_456 = arith.select %eq3A_454, %jit3A_455, %jit3A_453 : i32
      %rem3A_457 = arith.remsi %scan3A_435, %select_n3A_456 : i32
      %ne3A_458 = arith.constant 0 : i32
      %ne3A_459 = arith.cmpi ne, %rem3A_457, %ne3A_458 : i32
      %lt3A = arith.constant 0 : i32
      %lt3A_460 = arith.cmpi slt, %rem3A_457, %lt3A : i32
      %lt3A_461 = arith.constant 0 : i32
      %lt3A_462 = arith.cmpi slt, %select_n3A_456, %lt3A_461 : i32
      %ne3A_463 = arith.xori %lt3A_460, %lt3A_462 : i1
      %and3A_464 = arith.andi %ne3A_463, %ne3A_459 : i1
      %add3A_465 = arith.addi %rem3A_457, %select_n3A_456 : i32
      %select_n3A_466 = arith.select %and3A_464, %add3A_465, %rem3A_457 : i32
      %mul3A_467 = arith.constant 16 : i32
      %mul3A_468 = arith.muli %select_n3A_466, %mul3A_467 : i32
      %broadcast_in_dim3A = arith.constant 0.000000e+00 : f32
      %broadcast_in_dim3A_469 = vector.broadcast %broadcast_in_dim3A : f32 to vector<16xf32>
      %swap3A = arith.index_cast %select_n3A : i32 to index
      %swap3A_470 = arith.index_cast %mul3A_468 : i32 to index
      %swap3A_471 = tpu.vector_load %arg8[%swap3A, %swap3A_470] {strides = array<i32>} : memref<32x128xf32, #tpu.memory_space<vmem>>, vector<1x16xf32>,
      %swap3A_472 = vector.shape_cast %swap3A_471 : vector<1x16xf32> to vector<16xf32>
      %swap3A_473 = vector.shape_cast %broadcast_in_dim3A_469 : vector<16xf32> to vector<1x16xf32>
      tpu.vector_store %arg8[%swap3A, %swap3A_470], %swap3A_473 {strides = array<i32>} : memref<32x128xf32, #tpu.memory_space<vmem>>, vector<1x16xf32>,
      %scan3A_474 = arith.constant 0 : i32
      scf.yield %scan3A_474 : i32
    }
    %scan3A_6 = arith.constant 256 : i32
    %dma_start3A = arith.constant 0 : i32
    %dma_start3A_7 = arith.constant 0 : i32
    %dma_start3A_8 = arith.constant 0 : i32
    %dma_start3A_9 = tpu.memref_slice %arg3[%add3A, %dma_start3A_7, %dma_start3A_8] : memref<32x80x125xi32, #tpu.memory_space<hbm>> -> memref<1x80x125xi32, #tpu.memory_space<hbm>>
    %dma_start3A_10 = tpu.memref_squeeze %dma_start3A_9 : memref<1x80x125xi32, #tpu.memory_space<hbm>> -> memref<80x125xi32, #tpu.memory_space<hbm>>
    %dma_start3A_11 = tpu.memref_slice %arg14[%dma_start3A] : memref<4x!tpu.dma_semaphore, #tpu.memory_space<semaphore_mem>> -> memref<1x!tpu.dma_semaphore, #tpu.memory_space<semaphore_mem>>
    %dma_start3A_12 = tpu.memref_squeeze %dma_start3A_11 : memref<1x!tpu.dma_semaphore, #tpu.memory_space<semaphore_mem>> -> memref<!tpu.dma_semaphore, #tpu.memory_space<semaphore_mem>>
    %dma_start3A_13 = arith.constant 0 : i32
    %dma_start3A_14 = arith.constant 0 : i32
    %dma_start3A_15 = tpu.memref_slice %arg3[%add3A, %dma_start3A_13, %dma_start3A_14] : memref<32x80x125xi32, #tpu.memory_space<hbm>> -> memref<1x80x125xi32, #tpu.memory_space<hbm>>
    %dma_start3A_16 = tpu.memref_squeeze %dma_start3A_15 : memref<1x80x125xi32, #tpu.memory_space<hbm>> -> memref<80x125xi32, #tpu.memory_space<hbm>>
    tpu.enqueue_dma source(%dma_start3A_16 : memref<80x125xi32, #tpu.memory_space<hbm>>) target(%arg6 : memref<80x125xi32, #tpu.memory_space<vmem>>) target_semaphore(%dma_start3A_12 : memref<!tpu.dma_semaphore, #tpu.memory_space<semaphore_mem>>)
    %dma_start3A_17 = arith.constant 1 : i32
    %dma_start3A_18 = arith.constant 0 : i32
    %dma_start3A_19 = arith.constant 0 : i32
    %dma_start3A_20 = tpu.memref_slice %arg4[%add3A, %dma_start3A_18, %dma_start3A_19] : memref<32x80x125xi32, #tpu.memory_space<hbm>> -> memref<1x80x125xi32, #tpu.memory_space<hbm>>
    %dma_start3A_21 = tpu.memref_squeeze %dma_start3A_20 : memref<1x80x125xi32, #tpu.memory_space<hbm>> -> memref<80x125xi32, #tpu.memory_space<hbm>>
    %dma_start3A_22 = tpu.memref_slice %arg14[%dma_start3A_17] : memref<4x!tpu.dma_semaphore, #tpu.memory_space<semaphore_mem>> -> memref<1x!tpu.dma_semaphore, #tpu.memory_space<semaphore_mem>>
    %dma_start3A_23 = tpu.memref_squeeze %dma_start3A_22 : memref<1x!tpu.dma_semaphore, #tpu.memory_space<semaphore_mem>> -> memref<!tpu.dma_semaphore, #tpu.memory_space<semaphore_mem>>
    %dma_start3A_24 = arith.constant 0 : i32
    %dma_start3A_25 = arith.constant 0 : i32
    %dma_start3A_26 = tpu.memref_slice %arg4[%add3A, %dma_start3A_24, %dma_start3A_25] : memref<32x80x125xi32, #tpu.memory_space<hbm>> -> memref<1x80x125xi32, #tpu.memory_space<hbm>>
    %dma_start3A_27 = tpu.memref_squeeze %dma_start3A_26 : memref<1x80x125xi32, #tpu.memory_space<hbm>> -> memref<80x125xi32, #tpu.memory_space<hbm>>
    tpu.enqueue_dma source(%dma_start3A_27 : memref<80x125xi32, #tpu.memory_space<hbm>>) target(%arg7 : memref<80x125xi32, #tpu.memory_space<vmem>>) target_semaphore(%dma_start3A_23 : memref<!tpu.dma_semaphore, #tpu.memory_space<semaphore_mem>>)
    %mul3A_28 = arith.constant 640 : i32
    %mul3A_29 = arith.muli %arg1, %mul3A_28 : i32
    %add3A_30 = arith.constant 0 : i32
    %add3A_31 = arith.addi %mul3A_29, %add3A_30 : i32
    %dma_start3A_32 = arith.constant 0 : i32
    %dma_start3A_33 = arith.constant 0 : i32
    %dma_start3A_34 = tpu.memref_slice %arg12[%add3A_31, %dma_start3A_33] : memref<10240x128xf32, #tpu.memory_space<vmem_shared>> -> memref<32x128xf32, #tpu.memory_space<vmem_shared>>
    %dma_start3A_35 = tpu.memref_slice %arg13[%dma_start3A_32] : memref<4x!tpu.dma_semaphore, #tpu.memory_space<semaphore_mem>> -> memref<1x!tpu.dma_semaphore, #tpu.memory_space<semaphore_mem>>
    %dma_start3A_36 = tpu.memref_squeeze %dma_start3A_35 : memref<1x!tpu.dma_semaphore, #tpu.memory_space<semaphore_mem>> -> memref<!tpu.dma_semaphore, #tpu.memory_space<semaphore_mem>>
    %dma_start3A_37 = arith.constant 0 : i32
    %dma_start3A_38 = tpu.memref_slice %arg12[%add3A_31, %dma_start3A_37] : memref<10240x128xf32, #tpu.memory_space<vmem_shared>> -> memref<32x128xf32, #tpu.memory_space<vmem_shared>>
    tpu.enqueue_dma source(%arg8 : memref<32x128xf32, #tpu.memory_space<vmem>>) target(%dma_start3A_38 : memref<32x128xf32, #tpu.memory_space<vmem_shared>>) target_semaphore(%dma_start3A_36 : memref<!tpu.dma_semaphore, #tpu.memory_space<semaphore_mem>>)
    %add3A_39 = arith.constant 32 : i32
    %add3A_40 = arith.addi %mul3A_29, %add3A_39 : i32
    %dma_start3A_41 = arith.constant 0 : i32
    %dma_start3A_42 = arith.constant 0 : i32
    %dma_start3A_43 = tpu.memref_slice %arg12[%add3A_40, %dma_start3A_42] : memref<10240x128xf32, #tpu.memory_space<vmem_shared>> -> memref<32x128xf32, #tpu.memory_space<vmem_shared>>
    %dma_start3A_44 = tpu.memref_slice %arg13[%dma_start3A_41] : memref<4x!tpu.dma_semaphore, #tpu.memory_space<semaphore_mem>> -> memref<1x!tpu.dma_semaphore, #tpu.memory_space<semaphore_mem>>
    %dma_start3A_45 = tpu.memref_squeeze %dma_start3A_44 : memref<1x!tpu.dma_semaphore, #tpu.memory_space<semaphore_mem>> -> memref<!tpu.dma_semaphore, #tpu.memory_space<semaphore_mem>>
    %dma_start3A_46 = arith.constant 0 : i32
    %dma_start3A_47 = tpu.memref_slice %arg12[%add3A_40, %dma_start3A_46] : memref<10240x128xf32, #tpu.memory_space<vmem_shared>> -> memref<32x128xf32, #tpu.memory_space<vmem_shared>>
    tpu.enqueue_dma source(%arg8 : memref<32x128xf32, #tpu.memory_space<vmem>>) target(%dma_start3A_47 : memref<32x128xf32, #tpu.memory_space<vmem_shared>>) target_semaphore(%dma_start3A_45 : memref<!tpu.dma_semaphore, #tpu.memory_space<semaphore_mem>>)
    %add3A_48 = arith.constant 64 : i32
    %add3A_49 = arith.addi %mul3A_29, %add3A_48 : i32
    %dma_start3A_50 = arith.constant 0 : i32
    %dma_start3A_51 = arith.constant 0 : i32
    %dma_start3A_52 = tpu.memref_slice %arg12[%add3A_49, %dma_start3A_51] : memref<10240x128xf32, #tpu.memory_space<vmem_shared>> -> memref<32x128xf32, #tpu.memory_space<vmem_shared>>
    %dma_start3A_53 = tpu.memref_slice %arg13[%dma_start3A_50] : memref<4x!tpu.dma_semaphore, #tpu.memory_space<semaphore_mem>> -> memref<1x!tpu.dma_semaphore, #tpu.memory_space<semaphore_mem>>
    %dma_start3A_54 = tpu.memref_squeeze %dma_start3A_53 : memref<1x!tpu.dma_semaphore, #tpu.memory_space<semaphore_mem>> -> memref<!tpu.dma_semaphore, #tpu.memory_space<semaphore_mem>>
    %dma_start3A_55 = arith.constant 0 : i32
    %dma_start3A_56 = tpu.memref_slice %arg12[%add3A_49, %dma_start3A_55] : memref<10240x128xf32, #tpu.memory_space<vmem_shared>> -> memref<32x128xf32, #tpu.memory_space<vmem_shared>>
    tpu.enqueue_dma source(%arg8 : memref<32x128xf32, #tpu.memory_space<vmem>>) target(%dma_start3A_56 : memref<32x128xf32, #tpu.memory_space<vmem_shared>>) target_semaphore(%dma_start3A_54 : memref<!tpu.dma_semaphore, #tpu.memory_space<semaphore_mem>>)
    %add3A_57 = arith.constant 96 : i32
    %add3A_58 = arith.addi %mul3A_29, %add3A_57 : i32
    %dma_start3A_59 = arith.constant 0 : i32
    %dma_start3A_60 = arith.constant 0 : i32
    %dma_start3A_61 = tpu.memref_slice %arg12[%add3A_58, %dma_start3A_60] : memref<10240x128xf32, #tpu.memory_space<vmem_shared>> -> memref<32x128xf32, #tpu.memory_space<vmem_shared>>
    %dma_start3A_62 = tpu.memref_slice %arg13[%dma_start3A_59] : memref<4x!tpu.dma_semaphore, #tpu.memory_space<semaphore_mem>> -> memref<1x!tpu.dma_semaphore, #tpu.memory_space<semaphore_mem>>
    %dma_start3A_63 = tpu.memref_squeeze %dma_start3A_62 : memref<1x!tpu.dma_semaphore, #tpu.memory_space<semaphore_mem>> -> memref<!tpu.dma_semaphore, #tpu.memory_space<semaphore_mem>>
    %dma_start3A_64 = arith.constant 0 : i32
    %dma_start3A_65 = tpu.memref_slice %arg12[%add3A_58, %dma_start3A_64] : memref<10240x128xf32, #tpu.memory_space<vmem_shared>> -> memref<32x128xf32, #tpu.memory_space<vmem_shared>>
    tpu.enqueue_dma source(%arg8 : memref<32x128xf32, #tpu.memory_space<vmem>>) target(%dma_start3A_65 : memref<32x128xf32, #tpu.memory_space<vmem_shared>>) target_semaphore(%dma_start3A_63 : memref<!tpu.dma_semaphore, #tpu.memory_space<semaphore_mem>>)
    %add3A_66 = arith.constant 128 : i32
    %add3A_67 = arith.addi %mul3A_29, %add3A_66 : i32
    %dma_start3A_68 = arith.constant 0 : i32
    %dma_start3A_69 = arith.constant 0 : i32
    %dma_start3A_70 = tpu.memref_slice %arg12[%add3A_67, %dma_start3A_69] : memref<10240x128xf32, #tpu.memory_space<vmem_shared>> -> memref<32x128xf32, #tpu.memory_space<vmem_shared>>
    %dma_start3A_71 = tpu.memref_slice %arg13[%dma_start3A_68] : memref<4x!tpu.dma_semaphore, #tpu.memory_space<semaphore_mem>> -> memref<1x!tpu.dma_semaphore, #tpu.memory_space<semaphore_mem>>
    %dma_start3A_72 = tpu.memref_squeeze %dma_start3A_71 : memref<1x!tpu.dma_semaphore, #tpu.memory_space<semaphore_mem>> -> memref<!tpu.dma_semaphore, #tpu.memory_space<semaphore_mem>>
    %dma_start3A_73 = arith.constant 0 : i32
    %dma_start3A_74 = tpu.memref_slice %arg12[%add3A_67, %dma_start3A_73] : memref<10240x128xf32, #tpu.memory_space<vmem_shared>> -> memref<32x128xf32, #tpu.memory_space<vmem_shared>>
    tpu.enqueue_dma source(%arg8 : memref<32x128xf32, #tpu.memory_space<vmem>>) target(%dma_start3A_74 : memref<32x128xf32, #tpu.memory_space<vmem_shared>>) target_semaphore(%dma_start3A_72 : memref<!tpu.dma_semaphore, #tpu.memory_space<semaphore_mem>>)
    %add3A_75 = arith.constant 160 : i32
    %add3A_76 = arith.addi %mul3A_29, %add3A_75 : i32
    %dma_start3A_77 = arith.constant 0 : i32
    %dma_start3A_78 = arith.constant 0 : i32
    %dma_start3A_79 = tpu.memref_slice %arg12[%add3A_76, %dma_start3A_78] : memref<10240x128xf32, #tpu.memory_space<vmem_shared>> -> memref<32x128xf32, #tpu.memory_space<vmem_shared>>
    %dma_start3A_80 = tpu.memref_slice %arg13[%dma_start3A_77] : memref<4x!tpu.dma_semaphore, #tpu.memory_space<semaphore_mem>> -> memref<1x!tpu.dma_semaphore, #tpu.memory_space<semaphore_mem>>
    %dma_start3A_81 = tpu.memref_squeeze %dma_start3A_80 : memref<1x!tpu.dma_semaphore, #tpu.memory_space<semaphore_mem>> -> memref<!tpu.dma_semaphore, #tpu.memory_space<semaphore_mem>>
    %dma_start3A_82 = arith.constant 0 : i32
    %dma_start3A_83 = tpu.memref_slice %arg12[%add3A_76, %dma_start3A_82] : memref<10240x128xf32, #tpu.memory_space<vmem_shared>> -> memref<32x128xf32, #tpu.memory_space<vmem_shared>>
    tpu.enqueue_dma source(%arg8 : memref<32x128xf32, #tpu.memory_space<vmem>>) target(%dma_start3A_83 : memref<32x128xf32, #tpu.memory_space<vmem_shared>>) target_semaphore(%dma_start3A_81 : memref<!tpu.dma_semaphore, #tpu.memory_space<semaphore_mem>>)
    %add3A_84 = arith.constant 192 : i32
    %add3A_85 = arith.addi %mul3A_29, %add3A_84 : i32
    %dma_start3A_86 = arith.constant 0 : i32
    %dma_start3A_87 = arith.constant 0 : i32
    %dma_start3A_88 = tpu.memref_slice %arg12[%add3A_85, %dma_start3A_87] : memref<10240x128xf32, #tpu.memory_space<vmem_shared>> -> memref<32x128xf32, #tpu.memory_space<vmem_shared>>
    %dma_start3A_89 = tpu.memref_slice %arg13[%dma_start3A_86] : memref<4x!tpu.dma_semaphore, #tpu.memory_space<semaphore_mem>> -> memref<1x!tpu.dma_semaphore, #tpu.memory_space<semaphore_mem>>
    %dma_start3A_90 = tpu.memref_squeeze %dma_start3A_89 : memref<1x!tpu.dma_semaphore, #tpu.memory_space<semaphore_mem>> -> memref<!tpu.dma_semaphore, #tpu.memory_space<semaphore_mem>>
    %dma_start3A_91 = arith.constant 0 : i32
    %dma_start3A_92 = tpu.memref_slice %arg12[%add3A_85, %dma_start3A_91] : memref<10240x128xf32, #tpu.memory_space<vmem_shared>> -> memref<32x128xf32, #tpu.memory_space<vmem_shared>>
    tpu.enqueue_dma source(%arg8 : memref<32x128xf32, #tpu.memory_space<vmem>>) target(%dma_start3A_92 : memref<32x128xf32, #tpu.memory_space<vmem_shared>>) target_semaphore(%dma_start3A_90 : memref<!tpu.dma_semaphore, #tpu.memory_space<semaphore_mem>>)
    %add3A_93 = arith.constant 224 : i32
    %add3A_94 = arith.addi %mul3A_29, %add3A_93 : i32
    %dma_start3A_95 = arith.constant 0 : i32
    %dma_start3A_96 = arith.constant 0 : i32
    %dma_start3A_97 = tpu.memref_slice %arg12[%add3A_94, %dma_start3A_96] : memref<10240x128xf32, #tpu.memory_space<vmem_shared>> -> memref<32x128xf32, #tpu.memory_space<vmem_shared>>
    %dma_start3A_98 = tpu.memref_slice %arg13[%dma_start3A_95] : memref<4x!tpu.dma_semaphore, #tpu.memory_space<semaphore_mem>> -> memref<1x!tpu.dma_semaphore, #tpu.memory_space<semaphore_mem>>
    %dma_start3A_99 = tpu.memref_squeeze %dma_start3A_98 : memref<1x!tpu.dma_semaphore, #tpu.memory_space<semaphore_mem>> -> memref<!tpu.dma_semaphore, #tpu.memory_space<semaphore_mem>>
    %dma_start3A_100 = arith.constant 0 : i32
    %dma_start3A_101 = tpu.memref_slice %arg12[%add3A_94, %dma_start3A_100] : memref<10240x128xf32, #tpu.memory_space<vmem_shared>> -> memref<32x128xf32, #tpu.memory_space<vmem_shared>>
    tpu.enqueue_dma source(%arg8 : memref<32x128xf32, #tpu.memory_space<vmem>>) target(%dma_start3A_101 : memref<32x128xf32, #tpu.memory_space<vmem_shared>>) target_semaphore(%dma_start3A_99 : memref<!tpu.dma_semaphore, #tpu.memory_space<semaphore_mem>>)
    %add3A_102 = arith.constant 256 : i32
    %add3A_103 = arith.addi %mul3A_29, %add3A_102 : i32
    %dma_start3A_104 = arith.constant 0 : i32
    %dma_start3A_105 = arith.constant 0 : i32
    %dma_start3A_106 = tpu.memref_slice %arg12[%add3A_103, %dma_start3A_105] : memref<10240x128xf32, #tpu.memory_space<vmem_shared>> -> memref<32x128xf32, #tpu.memory_space<vmem_shared>>
    %dma_start3A_107 = tpu.memref_slice %arg13[%dma_start3A_104] : memref<4x!tpu.dma_semaphore, #tpu.memory_space<semaphore_mem>> -> memref<1x!tpu.dma_semaphore, #tpu.memory_space<semaphore_mem>>
    %dma_start3A_108 = tpu.memref_squeeze %dma_start3A_107 : memref<1x!tpu.dma_semaphore, #tpu.memory_space<semaphore_mem>> -> memref<!tpu.dma_semaphore, #tpu.memory_space<semaphore_mem>>
    %dma_start3A_109 = arith.constant 0 : i32
    %dma_start3A_110 = tpu.memref_slice %arg12[%add3A_103, %dma_start3A_109] : memref<10240x128xf32, #tpu.memory_space<vmem_shared>> -> memref<32x128xf32, #tpu.memory_space<vmem_shared>>
    tpu.enqueue_dma source(%arg8 : memref<32x128xf32, #tpu.memory_space<vmem>>) target(%dma_start3A_110 : memref<32x128xf32, #tpu.memory_space<vmem_shared>>) target_semaphore(%dma_start3A_108 : memref<!tpu.dma_semaphore, #tpu.memory_space<semaphore_mem>>)
    %add3A_111 = arith.constant 288 : i32
    %add3A_112 = arith.addi %mul3A_29, %add3A_111 : i32
    %dma_start3A_113 = arith.constant 0 : i32
    %dma_start3A_114 = arith.constant 0 : i32
    %dma_start3A_115 = tpu.memref_slice %arg12[%add3A_112, %dma_start3A_114] : memref<10240x128xf32, #tpu.memory_space<vmem_shared>> -> memref<32x128xf32, #tpu.memory_space<vmem_shared>>
    %dma_start3A_116 = tpu.memref_slice %arg13[%dma_start3A_113] : memref<4x!tpu.dma_semaphore, #tpu.memory_space<semaphore_mem>> -> memref<1x!tpu.dma_semaphore, #tpu.memory_space<semaphore_mem>>
    %dma_start3A_117 = tpu.memref_squeeze %dma_start3A_116 : memref<1x!tpu.dma_semaphore, #tpu.memory_space<semaphore_mem>> -> memref<!tpu.dma_semaphore, #tpu.memory_space<semaphore_mem>>
    %dma_start3A_118 = arith.constant 0 : i32
    %dma_start3A_119 = tpu.memref_slice %arg12[%add3A_112, %dma_start3A_118] : memref<10240x128xf32, #tpu.memory_space<vmem_shared>> -> memref<32x128xf32, #tpu.memory_space<vmem_shared>>
    tpu.enqueue_dma source(%arg8 : memref<32x128xf32, #tpu.memory_space<vmem>>) target(%dma_start3A_119 : memref<32x128xf32, #tpu.memory_space<vmem_shared>>) target_semaphore(%dma_start3A_117 : memref<!tpu.dma_semaphore, #tpu.memory_space<semaphore_mem>>)
    %add3A_120 = arith.constant 320 : i32
    %add3A_121 = arith.addi %mul3A_29, %add3A_120 : i32
    %dma_start3A_122 = arith.constant 0 : i32
    %dma_start3A_123 = arith.constant 0 : i32
    %dma_start3A_124 = tpu.memref_slice %arg12[%add3A_121, %dma_start3A_123] : memref<10240x128xf32, #tpu.memory_space<vmem_shared>> -> memref<32x128xf32, #tpu.memory_space<vmem_shared>>
    %dma_start3A_125 = tpu.memref_slice %arg13[%dma_start3A_122] : memref<4x!tpu.dma_semaphore, #tpu.memory_space<semaphore_mem>> -> memref<1x!tpu.dma_semaphore, #tpu.memory_space<semaphore_mem>>
    %dma_start3A_126 = tpu.memref_squeeze %dma_start3A_125 : memref<1x!tpu.dma_semaphore, #tpu.memory_space<semaphore_mem>> -> memref<!tpu.dma_semaphore, #tpu.memory_space<semaphore_mem>>
    %dma_start3A_127 = arith.constant 0 : i32
    %dma_start3A_128 = tpu.memref_slice %arg12[%add3A_121, %dma_start3A_127] : memref<10240x128xf32, #tpu.memory_space<vmem_shared>> -> memref<32x128xf32, #tpu.memory_space<vmem_shared>>
    tpu.enqueue_dma source(%arg8 : memref<32x128xf32, #tpu.memory_space<vmem>>) target(%dma_start3A_128 : memref<32x128xf32, #tpu.memory_space<vmem_shared>>) target_semaphore(%dma_start3A_126 : memref<!tpu.dma_semaphore, #tpu.memory_space<semaphore_mem>>)
    %add3A_129 = arith.constant 352 : i32
    %add3A_130 = arith.addi %mul3A_29, %add3A_129 : i32
    %dma_start3A_131 = arith.constant 0 : i32
    %dma_start3A_132 = arith.constant 0 : i32
    %dma_start3A_133 = tpu.memref_slice %arg12[%add3A_130, %dma_start3A_132] : memref<10240x128xf32, #tpu.memory_space<vmem_shared>> -> memref<32x128xf32, #tpu.memory_space<vmem_shared>>
    %dma_start3A_134 = tpu.memref_slice %arg13[%dma_start3A_131] : memref<4x!tpu.dma_semaphore, #tpu.memory_space<semaphore_mem>> -> memref<1x!tpu.dma_semaphore, #tpu.memory_space<semaphore_mem>>
    %dma_start3A_135 = tpu.memref_squeeze %dma_start3A_134 : memref<1x!tpu.dma_semaphore, #tpu.memory_space<semaphore_mem>> -> memref<!tpu.dma_semaphore, #tpu.memory_space<semaphore_mem>>
    %dma_start3A_136 = arith.constant 0 : i32
    %dma_start3A_137 = tpu.memref_slice %arg12[%add3A_130, %dma_start3A_136] : memref<10240x128xf32, #tpu.memory_space<vmem_shared>> -> memref<32x128xf32, #tpu.memory_space<vmem_shared>>
    tpu.enqueue_dma source(%arg8 : memref<32x128xf32, #tpu.memory_space<vmem>>) target(%dma_start3A_137 : memref<32x128xf32, #tpu.memory_space<vmem_shared>>) target_semaphore(%dma_start3A_135 : memref<!tpu.dma_semaphore, #tpu.memory_space<semaphore_mem>>)
    %add3A_138 = arith.constant 384 : i32
    %add3A_139 = arith.addi %mul3A_29, %add3A_138 : i32
    %dma_start3A_140 = arith.constant 0 : i32
    %dma_start3A_141 = arith.constant 0 : i32
    %dma_start3A_142 = tpu.memref_slice %arg12[%add3A_139, %dma_start3A_141] : memref<10240x128xf32, #tpu.memory_space<vmem_shared>> -> memref<32x128xf32, #tpu.memory_space<vmem_shared>>
    %dma_start3A_143 = tpu.memref_slice %arg13[%dma_start3A_140] : memref<4x!tpu.dma_semaphore, #tpu.memory_space<semaphore_mem>> -> memref<1x!tpu.dma_semaphore, #tpu.memory_space<semaphore_mem>>
    %dma_start3A_144 = tpu.memref_squeeze %dma_start3A_143 : memref<1x!tpu.dma_semaphore, #tpu.memory_space<semaphore_mem>> -> memref<!tpu.dma_semaphore, #tpu.memory_space<semaphore_mem>>
    %dma_start3A_145 = arith.constant 0 : i32
    %dma_start3A_146 = tpu.memref_slice %arg12[%add3A_139, %dma_start3A_145] : memref<10240x128xf32, #tpu.memory_space<vmem_shared>> -> memref<32x128xf32, #tpu.memory_space<vmem_shared>>
    tpu.enqueue_dma source(%arg8 : memref<32x128xf32, #tpu.memory_space<vmem>>) target(%dma_start3A_146 : memref<32x128xf32, #tpu.memory_space<vmem_shared>>) target_semaphore(%dma_start3A_144 : memref<!tpu.dma_semaphore, #tpu.memory_space<semaphore_mem>>)
    %add3A_147 = arith.constant 416 : i32
    %add3A_148 = arith.addi %mul3A_29, %add3A_147 : i32
    %dma_start3A_149 = arith.constant 0 : i32
    %dma_start3A_150 = arith.constant 0 : i32
    %dma_start3A_151 = tpu.memref_slice %arg12[%add3A_148, %dma_start3A_150] : memref<10240x128xf32, #tpu.memory_space<vmem_shared>> -> memref<32x128xf32, #tpu.memory_space<vmem_shared>>
    %dma_start3A_152 = tpu.memref_slice %arg13[%dma_start3A_149] : memref<4x!tpu.dma_semaphore, #tpu.memory_space<semaphore_mem>> -> memref<1x!tpu.dma_semaphore, #tpu.memory_space<semaphore_mem>>
    %dma_start3A_153 = tpu.memref_squeeze %dma_start3A_152 : memref<1x!tpu.dma_semaphore, #tpu.memory_space<semaphore_mem>> -> memref<!tpu.dma_semaphore, #tpu.memory_space<semaphore_mem>>
    %dma_start3A_154 = arith.constant 0 : i32
    %dma_start3A_155 = tpu.memref_slice %arg12[%add3A_148, %dma_start3A_154] : memref<10240x128xf32, #tpu.memory_space<vmem_shared>> -> memref<32x128xf32, #tpu.memory_space<vmem_shared>>
    tpu.enqueue_dma source(%arg8 : memref<32x128xf32, #tpu.memory_space<vmem>>) target(%dma_start3A_155 : memref<32x128xf32, #tpu.memory_space<vmem_shared>>) target_semaphore(%dma_start3A_153 : memref<!tpu.dma_semaphore, #tpu.memory_space<semaphore_mem>>)
    %add3A_156 = arith.constant 448 : i32
    %add3A_157 = arith.addi %mul3A_29, %add3A_156 : i32
    %dma_start3A_158 = arith.constant 0 : i32
    %dma_start3A_159 = arith.constant 0 : i32
    %dma_start3A_160 = tpu.memref_slice %arg12[%add3A_157, %dma_start3A_159] : memref<10240x128xf32, #tpu.memory_space<vmem_shared>> -> memref<32x128xf32, #tpu.memory_space<vmem_shared>>
    %dma_start3A_161 = tpu.memref_slice %arg13[%dma_start3A_158] : memref<4x!tpu.dma_semaphore, #tpu.memory_space<semaphore_mem>> -> memref<1x!tpu.dma_semaphore, #tpu.memory_space<semaphore_mem>>
    %dma_start3A_162 = tpu.memref_squeeze %dma_start3A_161 : memref<1x!tpu.dma_semaphore, #tpu.memory_space<semaphore_mem>> -> memref<!tpu.dma_semaphore, #tpu.memory_space<semaphore_mem>>
    %dma_start3A_163 = arith.constant 0 : i32
    %dma_start3A_164 = tpu.memref_slice %arg12[%add3A_157, %dma_start3A_163] : memref<10240x128xf32, #tpu.memory_space<vmem_shared>> -> memref<32x128xf32, #tpu.memory_space<vmem_shared>>
    tpu.enqueue_dma source(%arg8 : memref<32x128xf32, #tpu.memory_space<vmem>>) target(%dma_start3A_164 : memref<32x128xf32, #tpu.memory_space<vmem_shared>>) target_semaphore(%dma_start3A_162 : memref<!tpu.dma_semaphore, #tpu.memory_space<semaphore_mem>>)
    %add3A_165 = arith.constant 480 : i32
    %add3A_166 = arith.addi %mul3A_29, %add3A_165 : i32
    %dma_start3A_167 = arith.constant 0 : i32
    %dma_start3A_168 = arith.constant 0 : i32
    %dma_start3A_169 = tpu.memref_slice %arg12[%add3A_166, %dma_start3A_168] : memref<10240x128xf32, #tpu.memory_space<vmem_shared>> -> memref<32x128xf32, #tpu.memory_space<vmem_shared>>
    %dma_start3A_170 = tpu.memref_slice %arg13[%dma_start3A_167] : memref<4x!tpu.dma_semaphore, #tpu.memory_space<semaphore_mem>> -> memref<1x!tpu.dma_semaphore, #tpu.memory_space<semaphore_mem>>
    %dma_start3A_171 = tpu.memref_squeeze %dma_start3A_170 : memref<1x!tpu.dma_semaphore, #tpu.memory_space<semaphore_mem>> -> memref<!tpu.dma_semaphore, #tpu.memory_space<semaphore_mem>>
    %dma_start3A_172 = arith.constant 0 : i32
    %dma_start3A_173 = tpu.memref_slice %arg12[%add3A_166, %dma_start3A_172] : memref<10240x128xf32, #tpu.memory_space<vmem_shared>> -> memref<32x128xf32, #tpu.memory_space<vmem_shared>>
    tpu.enqueue_dma source(%arg8 : memref<32x128xf32, #tpu.memory_space<vmem>>) target(%dma_start3A_173 : memref<32x128xf32, #tpu.memory_space<vmem_shared>>) target_semaphore(%dma_start3A_171 : memref<!tpu.dma_semaphore, #tpu.memory_space<semaphore_mem>>)
    %add3A_174 = arith.constant 512 : i32
    %add3A_175 = arith.addi %mul3A_29, %add3A_174 : i32
    %dma_start3A_176 = arith.constant 0 : i32
    %dma_start3A_177 = arith.constant 0 : i32
    %dma_start3A_178 = tpu.memref_slice %arg12[%add3A_175, %dma_start3A_177] : memref<10240x128xf32, #tpu.memory_space<vmem_shared>> -> memref<32x128xf32, #tpu.memory_space<vmem_shared>>
    %dma_start3A_179 = tpu.memref_slice %arg13[%dma_start3A_176] : memref<4x!tpu.dma_semaphore, #tpu.memory_space<semaphore_mem>> -> memref<1x!tpu.dma_semaphore, #tpu.memory_space<semaphore_mem>>
    %dma_start3A_180 = tpu.memref_squeeze %dma_start3A_179 : memref<1x!tpu.dma_semaphore, #tpu.memory_space<semaphore_mem>> -> memref<!tpu.dma_semaphore, #tpu.memory_space<semaphore_mem>>
    %dma_start3A_181 = arith.constant 0 : i32
    %dma_start3A_182 = tpu.memref_slice %arg12[%add3A_175, %dma_start3A_181] : memref<10240x128xf32, #tpu.memory_space<vmem_shared>> -> memref<32x128xf32, #tpu.memory_space<vmem_shared>>
    tpu.enqueue_dma source(%arg8 : memref<32x128xf32, #tpu.memory_space<vmem>>) target(%dma_start3A_182 : memref<32x128xf32, #tpu.memory_space<vmem_shared>>) target_semaphore(%dma_start3A_180 : memref<!tpu.dma_semaphore, #tpu.memory_space<semaphore_mem>>)
    %add3A_183 = arith.constant 544 : i32
    %add3A_184 = arith.addi %mul3A_29, %add3A_183 : i32
    %dma_start3A_185 = arith.constant 0 : i32
    %dma_start3A_186 = arith.constant 0 : i32
    %dma_start3A_187 = tpu.memref_slice %arg12[%add3A_184, %dma_start3A_186] : memref<10240x128xf32, #tpu.memory_space<vmem_shared>> -> memref<32x128xf32, #tpu.memory_space<vmem_shared>>
    %dma_start3A_188 = tpu.memref_slice %arg13[%dma_start3A_185] : memref<4x!tpu.dma_semaphore, #tpu.memory_space<semaphore_mem>> -> memref<1x!tpu.dma_semaphore, #tpu.memory_space<semaphore_mem>>
    %dma_start3A_189 = tpu.memref_squeeze %dma_start3A_188 : memref<1x!tpu.dma_semaphore, #tpu.memory_space<semaphore_mem>> -> memref<!tpu.dma_semaphore, #tpu.memory_space<semaphore_mem>>
    %dma_start3A_190 = arith.constant 0 : i32
    %dma_start3A_191 = tpu.memref_slice %arg12[%add3A_184, %dma_start3A_190] : memref<10240x128xf32, #tpu.memory_space<vmem_shared>> -> memref<32x128xf32, #tpu.memory_space<vmem_shared>>
    tpu.enqueue_dma source(%arg8 : memref<32x128xf32, #tpu.memory_space<vmem>>) target(%dma_start3A_191 : memref<32x128xf32, #tpu.memory_space<vmem_shared>>) target_semaphore(%dma_start3A_189 : memref<!tpu.dma_semaphore, #tpu.memory_space<semaphore_mem>>)
    %add3A_192 = arith.constant 576 : i32
    %add3A_193 = arith.addi %mul3A_29, %add3A_192 : i32
    %dma_start3A_194 = arith.constant 0 : i32
    %dma_start3A_195 = arith.constant 0 : i32
    %dma_start3A_196 = tpu.memref_slice %arg12[%add3A_193, %dma_start3A_195] : memref<10240x128xf32, #tpu.memory_space<vmem_shared>> -> memref<32x128xf32, #tpu.memory_space<vmem_shared>>
    %dma_start3A_197 = tpu.memref_slice %arg13[%dma_start3A_194] : memref<4x!tpu.dma_semaphore, #tpu.memory_space<semaphore_mem>> -> memref<1x!tpu.dma_semaphore, #tpu.memory_space<semaphore_mem>>
    %dma_start3A_198 = tpu.memref_squeeze %dma_start3A_197 : memref<1x!tpu.dma_semaphore, #tpu.memory_space<semaphore_mem>> -> memref<!tpu.dma_semaphore, #tpu.memory_space<semaphore_mem>>
    %dma_start3A_199 = arith.constant 0 : i32
    %dma_start3A_200 = tpu.memref_slice %arg12[%add3A_193, %dma_start3A_199] : memref<10240x128xf32, #tpu.memory_space<vmem_shared>> -> memref<32x128xf32, #tpu.memory_space<vmem_shared>>
    tpu.enqueue_dma source(%arg8 : memref<32x128xf32, #tpu.memory_space<vmem>>) target(%dma_start3A_200 : memref<32x128xf32, #tpu.memory_space<vmem_shared>>) target_semaphore(%dma_start3A_198 : memref<!tpu.dma_semaphore, #tpu.memory_space<semaphore_mem>>)
    %add3A_201 = arith.constant 608 : i32
    %add3A_202 = arith.addi %mul3A_29, %add3A_201 : i32
    %dma_start3A_203 = arith.constant 0 : i32
    %dma_start3A_204 = arith.constant 0 : i32
    %dma_start3A_205 = tpu.memref_slice %arg12[%add3A_202, %dma_start3A_204] : memref<10240x128xf32, #tpu.memory_space<vmem_shared>> -> memref<32x128xf32, #tpu.memory_space<vmem_shared>>
    %dma_start3A_206 = tpu.memref_slice %arg13[%dma_start3A_203] : memref<4x!tpu.dma_semaphore, #tpu.memory_space<semaphore_mem>> -> memref<1x!tpu.dma_semaphore, #tpu.memory_space<semaphore_mem>>
    %dma_start3A_207 = tpu.memref_squeeze %dma_start3A_206 : memref<1x!tpu.dma_semaphore, #tpu.memory_space<semaphore_mem>> -> memref<!tpu.dma_semaphore, #tpu.memory_space<semaphore_mem>>
    %dma_start3A_208 = arith.constant 0 : i32
    %dma_start3A_209 = tpu.memref_slice %arg12[%add3A_202, %dma_start3A_208] : memref<10240x128xf32, #tpu.memory_space<vmem_shared>> -> memref<32x128xf32, #tpu.memory_space<vmem_shared>>
    tpu.enqueue_dma source(%arg8 : memref<32x128xf32, #tpu.memory_space<vmem>>) target(%dma_start3A_209 : memref<32x128xf32, #tpu.memory_space<vmem_shared>>) target_semaphore(%dma_start3A_207 : memref<!tpu.dma_semaphore, #tpu.memory_space<semaphore_mem>>)
    %dma_wait3A = arith.constant 0 : i32
    %dma_wait3A_210 = arith.constant 0 : i32
    %dma_wait3A_211 = tpu.memref_slice %arg12[%add3A_31, %dma_wait3A_210] : memref<10240x128xf32, #tpu.memory_space<vmem_shared>> -> memref<32x128xf32, #tpu.memory_space<vmem_shared>>
    %dma_wait3A_212 = tpu.memref_slice %arg13[%dma_wait3A] : memref<4x!tpu.dma_semaphore, #tpu.memory_space<semaphore_mem>> -> memref<1x!tpu.dma_semaphore, #tpu.memory_space<semaphore_mem>>
    %dma_wait3A_213 = tpu.memref_squeeze %dma_wait3A_212 : memref<1x!tpu.dma_semaphore, #tpu.memory_space<semaphore_mem>> -> memref<!tpu.dma_semaphore, #tpu.memory_space<semaphore_mem>>
    %dma_wait3A_214 = arith.constant 0 : i32
    %dma_wait3A_215 = tpu.memref_slice %arg12[%add3A_31, %dma_wait3A_214] : memref<10240x128xf32, #tpu.memory_space<vmem_shared>> -> memref<32x128xf32, #tpu.memory_space<vmem_shared>>
    tpu.wait_dma2 semaphore(%dma_wait3A_213 : memref<!tpu.dma_semaphore, #tpu.memory_space<semaphore_mem>>) src(%arg8 : memref<32x128xf32, #tpu.memory_space<vmem>>) dst(%dma_wait3A_215 : memref<32x128xf32, #tpu.memory_space<vmem_shared>>)
    %dma_wait3A_216 = arith.constant 0 : i32
    %dma_wait3A_217 = arith.constant 0 : i32
    %dma_wait3A_218 = tpu.memref_slice %arg12[%add3A_40, %dma_wait3A_217] : memref<10240x128xf32, #tpu.memory_space<vmem_shared>> -> memref<32x128xf32, #tpu.memory_space<vmem_shared>>
    %dma_wait3A_219 = tpu.memref_slice %arg13[%dma_wait3A_216] : memref<4x!tpu.dma_semaphore, #tpu.memory_space<semaphore_mem>> -> memref<1x!tpu.dma_semaphore, #tpu.memory_space<semaphore_mem>>
    %dma_wait3A_220 = tpu.memref_squeeze %dma_wait3A_219 : memref<1x!tpu.dma_semaphore, #tpu.memory_space<semaphore_mem>> -> memref<!tpu.dma_semaphore, #tpu.memory_space<semaphore_mem>>
    %dma_wait3A_221 = arith.constant 0 : i32
    %dma_wait3A_222 = tpu.memref_slice %arg12[%add3A_40, %dma_wait3A_221] : memref<10240x128xf32, #tpu.memory_space<vmem_shared>> -> memref<32x128xf32, #tpu.memory_space<vmem_shared>>
    tpu.wait_dma2 semaphore(%dma_wait3A_220 : memref<!tpu.dma_semaphore, #tpu.memory_space<semaphore_mem>>) src(%arg8 : memref<32x128xf32, #tpu.memory_space<vmem>>) dst(%dma_wait3A_222 : memref<32x128xf32, #tpu.memory_space<vmem_shared>>)
    %dma_wait3A_223 = arith.constant 0 : i32
    %dma_wait3A_224 = arith.constant 0 : i32
    %dma_wait3A_225 = tpu.memref_slice %arg12[%add3A_49, %dma_wait3A_224] : memref<10240x128xf32, #tpu.memory_space<vmem_shared>> -> memref<32x128xf32, #tpu.memory_space<vmem_shared>>
    %dma_wait3A_226 = tpu.memref_slice %arg13[%dma_wait3A_223] : memref<4x!tpu.dma_semaphore, #tpu.memory_space<semaphore_mem>> -> memref<1x!tpu.dma_semaphore, #tpu.memory_space<semaphore_mem>>
    %dma_wait3A_227 = tpu.memref_squeeze %dma_wait3A_226 : memref<1x!tpu.dma_semaphore, #tpu.memory_space<semaphore_mem>> -> memref<!tpu.dma_semaphore, #tpu.memory_space<semaphore_mem>>
    %dma_wait3A_228 = arith.constant 0 : i32
    %dma_wait3A_229 = tpu.memref_slice %arg12[%add3A_49, %dma_wait3A_228] : memref<10240x128xf32, #tpu.memory_space<vmem_shared>> -> memref<32x128xf32, #tpu.memory_space<vmem_shared>>
    tpu.wait_dma2 semaphore(%dma_wait3A_227 : memref<!tpu.dma_semaphore, #tpu.memory_space<semaphore_mem>>) src(%arg8 : memref<32x128xf32, #tpu.memory_space<vmem>>) dst(%dma_wait3A_229 : memref<32x128xf32, #tpu.memory_space<vmem_shared>>)
    %dma_wait3A_230 = arith.constant 0 : i32
    %dma_wait3A_231 = arith.constant 0 : i32
    %dma_wait3A_232 = tpu.memref_slice %arg12[%add3A_58, %dma_wait3A_231] : memref<10240x128xf32, #tpu.memory_space<vmem_shared>> -> memref<32x128xf32, #tpu.memory_space<vmem_shared>>
    %dma_wait3A_233 = tpu.memref_slice %arg13[%dma_wait3A_230] : memref<4x!tpu.dma_semaphore, #tpu.memory_space<semaphore_mem>> -> memref<1x!tpu.dma_semaphore, #tpu.memory_space<semaphore_mem>>
    %dma_wait3A_234 = tpu.memref_squeeze %dma_wait3A_233 : memref<1x!tpu.dma_semaphore, #tpu.memory_space<semaphore_mem>> -> memref<!tpu.dma_semaphore, #tpu.memory_space<semaphore_mem>>
    %dma_wait3A_235 = arith.constant 0 : i32
    %dma_wait3A_236 = tpu.memref_slice %arg12[%add3A_58, %dma_wait3A_235] : memref<10240x128xf32, #tpu.memory_space<vmem_shared>> -> memref<32x128xf32, #tpu.memory_space<vmem_shared>>
    tpu.wait_dma2 semaphore(%dma_wait3A_234 : memref<!tpu.dma_semaphore, #tpu.memory_space<semaphore_mem>>) src(%arg8 : memref<32x128xf32, #tpu.memory_space<vmem>>) dst(%dma_wait3A_236 : memref<32x128xf32, #tpu.memory_space<vmem_shared>>)
    %dma_wait3A_237 = arith.constant 0 : i32
    %dma_wait3A_238 = arith.constant 0 : i32
    %dma_wait3A_239 = tpu.memref_slice %arg12[%add3A_67, %dma_wait3A_238] : memref<10240x128xf32, #tpu.memory_space<vmem_shared>> -> memref<32x128xf32, #tpu.memory_space<vmem_shared>>
    %dma_wait3A_240 = tpu.memref_slice %arg13[%dma_wait3A_237] : memref<4x!tpu.dma_semaphore, #tpu.memory_space<semaphore_mem>> -> memref<1x!tpu.dma_semaphore, #tpu.memory_space<semaphore_mem>>
    %dma_wait3A_241 = tpu.memref_squeeze %dma_wait3A_240 : memref<1x!tpu.dma_semaphore, #tpu.memory_space<semaphore_mem>> -> memref<!tpu.dma_semaphore, #tpu.memory_space<semaphore_mem>>
    %dma_wait3A_242 = arith.constant 0 : i32
    %dma_wait3A_243 = tpu.memref_slice %arg12[%add3A_67, %dma_wait3A_242] : memref<10240x128xf32, #tpu.memory_space<vmem_shared>> -> memref<32x128xf32, #tpu.memory_space<vmem_shared>>
    tpu.wait_dma2 semaphore(%dma_wait3A_241 : memref<!tpu.dma_semaphore, #tpu.memory_space<semaphore_mem>>) src(%arg8 : memref<32x128xf32, #tpu.memory_space<vmem>>) dst(%dma_wait3A_243 : memref<32x128xf32, #tpu.memory_space<vmem_shared>>)
    %dma_wait3A_244 = arith.constant 0 : i32
    %dma_wait3A_245 = arith.constant 0 : i32
    %dma_wait3A_246 = tpu.memref_slice %arg12[%add3A_76, %dma_wait3A_245] : memref<10240x128xf32, #tpu.memory_space<vmem_shared>> -> memref<32x128xf32, #tpu.memory_space<vmem_shared>>
    %dma_wait3A_247 = tpu.memref_slice %arg13[%dma_wait3A_244] : memref<4x!tpu.dma_semaphore, #tpu.memory_space<semaphore_mem>> -> memref<1x!tpu.dma_semaphore, #tpu.memory_space<semaphore_mem>>
    %dma_wait3A_248 = tpu.memref_squeeze %dma_wait3A_247 : memref<1x!tpu.dma_semaphore, #tpu.memory_space<semaphore_mem>> -> memref<!tpu.dma_semaphore, #tpu.memory_space<semaphore_mem>>
    %dma_wait3A_249 = arith.constant 0 : i32
    %dma_wait3A_250 = tpu.memref_slice %arg12[%add3A_76, %dma_wait3A_249] : memref<10240x128xf32, #tpu.memory_space<vmem_shared>> -> memref<32x128xf32, #tpu.memory_space<vmem_shared>>
    tpu.wait_dma2 semaphore(%dma_wait3A_248 : memref<!tpu.dma_semaphore, #tpu.memory_space<semaphore_mem>>) src(%arg8 : memref<32x128xf32, #tpu.memory_space<vmem>>) dst(%dma_wait3A_250 : memref<32x128xf32, #tpu.memory_space<vmem_shared>>)
    %dma_wait3A_251 = arith.constant 0 : i32
    %dma_wait3A_252 = arith.constant 0 : i32
    %dma_wait3A_253 = tpu.memref_slice %arg12[%add3A_85, %dma_wait3A_252] : memref<10240x128xf32, #tpu.memory_space<vmem_shared>> -> memref<32x128xf32, #tpu.memory_space<vmem_shared>>
    %dma_wait3A_254 = tpu.memref_slice %arg13[%dma_wait3A_251] : memref<4x!tpu.dma_semaphore, #tpu.memory_space<semaphore_mem>> -> memref<1x!tpu.dma_semaphore, #tpu.memory_space<semaphore_mem>>
    %dma_wait3A_255 = tpu.memref_squeeze %dma_wait3A_254 : memref<1x!tpu.dma_semaphore, #tpu.memory_space<semaphore_mem>> -> memref<!tpu.dma_semaphore, #tpu.memory_space<semaphore_mem>>
    %dma_wait3A_256 = arith.constant 0 : i32
    %dma_wait3A_257 = tpu.memref_slice %arg12[%add3A_85, %dma_wait3A_256] : memref<10240x128xf32, #tpu.memory_space<vmem_shared>> -> memref<32x128xf32, #tpu.memory_space<vmem_shared>>
    tpu.wait_dma2 semaphore(%dma_wait3A_255 : memref<!tpu.dma_semaphore, #tpu.memory_space<semaphore_mem>>) src(%arg8 : memref<32x128xf32, #tpu.memory_space<vmem>>) dst(%dma_wait3A_257 : memref<32x128xf32, #tpu.memory_space<vmem_shared>>)
    %dma_wait3A_258 = arith.constant 0 : i32
    %dma_wait3A_259 = arith.constant 0 : i32
    %dma_wait3A_260 = tpu.memref_slice %arg12[%add3A_94, %dma_wait3A_259] : memref<10240x128xf32, #tpu.memory_space<vmem_shared>> -> memref<32x128xf32, #tpu.memory_space<vmem_shared>>
    %dma_wait3A_261 = tpu.memref_slice %arg13[%dma_wait3A_258] : memref<4x!tpu.dma_semaphore, #tpu.memory_space<semaphore_mem>> -> memref<1x!tpu.dma_semaphore, #tpu.memory_space<semaphore_mem>>
    %dma_wait3A_262 = tpu.memref_squeeze %dma_wait3A_261 : memref<1x!tpu.dma_semaphore, #tpu.memory_space<semaphore_mem>> -> memref<!tpu.dma_semaphore, #tpu.memory_space<semaphore_mem>>
    %dma_wait3A_263 = arith.constant 0 : i32
    %dma_wait3A_264 = tpu.memref_slice %arg12[%add3A_94, %dma_wait3A_263] : memref<10240x128xf32, #tpu.memory_space<vmem_shared>> -> memref<32x128xf32, #tpu.memory_space<vmem_shared>>
    tpu.wait_dma2 semaphore(%dma_wait3A_262 : memref<!tpu.dma_semaphore, #tpu.memory_space<semaphore_mem>>) src(%arg8 : memref<32x128xf32, #tpu.memory_space<vmem>>) dst(%dma_wait3A_264 : memref<32x128xf32, #tpu.memory_space<vmem_shared>>)
    %dma_wait3A_265 = arith.constant 0 : i32
    %dma_wait3A_266 = arith.constant 0 : i32
    %dma_wait3A_267 = tpu.memref_slice %arg12[%add3A_103, %dma_wait3A_266] : memref<10240x128xf32, #tpu.memory_space<vmem_shared>> -> memref<32x128xf32, #tpu.memory_space<vmem_shared>>
    %dma_wait3A_268 = tpu.memref_slice %arg13[%dma_wait3A_265] : memref<4x!tpu.dma_semaphore, #tpu.memory_space<semaphore_mem>> -> memref<1x!tpu.dma_semaphore, #tpu.memory_space<semaphore_mem>>
    %dma_wait3A_269 = tpu.memref_squeeze %dma_wait3A_268 : memref<1x!tpu.dma_semaphore, #tpu.memory_space<semaphore_mem>> -> memref<!tpu.dma_semaphore, #tpu.memory_space<semaphore_mem>>
    %dma_wait3A_270 = arith.constant 0 : i32
    %dma_wait3A_271 = tpu.memref_slice %arg12[%add3A_103, %dma_wait3A_270] : memref<10240x128xf32, #tpu.memory_space<vmem_shared>> -> memref<32x128xf32, #tpu.memory_space<vmem_shared>>
    tpu.wait_dma2 semaphore(%dma_wait3A_269 : memref<!tpu.dma_semaphore, #tpu.memory_space<semaphore_mem>>) src(%arg8 : memref<32x128xf32, #tpu.memory_space<vmem>>) dst(%dma_wait3A_271 : memref<32x128xf32, #tpu.memory_space<vmem_shared>>)
    %dma_wait3A_272 = arith.constant 0 : i32
    %dma_wait3A_273 = arith.constant 0 : i32
    %dma_wait3A_274 = tpu.memref_slice %arg12[%add3A_112, %dma_wait3A_273] : memref<10240x128xf32, #tpu.memory_space<vmem_shared>> -> memref<32x128xf32, #tpu.memory_space<vmem_shared>>
    %dma_wait3A_275 = tpu.memref_slice %arg13[%dma_wait3A_272] : memref<4x!tpu.dma_semaphore, #tpu.memory_space<semaphore_mem>> -> memref<1x!tpu.dma_semaphore, #tpu.memory_space<semaphore_mem>>
    %dma_wait3A_276 = tpu.memref_squeeze %dma_wait3A_275 : memref<1x!tpu.dma_semaphore, #tpu.memory_space<semaphore_mem>> -> memref<!tpu.dma_semaphore, #tpu.memory_space<semaphore_mem>>
    %dma_wait3A_277 = arith.constant 0 : i32
    %dma_wait3A_278 = tpu.memref_slice %arg12[%add3A_112, %dma_wait3A_277] : memref<10240x128xf32, #tpu.memory_space<vmem_shared>> -> memref<32x128xf32, #tpu.memory_space<vmem_shared>>
    tpu.wait_dma2 semaphore(%dma_wait3A_276 : memref<!tpu.dma_semaphore, #tpu.memory_space<semaphore_mem>>) src(%arg8 : memref<32x128xf32, #tpu.memory_space<vmem>>) dst(%dma_wait3A_278 : memref<32x128xf32, #tpu.memory_space<vmem_shared>>)
    %dma_wait3A_279 = arith.constant 0 : i32
    %dma_wait3A_280 = arith.constant 0 : i32
    %dma_wait3A_281 = tpu.memref_slice %arg12[%add3A_121, %dma_wait3A_280] : memref<10240x128xf32, #tpu.memory_space<vmem_shared>> -> memref<32x128xf32, #tpu.memory_space<vmem_shared>>
    %dma_wait3A_282 = tpu.memref_slice %arg13[%dma_wait3A_279] : memref<4x!tpu.dma_semaphore, #tpu.memory_space<semaphore_mem>> -> memref<1x!tpu.dma_semaphore, #tpu.memory_space<semaphore_mem>>
    %dma_wait3A_283 = tpu.memref_squeeze %dma_wait3A_282 : memref<1x!tpu.dma_semaphore, #tpu.memory_space<semaphore_mem>> -> memref<!tpu.dma_semaphore, #tpu.memory_space<semaphore_mem>>
    %dma_wait3A_284 = arith.constant 0 : i32
    %dma_wait3A_285 = tpu.memref_slice %arg12[%add3A_121, %dma_wait3A_284] : memref<10240x128xf32, #tpu.memory_space<vmem_shared>> -> memref<32x128xf32, #tpu.memory_space<vmem_shared>>
    tpu.wait_dma2 semaphore(%dma_wait3A_283 : memref<!tpu.dma_semaphore, #tpu.memory_space<semaphore_mem>>) src(%arg8 : memref<32x128xf32, #tpu.memory_space<vmem>>) dst(%dma_wait3A_285 : memref<32x128xf32, #tpu.memory_space<vmem_shared>>)
    %dma_wait3A_286 = arith.constant 0 : i32
    %dma_wait3A_287 = arith.constant 0 : i32
    %dma_wait3A_288 = tpu.memref_slice %arg12[%add3A_130, %dma_wait3A_287] : memref<10240x128xf32, #tpu.memory_space<vmem_shared>> -> memref<32x128xf32, #tpu.memory_space<vmem_shared>>
    %dma_wait3A_289 = tpu.memref_slice %arg13[%dma_wait3A_286] : memref<4x!tpu.dma_semaphore, #tpu.memory_space<semaphore_mem>> -> memref<1x!tpu.dma_semaphore, #tpu.memory_space<semaphore_mem>>
    %dma_wait3A_290 = tpu.memref_squeeze %dma_wait3A_289 : memref<1x!tpu.dma_semaphore, #tpu.memory_space<semaphore_mem>> -> memref<!tpu.dma_semaphore, #tpu.memory_space<semaphore_mem>>
    %dma_wait3A_291 = arith.constant 0 : i32
    %dma_wait3A_292 = tpu.memref_slice %arg12[%add3A_130, %dma_wait3A_291] : memref<10240x128xf32, #tpu.memory_space<vmem_shared>> -> memref<32x128xf32, #tpu.memory_space<vmem_shared>>
    tpu.wait_dma2 semaphore(%dma_wait3A_290 : memref<!tpu.dma_semaphore, #tpu.memory_space<semaphore_mem>>) src(%arg8 : memref<32x128xf32, #tpu.memory_space<vmem>>) dst(%dma_wait3A_292 : memref<32x128xf32, #tpu.memory_space<vmem_shared>>)
    %dma_wait3A_293 = arith.constant 0 : i32
    %dma_wait3A_294 = arith.constant 0 : i32
    %dma_wait3A_295 = tpu.memref_slice %arg12[%add3A_139, %dma_wait3A_294] : memref<10240x128xf32, #tpu.memory_space<vmem_shared>> -> memref<32x128xf32, #tpu.memory_space<vmem_shared>>
    %dma_wait3A_296 = tpu.memref_slice %arg13[%dma_wait3A_293] : memref<4x!tpu.dma_semaphore, #tpu.memory_space<semaphore_mem>> -> memref<1x!tpu.dma_semaphore, #tpu.memory_space<semaphore_mem>>
    %dma_wait3A_297 = tpu.memref_squeeze %dma_wait3A_296 : memref<1x!tpu.dma_semaphore, #tpu.memory_space<semaphore_mem>> -> memref<!tpu.dma_semaphore, #tpu.memory_space<semaphore_mem>>
    %dma_wait3A_298 = arith.constant 0 : i32
    %dma_wait3A_299 = tpu.memref_slice %arg12[%add3A_139, %dma_wait3A_298] : memref<10240x128xf32, #tpu.memory_space<vmem_shared>> -> memref<32x128xf32, #tpu.memory_space<vmem_shared>>
    tpu.wait_dma2 semaphore(%dma_wait3A_297 : memref<!tpu.dma_semaphore, #tpu.memory_space<semaphore_mem>>) src(%arg8 : memref<32x128xf32, #tpu.memory_space<vmem>>) dst(%dma_wait3A_299 : memref<32x128xf32, #tpu.memory_space<vmem_shared>>)
    %dma_wait3A_300 = arith.constant 0 : i32
    %dma_wait3A_301 = arith.constant 0 : i32
    %dma_wait3A_302 = tpu.memref_slice %arg12[%add3A_148, %dma_wait3A_301] : memref<10240x128xf32, #tpu.memory_space<vmem_shared>> -> memref<32x128xf32, #tpu.memory_space<vmem_shared>>
    %dma_wait3A_303 = tpu.memref_slice %arg13[%dma_wait3A_300] : memref<4x!tpu.dma_semaphore, #tpu.memory_space<semaphore_mem>> -> memref<1x!tpu.dma_semaphore, #tpu.memory_space<semaphore_mem>>
    %dma_wait3A_304 = tpu.memref_squeeze %dma_wait3A_303 : memref<1x!tpu.dma_semaphore, #tpu.memory_space<semaphore_mem>> -> memref<!tpu.dma_semaphore, #tpu.memory_space<semaphore_mem>>
    %dma_wait3A_305 = arith.constant 0 : i32
    %dma_wait3A_306 = tpu.memref_slice %arg12[%add3A_148, %dma_wait3A_305] : memref<10240x128xf32, #tpu.memory_space<vmem_shared>> -> memref<32x128xf32, #tpu.memory_space<vmem_shared>>
    tpu.wait_dma2 semaphore(%dma_wait3A_304 : memref<!tpu.dma_semaphore, #tpu.memory_space<semaphore_mem>>) src(%arg8 : memref<32x128xf32, #tpu.memory_space<vmem>>) dst(%dma_wait3A_306 : memref<32x128xf32, #tpu.memory_space<vmem_shared>>)
    %dma_wait3A_307 = arith.constant 0 : i32
    %dma_wait3A_308 = arith.constant 0 : i32
    %dma_wait3A_309 = tpu.memref_slice %arg12[%add3A_157, %dma_wait3A_308] : memref<10240x128xf32, #tpu.memory_space<vmem_shared>> -> memref<32x128xf32, #tpu.memory_space<vmem_shared>>
    %dma_wait3A_310 = tpu.memref_slice %arg13[%dma_wait3A_307] : memref<4x!tpu.dma_semaphore, #tpu.memory_space<semaphore_mem>> -> memref<1x!tpu.dma_semaphore, #tpu.memory_space<semaphore_mem>>
    %dma_wait3A_311 = tpu.memref_squeeze %dma_wait3A_310 : memref<1x!tpu.dma_semaphore, #tpu.memory_space<semaphore_mem>> -> memref<!tpu.dma_semaphore, #tpu.memory_space<semaphore_mem>>
    %dma_wait3A_312 = arith.constant 0 : i32
    %dma_wait3A_313 = tpu.memref_slice %arg12[%add3A_157, %dma_wait3A_312] : memref<10240x128xf32, #tpu.memory_space<vmem_shared>> -> memref<32x128xf32, #tpu.memory_space<vmem_shared>>
    tpu.wait_dma2 semaphore(%dma_wait3A_311 : memref<!tpu.dma_semaphore, #tpu.memory_space<semaphore_mem>>) src(%arg8 : memref<32x128xf32, #tpu.memory_space<vmem>>) dst(%dma_wait3A_313 : memref<32x128xf32, #tpu.memory_space<vmem_shared>>)
    %dma_wait3A_314 = arith.constant 0 : i32
    %dma_wait3A_315 = arith.constant 0 : i32
    %dma_wait3A_316 = tpu.memref_slice %arg12[%add3A_166, %dma_wait3A_315] : memref<10240x128xf32, #tpu.memory_space<vmem_shared>> -> memref<32x128xf32, #tpu.memory_space<vmem_shared>>
    %dma_wait3A_317 = tpu.memref_slice %arg13[%dma_wait3A_314] : memref<4x!tpu.dma_semaphore, #tpu.memory_space<semaphore_mem>> -> memref<1x!tpu.dma_semaphore, #tpu.memory_space<semaphore_mem>>
    %dma_wait3A_318 = tpu.memref_squeeze %dma_wait3A_317 : memref<1x!tpu.dma_semaphore, #tpu.memory_space<semaphore_mem>> -> memref<!tpu.dma_semaphore, #tpu.memory_space<semaphore_mem>>
    %dma_wait3A_319 = arith.constant 0 : i32
    %dma_wait3A_320 = tpu.memref_slice %arg12[%add3A_166, %dma_wait3A_319] : memref<10240x128xf32, #tpu.memory_space<vmem_shared>> -> memref<32x128xf32, #tpu.memory_space<vmem_shared>>
    tpu.wait_dma2 semaphore(%dma_wait3A_318 : memref<!tpu.dma_semaphore, #tpu.memory_space<semaphore_mem>>) src(%arg8 : memref<32x128xf32, #tpu.memory_space<vmem>>) dst(%dma_wait3A_320 : memref<32x128xf32, #tpu.memory_space<vmem_shared>>)
    %dma_wait3A_321 = arith.constant 0 : i32
    %dma_wait3A_322 = arith.constant 0 : i32
    %dma_wait3A_323 = tpu.memref_slice %arg12[%add3A_175, %dma_wait3A_322] : memref<10240x128xf32, #tpu.memory_space<vmem_shared>> -> memref<32x128xf32, #tpu.memory_space<vmem_shared>>
    %dma_wait3A_324 = tpu.memref_slice %arg13[%dma_wait3A_321] : memref<4x!tpu.dma_semaphore, #tpu.memory_space<semaphore_mem>> -> memref<1x!tpu.dma_semaphore, #tpu.memory_space<semaphore_mem>>
    %dma_wait3A_325 = tpu.memref_squeeze %dma_wait3A_324 : memref<1x!tpu.dma_semaphore, #tpu.memory_space<semaphore_mem>> -> memref<!tpu.dma_semaphore, #tpu.memory_space<semaphore_mem>>
    %dma_wait3A_326 = arith.constant 0 : i32
    %dma_wait3A_327 = tpu.memref_slice %arg12[%add3A_175, %dma_wait3A_326] : memref<10240x128xf32, #tpu.memory_space<vmem_shared>> -> memref<32x128xf32, #tpu.memory_space<vmem_shared>>
    tpu.wait_dma2 semaphore(%dma_wait3A_325 : memref<!tpu.dma_semaphore, #tpu.memory_space<semaphore_mem>>) src(%arg8 : memref<32x128xf32, #tpu.memory_space<vmem>>) dst(%dma_wait3A_327 : memref<32x128xf32, #tpu.memory_space<vmem_shared>>)
    %dma_wait3A_328 = arith.constant 0 : i32
    %dma_wait3A_329 = arith.constant 0 : i32
    %dma_wait3A_330 = tpu.memref_slice %arg12[%add3A_184, %dma_wait3A_329] : memref<10240x128xf32, #tpu.memory_space<vmem_shared>> -> memref<32x128xf32, #tpu.memory_space<vmem_shared>>
    %dma_wait3A_331 = tpu.memref_slice %arg13[%dma_wait3A_328] : memref<4x!tpu.dma_semaphore, #tpu.memory_space<semaphore_mem>> -> memref<1x!tpu.dma_semaphore, #tpu.memory_space<semaphore_mem>>
    %dma_wait3A_332 = tpu.memref_squeeze %dma_wait3A_331 : memref<1x!tpu.dma_semaphore, #tpu.memory_space<semaphore_mem>> -> memref<!tpu.dma_semaphore, #tpu.memory_space<semaphore_mem>>
    %dma_wait3A_333 = arith.constant 0 : i32
    %dma_wait3A_334 = tpu.memref_slice %arg12[%add3A_184, %dma_wait3A_333] : memref<10240x128xf32, #tpu.memory_space<vmem_shared>> -> memref<32x128xf32, #tpu.memory_space<vmem_shared>>
    tpu.wait_dma2 semaphore(%dma_wait3A_332 : memref<!tpu.dma_semaphore, #tpu.memory_space<semaphore_mem>>) src(%arg8 : memref<32x128xf32, #tpu.memory_space<vmem>>) dst(%dma_wait3A_334 : memref<32x128xf32, #tpu.memory_space<vmem_shared>>)
    %dma_wait3A_335 = arith.constant 0 : i32
    %dma_wait3A_336 = arith.constant 0 : i32
    %dma_wait3A_337 = tpu.memref_slice %arg12[%add3A_193, %dma_wait3A_336] : memref<10240x128xf32, #tpu.memory_space<vmem_shared>> -> memref<32x128xf32, #tpu.memory_space<vmem_shared>>
    %dma_wait3A_338 = tpu.memref_slice %arg13[%dma_wait3A_335] : memref<4x!tpu.dma_semaphore, #tpu.memory_space<semaphore_mem>> -> memref<1x!tpu.dma_semaphore, #tpu.memory_space<semaphore_mem>>
    %dma_wait3A_339 = tpu.memref_squeeze %dma_wait3A_338 : memref<1x!tpu.dma_semaphore, #tpu.memory_space<semaphore_mem>> -> memref<!tpu.dma_semaphore, #tpu.memory_space<semaphore_mem>>
    %dma_wait3A_340 = arith.constant 0 : i32
    %dma_wait3A_341 = tpu.memref_slice %arg12[%add3A_193, %dma_wait3A_340] : memref<10240x128xf32, #tpu.memory_space<vmem_shared>> -> memref<32x128xf32, #tpu.memory_space<vmem_shared>>
    tpu.wait_dma2 semaphore(%dma_wait3A_339 : memref<!tpu.dma_semaphore, #tpu.memory_space<semaphore_mem>>) src(%arg8 : memref<32x128xf32, #tpu.memory_space<vmem>>) dst(%dma_wait3A_341 : memref<32x128xf32, #tpu.memory_space<vmem_shared>>)
    %dma_wait3A_342 = arith.constant 0 : i32
    %dma_wait3A_343 = arith.constant 0 : i32
    %dma_wait3A_344 = tpu.memref_slice %arg12[%add3A_202, %dma_wait3A_343] : memref<10240x128xf32, #tpu.memory_space<vmem_shared>> -> memref<32x128xf32, #tpu.memory_space<vmem_shared>>
    %dma_wait3A_345 = tpu.memref_slice %arg13[%dma_wait3A_342] : memref<4x!tpu.dma_semaphore, #tpu.memory_space<semaphore_mem>> -> memref<1x!tpu.dma_semaphore, #tpu.memory_space<semaphore_mem>>
    %dma_wait3A_346 = tpu.memref_squeeze %dma_wait3A_345 : memref<1x!tpu.dma_semaphore, #tpu.memory_space<semaphore_mem>> -> memref<!tpu.dma_semaphore, #tpu.memory_space<semaphore_mem>>
    %dma_wait3A_347 = arith.constant 0 : i32
    %dma_wait3A_348 = tpu.memref_slice %arg12[%add3A_202, %dma_wait3A_347] : memref<10240x128xf32, #tpu.memory_space<vmem_shared>> -> memref<32x128xf32, #tpu.memory_space<vmem_shared>>
    tpu.wait_dma2 semaphore(%dma_wait3A_346 : memref<!tpu.dma_semaphore, #tpu.memory_space<semaphore_mem>>) src(%arg8 : memref<32x128xf32, #tpu.memory_space<vmem>>) dst(%dma_wait3A_348 : memref<32x128xf32, #tpu.memory_space<vmem_shared>>)
    %dma_wait3A_349 = arith.constant 0 : i32
    %dma_wait3A_350 = arith.constant 0 : i32
    %dma_wait3A_351 = arith.constant 0 : i32
    %dma_wait3A_352 = tpu.memref_slice %arg3[%add3A, %dma_wait3A_350, %dma_wait3A_351] : memref<32x80x125xi32, #tpu.memory_space<hbm>> -> memref<1x80x125xi32, #tpu.memory_space<hbm>>
    %dma_wait3A_353 = tpu.memref_squeeze %dma_wait3A_352 : memref<1x80x125xi32, #tpu.memory_space<hbm>> -> memref<80x125xi32, #tpu.memory_space<hbm>>
    %dma_wait3A_354 = tpu.memref_slice %arg14[%dma_wait3A_349] : memref<4x!tpu.dma_semaphore, #tpu.memory_space<semaphore_mem>> -> memref<1x!tpu.dma_semaphore, #tpu.memory_space<semaphore_mem>>
    %dma_wait3A_355 = tpu.memref_squeeze %dma_wait3A_354 : memref<1x!tpu.dma_semaphore, #tpu.memory_space<semaphore_mem>> -> memref<!tpu.dma_semaphore, #tpu.memory_space<semaphore_mem>>
    %dma_wait3A_356 = arith.constant 0 : i32
    %dma_wait3A_357 = arith.constant 0 : i32
    %dma_wait3A_358 = tpu.memref_slice %arg3[%add3A, %dma_wait3A_356, %dma_wait3A_357] : memref<32x80x125xi32, #tpu.memory_space<hbm>> -> memref<1x80x125xi32, #tpu.memory_space<hbm>>
    %dma_wait3A_359 = tpu.memref_squeeze %dma_wait3A_358 : memref<1x80x125xi32, #tpu.memory_space<hbm>> -> memref<80x125xi32, #tpu.memory_space<hbm>>
    tpu.wait_dma2 semaphore(%dma_wait3A_355 : memref<!tpu.dma_semaphore, #tpu.memory_space<semaphore_mem>>) src(%dma_wait3A_359 : memref<80x125xi32, #tpu.memory_space<hbm>>) dst(%arg6 : memref<80x125xi32, #tpu.memory_space<vmem>>)
    %dma_wait3A_360 = arith.constant 1 : i32
    %dma_wait3A_361 = arith.constant 0 : i32
    %dma_wait3A_362 = arith.constant 0 : i32
    %dma_wait3A_363 = tpu.memref_slice %arg4[%add3A, %dma_wait3A_361, %dma_wait3A_362] : memref<32x80x125xi32, #tpu.memory_space<hbm>> -> memref<1x80x125xi32, #tpu.memory_space<hbm>>
    %dma_wait3A_364 = tpu.memref_squeeze %dma_wait3A_363 : memref<1x80x125xi32, #tpu.memory_space<hbm>> -> memref<80x125xi32, #tpu.memory_space<hbm>>
    %dma_wait3A_365 = tpu.memref_slice %arg14[%dma_wait3A_360] : memref<4x!tpu.dma_semaphore, #tpu.memory_space<semaphore_mem>> -> memref<1x!tpu.dma_semaphore, #tpu.memory_space<semaphore_mem>>
    %dma_wait3A_366 = tpu.memref_squeeze %dma_wait3A_365 : memref<1x!tpu.dma_semaphore, #tpu.memory_space<semaphore_mem>> -> memref<!tpu.dma_semaphore, #tpu.memory_space<semaphore_mem>>
    %dma_wait3A_367 = arith.constant 0 : i32
    %dma_wait3A_368 = arith.constant 0 : i32
    %dma_wait3A_369 = tpu.memref_slice %arg4[%add3A, %dma_wait3A_367, %dma_wait3A_368] : memref<32x80x125xi32, #tpu.memory_space<hbm>> -> memref<1x80x125xi32, #tpu.memory_space<hbm>>
    %dma_wait3A_370 = tpu.memref_squeeze %dma_wait3A_369 : memref<1x80x125xi32, #tpu.memory_space<hbm>> -> memref<80x125xi32, #tpu.memory_space<hbm>>
    tpu.wait_dma2 semaphore(%dma_wait3A_366 : memref<!tpu.dma_semaphore, #tpu.memory_space<semaphore_mem>>) src(%dma_wait3A_370 : memref<80x125xi32, #tpu.memory_space<hbm>>) dst(%arg7 : memref<80x125xi32, #tpu.memory_space<vmem>>)
    %barrier3A = arith.constant 0 : index
    tpu.barrier barrier_id(%barrier3A)
    %dma_start3A_371 = arith.constant 0 : i32
    %dma_start3A_372 = arith.constant 0 : i32
    %dma_start3A_373 = arith.constant 0 : i32
    %dma_start3A_374 = arith.constant 0 : i32
    %dma_start3A_375 = tpu.memref_slice %arg8[%dma_start3A_373, %dma_start3A_374] : memref<32x128xf32, #tpu.memory_space<vmem>> -> memref<32x128xf32, #tpu.memory_space<vmem>>
    %dma_start3A_376 = arith.constant 0 : i32
    %dma_start3A_377 = tpu.memref_slice %arg6[%dma_start3A_371, %dma_start3A_376] : memref<80x125xi32, #tpu.memory_space<vmem>> -> memref<1x32xi32, #tpu.memory_space<vmem>>
    %dma_start3A_378 = tpu.memref_squeeze %dma_start3A_377 : memref<1x32xi32, #tpu.memory_space<vmem>> -> memref<32xi32, #tpu.memory_space<vmem>>
    %dma_start3A_379 = arith.constant 0 : i32
    %dma_start3A_380 = arith.constant 0 : i32
    %dma_start3A_381 = tpu.memref_slice %arg2[%dma_start3A_379, %dma_start3A_380] : memref<10000x128xf32, #tpu.memory_space<hbm>> -> memref<10000x128xf32, #tpu.memory_space<hbm>>
    %dma_start3A_382 = tpu.memref_slice %arg13[%dma_start3A_372] : memref<4x!tpu.dma_semaphore, #tpu.memory_space<semaphore_mem>> -> memref<1x!tpu.dma_semaphore, #tpu.memory_space<semaphore_mem>>
    %dma_start3A_383 = tpu.memref_squeeze %dma_start3A_382 : memref<1x!tpu.dma_semaphore, #tpu.memory_space<semaphore_mem>> -> memref<!tpu.dma_semaphore, #tpu.memory_space<semaphore_mem>>
    tpu.enqueue_indirect_dma source(%dma_start3A_381 : memref<10000x128xf32, #tpu.memory_space<hbm>>) target(%dma_start3A_375 : memref<32x128xf32, #tpu.memory_space<vmem>>) offsets(%dma_start3A_378 : memref<32xi32, #tpu.memory_space<vmem>>) semaphore(%dma_start3A_383 : memref<!tpu.dma_semaphore, #tpu.memory_space<semaphore_mem>>)
    %dma_start3A_384 = arith.constant 0 : i32
    %dma_start3A_385 = arith.constant 1 : i32
    %dma_start3A_386 = arith.constant 0 : i32
    %dma_start3A_387 = arith.constant 0 : i32
    %dma_start3A_388 = tpu.memref_slice %arg9[%dma_start3A_386, %dma_start3A_387] : memref<32x128xf32, #tpu.memory_space<vmem>> -> memref<32x128xf32, #tpu.memory_space<vmem>>
    %dma_start3A_389 = arith.constant 32 : i32
    %dma_start3A_390 = tpu.memref_slice %arg6[%dma_start3A_384, %dma_start3A_389] : memref<80x125xi32, #tpu.memory_space<vmem>> -> memref<1x32xi32, #tpu.memory_space<vmem>>
    %dma_start3A_391 = tpu.memref_squeeze %dma_start3A_390 : memref<1x32xi32, #tpu.memory_space<vmem>> -> memref<32xi32, #tpu.memory_space<vmem>>
    %dma_start3A_392 = arith.constant 0 : i32
    %dma_start3A_393 = arith.constant 0 : i32
    %dma_start3A_394 = tpu.memref_slice %arg2[%dma_start3A_392, %dma_start3A_393] : memref<10000x128xf32, #tpu.memory_space<hbm>> -> memref<10000x128xf32, #tpu.memory_space<hbm>>
    %dma_start3A_395 = tpu.memref_slice %arg13[%dma_start3A_385] : memref<4x!tpu.dma_semaphore, #tpu.memory_space<semaphore_mem>> -> memref<1x!tpu.dma_semaphore, #tpu.memory_space<semaphore_mem>>
    %dma_start3A_396 = tpu.memref_squeeze %dma_start3A_395 : memref<1x!tpu.dma_semaphore, #tpu.memory_space<semaphore_mem>> -> memref<!tpu.dma_semaphore, #tpu.memory_space<semaphore_mem>>
    tpu.enqueue_indirect_dma source(%dma_start3A_394 : memref<10000x128xf32, #tpu.memory_space<hbm>>) target(%dma_start3A_388 : memref<32x128xf32, #tpu.memory_space<vmem>>) offsets(%dma_start3A_391 : memref<32xi32, #tpu.memory_space<vmem>>) semaphore(%dma_start3A_396 : memref<!tpu.dma_semaphore, #tpu.memory_space<semaphore_mem>>)
    %dma_start3A_397 = arith.constant 0 : i32
    %dma_start3A_398 = arith.constant 2 : i32
    %dma_start3A_399 = arith.constant 0 : i32
    %dma_start3A_400 = arith.constant 0 : i32
    %dma_start3A_401 = tpu.memref_slice %arg10[%dma_start3A_399, %dma_start3A_400] : memref<32x128xf32, #tpu.memory_space<vmem>> -> memref<32x128xf32, #tpu.memory_space<vmem>>
    %dma_start3A_402 = arith.constant 64 : i32
    %dma_start3A_403 = tpu.memref_slice %arg6[%dma_start3A_397, %dma_start3A_402] : memref<80x125xi32, #tpu.memory_space<vmem>> -> memref<1x32xi32, #tpu.memory_space<vmem>>
    %dma_start3A_404 = tpu.memref_squeeze %dma_start3A_403 : memref<1x32xi32, #tpu.memory_space<vmem>> -> memref<32xi32, #tpu.memory_space<vmem>>
    %dma_start3A_405 = arith.constant 0 : i32
    %dma_start3A_406 = arith.constant 0 : i32
    %dma_start3A_407 = tpu.memref_slice %arg2[%dma_start3A_405, %dma_start3A_406] : memref<10000x128xf32, #tpu.memory_space<hbm>> -> memref<10000x128xf32, #tpu.memory_space<hbm>>
    %dma_start3A_408 = tpu.memref_slice %arg13[%dma_start3A_398] : memref<4x!tpu.dma_semaphore, #tpu.memory_space<semaphore_mem>> -> memref<1x!tpu.dma_semaphore, #tpu.memory_space<semaphore_mem>>
    %dma_start3A_409 = tpu.memref_squeeze %dma_start3A_408 : memref<1x!tpu.dma_semaphore, #tpu.memory_space<semaphore_mem>> -> memref<!tpu.dma_semaphore, #tpu.memory_space<semaphore_mem>>
    tpu.enqueue_indirect_dma source(%dma_start3A_407 : memref<10000x128xf32, #tpu.memory_space<hbm>>) target(%dma_start3A_401 : memref<32x128xf32, #tpu.memory_space<vmem>>) offsets(%dma_start3A_404 : memref<32xi32, #tpu.memory_space<vmem>>) semaphore(%dma_start3A_409 : memref<!tpu.dma_semaphore, #tpu.memory_space<semaphore_mem>>)
    %dma_start3A_410 = arith.constant 0 : i32
    %dma_start3A_411 = arith.constant 3 : i32
    %dma_start3A_412 = arith.constant 0 : i32
    %dma_start3A_413 = arith.constant 0 : i32
    %dma_start3A_414 = tpu.memref_slice %arg11[%dma_start3A_412, %dma_start3A_413] : memref<32x128xf32, #tpu.memory_space<vmem>> -> memref<29x128xf32, #tpu.memory_space<vmem>>
    %dma_start3A_415 = arith.constant 96 : i32
    %dma_start3A_416 = tpu.memref_slice %arg6[%dma_start3A_410, %dma_start3A_415] : memref<80x125xi32, #tpu.memory_space<vmem>> -> memref<1x29xi32, #tpu.memory_space<vmem>>
    %dma_start3A_417 = tpu.memref_squeeze %dma_start3A_416 : memref<1x29xi32, #tpu.memory_space<vmem>> -> memref<29xi32, #tpu.memory_space<vmem>>
    %dma_start3A_418 = arith.constant 0 : i32
    %dma_start3A_419 = arith.constant 0 : i32
    %dma_start3A_420 = tpu.memref_slice %arg2[%dma_start3A_418, %dma_start3A_419] : memref<10000x128xf32, #tpu.memory_space<hbm>> -> memref<10000x128xf32, #tpu.memory_space<hbm>>
    %dma_start3A_421 = tpu.memref_slice %arg13[%dma_start3A_411] : memref<4x!tpu.dma_semaphore, #tpu.memory_space<semaphore_mem>> -> memref<1x!tpu.dma_semaphore, #tpu.memory_space<semaphore_mem>>
    %dma_start3A_422 = tpu.memref_squeeze %dma_start3A_421 : memref<1x!tpu.dma_semaphore, #tpu.memory_space<semaphore_mem>> -> memref<!tpu.dma_semaphore, #tpu.memory_space<semaphore_mem>>
    tpu.enqueue_indirect_dma source(%dma_start3A_420 : memref<10000x128xf32, #tpu.memory_space<hbm>>) target(%dma_start3A_414 : memref<29x128xf32, #tpu.memory_space<vmem>>) offsets(%dma_start3A_417 : memref<29xi32, #tpu.memory_space<vmem>>) semaphore(%dma_start3A_422 : memref<!tpu.dma_semaphore, #tpu.memory_space<semaphore_mem>>)
    %scan3A_423 = arith.constant 0 : i32
    %scan3A_424 = arith.constant 0 : i32
    %scan3A_425 = arith.constant 80 : i32
    %scan3A_426 = arith.addi %scan3A_424, %scan3A_425 : i32
    %scan3A_427 = arith.constant 1 : i32
    %scan3A_428 = scf.for %scan3A_435 = %scan3A_424 to %scan3A_426 step %scan3A_427 iter_args(%scan3A_436 = %scan3A_423) -> (i32)  : i32 {
      %dma_wait3A_437 = arith.constant 0 : i32
      %dma_wait3A_438 = arith.constant 0 : i32
      %dma_wait3A_439 = arith.constant 0 : i32
      %dma_wait3A_440 = tpu.memref_slice %arg8[%dma_wait3A_438, %dma_wait3A_439] : memref<32x128xf32, #tpu.memory_space<vmem>> -> memref<32x128xf32, #tpu.memory_space<vmem>>
      %dma_wait3A_441 = arith.constant 0 : i32
      %dma_wait3A_442 = tpu.memref_slice %arg6[%scan3A_435, %dma_wait3A_441] : memref<80x125xi32, #tpu.memory_space<vmem>> -> memref<1x32xi32, #tpu.memory_space<vmem>>
      %dma_wait3A_443 = tpu.memref_squeeze %dma_wait3A_442 : memref<1x32xi32, #tpu.memory_space<vmem>> -> memref<32xi32, #tpu.memory_space<vmem>>
      %dma_wait3A_444 = arith.constant 0 : i32
      %dma_wait3A_445 = arith.constant 0 : i32
      %dma_wait3A_446 = tpu.memref_slice %arg2[%dma_wait3A_444, %dma_wait3A_445] : memref<10000x128xf32, #tpu.memory_space<hbm>> -> memref<10000x128xf32, #tpu.memory_space<hbm>>
      %dma_wait3A_447 = tpu.memref_slice %arg13[%dma_wait3A_437] : memref<4x!tpu.dma_semaphore, #tpu.memory_space<semaphore_mem>> -> memref<1x!tpu.dma_semaphore, #tpu.memory_space<semaphore_mem>>
      %dma_wait3A_448 = tpu.memref_squeeze %dma_wait3A_447 : memref<1x!tpu.dma_semaphore, #tpu.memory_space<semaphore_mem>> -> memref<!tpu.dma_semaphore, #tpu.memory_space<semaphore_mem>>
      tpu.wait_indirect_dma semaphore(%dma_wait3A_448 : memref<!tpu.dma_semaphore, #tpu.memory_space<semaphore_mem>>) src(%dma_wait3A_446 : memref<10000x128xf32, #tpu.memory_space<hbm>>) dst(%dma_wait3A_440 : memref<32x128xf32, #tpu.memory_space<vmem>>)
      %dma_start3A_449 = arith.constant 0 : i32
      %dma_start3A_450 = arith.constant 0 : i32
      %dma_start3A_451 = arith.constant 0 : i32
      %dma_start3A_452 = tpu.memref_slice %arg8[%dma_start3A_450, %dma_start3A_451] : memref<32x128xf32, #tpu.memory_space<vmem>> -> memref<32x128xf32, #tpu.memory_space<vmem>>
      %dma_start3A_453 = arith.constant 0 : i32
      %dma_start3A_454 = tpu.memref_slice %arg7[%scan3A_435, %dma_start3A_453] : memref<80x125xi32, #tpu.memory_space<vmem>> -> memref<1x32xi32, #tpu.memory_space<vmem>>
      %dma_start3A_455 = tpu.memref_squeeze %dma_start3A_454 : memref<1x32xi32, #tpu.memory_space<vmem>> -> memref<32xi32, #tpu.memory_space<vmem>>
      %dma_start3A_456 = arith.constant 0 : i32
      %dma_start3A_457 = arith.constant 0 : i32
      %dma_start3A_458 = tpu.memref_slice %arg12[%dma_start3A_456, %dma_start3A_457] : memref<10240x128xf32, #tpu.memory_space<vmem_shared>> -> memref<10240x128xf32, #tpu.memory_space<vmem_shared>>
      %dma_start3A_459 = tpu.memref_slice %arg14[%dma_start3A_449] : memref<4x!tpu.dma_semaphore, #tpu.memory_space<semaphore_mem>> -> memref<1x!tpu.dma_semaphore, #tpu.memory_space<semaphore_mem>>
      %dma_start3A_460 = tpu.memref_squeeze %dma_start3A_459 : memref<1x!tpu.dma_semaphore, #tpu.memory_space<semaphore_mem>> -> memref<!tpu.dma_semaphore, #tpu.memory_space<semaphore_mem>>
      tpu.enqueue_indirect_dma source(%dma_start3A_452 : memref<32x128xf32, #tpu.memory_space<vmem>>) target(%dma_start3A_458 : memref<10240x128xf32, #tpu.memory_space<vmem_shared>>) offsets(%dma_start3A_455 : memref<32xi32, #tpu.memory_space<vmem>>) semaphore(%dma_start3A_460 : memref<!tpu.dma_semaphore, #tpu.memory_space<semaphore_mem>>) {add = true}
      %dma_wait3A_461 = arith.constant 0 : i32
      %dma_wait3A_462 = arith.constant 0 : i32
      %dma_wait3A_463 = arith.constant 0 : i32
      %dma_wait3A_464 = tpu.memref_slice %arg8[%dma_wait3A_462, %dma_wait3A_463] : memref<32x128xf32, #tpu.memory_space<vmem>> -> memref<32x128xf32, #tpu.memory_space<vmem>>
      %dma_wait3A_465 = arith.constant 0 : i32
      %dma_wait3A_466 = tpu.memref_slice %arg7[%scan3A_435, %dma_wait3A_465] : memref<80x125xi32, #tpu.memory_space<vmem>> -> memref<1x32xi32, #tpu.memory_space<vmem>>
      %dma_wait3A_467 = tpu.memref_squeeze %dma_wait3A_466 : memref<1x32xi32, #tpu.memory_space<vmem>> -> memref<32xi32, #tpu.memory_space<vmem>>
      %dma_wait3A_468 = arith.constant 0 : i32
      %dma_wait3A_469 = arith.constant 0 : i32
      %dma_wait3A_470 = tpu.memref_slice %arg12[%dma_wait3A_468, %dma_wait3A_469] : memref<10240x128xf32, #tpu.memory_space<vmem_shared>> -> memref<10240x128xf32, #tpu.memory_space<vmem_shared>>
      %dma_wait3A_471 = tpu.memref_slice %arg14[%dma_wait3A_461] : memref<4x!tpu.dma_semaphore, #tpu.memory_space<semaphore_mem>> -> memref<1x!tpu.dma_semaphore, #tpu.memory_space<semaphore_mem>>
      %dma_wait3A_472 = tpu.memref_squeeze %dma_wait3A_471 : memref<1x!tpu.dma_semaphore, #tpu.memory_space<semaphore_mem>> -> memref<!tpu.dma_semaphore, #tpu.memory_space<semaphore_mem>>
      tpu.wait_indirect_dma semaphore(%dma_wait3A_472 : memref<!tpu.dma_semaphore, #tpu.memory_space<semaphore_mem>>) src(%dma_wait3A_464 : memref<32x128xf32, #tpu.memory_space<vmem>>) dst(%dma_wait3A_470 : memref<10240x128xf32, #tpu.memory_space<vmem_shared>>)
      %add3A_473 = arith.constant 1 : i32
      %add3A_474 = arith.addi %scan3A_435, %add3A_473 : i32
      %lt3A = arith.constant 80 : i32
      %lt3A_475 = arith.cmpi slt, %add3A_474, %lt3A : i32
      %convert_element_type3A = arith.extui %lt3A_475 : i1 to i32
      %cond3A = arith.constant 0 : i32
      %cond3A_476 = arith.cmpi ne, %convert_element_type3A, %cond3A : i32
      scf.if %cond3A_476 {
        %add3A_607 = arith.constant 1 : i32
        %add3A_608 = arith.addi %scan3A_435, %add3A_607 : i32
        %dma_start3A_609 = arith.constant 0 : i32
        %dma_start3A_610 = arith.constant 0 : i32
        %dma_start3A_611 = arith.constant 0 : i32
        %dma_start3A_612 = tpu.memref_slice %arg8[%dma_start3A_610, %dma_start3A_611] : memref<32x128xf32, #tpu.memory_space<vmem>> -> memref<32x128xf32, #tpu.memory_space<vmem>>
        %dma_start3A_613 = arith.constant 0 : i32
        %dma_start3A_614 = tpu.memref_slice %arg6[%add3A_608, %dma_start3A_613] : memref<80x125xi32, #tpu.memory_space<vmem>> -> memref<1x32xi32, #tpu.memory_space<vmem>>
        %dma_start3A_615 = tpu.memref_squeeze %dma_start3A_614 : memref<1x32xi32, #tpu.memory_space<vmem>> -> memref<32xi32, #tpu.memory_space<vmem>>
        %dma_start3A_616 = arith.constant 0 : i32
        %dma_start3A_617 = arith.constant 0 : i32
        %dma_start3A_618 = tpu.memref_slice %arg2[%dma_start3A_616, %dma_start3A_617] : memref<10000x128xf32, #tpu.memory_space<hbm>> -> memref<10000x128xf32, #tpu.memory_space<hbm>>
        %dma_start3A_619 = tpu.memref_slice %arg13[%dma_start3A_609] : memref<4x!tpu.dma_semaphore, #tpu.memory_space<semaphore_mem>> -> memref<1x!tpu.dma_semaphore, #tpu.memory_space<semaphore_mem>>
        %dma_start3A_620 = tpu.memref_squeeze %dma_start3A_619 : memref<1x!tpu.dma_semaphore, #tpu.memory_space<semaphore_mem>> -> memref<!tpu.dma_semaphore, #tpu.memory_space<semaphore_mem>>
        tpu.enqueue_indirect_dma source(%dma_start3A_618 : memref<10000x128xf32, #tpu.memory_space<hbm>>) target(%dma_start3A_612 : memref<32x128xf32, #tpu.memory_space<vmem>>) offsets(%dma_start3A_615 : memref<32xi32, #tpu.memory_space<vmem>>) semaphore(%dma_start3A_620 : memref<!tpu.dma_semaphore, #tpu.memory_space<semaphore_mem>>)
      } else {
      }
      %dma_wait3A_477 = arith.constant 1 : i32
      %dma_wait3A_478 = arith.constant 0 : i32
      %dma_wait3A_479 = arith.constant 0 : i32
      %dma_wait3A_480 = tpu.memref_slice %arg9[%dma_wait3A_478, %dma_wait3A_479] : memref<32x128xf32, #tpu.memory_space<vmem>> -> memref<32x128xf32, #tpu.memory_space<vmem>>
      %dma_wait3A_481 = arith.constant 32 : i32
      %dma_wait3A_482 = tpu.memref_slice %arg6[%scan3A_435, %dma_wait3A_481] : memref<80x125xi32, #tpu.memory_space<vmem>> -> memref<1x32xi32, #tpu.memory_space<vmem>>
      %dma_wait3A_483 = tpu.memref_squeeze %dma_wait3A_482 : memref<1x32xi32, #tpu.memory_space<vmem>> -> memref<32xi32, #tpu.memory_space<vmem>>
      %dma_wait3A_484 = arith.constant 0 : i32
      %dma_wait3A_485 = arith.constant 0 : i32
      %dma_wait3A_486 = tpu.memref_slice %arg2[%dma_wait3A_484, %dma_wait3A_485] : memref<10000x128xf32, #tpu.memory_space<hbm>> -> memref<10000x128xf32, #tpu.memory_space<hbm>>
      %dma_wait3A_487 = tpu.memref_slice %arg13[%dma_wait3A_477] : memref<4x!tpu.dma_semaphore, #tpu.memory_space<semaphore_mem>> -> memref<1x!tpu.dma_semaphore, #tpu.memory_space<semaphore_mem>>
      %dma_wait3A_488 = tpu.memref_squeeze %dma_wait3A_487 : memref<1x!tpu.dma_semaphore, #tpu.memory_space<semaphore_mem>> -> memref<!tpu.dma_semaphore, #tpu.memory_space<semaphore_mem>>
      tpu.wait_indirect_dma semaphore(%dma_wait3A_488 : memref<!tpu.dma_semaphore, #tpu.memory_space<semaphore_mem>>) src(%dma_wait3A_486 : memref<10000x128xf32, #tpu.memory_space<hbm>>) dst(%dma_wait3A_480 : memref<32x128xf32, #tpu.memory_space<vmem>>)
      %dma_start3A_489 = arith.constant 1 : i32
      %dma_start3A_490 = arith.constant 0 : i32
      %dma_start3A_491 = arith.constant 0 : i32
      %dma_start3A_492 = tpu.memref_slice %arg9[%dma_start3A_490, %dma_start3A_491] : memref<32x128xf32, #tpu.memory_space<vmem>> -> memref<32x128xf32, #tpu.memory_space<vmem>>
      %dma_start3A_493 = arith.constant 32 : i32
      %dma_start3A_494 = tpu.memref_slice %arg7[%scan3A_435, %dma_start3A_493] : memref<80x125xi32, #tpu.memory_space<vmem>> -> memref<1x32xi32, #tpu.memory_space<vmem>>
      %dma_start3A_495 = tpu.memref_squeeze %dma_start3A_494 : memref<1x32xi32, #tpu.memory_space<vmem>> -> memref<32xi32, #tpu.memory_space<vmem>>
      %dma_start3A_496 = arith.constant 0 : i32
      %dma_start3A_497 = arith.constant 0 : i32
      %dma_start3A_498 = tpu.memref_slice %arg12[%dma_start3A_496, %dma_start3A_497] : memref<10240x128xf32, #tpu.memory_space<vmem_shared>> -> memref<10240x128xf32, #tpu.memory_space<vmem_shared>>
      %dma_start3A_499 = tpu.memref_slice %arg14[%dma_start3A_489] : memref<4x!tpu.dma_semaphore, #tpu.memory_space<semaphore_mem>> -> memref<1x!tpu.dma_semaphore, #tpu.memory_space<semaphore_mem>>
      %dma_start3A_500 = tpu.memref_squeeze %dma_start3A_499 : memref<1x!tpu.dma_semaphore, #tpu.memory_space<semaphore_mem>> -> memref<!tpu.dma_semaphore, #tpu.memory_space<semaphore_mem>>
      tpu.enqueue_indirect_dma source(%dma_start3A_492 : memref<32x128xf32, #tpu.memory_space<vmem>>) target(%dma_start3A_498 : memref<10240x128xf32, #tpu.memory_space<vmem_shared>>) offsets(%dma_start3A_495 : memref<32xi32, #tpu.memory_space<vmem>>) semaphore(%dma_start3A_500 : memref<!tpu.dma_semaphore, #tpu.memory_space<semaphore_mem>>) {add = true}
      %dma_wait3A_501 = arith.constant 1 : i32
      %dma_wait3A_502 = arith.constant 0 : i32
      %dma_wait3A_503 = arith.constant 0 : i32
      %dma_wait3A_504 = tpu.memref_slice %arg9[%dma_wait3A_502, %dma_wait3A_503] : memref<32x128xf32, #tpu.memory_space<vmem>> -> memref<32x128xf32, #tpu.memory_space<vmem>>
      %dma_wait3A_505 = arith.constant 32 : i32
      %dma_wait3A_506 = tpu.memref_slice %arg7[%scan3A_435, %dma_wait3A_505] : memref<80x125xi32, #tpu.memory_space<vmem>> -> memref<1x32xi32, #tpu.memory_space<vmem>>
      %dma_wait3A_507 = tpu.memref_squeeze %dma_wait3A_506 : memref<1x32xi32, #tpu.memory_space<vmem>> -> memref<32xi32, #tpu.memory_space<vmem>>
      %dma_wait3A_508 = arith.constant 0 : i32
      %dma_wait3A_509 = arith.constant 0 : i32
      %dma_wait3A_510 = tpu.memref_slice %arg12[%dma_wait3A_508, %dma_wait3A_509] : memref<10240x128xf32, #tpu.memory_space<vmem_shared>> -> memref<10240x128xf32, #tpu.memory_space<vmem_shared>>
      %dma_wait3A_511 = tpu.memref_slice %arg14[%dma_wait3A_501] : memref<4x!tpu.dma_semaphore, #tpu.memory_space<semaphore_mem>> -> memref<1x!tpu.dma_semaphore, #tpu.memory_space<semaphore_mem>>
      %dma_wait3A_512 = tpu.memref_squeeze %dma_wait3A_511 : memref<1x!tpu.dma_semaphore, #tpu.memory_space<semaphore_mem>> -> memref<!tpu.dma_semaphore, #tpu.memory_space<semaphore_mem>>
      tpu.wait_indirect_dma semaphore(%dma_wait3A_512 : memref<!tpu.dma_semaphore, #tpu.memory_space<semaphore_mem>>) src(%dma_wait3A_504 : memref<32x128xf32, #tpu.memory_space<vmem>>) dst(%dma_wait3A_510 : memref<10240x128xf32, #tpu.memory_space<vmem_shared>>)
      %add3A_513 = arith.constant 1 : i32
      %add3A_514 = arith.addi %scan3A_435, %add3A_513 : i32
      %lt3A_515 = arith.constant 80 : i32
      %lt3A_516 = arith.cmpi slt, %add3A_514, %lt3A_515 : i32
      %convert_element_type3A_517 = arith.extui %lt3A_516 : i1 to i32
      %cond3A_518 = arith.constant 0 : i32
      %cond3A_519 = arith.cmpi ne, %convert_element_type3A_517, %cond3A_518 : i32
      scf.if %cond3A_519 {
        %add3A_607 = arith.constant 1 : i32
        %add3A_608 = arith.addi %scan3A_435, %add3A_607 : i32
        %dma_start3A_609 = arith.constant 1 : i32
        %dma_start3A_610 = arith.constant 0 : i32
        %dma_start3A_611 = arith.constant 0 : i32
        %dma_start3A_612 = tpu.memref_slice %arg9[%dma_start3A_610, %dma_start3A_611] : memref<32x128xf32, #tpu.memory_space<vmem>> -> memref<32x128xf32, #tpu.memory_space<vmem>>
        %dma_start3A_613 = arith.constant 32 : i32
        %dma_start3A_614 = tpu.memref_slice %arg6[%add3A_608, %dma_start3A_613] : memref<80x125xi32, #tpu.memory_space<vmem>> -> memref<1x32xi32, #tpu.memory_space<vmem>>
        %dma_start3A_615 = tpu.memref_squeeze %dma_start3A_614 : memref<1x32xi32, #tpu.memory_space<vmem>> -> memref<32xi32, #tpu.memory_space<vmem>>
        %dma_start3A_616 = arith.constant 0 : i32
        %dma_start3A_617 = arith.constant 0 : i32
        %dma_start3A_618 = tpu.memref_slice %arg2[%dma_start3A_616, %dma_start3A_617] : memref<10000x128xf32, #tpu.memory_space<hbm>> -> memref<10000x128xf32, #tpu.memory_space<hbm>>
        %dma_start3A_619 = tpu.memref_slice %arg13[%dma_start3A_609] : memref<4x!tpu.dma_semaphore, #tpu.memory_space<semaphore_mem>> -> memref<1x!tpu.dma_semaphore, #tpu.memory_space<semaphore_mem>>
        %dma_start3A_620 = tpu.memref_squeeze %dma_start3A_619 : memref<1x!tpu.dma_semaphore, #tpu.memory_space<semaphore_mem>> -> memref<!tpu.dma_semaphore, #tpu.memory_space<semaphore_mem>>
        tpu.enqueue_indirect_dma source(%dma_start3A_618 : memref<10000x128xf32, #tpu.memory_space<hbm>>) target(%dma_start3A_612 : memref<32x128xf32, #tpu.memory_space<vmem>>) offsets(%dma_start3A_615 : memref<32xi32, #tpu.memory_space<vmem>>) semaphore(%dma_start3A_620 : memref<!tpu.dma_semaphore, #tpu.memory_space<semaphore_mem>>)
      } else {
      }
      %dma_wait3A_520 = arith.constant 2 : i32
      %dma_wait3A_521 = arith.constant 0 : i32
      %dma_wait3A_522 = arith.constant 0 : i32
      %dma_wait3A_523 = tpu.memref_slice %arg10[%dma_wait3A_521, %dma_wait3A_522] : memref<32x128xf32, #tpu.memory_space<vmem>> -> memref<32x128xf32, #tpu.memory_space<vmem>>
      %dma_wait3A_524 = arith.constant 64 : i32
      %dma_wait3A_525 = tpu.memref_slice %arg6[%scan3A_435, %dma_wait3A_524] : memref<80x125xi32, #tpu.memory_space<vmem>> -> memref<1x32xi32, #tpu.memory_space<vmem>>
      %dma_wait3A_526 = tpu.memref_squeeze %dma_wait3A_525 : memref<1x32xi32, #tpu.memory_space<vmem>> -> memref<32xi32, #tpu.memory_space<vmem>>
      %dma_wait3A_527 = arith.constant 0 : i32
      %dma_wait3A_528 = arith.constant 0 : i32
      %dma_wait3A_529 = tpu.memref_slice %arg2[%dma_wait3A_527, %dma_wait3A_528] : memref<10000x128xf32, #tpu.memory_space<hbm>> -> memref<10000x128xf32, #tpu.memory_space<hbm>>
      %dma_wait3A_530 = tpu.memref_slice %arg13[%dma_wait3A_520] : memref<4x!tpu.dma_semaphore, #tpu.memory_space<semaphore_mem>> -> memref<1x!tpu.dma_semaphore, #tpu.memory_space<semaphore_mem>>
      %dma_wait3A_531 = tpu.memref_squeeze %dma_wait3A_530 : memref<1x!tpu.dma_semaphore, #tpu.memory_space<semaphore_mem>> -> memref<!tpu.dma_semaphore, #tpu.memory_space<semaphore_mem>>
      tpu.wait_indirect_dma semaphore(%dma_wait3A_531 : memref<!tpu.dma_semaphore, #tpu.memory_space<semaphore_mem>>) src(%dma_wait3A_529 : memref<10000x128xf32, #tpu.memory_space<hbm>>) dst(%dma_wait3A_523 : memref<32x128xf32, #tpu.memory_space<vmem>>)
      %dma_start3A_532 = arith.constant 2 : i32
      %dma_start3A_533 = arith.constant 0 : i32
      %dma_start3A_534 = arith.constant 0 : i32
      %dma_start3A_535 = tpu.memref_slice %arg10[%dma_start3A_533, %dma_start3A_534] : memref<32x128xf32, #tpu.memory_space<vmem>> -> memref<32x128xf32, #tpu.memory_space<vmem>>
      %dma_start3A_536 = arith.constant 64 : i32
      %dma_start3A_537 = tpu.memref_slice %arg7[%scan3A_435, %dma_start3A_536] : memref<80x125xi32, #tpu.memory_space<vmem>> -> memref<1x32xi32, #tpu.memory_space<vmem>>
      %dma_start3A_538 = tpu.memref_squeeze %dma_start3A_537 : memref<1x32xi32, #tpu.memory_space<vmem>> -> memref<32xi32, #tpu.memory_space<vmem>>
      %dma_start3A_539 = arith.constant 0 : i32
      %dma_start3A_540 = arith.constant 0 : i32
      %dma_start3A_541 = tpu.memref_slice %arg12[%dma_start3A_539, %dma_start3A_540] : memref<10240x128xf32, #tpu.memory_space<vmem_shared>> -> memref<10240x128xf32, #tpu.memory_space<vmem_shared>>
      %dma_start3A_542 = tpu.memref_slice %arg14[%dma_start3A_532] : memref<4x!tpu.dma_semaphore, #tpu.memory_space<semaphore_mem>> -> memref<1x!tpu.dma_semaphore, #tpu.memory_space<semaphore_mem>>
      %dma_start3A_543 = tpu.memref_squeeze %dma_start3A_542 : memref<1x!tpu.dma_semaphore, #tpu.memory_space<semaphore_mem>> -> memref<!tpu.dma_semaphore, #tpu.memory_space<semaphore_mem>>
      tpu.enqueue_indirect_dma source(%dma_start3A_535 : memref<32x128xf32, #tpu.memory_space<vmem>>) target(%dma_start3A_541 : memref<10240x128xf32, #tpu.memory_space<vmem_shared>>) offsets(%dma_start3A_538 : memref<32xi32, #tpu.memory_space<vmem>>) semaphore(%dma_start3A_543 : memref<!tpu.dma_semaphore, #tpu.memory_space<semaphore_mem>>) {add = true}
      %dma_wait3A_544 = arith.constant 2 : i32
      %dma_wait3A_545 = arith.constant 0 : i32
      %dma_wait3A_546 = arith.constant 0 : i32
      %dma_wait3A_547 = tpu.memref_slice %arg10[%dma_wait3A_545, %dma_wait3A_546] : memref<32x128xf32, #tpu.memory_space<vmem>> -> memref<32x128xf32, #tpu.memory_space<vmem>>
      %dma_wait3A_548 = arith.constant 64 : i32
      %dma_wait3A_549 = tpu.memref_slice %arg7[%scan3A_435, %dma_wait3A_548] : memref<80x125xi32, #tpu.memory_space<vmem>> -> memref<1x32xi32, #tpu.memory_space<vmem>>
      %dma_wait3A_550 = tpu.memref_squeeze %dma_wait3A_549 : memref<1x32xi32, #tpu.memory_space<vmem>> -> memref<32xi32, #tpu.memory_space<vmem>>
      %dma_wait3A_551 = arith.constant 0 : i32
      %dma_wait3A_552 = arith.constant 0 : i32
      %dma_wait3A_553 = tpu.memref_slice %arg12[%dma_wait3A_551, %dma_wait3A_552] : memref<10240x128xf32, #tpu.memory_space<vmem_shared>> -> memref<10240x128xf32, #tpu.memory_space<vmem_shared>>
      %dma_wait3A_554 = tpu.memref_slice %arg14[%dma_wait3A_544] : memref<4x!tpu.dma_semaphore, #tpu.memory_space<semaphore_mem>> -> memref<1x!tpu.dma_semaphore, #tpu.memory_space<semaphore_mem>>
      %dma_wait3A_555 = tpu.memref_squeeze %dma_wait3A_554 : memref<1x!tpu.dma_semaphore, #tpu.memory_space<semaphore_mem>> -> memref<!tpu.dma_semaphore, #tpu.memory_space<semaphore_mem>>
      tpu.wait_indirect_dma semaphore(%dma_wait3A_555 : memref<!tpu.dma_semaphore, #tpu.memory_space<semaphore_mem>>) src(%dma_wait3A_547 : memref<32x128xf32, #tpu.memory_space<vmem>>) dst(%dma_wait3A_553 : memref<10240x128xf32, #tpu.memory_space<vmem_shared>>)
      %add3A_556 = arith.constant 1 : i32
      %add3A_557 = arith.addi %scan3A_435, %add3A_556 : i32
      %lt3A_558 = arith.constant 80 : i32
      %lt3A_559 = arith.cmpi slt, %add3A_557, %lt3A_558 : i32
      %convert_element_type3A_560 = arith.extui %lt3A_559 : i1 to i32
      %cond3A_561 = arith.constant 0 : i32
      %cond3A_562 = arith.cmpi ne, %convert_element_type3A_560, %cond3A_561 : i32
      scf.if %cond3A_562 {
        %add3A_607 = arith.constant 1 : i32
        %add3A_608 = arith.addi %scan3A_435, %add3A_607 : i32
        %dma_start3A_609 = arith.constant 2 : i32
        %dma_start3A_610 = arith.constant 0 : i32
        %dma_start3A_611 = arith.constant 0 : i32
        %dma_start3A_612 = tpu.memref_slice %arg10[%dma_start3A_610, %dma_start3A_611] : memref<32x128xf32, #tpu.memory_space<vmem>> -> memref<32x128xf32, #tpu.memory_space<vmem>>
        %dma_start3A_613 = arith.constant 64 : i32
        %dma_start3A_614 = tpu.memref_slice %arg6[%add3A_608, %dma_start3A_613] : memref<80x125xi32, #tpu.memory_space<vmem>> -> memref<1x32xi32, #tpu.memory_space<vmem>>
        %dma_start3A_615 = tpu.memref_squeeze %dma_start3A_614 : memref<1x32xi32, #tpu.memory_space<vmem>> -> memref<32xi32, #tpu.memory_space<vmem>>
        %dma_start3A_616 = arith.constant 0 : i32
        %dma_start3A_617 = arith.constant 0 : i32
        %dma_start3A_618 = tpu.memref_slice %arg2[%dma_start3A_616, %dma_start3A_617] : memref<10000x128xf32, #tpu.memory_space<hbm>> -> memref<10000x128xf32, #tpu.memory_space<hbm>>
        %dma_start3A_619 = tpu.memref_slice %arg13[%dma_start3A_609] : memref<4x!tpu.dma_semaphore, #tpu.memory_space<semaphore_mem>> -> memref<1x!tpu.dma_semaphore, #tpu.memory_space<semaphore_mem>>
        %dma_start3A_620 = tpu.memref_squeeze %dma_start3A_619 : memref<1x!tpu.dma_semaphore, #tpu.memory_space<semaphore_mem>> -> memref<!tpu.dma_semaphore, #tpu.memory_space<semaphore_mem>>
        tpu.enqueue_indirect_dma source(%dma_start3A_618 : memref<10000x128xf32, #tpu.memory_space<hbm>>) target(%dma_start3A_612 : memref<32x128xf32, #tpu.memory_space<vmem>>) offsets(%dma_start3A_615 : memref<32xi32, #tpu.memory_space<vmem>>) semaphore(%dma_start3A_620 : memref<!tpu.dma_semaphore, #tpu.memory_space<semaphore_mem>>)
      } else {
      }
      %dma_wait3A_563 = arith.constant 3 : i32
      %dma_wait3A_564 = arith.constant 0 : i32
      %dma_wait3A_565 = arith.constant 0 : i32
      %dma_wait3A_566 = tpu.memref_slice %arg11[%dma_wait3A_564, %dma_wait3A_565] : memref<32x128xf32, #tpu.memory_space<vmem>> -> memref<29x128xf32, #tpu.memory_space<vmem>>
      %dma_wait3A_567 = arith.constant 96 : i32
      %dma_wait3A_568 = tpu.memref_slice %arg6[%scan3A_435, %dma_wait3A_567] : memref<80x125xi32, #tpu.memory_space<vmem>> -> memref<1x29xi32, #tpu.memory_space<vmem>>
      %dma_wait3A_569 = tpu.memref_squeeze %dma_wait3A_568 : memref<1x29xi32, #tpu.memory_space<vmem>> -> memref<29xi32, #tpu.memory_space<vmem>>
      %dma_wait3A_570 = arith.constant 0 : i32
      %dma_wait3A_571 = arith.constant 0 : i32
      %dma_wait3A_572 = tpu.memref_slice %arg2[%dma_wait3A_570, %dma_wait3A_571] : memref<10000x128xf32, #tpu.memory_space<hbm>> -> memref<10000x128xf32, #tpu.memory_space<hbm>>
      %dma_wait3A_573 = tpu.memref_slice %arg13[%dma_wait3A_563] : memref<4x!tpu.dma_semaphore, #tpu.memory_space<semaphore_mem>> -> memref<1x!tpu.dma_semaphore, #tpu.memory_space<semaphore_mem>>
      %dma_wait3A_574 = tpu.memref_squeeze %dma_wait3A_573 : memref<1x!tpu.dma_semaphore, #tpu.memory_space<semaphore_mem>> -> memref<!tpu.dma_semaphore, #tpu.memory_space<semaphore_mem>>
      tpu.wait_indirect_dma semaphore(%dma_wait3A_574 : memref<!tpu.dma_semaphore, #tpu.memory_space<semaphore_mem>>) src(%dma_wait3A_572 : memref<10000x128xf32, #tpu.memory_space<hbm>>) dst(%dma_wait3A_566 : memref<29x128xf32, #tpu.memory_space<vmem>>)
      %dma_start3A_575 = arith.constant 3 : i32
      %dma_start3A_576 = arith.constant 0 : i32
      %dma_start3A_577 = arith.constant 0 : i32
      %dma_start3A_578 = tpu.memref_slice %arg11[%dma_start3A_576, %dma_start3A_577] : memref<32x128xf32, #tpu.memory_space<vmem>> -> memref<29x128xf32, #tpu.memory_space<vmem>>
      %dma_start3A_579 = arith.constant 96 : i32
      %dma_start3A_580 = tpu.memref_slice %arg7[%scan3A_435, %dma_start3A_579] : memref<80x125xi32, #tpu.memory_space<vmem>> -> memref<1x29xi32, #tpu.memory_space<vmem>>
      %dma_start3A_581 = tpu.memref_squeeze %dma_start3A_580 : memref<1x29xi32, #tpu.memory_space<vmem>> -> memref<29xi32, #tpu.memory_space<vmem>>
      %dma_start3A_582 = arith.constant 0 : i32
      %dma_start3A_583 = arith.constant 0 : i32
      %dma_start3A_584 = tpu.memref_slice %arg12[%dma_start3A_582, %dma_start3A_583] : memref<10240x128xf32, #tpu.memory_space<vmem_shared>> -> memref<10240x128xf32, #tpu.memory_space<vmem_shared>>
      %dma_start3A_585 = tpu.memref_slice %arg14[%dma_start3A_575] : memref<4x!tpu.dma_semaphore, #tpu.memory_space<semaphore_mem>> -> memref<1x!tpu.dma_semaphore, #tpu.memory_space<semaphore_mem>>
      %dma_start3A_586 = tpu.memref_squeeze %dma_start3A_585 : memref<1x!tpu.dma_semaphore, #tpu.memory_space<semaphore_mem>> -> memref<!tpu.dma_semaphore, #tpu.memory_space<semaphore_mem>>
      tpu.enqueue_indirect_dma source(%dma_start3A_578 : memref<29x128xf32, #tpu.memory_space<vmem>>) target(%dma_start3A_584 : memref<10240x128xf32, #tpu.memory_space<vmem_shared>>) offsets(%dma_start3A_581 : memref<29xi32, #tpu.memory_space<vmem>>) semaphore(%dma_start3A_586 : memref<!tpu.dma_semaphore, #tpu.memory_space<semaphore_mem>>) {add = true}
      %dma_wait3A_587 = arith.constant 3 : i32
      %dma_wait3A_588 = arith.constant 0 : i32
      %dma_wait3A_589 = arith.constant 0 : i32
      %dma_wait3A_590 = tpu.memref_slice %arg11[%dma_wait3A_588, %dma_wait3A_589] : memref<32x128xf32, #tpu.memory_space<vmem>> -> memref<29x128xf32, #tpu.memory_space<vmem>>
      %dma_wait3A_591 = arith.constant 96 : i32
      %dma_wait3A_592 = tpu.memref_slice %arg7[%scan3A_435, %dma_wait3A_591] : memref<80x125xi32, #tpu.memory_space<vmem>> -> memref<1x29xi32, #tpu.memory_space<vmem>>
      %dma_wait3A_593 = tpu.memref_squeeze %dma_wait3A_592 : memref<1x29xi32, #tpu.memory_space<vmem>> -> memref<29xi32, #tpu.memory_space<vmem>>
      %dma_wait3A_594 = arith.constant 0 : i32
      %dma_wait3A_595 = arith.constant 0 : i32
      %dma_wait3A_596 = tpu.memref_slice %arg12[%dma_wait3A_594, %dma_wait3A_595] : memref<10240x128xf32, #tpu.memory_space<vmem_shared>> -> memref<10240x128xf32, #tpu.memory_space<vmem_shared>>
      %dma_wait3A_597 = tpu.memref_slice %arg14[%dma_wait3A_587] : memref<4x!tpu.dma_semaphore, #tpu.memory_space<semaphore_mem>> -> memref<1x!tpu.dma_semaphore, #tpu.memory_space<semaphore_mem>>
      %dma_wait3A_598 = tpu.memref_squeeze %dma_wait3A_597 : memref<1x!tpu.dma_semaphore, #tpu.memory_space<semaphore_mem>> -> memref<!tpu.dma_semaphore, #tpu.memory_space<semaphore_mem>>
      tpu.wait_indirect_dma semaphore(%dma_wait3A_598 : memref<!tpu.dma_semaphore, #tpu.memory_space<semaphore_mem>>) src(%dma_wait3A_590 : memref<29x128xf32, #tpu.memory_space<vmem>>) dst(%dma_wait3A_596 : memref<10240x128xf32, #tpu.memory_space<vmem_shared>>)
      %add3A_599 = arith.constant 1 : i32
      %add3A_600 = arith.addi %scan3A_435, %add3A_599 : i32
      %lt3A_601 = arith.constant 80 : i32
      %lt3A_602 = arith.cmpi slt, %add3A_600, %lt3A_601 : i32
      %convert_element_type3A_603 = arith.extui %lt3A_602 : i1 to i32
      %cond3A_604 = arith.constant 0 : i32
      %cond3A_605 = arith.cmpi ne, %convert_element_type3A_603, %cond3A_604 : i32
      scf.if %cond3A_605 {
        %add3A_607 = arith.constant 1 : i32
        %add3A_608 = arith.addi %scan3A_435, %add3A_607 : i32
        %dma_start3A_609 = arith.constant 3 : i32
        %dma_start3A_610 = arith.constant 0 : i32
        %dma_start3A_611 = arith.constant 0 : i32
        %dma_start3A_612 = tpu.memref_slice %arg11[%dma_start3A_610, %dma_start3A_611] : memref<32x128xf32, #tpu.memory_space<vmem>> -> memref<29x128xf32, #tpu.memory_space<vmem>>
        %dma_start3A_613 = arith.constant 96 : i32
        %dma_start3A_614 = tpu.memref_slice %arg6[%add3A_608, %dma_start3A_613] : memref<80x125xi32, #tpu.memory_space<vmem>> -> memref<1x29xi32, #tpu.memory_space<vmem>>
        %dma_start3A_615 = tpu.memref_squeeze %dma_start3A_614 : memref<1x29xi32, #tpu.memory_space<vmem>> -> memref<29xi32, #tpu.memory_space<vmem>>
        %dma_start3A_616 = arith.constant 0 : i32
        %dma_start3A_617 = arith.constant 0 : i32
        %dma_start3A_618 = tpu.memref_slice %arg2[%dma_start3A_616, %dma_start3A_617] : memref<10000x128xf32, #tpu.memory_space<hbm>> -> memref<10000x128xf32, #tpu.memory_space<hbm>>
        %dma_start3A_619 = tpu.memref_slice %arg13[%dma_start3A_609] : memref<4x!tpu.dma_semaphore, #tpu.memory_space<semaphore_mem>> -> memref<1x!tpu.dma_semaphore, #tpu.memory_space<semaphore_mem>>
        %dma_start3A_620 = tpu.memref_squeeze %dma_start3A_619 : memref<1x!tpu.dma_semaphore, #tpu.memory_space<semaphore_mem>> -> memref<!tpu.dma_semaphore, #tpu.memory_space<semaphore_mem>>
        tpu.enqueue_indirect_dma source(%dma_start3A_618 : memref<10000x128xf32, #tpu.memory_space<hbm>>) target(%dma_start3A_612 : memref<29x128xf32, #tpu.memory_space<vmem>>) offsets(%dma_start3A_615 : memref<29xi32, #tpu.memory_space<vmem>>) semaphore(%dma_start3A_620 : memref<!tpu.dma_semaphore, #tpu.memory_space<semaphore_mem>>)
      } else {
      }
      %scan3A_606 = arith.constant 0 : i32
      scf.yield %scan3A_606 : i32
    }
    %scan3A_429 = arith.constant 80 : i32
    %barrier3A_430 = arith.constant 0 : index
    tpu.barrier barrier_id(%barrier3A_430)
    %mul3A_431 = arith.constant 640 : i32
    %mul3A_432 = arith.muli %arg1, %mul3A_431 : i32
    %mul3A_433 = arith.constant 640 : i32
    %mul3A_434 = arith.muli %arg1, %mul3A_433 : i32
    "tpu.region"() ({
      %run_scoped3A = tpu.sem_alloc : memref<!tpu.dma_semaphore, #tpu.memory_space<semaphore_mem>>
      %dma_start3A_435 = arith.constant 0 : i32
      %dma_start3A_436 = tpu.memref_slice %arg5[%arg0, %mul3A_434, %dma_start3A_435] : memref<2x10240x128xf32, #tpu.memory_space<hbm>> -> memref<1x640x128xf32, #tpu.memory_space<hbm>>
      %dma_start3A_437 = tpu.memref_squeeze %dma_start3A_436 : memref<1x640x128xf32, #tpu.memory_space<hbm>> -> memref<640x128xf32, #tpu.memory_space<hbm>>
      %dma_start3A_438 = arith.constant 0 : i32
      %dma_start3A_439 = tpu.memref_slice %arg12[%mul3A_432, %dma_start3A_438] : memref<10240x128xf32, #tpu.memory_space<vmem_shared>> -> memref<640x128xf32, #tpu.memory_space<vmem_shared>>
      tpu.enqueue_dma source(%dma_start3A_439 : memref<640x128xf32, #tpu.memory_space<vmem_shared>>) target(%dma_start3A_437 : memref<640x128xf32, #tpu.memory_space<hbm>>) target_semaphore(%run_scoped3A : memref<!tpu.dma_semaphore, #tpu.memory_space<semaphore_mem>>)
      %dma_wait3A_440 = arith.constant 0 : i32
      %dma_wait3A_441 = tpu.memref_slice %arg5[%arg0, %mul3A_434, %dma_wait3A_440] : memref<2x10240x128xf32, #tpu.memory_space<hbm>> -> memref<1x640x128xf32, #tpu.memory_space<hbm>>
      %dma_wait3A_442 = tpu.memref_squeeze %dma_wait3A_441 : memref<1x640x128xf32, #tpu.memory_space<hbm>> -> memref<640x128xf32, #tpu.memory_space<hbm>>
      %dma_wait3A_443 = arith.constant 0 : i32
      %dma_wait3A_444 = tpu.memref_slice %arg12[%mul3A_432, %dma_wait3A_443] : memref<10240x128xf32, #tpu.memory_space<vmem_shared>> -> memref<640x128xf32, #tpu.memory_space<vmem_shared>>
      tpu.wait_dma2 semaphore(%run_scoped3A : memref<!tpu.dma_semaphore, #tpu.memory_space<semaphore_mem>>) src(%dma_wait3A_444 : memref<640x128xf32, #tpu.memory_space<vmem_shared>>) dst(%dma_wait3A_442 : memref<640x128xf32, #tpu.memory_space<hbm>>)
      tpu.yield
    }) : () -> ()
    return
  }
}

#map = affine_map<(d0, d1) -> (0, 0, 0, 0)>
#map1 = affine_map<(d0, d1) -> (0, 0, 0)>
#map2 = affine_map<(d0, d1) -> (0)>
module attributes {stable_mosaic.version = 14 : i64} {
  func.func @k(%arg0: i32, %arg1: i32, %arg2: memref<32x80x125x128xf32, #tpu.memory_space<hbm>>, %arg3: memref<32x80x125xi32, #tpu.memory_space<hbm>>, %arg4: memref<2x10240x128xf32, #tpu.memory_space<hbm>>, %arg5: memref<20480xf32, #tpu.memory_space<hbm>>, %arg6: memref<32x80x125x128xf32, #tpu.memory_space<hbm>>, %arg7: memref<80x125xi32, #tpu.memory_space<vmem>>, %arg8: memref<32x128xf32, #tpu.memory_space<vmem>>, %arg9: memref<32x128xf32, #tpu.memory_space<vmem>>, %arg10: memref<32x128xf32, #tpu.memory_space<vmem>>, %arg11: memref<32x128xf32, #tpu.memory_space<vmem>>, %arg12: memref<128xf32, #tpu.memory_space<vmem>>, %arg13: memref<640xf32, #tpu.memory_space<vmem>>, %arg14: memref<10240x128xf32, #tpu.memory_space<vmem_shared>>, %arg15: memref<10240xf32, #tpu.memory_space<vmem_shared>>, %arg16: memref<4x!tpu.dma_semaphore, #tpu.memory_space<semaphore_mem>>, %arg17: memref<4x!tpu.dma_semaphore, #tpu.memory_space<semaphore_mem>>, %arg18: memref<4x!tpu.dma_semaphore, #tpu.memory_space<semaphore_mem>>, %arg19: memref<4x!tpu.dma_semaphore, #tpu.memory_space<semaphore_mem>>) attributes {dimension_semantics = [#tpu.dimension_semantics<core_parallel>, #tpu.dimension_semantics<subcore_parallel>], iteration_bounds = array<i64: 2, 16>, scalar_prefetch = 0 : i64, scratch_operands = 13 : i64, tpu.core_type = #tpu.core_type<sc_vector_subcore>, window_params = [{transform_indices = #map}, {transform_indices = #map1}, {transform_indices = #map1}, {transform_indices = #map2}, {transform_indices = #map}]} {
    %mul3A = arith.constant 16 : i32
    %mul3A_0 = arith.muli %arg0, %mul3A : i32
    %add3A = arith.addi %mul3A_0, %arg1 : i32
    %scan3A = arith.constant 0 : i32
    %scan3A_1 = arith.constant 0 : i32
    %scan3A_2 = arith.constant 256 : i32
    %scan3A_3 = arith.addi %scan3A_1, %scan3A_2 : i32
    %scan3A_4 = arith.constant 1 : i32
    %scan3A_5 = scf.for %scan3A_492 = %scan3A_1 to %scan3A_3 step %scan3A_4 iter_args(%scan3A_493 = %scan3A) -> (i32)  : i32 {
      %jit3A = arith.constant 8 : i32
      %div3A = arith.divsi %scan3A_492, %jit3A : i32
      %sign3A = arith.constant 0 : i32
      %sign3A_494 = arith.cmpi sgt, %scan3A_492, %sign3A : i32
      %sign3A_495 = arith.extui %sign3A_494 : i1 to i32
      %sign3A_496 = arith.constant 0 : i32
      %sign3A_497 = arith.cmpi slt, %scan3A_492, %sign3A_496 : i32
      %sign3A_498 = arith.extui %sign3A_497 : i1 to i32
      %sign3A_499 = arith.subi %sign3A_495, %sign3A_498 : i32
      %sign3A_500 = arith.constant 0 : i32
      %sign3A_501 = arith.cmpi sgt, %jit3A, %sign3A_500 : i32
      %sign3A_502 = arith.extui %sign3A_501 : i1 to i32
      %sign3A_503 = arith.constant 0 : i32
      %sign3A_504 = arith.cmpi slt, %jit3A, %sign3A_503 : i32
      %sign3A_505 = arith.extui %sign3A_504 : i1 to i32
      %sign3A_506 = arith.subi %sign3A_502, %sign3A_505 : i32
      %ne3A = arith.cmpi ne, %sign3A_499, %sign3A_506 : i32
      %rem3A = arith.remsi %scan3A_492, %jit3A : i32
      %ne3A_507 = arith.constant 0 : i32
      %ne3A_508 = arith.cmpi ne, %rem3A, %ne3A_507 : i32
      %and3A = arith.andi %ne3A, %ne3A_508 : i1
      %sub3A = arith.constant 1 : i32
      %sub3A_509 = arith.subi %div3A, %sub3A : i32
      %select_n3A = arith.select %and3A, %sub3A_509, %div3A : i32
      %jit3A_510 = arith.constant 8 : i32
      %eq3A = arith.constant 0 : i32
      %eq3A_511 = arith.cmpi eq, %jit3A_510, %eq3A : i32
      %jit3A_512 = arith.constant 1 : i32
      %select_n3A_513 = arith.select %eq3A_511, %jit3A_512, %jit3A_510 : i32
      %rem3A_514 = arith.remsi %scan3A_492, %select_n3A_513 : i32
      %ne3A_515 = arith.constant 0 : i32
      %ne3A_516 = arith.cmpi ne, %rem3A_514, %ne3A_515 : i32
      %lt3A = arith.constant 0 : i32
      %lt3A_517 = arith.cmpi slt, %rem3A_514, %lt3A : i32
      %lt3A_518 = arith.constant 0 : i32
      %lt3A_519 = arith.cmpi slt, %select_n3A_513, %lt3A_518 : i32
      %ne3A_520 = arith.xori %lt3A_517, %lt3A_519 : i1
      %and3A_521 = arith.andi %ne3A_520, %ne3A_516 : i1
      %add3A_522 = arith.addi %rem3A_514, %select_n3A_513 : i32
      %select_n3A_523 = arith.select %and3A_521, %add3A_522, %rem3A_514 : i32
      %mul3A_524 = arith.constant 16 : i32
      %mul3A_525 = arith.muli %select_n3A_523, %mul3A_524 : i32
      %broadcast_in_dim3A = arith.constant 0.000000e+00 : f32
      %broadcast_in_dim3A_526 = vector.broadcast %broadcast_in_dim3A : f32 to vector<16xf32>
      %swap3A = arith.index_cast %select_n3A : i32 to index
      %swap3A_527 = arith.index_cast %mul3A_525 : i32 to index
      %swap3A_528 = tpu.vector_load %arg8[%swap3A, %swap3A_527] {strides = array<i32>} : memref<32x128xf32, #tpu.memory_space<vmem>>, vector<1x16xf32>,
      %swap3A_529 = vector.shape_cast %swap3A_528 : vector<1x16xf32> to vector<16xf32>
      %swap3A_530 = vector.shape_cast %broadcast_in_dim3A_526 : vector<16xf32> to vector<1x16xf32>
      tpu.vector_store %arg8[%swap3A, %swap3A_527], %swap3A_530 {strides = array<i32>} : memref<32x128xf32, #tpu.memory_space<vmem>>, vector<1x16xf32>,
      %scan3A_531 = arith.constant 0 : i32
      scf.yield %scan3A_531 : i32
    }
    %scan3A_6 = arith.constant 256 : i32
    %scan3A_7 = arith.constant 0 : i32
    %scan3A_8 = arith.constant 0 : i32
    %scan3A_9 = arith.constant 40 : i32
    %scan3A_10 = arith.addi %scan3A_8, %scan3A_9 : i32
    %scan3A_11 = arith.constant 1 : i32
    %scan3A_12 = scf.for %scan3A_492 = %scan3A_8 to %scan3A_10 step %scan3A_11 iter_args(%scan3A_493 = %scan3A_7) -> (i32)  : i32 {
      %broadcast_in_dim3A = arith.constant 0.000000e+00 : f32
      %broadcast_in_dim3A_494 = vector.broadcast %broadcast_in_dim3A : f32 to vector<16xf32>
      %mul3A_495 = arith.constant 16 : i32
      %mul3A_496 = arith.muli %scan3A_492, %mul3A_495 : i32
      %swap3A = arith.index_cast %mul3A_496 : i32 to index
      %swap3A_497 = tpu.vector_load %arg13[%swap3A] {strides = array<i32>} : memref<640xf32, #tpu.memory_space<vmem>>, vector<16xf32>,
      %swap3A_498 = vector.shape_cast %swap3A_497 : vector<16xf32> to vector<16xf32>
      %swap3A_499 = vector.shape_cast %broadcast_in_dim3A_494 : vector<16xf32> to vector<16xf32>
      tpu.vector_store %arg13[%swap3A], %swap3A_499 {strides = array<i32>} : memref<640xf32, #tpu.memory_space<vmem>>, vector<16xf32>,
      %scan3A_500 = arith.constant 0 : i32
      scf.yield %scan3A_500 : i32
    }
    %scan3A_13 = arith.constant 40 : i32
    %dma_start3A = arith.constant 0 : i32
    %dma_start3A_14 = arith.constant 0 : i32
    %dma_start3A_15 = arith.constant 0 : i32
    %dma_start3A_16 = tpu.memref_slice %arg3[%add3A, %dma_start3A_14, %dma_start3A_15] : memref<32x80x125xi32, #tpu.memory_space<hbm>> -> memref<1x80x125xi32, #tpu.memory_space<hbm>>
    %dma_start3A_17 = tpu.memref_squeeze %dma_start3A_16 : memref<1x80x125xi32, #tpu.memory_space<hbm>> -> memref<80x125xi32, #tpu.memory_space<hbm>>
    %dma_start3A_18 = tpu.memref_slice %arg17[%dma_start3A] : memref<4x!tpu.dma_semaphore, #tpu.memory_space<semaphore_mem>> -> memref<1x!tpu.dma_semaphore, #tpu.memory_space<semaphore_mem>>
    %dma_start3A_19 = tpu.memref_squeeze %dma_start3A_18 : memref<1x!tpu.dma_semaphore, #tpu.memory_space<semaphore_mem>> -> memref<!tpu.dma_semaphore, #tpu.memory_space<semaphore_mem>>
    %dma_start3A_20 = arith.constant 0 : i32
    %dma_start3A_21 = arith.constant 0 : i32
    %dma_start3A_22 = tpu.memref_slice %arg3[%add3A, %dma_start3A_20, %dma_start3A_21] : memref<32x80x125xi32, #tpu.memory_space<hbm>> -> memref<1x80x125xi32, #tpu.memory_space<hbm>>
    %dma_start3A_23 = tpu.memref_squeeze %dma_start3A_22 : memref<1x80x125xi32, #tpu.memory_space<hbm>> -> memref<80x125xi32, #tpu.memory_space<hbm>>
    tpu.enqueue_dma source(%dma_start3A_23 : memref<80x125xi32, #tpu.memory_space<hbm>>) target(%arg7 : memref<80x125xi32, #tpu.memory_space<vmem>>) target_semaphore(%dma_start3A_19 : memref<!tpu.dma_semaphore, #tpu.memory_space<semaphore_mem>>)
    %mul3A_24 = arith.constant 640 : i32
    %mul3A_25 = arith.muli %arg1, %mul3A_24 : i32
    %dma_start3A_26 = arith.constant 0 : i32
    %dma_start3A_27 = tpu.memref_slice %arg15[%mul3A_25] : memref<10240xf32, #tpu.memory_space<vmem_shared>> -> memref<640xf32, #tpu.memory_space<vmem_shared>>
    %dma_start3A_28 = tpu.memref_slice %arg18[%dma_start3A_26] : memref<4x!tpu.dma_semaphore, #tpu.memory_space<semaphore_mem>> -> memref<1x!tpu.dma_semaphore, #tpu.memory_space<semaphore_mem>>
    %dma_start3A_29 = tpu.memref_squeeze %dma_start3A_28 : memref<1x!tpu.dma_semaphore, #tpu.memory_space<semaphore_mem>> -> memref<!tpu.dma_semaphore, #tpu.memory_space<semaphore_mem>>
    %dma_start3A_30 = tpu.memref_slice %arg15[%mul3A_25] : memref<10240xf32, #tpu.memory_space<vmem_shared>> -> memref<640xf32, #tpu.memory_space<vmem_shared>>
    tpu.enqueue_dma source(%arg13 : memref<640xf32, #tpu.memory_space<vmem>>) target(%dma_start3A_30 : memref<640xf32, #tpu.memory_space<vmem_shared>>) target_semaphore(%dma_start3A_29 : memref<!tpu.dma_semaphore, #tpu.memory_space<semaphore_mem>>)
    %scan3A_31 = arith.constant 0 : i32
    %scan3A_32 = arith.constant 0 : i32
    %scan3A_33 = arith.constant 8 : i32
    %scan3A_34 = arith.addi %scan3A_32, %scan3A_33 : i32
    %scan3A_35 = arith.constant 1 : i32
    %scan3A_36 = scf.for %scan3A_492 = %scan3A_32 to %scan3A_34 step %scan3A_35 iter_args(%scan3A_493 = %scan3A_31) -> (i32)  : i32 {
      %broadcast_in_dim3A = arith.constant 1.000000e+00 : f32
      %broadcast_in_dim3A_494 = vector.broadcast %broadcast_in_dim3A : f32 to vector<16xf32>
      %mul3A_495 = arith.constant 16 : i32
      %mul3A_496 = arith.muli %scan3A_492, %mul3A_495 : i32
      %swap3A = arith.index_cast %mul3A_496 : i32 to index
      %swap3A_497 = tpu.vector_load %arg12[%swap3A] {strides = array<i32>} : memref<128xf32, #tpu.memory_space<vmem>>, vector<16xf32>,
      %swap3A_498 = vector.shape_cast %swap3A_497 : vector<16xf32> to vector<16xf32>
      %swap3A_499 = vector.shape_cast %broadcast_in_dim3A_494 : vector<16xf32> to vector<16xf32>
      tpu.vector_store %arg12[%swap3A], %swap3A_499 {strides = array<i32>} : memref<128xf32, #tpu.memory_space<vmem>>, vector<16xf32>,
      %scan3A_500 = arith.constant 0 : i32
      scf.yield %scan3A_500 : i32
    }
    %scan3A_37 = arith.constant 8 : i32
    %mul3A_38 = arith.constant 640 : i32
    %mul3A_39 = arith.muli %arg1, %mul3A_38 : i32
    %add3A_40 = arith.constant 0 : i32
    %add3A_41 = arith.addi %mul3A_39, %add3A_40 : i32
    %dma_start3A_42 = arith.constant 0 : i32
    %dma_start3A_43 = arith.constant 0 : i32
    %dma_start3A_44 = tpu.memref_slice %arg14[%add3A_41, %dma_start3A_43] : memref<10240x128xf32, #tpu.memory_space<vmem_shared>> -> memref<32x128xf32, #tpu.memory_space<vmem_shared>>
    %dma_start3A_45 = tpu.memref_slice %arg16[%dma_start3A_42] : memref<4x!tpu.dma_semaphore, #tpu.memory_space<semaphore_mem>> -> memref<1x!tpu.dma_semaphore, #tpu.memory_space<semaphore_mem>>
    %dma_start3A_46 = tpu.memref_squeeze %dma_start3A_45 : memref<1x!tpu.dma_semaphore, #tpu.memory_space<semaphore_mem>> -> memref<!tpu.dma_semaphore, #tpu.memory_space<semaphore_mem>>
    %dma_start3A_47 = arith.constant 0 : i32
    %dma_start3A_48 = tpu.memref_slice %arg14[%add3A_41, %dma_start3A_47] : memref<10240x128xf32, #tpu.memory_space<vmem_shared>> -> memref<32x128xf32, #tpu.memory_space<vmem_shared>>
    tpu.enqueue_dma source(%arg8 : memref<32x128xf32, #tpu.memory_space<vmem>>) target(%dma_start3A_48 : memref<32x128xf32, #tpu.memory_space<vmem_shared>>) target_semaphore(%dma_start3A_46 : memref<!tpu.dma_semaphore, #tpu.memory_space<semaphore_mem>>)
    %add3A_49 = arith.constant 32 : i32
    %add3A_50 = arith.addi %mul3A_39, %add3A_49 : i32
    %dma_start3A_51 = arith.constant 0 : i32
    %dma_start3A_52 = arith.constant 0 : i32
    %dma_start3A_53 = tpu.memref_slice %arg14[%add3A_50, %dma_start3A_52] : memref<10240x128xf32, #tpu.memory_space<vmem_shared>> -> memref<32x128xf32, #tpu.memory_space<vmem_shared>>
    %dma_start3A_54 = tpu.memref_slice %arg16[%dma_start3A_51] : memref<4x!tpu.dma_semaphore, #tpu.memory_space<semaphore_mem>> -> memref<1x!tpu.dma_semaphore, #tpu.memory_space<semaphore_mem>>
    %dma_start3A_55 = tpu.memref_squeeze %dma_start3A_54 : memref<1x!tpu.dma_semaphore, #tpu.memory_space<semaphore_mem>> -> memref<!tpu.dma_semaphore, #tpu.memory_space<semaphore_mem>>
    %dma_start3A_56 = arith.constant 0 : i32
    %dma_start3A_57 = tpu.memref_slice %arg14[%add3A_50, %dma_start3A_56] : memref<10240x128xf32, #tpu.memory_space<vmem_shared>> -> memref<32x128xf32, #tpu.memory_space<vmem_shared>>
    tpu.enqueue_dma source(%arg8 : memref<32x128xf32, #tpu.memory_space<vmem>>) target(%dma_start3A_57 : memref<32x128xf32, #tpu.memory_space<vmem_shared>>) target_semaphore(%dma_start3A_55 : memref<!tpu.dma_semaphore, #tpu.memory_space<semaphore_mem>>)
    %add3A_58 = arith.constant 64 : i32
    %add3A_59 = arith.addi %mul3A_39, %add3A_58 : i32
    %dma_start3A_60 = arith.constant 0 : i32
    %dma_start3A_61 = arith.constant 0 : i32
    %dma_start3A_62 = tpu.memref_slice %arg14[%add3A_59, %dma_start3A_61] : memref<10240x128xf32, #tpu.memory_space<vmem_shared>> -> memref<32x128xf32, #tpu.memory_space<vmem_shared>>
    %dma_start3A_63 = tpu.memref_slice %arg16[%dma_start3A_60] : memref<4x!tpu.dma_semaphore, #tpu.memory_space<semaphore_mem>> -> memref<1x!tpu.dma_semaphore, #tpu.memory_space<semaphore_mem>>
    %dma_start3A_64 = tpu.memref_squeeze %dma_start3A_63 : memref<1x!tpu.dma_semaphore, #tpu.memory_space<semaphore_mem>> -> memref<!tpu.dma_semaphore, #tpu.memory_space<semaphore_mem>>
    %dma_start3A_65 = arith.constant 0 : i32
    %dma_start3A_66 = tpu.memref_slice %arg14[%add3A_59, %dma_start3A_65] : memref<10240x128xf32, #tpu.memory_space<vmem_shared>> -> memref<32x128xf32, #tpu.memory_space<vmem_shared>>
    tpu.enqueue_dma source(%arg8 : memref<32x128xf32, #tpu.memory_space<vmem>>) target(%dma_start3A_66 : memref<32x128xf32, #tpu.memory_space<vmem_shared>>) target_semaphore(%dma_start3A_64 : memref<!tpu.dma_semaphore, #tpu.memory_space<semaphore_mem>>)
    %add3A_67 = arith.constant 96 : i32
    %add3A_68 = arith.addi %mul3A_39, %add3A_67 : i32
    %dma_start3A_69 = arith.constant 0 : i32
    %dma_start3A_70 = arith.constant 0 : i32
    %dma_start3A_71 = tpu.memref_slice %arg14[%add3A_68, %dma_start3A_70] : memref<10240x128xf32, #tpu.memory_space<vmem_shared>> -> memref<32x128xf32, #tpu.memory_space<vmem_shared>>
    %dma_start3A_72 = tpu.memref_slice %arg16[%dma_start3A_69] : memref<4x!tpu.dma_semaphore, #tpu.memory_space<semaphore_mem>> -> memref<1x!tpu.dma_semaphore, #tpu.memory_space<semaphore_mem>>
    %dma_start3A_73 = tpu.memref_squeeze %dma_start3A_72 : memref<1x!tpu.dma_semaphore, #tpu.memory_space<semaphore_mem>> -> memref<!tpu.dma_semaphore, #tpu.memory_space<semaphore_mem>>
    %dma_start3A_74 = arith.constant 0 : i32
    %dma_start3A_75 = tpu.memref_slice %arg14[%add3A_68, %dma_start3A_74] : memref<10240x128xf32, #tpu.memory_space<vmem_shared>> -> memref<32x128xf32, #tpu.memory_space<vmem_shared>>
    tpu.enqueue_dma source(%arg8 : memref<32x128xf32, #tpu.memory_space<vmem>>) target(%dma_start3A_75 : memref<32x128xf32, #tpu.memory_space<vmem_shared>>) target_semaphore(%dma_start3A_73 : memref<!tpu.dma_semaphore, #tpu.memory_space<semaphore_mem>>)
    %add3A_76 = arith.constant 128 : i32
    %add3A_77 = arith.addi %mul3A_39, %add3A_76 : i32
    %dma_start3A_78 = arith.constant 0 : i32
    %dma_start3A_79 = arith.constant 0 : i32
    %dma_start3A_80 = tpu.memref_slice %arg14[%add3A_77, %dma_start3A_79] : memref<10240x128xf32, #tpu.memory_space<vmem_shared>> -> memref<32x128xf32, #tpu.memory_space<vmem_shared>>
    %dma_start3A_81 = tpu.memref_slice %arg16[%dma_start3A_78] : memref<4x!tpu.dma_semaphore, #tpu.memory_space<semaphore_mem>> -> memref<1x!tpu.dma_semaphore, #tpu.memory_space<semaphore_mem>>
    %dma_start3A_82 = tpu.memref_squeeze %dma_start3A_81 : memref<1x!tpu.dma_semaphore, #tpu.memory_space<semaphore_mem>> -> memref<!tpu.dma_semaphore, #tpu.memory_space<semaphore_mem>>
    %dma_start3A_83 = arith.constant 0 : i32
    %dma_start3A_84 = tpu.memref_slice %arg14[%add3A_77, %dma_start3A_83] : memref<10240x128xf32, #tpu.memory_space<vmem_shared>> -> memref<32x128xf32, #tpu.memory_space<vmem_shared>>
    tpu.enqueue_dma source(%arg8 : memref<32x128xf32, #tpu.memory_space<vmem>>) target(%dma_start3A_84 : memref<32x128xf32, #tpu.memory_space<vmem_shared>>) target_semaphore(%dma_start3A_82 : memref<!tpu.dma_semaphore, #tpu.memory_space<semaphore_mem>>)
    %add3A_85 = arith.constant 160 : i32
    %add3A_86 = arith.addi %mul3A_39, %add3A_85 : i32
    %dma_start3A_87 = arith.constant 0 : i32
    %dma_start3A_88 = arith.constant 0 : i32
    %dma_start3A_89 = tpu.memref_slice %arg14[%add3A_86, %dma_start3A_88] : memref<10240x128xf32, #tpu.memory_space<vmem_shared>> -> memref<32x128xf32, #tpu.memory_space<vmem_shared>>
    %dma_start3A_90 = tpu.memref_slice %arg16[%dma_start3A_87] : memref<4x!tpu.dma_semaphore, #tpu.memory_space<semaphore_mem>> -> memref<1x!tpu.dma_semaphore, #tpu.memory_space<semaphore_mem>>
    %dma_start3A_91 = tpu.memref_squeeze %dma_start3A_90 : memref<1x!tpu.dma_semaphore, #tpu.memory_space<semaphore_mem>> -> memref<!tpu.dma_semaphore, #tpu.memory_space<semaphore_mem>>
    %dma_start3A_92 = arith.constant 0 : i32
    %dma_start3A_93 = tpu.memref_slice %arg14[%add3A_86, %dma_start3A_92] : memref<10240x128xf32, #tpu.memory_space<vmem_shared>> -> memref<32x128xf32, #tpu.memory_space<vmem_shared>>
    tpu.enqueue_dma source(%arg8 : memref<32x128xf32, #tpu.memory_space<vmem>>) target(%dma_start3A_93 : memref<32x128xf32, #tpu.memory_space<vmem_shared>>) target_semaphore(%dma_start3A_91 : memref<!tpu.dma_semaphore, #tpu.memory_space<semaphore_mem>>)
    %add3A_94 = arith.constant 192 : i32
    %add3A_95 = arith.addi %mul3A_39, %add3A_94 : i32
    %dma_start3A_96 = arith.constant 0 : i32
    %dma_start3A_97 = arith.constant 0 : i32
    %dma_start3A_98 = tpu.memref_slice %arg14[%add3A_95, %dma_start3A_97] : memref<10240x128xf32, #tpu.memory_space<vmem_shared>> -> memref<32x128xf32, #tpu.memory_space<vmem_shared>>
    %dma_start3A_99 = tpu.memref_slice %arg16[%dma_start3A_96] : memref<4x!tpu.dma_semaphore, #tpu.memory_space<semaphore_mem>> -> memref<1x!tpu.dma_semaphore, #tpu.memory_space<semaphore_mem>>
    %dma_start3A_100 = tpu.memref_squeeze %dma_start3A_99 : memref<1x!tpu.dma_semaphore, #tpu.memory_space<semaphore_mem>> -> memref<!tpu.dma_semaphore, #tpu.memory_space<semaphore_mem>>
    %dma_start3A_101 = arith.constant 0 : i32
    %dma_start3A_102 = tpu.memref_slice %arg14[%add3A_95, %dma_start3A_101] : memref<10240x128xf32, #tpu.memory_space<vmem_shared>> -> memref<32x128xf32, #tpu.memory_space<vmem_shared>>
    tpu.enqueue_dma source(%arg8 : memref<32x128xf32, #tpu.memory_space<vmem>>) target(%dma_start3A_102 : memref<32x128xf32, #tpu.memory_space<vmem_shared>>) target_semaphore(%dma_start3A_100 : memref<!tpu.dma_semaphore, #tpu.memory_space<semaphore_mem>>)
    %add3A_103 = arith.constant 224 : i32
    %add3A_104 = arith.addi %mul3A_39, %add3A_103 : i32
    %dma_start3A_105 = arith.constant 0 : i32
    %dma_start3A_106 = arith.constant 0 : i32
    %dma_start3A_107 = tpu.memref_slice %arg14[%add3A_104, %dma_start3A_106] : memref<10240x128xf32, #tpu.memory_space<vmem_shared>> -> memref<32x128xf32, #tpu.memory_space<vmem_shared>>
    %dma_start3A_108 = tpu.memref_slice %arg16[%dma_start3A_105] : memref<4x!tpu.dma_semaphore, #tpu.memory_space<semaphore_mem>> -> memref<1x!tpu.dma_semaphore, #tpu.memory_space<semaphore_mem>>
    %dma_start3A_109 = tpu.memref_squeeze %dma_start3A_108 : memref<1x!tpu.dma_semaphore, #tpu.memory_space<semaphore_mem>> -> memref<!tpu.dma_semaphore, #tpu.memory_space<semaphore_mem>>
    %dma_start3A_110 = arith.constant 0 : i32
    %dma_start3A_111 = tpu.memref_slice %arg14[%add3A_104, %dma_start3A_110] : memref<10240x128xf32, #tpu.memory_space<vmem_shared>> -> memref<32x128xf32, #tpu.memory_space<vmem_shared>>
    tpu.enqueue_dma source(%arg8 : memref<32x128xf32, #tpu.memory_space<vmem>>) target(%dma_start3A_111 : memref<32x128xf32, #tpu.memory_space<vmem_shared>>) target_semaphore(%dma_start3A_109 : memref<!tpu.dma_semaphore, #tpu.memory_space<semaphore_mem>>)
    %add3A_112 = arith.constant 256 : i32
    %add3A_113 = arith.addi %mul3A_39, %add3A_112 : i32
    %dma_start3A_114 = arith.constant 0 : i32
    %dma_start3A_115 = arith.constant 0 : i32
    %dma_start3A_116 = tpu.memref_slice %arg14[%add3A_113, %dma_start3A_115] : memref<10240x128xf32, #tpu.memory_space<vmem_shared>> -> memref<32x128xf32, #tpu.memory_space<vmem_shared>>
    %dma_start3A_117 = tpu.memref_slice %arg16[%dma_start3A_114] : memref<4x!tpu.dma_semaphore, #tpu.memory_space<semaphore_mem>> -> memref<1x!tpu.dma_semaphore, #tpu.memory_space<semaphore_mem>>
    %dma_start3A_118 = tpu.memref_squeeze %dma_start3A_117 : memref<1x!tpu.dma_semaphore, #tpu.memory_space<semaphore_mem>> -> memref<!tpu.dma_semaphore, #tpu.memory_space<semaphore_mem>>
    %dma_start3A_119 = arith.constant 0 : i32
    %dma_start3A_120 = tpu.memref_slice %arg14[%add3A_113, %dma_start3A_119] : memref<10240x128xf32, #tpu.memory_space<vmem_shared>> -> memref<32x128xf32, #tpu.memory_space<vmem_shared>>
    tpu.enqueue_dma source(%arg8 : memref<32x128xf32, #tpu.memory_space<vmem>>) target(%dma_start3A_120 : memref<32x128xf32, #tpu.memory_space<vmem_shared>>) target_semaphore(%dma_start3A_118 : memref<!tpu.dma_semaphore, #tpu.memory_space<semaphore_mem>>)
    %add3A_121 = arith.constant 288 : i32
    %add3A_122 = arith.addi %mul3A_39, %add3A_121 : i32
    %dma_start3A_123 = arith.constant 0 : i32
    %dma_start3A_124 = arith.constant 0 : i32
    %dma_start3A_125 = tpu.memref_slice %arg14[%add3A_122, %dma_start3A_124] : memref<10240x128xf32, #tpu.memory_space<vmem_shared>> -> memref<32x128xf32, #tpu.memory_space<vmem_shared>>
    %dma_start3A_126 = tpu.memref_slice %arg16[%dma_start3A_123] : memref<4x!tpu.dma_semaphore, #tpu.memory_space<semaphore_mem>> -> memref<1x!tpu.dma_semaphore, #tpu.memory_space<semaphore_mem>>
    %dma_start3A_127 = tpu.memref_squeeze %dma_start3A_126 : memref<1x!tpu.dma_semaphore, #tpu.memory_space<semaphore_mem>> -> memref<!tpu.dma_semaphore, #tpu.memory_space<semaphore_mem>>
    %dma_start3A_128 = arith.constant 0 : i32
    %dma_start3A_129 = tpu.memref_slice %arg14[%add3A_122, %dma_start3A_128] : memref<10240x128xf32, #tpu.memory_space<vmem_shared>> -> memref<32x128xf32, #tpu.memory_space<vmem_shared>>
    tpu.enqueue_dma source(%arg8 : memref<32x128xf32, #tpu.memory_space<vmem>>) target(%dma_start3A_129 : memref<32x128xf32, #tpu.memory_space<vmem_shared>>) target_semaphore(%dma_start3A_127 : memref<!tpu.dma_semaphore, #tpu.memory_space<semaphore_mem>>)
    %add3A_130 = arith.constant 320 : i32
    %add3A_131 = arith.addi %mul3A_39, %add3A_130 : i32
    %dma_start3A_132 = arith.constant 0 : i32
    %dma_start3A_133 = arith.constant 0 : i32
    %dma_start3A_134 = tpu.memref_slice %arg14[%add3A_131, %dma_start3A_133] : memref<10240x128xf32, #tpu.memory_space<vmem_shared>> -> memref<32x128xf32, #tpu.memory_space<vmem_shared>>
    %dma_start3A_135 = tpu.memref_slice %arg16[%dma_start3A_132] : memref<4x!tpu.dma_semaphore, #tpu.memory_space<semaphore_mem>> -> memref<1x!tpu.dma_semaphore, #tpu.memory_space<semaphore_mem>>
    %dma_start3A_136 = tpu.memref_squeeze %dma_start3A_135 : memref<1x!tpu.dma_semaphore, #tpu.memory_space<semaphore_mem>> -> memref<!tpu.dma_semaphore, #tpu.memory_space<semaphore_mem>>
    %dma_start3A_137 = arith.constant 0 : i32
    %dma_start3A_138 = tpu.memref_slice %arg14[%add3A_131, %dma_start3A_137] : memref<10240x128xf32, #tpu.memory_space<vmem_shared>> -> memref<32x128xf32, #tpu.memory_space<vmem_shared>>
    tpu.enqueue_dma source(%arg8 : memref<32x128xf32, #tpu.memory_space<vmem>>) target(%dma_start3A_138 : memref<32x128xf32, #tpu.memory_space<vmem_shared>>) target_semaphore(%dma_start3A_136 : memref<!tpu.dma_semaphore, #tpu.memory_space<semaphore_mem>>)
    %add3A_139 = arith.constant 352 : i32
    %add3A_140 = arith.addi %mul3A_39, %add3A_139 : i32
    %dma_start3A_141 = arith.constant 0 : i32
    %dma_start3A_142 = arith.constant 0 : i32
    %dma_start3A_143 = tpu.memref_slice %arg14[%add3A_140, %dma_start3A_142] : memref<10240x128xf32, #tpu.memory_space<vmem_shared>> -> memref<32x128xf32, #tpu.memory_space<vmem_shared>>
    %dma_start3A_144 = tpu.memref_slice %arg16[%dma_start3A_141] : memref<4x!tpu.dma_semaphore, #tpu.memory_space<semaphore_mem>> -> memref<1x!tpu.dma_semaphore, #tpu.memory_space<semaphore_mem>>
    %dma_start3A_145 = tpu.memref_squeeze %dma_start3A_144 : memref<1x!tpu.dma_semaphore, #tpu.memory_space<semaphore_mem>> -> memref<!tpu.dma_semaphore, #tpu.memory_space<semaphore_mem>>
    %dma_start3A_146 = arith.constant 0 : i32
    %dma_start3A_147 = tpu.memref_slice %arg14[%add3A_140, %dma_start3A_146] : memref<10240x128xf32, #tpu.memory_space<vmem_shared>> -> memref<32x128xf32, #tpu.memory_space<vmem_shared>>
    tpu.enqueue_dma source(%arg8 : memref<32x128xf32, #tpu.memory_space<vmem>>) target(%dma_start3A_147 : memref<32x128xf32, #tpu.memory_space<vmem_shared>>) target_semaphore(%dma_start3A_145 : memref<!tpu.dma_semaphore, #tpu.memory_space<semaphore_mem>>)
    %add3A_148 = arith.constant 384 : i32
    %add3A_149 = arith.addi %mul3A_39, %add3A_148 : i32
    %dma_start3A_150 = arith.constant 0 : i32
    %dma_start3A_151 = arith.constant 0 : i32
    %dma_start3A_152 = tpu.memref_slice %arg14[%add3A_149, %dma_start3A_151] : memref<10240x128xf32, #tpu.memory_space<vmem_shared>> -> memref<32x128xf32, #tpu.memory_space<vmem_shared>>
    %dma_start3A_153 = tpu.memref_slice %arg16[%dma_start3A_150] : memref<4x!tpu.dma_semaphore, #tpu.memory_space<semaphore_mem>> -> memref<1x!tpu.dma_semaphore, #tpu.memory_space<semaphore_mem>>
    %dma_start3A_154 = tpu.memref_squeeze %dma_start3A_153 : memref<1x!tpu.dma_semaphore, #tpu.memory_space<semaphore_mem>> -> memref<!tpu.dma_semaphore, #tpu.memory_space<semaphore_mem>>
    %dma_start3A_155 = arith.constant 0 : i32
    %dma_start3A_156 = tpu.memref_slice %arg14[%add3A_149, %dma_start3A_155] : memref<10240x128xf32, #tpu.memory_space<vmem_shared>> -> memref<32x128xf32, #tpu.memory_space<vmem_shared>>
    tpu.enqueue_dma source(%arg8 : memref<32x128xf32, #tpu.memory_space<vmem>>) target(%dma_start3A_156 : memref<32x128xf32, #tpu.memory_space<vmem_shared>>) target_semaphore(%dma_start3A_154 : memref<!tpu.dma_semaphore, #tpu.memory_space<semaphore_mem>>)
    %add3A_157 = arith.constant 416 : i32
    %add3A_158 = arith.addi %mul3A_39, %add3A_157 : i32
    %dma_start3A_159 = arith.constant 0 : i32
    %dma_start3A_160 = arith.constant 0 : i32
    %dma_start3A_161 = tpu.memref_slice %arg14[%add3A_158, %dma_start3A_160] : memref<10240x128xf32, #tpu.memory_space<vmem_shared>> -> memref<32x128xf32, #tpu.memory_space<vmem_shared>>
    %dma_start3A_162 = tpu.memref_slice %arg16[%dma_start3A_159] : memref<4x!tpu.dma_semaphore, #tpu.memory_space<semaphore_mem>> -> memref<1x!tpu.dma_semaphore, #tpu.memory_space<semaphore_mem>>
    %dma_start3A_163 = tpu.memref_squeeze %dma_start3A_162 : memref<1x!tpu.dma_semaphore, #tpu.memory_space<semaphore_mem>> -> memref<!tpu.dma_semaphore, #tpu.memory_space<semaphore_mem>>
    %dma_start3A_164 = arith.constant 0 : i32
    %dma_start3A_165 = tpu.memref_slice %arg14[%add3A_158, %dma_start3A_164] : memref<10240x128xf32, #tpu.memory_space<vmem_shared>> -> memref<32x128xf32, #tpu.memory_space<vmem_shared>>
    tpu.enqueue_dma source(%arg8 : memref<32x128xf32, #tpu.memory_space<vmem>>) target(%dma_start3A_165 : memref<32x128xf32, #tpu.memory_space<vmem_shared>>) target_semaphore(%dma_start3A_163 : memref<!tpu.dma_semaphore, #tpu.memory_space<semaphore_mem>>)
    %add3A_166 = arith.constant 448 : i32
    %add3A_167 = arith.addi %mul3A_39, %add3A_166 : i32
    %dma_start3A_168 = arith.constant 0 : i32
    %dma_start3A_169 = arith.constant 0 : i32
    %dma_start3A_170 = tpu.memref_slice %arg14[%add3A_167, %dma_start3A_169] : memref<10240x128xf32, #tpu.memory_space<vmem_shared>> -> memref<32x128xf32, #tpu.memory_space<vmem_shared>>
    %dma_start3A_171 = tpu.memref_slice %arg16[%dma_start3A_168] : memref<4x!tpu.dma_semaphore, #tpu.memory_space<semaphore_mem>> -> memref<1x!tpu.dma_semaphore, #tpu.memory_space<semaphore_mem>>
    %dma_start3A_172 = tpu.memref_squeeze %dma_start3A_171 : memref<1x!tpu.dma_semaphore, #tpu.memory_space<semaphore_mem>> -> memref<!tpu.dma_semaphore, #tpu.memory_space<semaphore_mem>>
    %dma_start3A_173 = arith.constant 0 : i32
    %dma_start3A_174 = tpu.memref_slice %arg14[%add3A_167, %dma_start3A_173] : memref<10240x128xf32, #tpu.memory_space<vmem_shared>> -> memref<32x128xf32, #tpu.memory_space<vmem_shared>>
    tpu.enqueue_dma source(%arg8 : memref<32x128xf32, #tpu.memory_space<vmem>>) target(%dma_start3A_174 : memref<32x128xf32, #tpu.memory_space<vmem_shared>>) target_semaphore(%dma_start3A_172 : memref<!tpu.dma_semaphore, #tpu.memory_space<semaphore_mem>>)
    %add3A_175 = arith.constant 480 : i32
    %add3A_176 = arith.addi %mul3A_39, %add3A_175 : i32
    %dma_start3A_177 = arith.constant 0 : i32
    %dma_start3A_178 = arith.constant 0 : i32
    %dma_start3A_179 = tpu.memref_slice %arg14[%add3A_176, %dma_start3A_178] : memref<10240x128xf32, #tpu.memory_space<vmem_shared>> -> memref<32x128xf32, #tpu.memory_space<vmem_shared>>
    %dma_start3A_180 = tpu.memref_slice %arg16[%dma_start3A_177] : memref<4x!tpu.dma_semaphore, #tpu.memory_space<semaphore_mem>> -> memref<1x!tpu.dma_semaphore, #tpu.memory_space<semaphore_mem>>
    %dma_start3A_181 = tpu.memref_squeeze %dma_start3A_180 : memref<1x!tpu.dma_semaphore, #tpu.memory_space<semaphore_mem>> -> memref<!tpu.dma_semaphore, #tpu.memory_space<semaphore_mem>>
    %dma_start3A_182 = arith.constant 0 : i32
    %dma_start3A_183 = tpu.memref_slice %arg14[%add3A_176, %dma_start3A_182] : memref<10240x128xf32, #tpu.memory_space<vmem_shared>> -> memref<32x128xf32, #tpu.memory_space<vmem_shared>>
    tpu.enqueue_dma source(%arg8 : memref<32x128xf32, #tpu.memory_space<vmem>>) target(%dma_start3A_183 : memref<32x128xf32, #tpu.memory_space<vmem_shared>>) target_semaphore(%dma_start3A_181 : memref<!tpu.dma_semaphore, #tpu.memory_space<semaphore_mem>>)
    %add3A_184 = arith.constant 512 : i32
    %add3A_185 = arith.addi %mul3A_39, %add3A_184 : i32
    %dma_start3A_186 = arith.constant 0 : i32
    %dma_start3A_187 = arith.constant 0 : i32
    %dma_start3A_188 = tpu.memref_slice %arg14[%add3A_185, %dma_start3A_187] : memref<10240x128xf32, #tpu.memory_space<vmem_shared>> -> memref<32x128xf32, #tpu.memory_space<vmem_shared>>
    %dma_start3A_189 = tpu.memref_slice %arg16[%dma_start3A_186] : memref<4x!tpu.dma_semaphore, #tpu.memory_space<semaphore_mem>> -> memref<1x!tpu.dma_semaphore, #tpu.memory_space<semaphore_mem>>
    %dma_start3A_190 = tpu.memref_squeeze %dma_start3A_189 : memref<1x!tpu.dma_semaphore, #tpu.memory_space<semaphore_mem>> -> memref<!tpu.dma_semaphore, #tpu.memory_space<semaphore_mem>>
    %dma_start3A_191 = arith.constant 0 : i32
    %dma_start3A_192 = tpu.memref_slice %arg14[%add3A_185, %dma_start3A_191] : memref<10240x128xf32, #tpu.memory_space<vmem_shared>> -> memref<32x128xf32, #tpu.memory_space<vmem_shared>>
    tpu.enqueue_dma source(%arg8 : memref<32x128xf32, #tpu.memory_space<vmem>>) target(%dma_start3A_192 : memref<32x128xf32, #tpu.memory_space<vmem_shared>>) target_semaphore(%dma_start3A_190 : memref<!tpu.dma_semaphore, #tpu.memory_space<semaphore_mem>>)
    %add3A_193 = arith.constant 544 : i32
    %add3A_194 = arith.addi %mul3A_39, %add3A_193 : i32
    %dma_start3A_195 = arith.constant 0 : i32
    %dma_start3A_196 = arith.constant 0 : i32
    %dma_start3A_197 = tpu.memref_slice %arg14[%add3A_194, %dma_start3A_196] : memref<10240x128xf32, #tpu.memory_space<vmem_shared>> -> memref<32x128xf32, #tpu.memory_space<vmem_shared>>
    %dma_start3A_198 = tpu.memref_slice %arg16[%dma_start3A_195] : memref<4x!tpu.dma_semaphore, #tpu.memory_space<semaphore_mem>> -> memref<1x!tpu.dma_semaphore, #tpu.memory_space<semaphore_mem>>
    %dma_start3A_199 = tpu.memref_squeeze %dma_start3A_198 : memref<1x!tpu.dma_semaphore, #tpu.memory_space<semaphore_mem>> -> memref<!tpu.dma_semaphore, #tpu.memory_space<semaphore_mem>>
    %dma_start3A_200 = arith.constant 0 : i32
    %dma_start3A_201 = tpu.memref_slice %arg14[%add3A_194, %dma_start3A_200] : memref<10240x128xf32, #tpu.memory_space<vmem_shared>> -> memref<32x128xf32, #tpu.memory_space<vmem_shared>>
    tpu.enqueue_dma source(%arg8 : memref<32x128xf32, #tpu.memory_space<vmem>>) target(%dma_start3A_201 : memref<32x128xf32, #tpu.memory_space<vmem_shared>>) target_semaphore(%dma_start3A_199 : memref<!tpu.dma_semaphore, #tpu.memory_space<semaphore_mem>>)
    %add3A_202 = arith.constant 576 : i32
    %add3A_203 = arith.addi %mul3A_39, %add3A_202 : i32
    %dma_start3A_204 = arith.constant 0 : i32
    %dma_start3A_205 = arith.constant 0 : i32
    %dma_start3A_206 = tpu.memref_slice %arg14[%add3A_203, %dma_start3A_205] : memref<10240x128xf32, #tpu.memory_space<vmem_shared>> -> memref<32x128xf32, #tpu.memory_space<vmem_shared>>
    %dma_start3A_207 = tpu.memref_slice %arg16[%dma_start3A_204] : memref<4x!tpu.dma_semaphore, #tpu.memory_space<semaphore_mem>> -> memref<1x!tpu.dma_semaphore, #tpu.memory_space<semaphore_mem>>
    %dma_start3A_208 = tpu.memref_squeeze %dma_start3A_207 : memref<1x!tpu.dma_semaphore, #tpu.memory_space<semaphore_mem>> -> memref<!tpu.dma_semaphore, #tpu.memory_space<semaphore_mem>>
    %dma_start3A_209 = arith.constant 0 : i32
    %dma_start3A_210 = tpu.memref_slice %arg14[%add3A_203, %dma_start3A_209] : memref<10240x128xf32, #tpu.memory_space<vmem_shared>> -> memref<32x128xf32, #tpu.memory_space<vmem_shared>>
    tpu.enqueue_dma source(%arg8 : memref<32x128xf32, #tpu.memory_space<vmem>>) target(%dma_start3A_210 : memref<32x128xf32, #tpu.memory_space<vmem_shared>>) target_semaphore(%dma_start3A_208 : memref<!tpu.dma_semaphore, #tpu.memory_space<semaphore_mem>>)
    %add3A_211 = arith.constant 608 : i32
    %add3A_212 = arith.addi %mul3A_39, %add3A_211 : i32
    %dma_start3A_213 = arith.constant 0 : i32
    %dma_start3A_214 = arith.constant 0 : i32
    %dma_start3A_215 = tpu.memref_slice %arg14[%add3A_212, %dma_start3A_214] : memref<10240x128xf32, #tpu.memory_space<vmem_shared>> -> memref<32x128xf32, #tpu.memory_space<vmem_shared>>
    %dma_start3A_216 = tpu.memref_slice %arg16[%dma_start3A_213] : memref<4x!tpu.dma_semaphore, #tpu.memory_space<semaphore_mem>> -> memref<1x!tpu.dma_semaphore, #tpu.memory_space<semaphore_mem>>
    %dma_start3A_217 = tpu.memref_squeeze %dma_start3A_216 : memref<1x!tpu.dma_semaphore, #tpu.memory_space<semaphore_mem>> -> memref<!tpu.dma_semaphore, #tpu.memory_space<semaphore_mem>>
    %dma_start3A_218 = arith.constant 0 : i32
    %dma_start3A_219 = tpu.memref_slice %arg14[%add3A_212, %dma_start3A_218] : memref<10240x128xf32, #tpu.memory_space<vmem_shared>> -> memref<32x128xf32, #tpu.memory_space<vmem_shared>>
    tpu.enqueue_dma source(%arg8 : memref<32x128xf32, #tpu.memory_space<vmem>>) target(%dma_start3A_219 : memref<32x128xf32, #tpu.memory_space<vmem_shared>>) target_semaphore(%dma_start3A_217 : memref<!tpu.dma_semaphore, #tpu.memory_space<semaphore_mem>>)
    %dma_wait3A = arith.constant 0 : i32
    %dma_wait3A_220 = arith.constant 0 : i32
    %dma_wait3A_221 = tpu.memref_slice %arg14[%add3A_41, %dma_wait3A_220] : memref<10240x128xf32, #tpu.memory_space<vmem_shared>> -> memref<32x128xf32, #tpu.memory_space<vmem_shared>>
    %dma_wait3A_222 = tpu.memref_slice %arg16[%dma_wait3A] : memref<4x!tpu.dma_semaphore, #tpu.memory_space<semaphore_mem>> -> memref<1x!tpu.dma_semaphore, #tpu.memory_space<semaphore_mem>>
    %dma_wait3A_223 = tpu.memref_squeeze %dma_wait3A_222 : memref<1x!tpu.dma_semaphore, #tpu.memory_space<semaphore_mem>> -> memref<!tpu.dma_semaphore, #tpu.memory_space<semaphore_mem>>
    %dma_wait3A_224 = arith.constant 0 : i32
    %dma_wait3A_225 = tpu.memref_slice %arg14[%add3A_41, %dma_wait3A_224] : memref<10240x128xf32, #tpu.memory_space<vmem_shared>> -> memref<32x128xf32, #tpu.memory_space<vmem_shared>>
    tpu.wait_dma2 semaphore(%dma_wait3A_223 : memref<!tpu.dma_semaphore, #tpu.memory_space<semaphore_mem>>) src(%arg8 : memref<32x128xf32, #tpu.memory_space<vmem>>) dst(%dma_wait3A_225 : memref<32x128xf32, #tpu.memory_space<vmem_shared>>)
    %dma_wait3A_226 = arith.constant 0 : i32
    %dma_wait3A_227 = arith.constant 0 : i32
    %dma_wait3A_228 = tpu.memref_slice %arg14[%add3A_50, %dma_wait3A_227] : memref<10240x128xf32, #tpu.memory_space<vmem_shared>> -> memref<32x128xf32, #tpu.memory_space<vmem_shared>>
    %dma_wait3A_229 = tpu.memref_slice %arg16[%dma_wait3A_226] : memref<4x!tpu.dma_semaphore, #tpu.memory_space<semaphore_mem>> -> memref<1x!tpu.dma_semaphore, #tpu.memory_space<semaphore_mem>>
    %dma_wait3A_230 = tpu.memref_squeeze %dma_wait3A_229 : memref<1x!tpu.dma_semaphore, #tpu.memory_space<semaphore_mem>> -> memref<!tpu.dma_semaphore, #tpu.memory_space<semaphore_mem>>
    %dma_wait3A_231 = arith.constant 0 : i32
    %dma_wait3A_232 = tpu.memref_slice %arg14[%add3A_50, %dma_wait3A_231] : memref<10240x128xf32, #tpu.memory_space<vmem_shared>> -> memref<32x128xf32, #tpu.memory_space<vmem_shared>>
    tpu.wait_dma2 semaphore(%dma_wait3A_230 : memref<!tpu.dma_semaphore, #tpu.memory_space<semaphore_mem>>) src(%arg8 : memref<32x128xf32, #tpu.memory_space<vmem>>) dst(%dma_wait3A_232 : memref<32x128xf32, #tpu.memory_space<vmem_shared>>)
    %dma_wait3A_233 = arith.constant 0 : i32
    %dma_wait3A_234 = arith.constant 0 : i32
    %dma_wait3A_235 = tpu.memref_slice %arg14[%add3A_59, %dma_wait3A_234] : memref<10240x128xf32, #tpu.memory_space<vmem_shared>> -> memref<32x128xf32, #tpu.memory_space<vmem_shared>>
    %dma_wait3A_236 = tpu.memref_slice %arg16[%dma_wait3A_233] : memref<4x!tpu.dma_semaphore, #tpu.memory_space<semaphore_mem>> -> memref<1x!tpu.dma_semaphore, #tpu.memory_space<semaphore_mem>>
    %dma_wait3A_237 = tpu.memref_squeeze %dma_wait3A_236 : memref<1x!tpu.dma_semaphore, #tpu.memory_space<semaphore_mem>> -> memref<!tpu.dma_semaphore, #tpu.memory_space<semaphore_mem>>
    %dma_wait3A_238 = arith.constant 0 : i32
    %dma_wait3A_239 = tpu.memref_slice %arg14[%add3A_59, %dma_wait3A_238] : memref<10240x128xf32, #tpu.memory_space<vmem_shared>> -> memref<32x128xf32, #tpu.memory_space<vmem_shared>>
    tpu.wait_dma2 semaphore(%dma_wait3A_237 : memref<!tpu.dma_semaphore, #tpu.memory_space<semaphore_mem>>) src(%arg8 : memref<32x128xf32, #tpu.memory_space<vmem>>) dst(%dma_wait3A_239 : memref<32x128xf32, #tpu.memory_space<vmem_shared>>)
    %dma_wait3A_240 = arith.constant 0 : i32
    %dma_wait3A_241 = arith.constant 0 : i32
    %dma_wait3A_242 = tpu.memref_slice %arg14[%add3A_68, %dma_wait3A_241] : memref<10240x128xf32, #tpu.memory_space<vmem_shared>> -> memref<32x128xf32, #tpu.memory_space<vmem_shared>>
    %dma_wait3A_243 = tpu.memref_slice %arg16[%dma_wait3A_240] : memref<4x!tpu.dma_semaphore, #tpu.memory_space<semaphore_mem>> -> memref<1x!tpu.dma_semaphore, #tpu.memory_space<semaphore_mem>>
    %dma_wait3A_244 = tpu.memref_squeeze %dma_wait3A_243 : memref<1x!tpu.dma_semaphore, #tpu.memory_space<semaphore_mem>> -> memref<!tpu.dma_semaphore, #tpu.memory_space<semaphore_mem>>
    %dma_wait3A_245 = arith.constant 0 : i32
    %dma_wait3A_246 = tpu.memref_slice %arg14[%add3A_68, %dma_wait3A_245] : memref<10240x128xf32, #tpu.memory_space<vmem_shared>> -> memref<32x128xf32, #tpu.memory_space<vmem_shared>>
    tpu.wait_dma2 semaphore(%dma_wait3A_244 : memref<!tpu.dma_semaphore, #tpu.memory_space<semaphore_mem>>) src(%arg8 : memref<32x128xf32, #tpu.memory_space<vmem>>) dst(%dma_wait3A_246 : memref<32x128xf32, #tpu.memory_space<vmem_shared>>)
    %dma_wait3A_247 = arith.constant 0 : i32
    %dma_wait3A_248 = arith.constant 0 : i32
    %dma_wait3A_249 = tpu.memref_slice %arg14[%add3A_77, %dma_wait3A_248] : memref<10240x128xf32, #tpu.memory_space<vmem_shared>> -> memref<32x128xf32, #tpu.memory_space<vmem_shared>>
    %dma_wait3A_250 = tpu.memref_slice %arg16[%dma_wait3A_247] : memref<4x!tpu.dma_semaphore, #tpu.memory_space<semaphore_mem>> -> memref<1x!tpu.dma_semaphore, #tpu.memory_space<semaphore_mem>>
    %dma_wait3A_251 = tpu.memref_squeeze %dma_wait3A_250 : memref<1x!tpu.dma_semaphore, #tpu.memory_space<semaphore_mem>> -> memref<!tpu.dma_semaphore, #tpu.memory_space<semaphore_mem>>
    %dma_wait3A_252 = arith.constant 0 : i32
    %dma_wait3A_253 = tpu.memref_slice %arg14[%add3A_77, %dma_wait3A_252] : memref<10240x128xf32, #tpu.memory_space<vmem_shared>> -> memref<32x128xf32, #tpu.memory_space<vmem_shared>>
    tpu.wait_dma2 semaphore(%dma_wait3A_251 : memref<!tpu.dma_semaphore, #tpu.memory_space<semaphore_mem>>) src(%arg8 : memref<32x128xf32, #tpu.memory_space<vmem>>) dst(%dma_wait3A_253 : memref<32x128xf32, #tpu.memory_space<vmem_shared>>)
    %dma_wait3A_254 = arith.constant 0 : i32
    %dma_wait3A_255 = arith.constant 0 : i32
    %dma_wait3A_256 = tpu.memref_slice %arg14[%add3A_86, %dma_wait3A_255] : memref<10240x128xf32, #tpu.memory_space<vmem_shared>> -> memref<32x128xf32, #tpu.memory_space<vmem_shared>>
    %dma_wait3A_257 = tpu.memref_slice %arg16[%dma_wait3A_254] : memref<4x!tpu.dma_semaphore, #tpu.memory_space<semaphore_mem>> -> memref<1x!tpu.dma_semaphore, #tpu.memory_space<semaphore_mem>>
    %dma_wait3A_258 = tpu.memref_squeeze %dma_wait3A_257 : memref<1x!tpu.dma_semaphore, #tpu.memory_space<semaphore_mem>> -> memref<!tpu.dma_semaphore, #tpu.memory_space<semaphore_mem>>
    %dma_wait3A_259 = arith.constant 0 : i32
    %dma_wait3A_260 = tpu.memref_slice %arg14[%add3A_86, %dma_wait3A_259] : memref<10240x128xf32, #tpu.memory_space<vmem_shared>> -> memref<32x128xf32, #tpu.memory_space<vmem_shared>>
    tpu.wait_dma2 semaphore(%dma_wait3A_258 : memref<!tpu.dma_semaphore, #tpu.memory_space<semaphore_mem>>) src(%arg8 : memref<32x128xf32, #tpu.memory_space<vmem>>) dst(%dma_wait3A_260 : memref<32x128xf32, #tpu.memory_space<vmem_shared>>)
    %dma_wait3A_261 = arith.constant 0 : i32
    %dma_wait3A_262 = arith.constant 0 : i32
    %dma_wait3A_263 = tpu.memref_slice %arg14[%add3A_95, %dma_wait3A_262] : memref<10240x128xf32, #tpu.memory_space<vmem_shared>> -> memref<32x128xf32, #tpu.memory_space<vmem_shared>>
    %dma_wait3A_264 = tpu.memref_slice %arg16[%dma_wait3A_261] : memref<4x!tpu.dma_semaphore, #tpu.memory_space<semaphore_mem>> -> memref<1x!tpu.dma_semaphore, #tpu.memory_space<semaphore_mem>>
    %dma_wait3A_265 = tpu.memref_squeeze %dma_wait3A_264 : memref<1x!tpu.dma_semaphore, #tpu.memory_space<semaphore_mem>> -> memref<!tpu.dma_semaphore, #tpu.memory_space<semaphore_mem>>
    %dma_wait3A_266 = arith.constant 0 : i32
    %dma_wait3A_267 = tpu.memref_slice %arg14[%add3A_95, %dma_wait3A_266] : memref<10240x128xf32, #tpu.memory_space<vmem_shared>> -> memref<32x128xf32, #tpu.memory_space<vmem_shared>>
    tpu.wait_dma2 semaphore(%dma_wait3A_265 : memref<!tpu.dma_semaphore, #tpu.memory_space<semaphore_mem>>) src(%arg8 : memref<32x128xf32, #tpu.memory_space<vmem>>) dst(%dma_wait3A_267 : memref<32x128xf32, #tpu.memory_space<vmem_shared>>)
    %dma_wait3A_268 = arith.constant 0 : i32
    %dma_wait3A_269 = arith.constant 0 : i32
    %dma_wait3A_270 = tpu.memref_slice %arg14[%add3A_104, %dma_wait3A_269] : memref<10240x128xf32, #tpu.memory_space<vmem_shared>> -> memref<32x128xf32, #tpu.memory_space<vmem_shared>>
    %dma_wait3A_271 = tpu.memref_slice %arg16[%dma_wait3A_268] : memref<4x!tpu.dma_semaphore, #tpu.memory_space<semaphore_mem>> -> memref<1x!tpu.dma_semaphore, #tpu.memory_space<semaphore_mem>>
    %dma_wait3A_272 = tpu.memref_squeeze %dma_wait3A_271 : memref<1x!tpu.dma_semaphore, #tpu.memory_space<semaphore_mem>> -> memref<!tpu.dma_semaphore, #tpu.memory_space<semaphore_mem>>
    %dma_wait3A_273 = arith.constant 0 : i32
    %dma_wait3A_274 = tpu.memref_slice %arg14[%add3A_104, %dma_wait3A_273] : memref<10240x128xf32, #tpu.memory_space<vmem_shared>> -> memref<32x128xf32, #tpu.memory_space<vmem_shared>>
    tpu.wait_dma2 semaphore(%dma_wait3A_272 : memref<!tpu.dma_semaphore, #tpu.memory_space<semaphore_mem>>) src(%arg8 : memref<32x128xf32, #tpu.memory_space<vmem>>) dst(%dma_wait3A_274 : memref<32x128xf32, #tpu.memory_space<vmem_shared>>)
    %dma_wait3A_275 = arith.constant 0 : i32
    %dma_wait3A_276 = arith.constant 0 : i32
    %dma_wait3A_277 = tpu.memref_slice %arg14[%add3A_113, %dma_wait3A_276] : memref<10240x128xf32, #tpu.memory_space<vmem_shared>> -> memref<32x128xf32, #tpu.memory_space<vmem_shared>>
    %dma_wait3A_278 = tpu.memref_slice %arg16[%dma_wait3A_275] : memref<4x!tpu.dma_semaphore, #tpu.memory_space<semaphore_mem>> -> memref<1x!tpu.dma_semaphore, #tpu.memory_space<semaphore_mem>>
    %dma_wait3A_279 = tpu.memref_squeeze %dma_wait3A_278 : memref<1x!tpu.dma_semaphore, #tpu.memory_space<semaphore_mem>> -> memref<!tpu.dma_semaphore, #tpu.memory_space<semaphore_mem>>
    %dma_wait3A_280 = arith.constant 0 : i32
    %dma_wait3A_281 = tpu.memref_slice %arg14[%add3A_113, %dma_wait3A_280] : memref<10240x128xf32, #tpu.memory_space<vmem_shared>> -> memref<32x128xf32, #tpu.memory_space<vmem_shared>>
    tpu.wait_dma2 semaphore(%dma_wait3A_279 : memref<!tpu.dma_semaphore, #tpu.memory_space<semaphore_mem>>) src(%arg8 : memref<32x128xf32, #tpu.memory_space<vmem>>) dst(%dma_wait3A_281 : memref<32x128xf32, #tpu.memory_space<vmem_shared>>)
    %dma_wait3A_282 = arith.constant 0 : i32
    %dma_wait3A_283 = arith.constant 0 : i32
    %dma_wait3A_284 = tpu.memref_slice %arg14[%add3A_122, %dma_wait3A_283] : memref<10240x128xf32, #tpu.memory_space<vmem_shared>> -> memref<32x128xf32, #tpu.memory_space<vmem_shared>>
    %dma_wait3A_285 = tpu.memref_slice %arg16[%dma_wait3A_282] : memref<4x!tpu.dma_semaphore, #tpu.memory_space<semaphore_mem>> -> memref<1x!tpu.dma_semaphore, #tpu.memory_space<semaphore_mem>>
    %dma_wait3A_286 = tpu.memref_squeeze %dma_wait3A_285 : memref<1x!tpu.dma_semaphore, #tpu.memory_space<semaphore_mem>> -> memref<!tpu.dma_semaphore, #tpu.memory_space<semaphore_mem>>
    %dma_wait3A_287 = arith.constant 0 : i32
    %dma_wait3A_288 = tpu.memref_slice %arg14[%add3A_122, %dma_wait3A_287] : memref<10240x128xf32, #tpu.memory_space<vmem_shared>> -> memref<32x128xf32, #tpu.memory_space<vmem_shared>>
    tpu.wait_dma2 semaphore(%dma_wait3A_286 : memref<!tpu.dma_semaphore, #tpu.memory_space<semaphore_mem>>) src(%arg8 : memref<32x128xf32, #tpu.memory_space<vmem>>) dst(%dma_wait3A_288 : memref<32x128xf32, #tpu.memory_space<vmem_shared>>)
    %dma_wait3A_289 = arith.constant 0 : i32
    %dma_wait3A_290 = arith.constant 0 : i32
    %dma_wait3A_291 = tpu.memref_slice %arg14[%add3A_131, %dma_wait3A_290] : memref<10240x128xf32, #tpu.memory_space<vmem_shared>> -> memref<32x128xf32, #tpu.memory_space<vmem_shared>>
    %dma_wait3A_292 = tpu.memref_slice %arg16[%dma_wait3A_289] : memref<4x!tpu.dma_semaphore, #tpu.memory_space<semaphore_mem>> -> memref<1x!tpu.dma_semaphore, #tpu.memory_space<semaphore_mem>>
    %dma_wait3A_293 = tpu.memref_squeeze %dma_wait3A_292 : memref<1x!tpu.dma_semaphore, #tpu.memory_space<semaphore_mem>> -> memref<!tpu.dma_semaphore, #tpu.memory_space<semaphore_mem>>
    %dma_wait3A_294 = arith.constant 0 : i32
    %dma_wait3A_295 = tpu.memref_slice %arg14[%add3A_131, %dma_wait3A_294] : memref<10240x128xf32, #tpu.memory_space<vmem_shared>> -> memref<32x128xf32, #tpu.memory_space<vmem_shared>>
    tpu.wait_dma2 semaphore(%dma_wait3A_293 : memref<!tpu.dma_semaphore, #tpu.memory_space<semaphore_mem>>) src(%arg8 : memref<32x128xf32, #tpu.memory_space<vmem>>) dst(%dma_wait3A_295 : memref<32x128xf32, #tpu.memory_space<vmem_shared>>)
    %dma_wait3A_296 = arith.constant 0 : i32
    %dma_wait3A_297 = arith.constant 0 : i32
    %dma_wait3A_298 = tpu.memref_slice %arg14[%add3A_140, %dma_wait3A_297] : memref<10240x128xf32, #tpu.memory_space<vmem_shared>> -> memref<32x128xf32, #tpu.memory_space<vmem_shared>>
    %dma_wait3A_299 = tpu.memref_slice %arg16[%dma_wait3A_296] : memref<4x!tpu.dma_semaphore, #tpu.memory_space<semaphore_mem>> -> memref<1x!tpu.dma_semaphore, #tpu.memory_space<semaphore_mem>>
    %dma_wait3A_300 = tpu.memref_squeeze %dma_wait3A_299 : memref<1x!tpu.dma_semaphore, #tpu.memory_space<semaphore_mem>> -> memref<!tpu.dma_semaphore, #tpu.memory_space<semaphore_mem>>
    %dma_wait3A_301 = arith.constant 0 : i32
    %dma_wait3A_302 = tpu.memref_slice %arg14[%add3A_140, %dma_wait3A_301] : memref<10240x128xf32, #tpu.memory_space<vmem_shared>> -> memref<32x128xf32, #tpu.memory_space<vmem_shared>>
    tpu.wait_dma2 semaphore(%dma_wait3A_300 : memref<!tpu.dma_semaphore, #tpu.memory_space<semaphore_mem>>) src(%arg8 : memref<32x128xf32, #tpu.memory_space<vmem>>) dst(%dma_wait3A_302 : memref<32x128xf32, #tpu.memory_space<vmem_shared>>)
    %dma_wait3A_303 = arith.constant 0 : i32
    %dma_wait3A_304 = arith.constant 0 : i32
    %dma_wait3A_305 = tpu.memref_slice %arg14[%add3A_149, %dma_wait3A_304] : memref<10240x128xf32, #tpu.memory_space<vmem_shared>> -> memref<32x128xf32, #tpu.memory_space<vmem_shared>>
    %dma_wait3A_306 = tpu.memref_slice %arg16[%dma_wait3A_303] : memref<4x!tpu.dma_semaphore, #tpu.memory_space<semaphore_mem>> -> memref<1x!tpu.dma_semaphore, #tpu.memory_space<semaphore_mem>>
    %dma_wait3A_307 = tpu.memref_squeeze %dma_wait3A_306 : memref<1x!tpu.dma_semaphore, #tpu.memory_space<semaphore_mem>> -> memref<!tpu.dma_semaphore, #tpu.memory_space<semaphore_mem>>
    %dma_wait3A_308 = arith.constant 0 : i32
    %dma_wait3A_309 = tpu.memref_slice %arg14[%add3A_149, %dma_wait3A_308] : memref<10240x128xf32, #tpu.memory_space<vmem_shared>> -> memref<32x128xf32, #tpu.memory_space<vmem_shared>>
    tpu.wait_dma2 semaphore(%dma_wait3A_307 : memref<!tpu.dma_semaphore, #tpu.memory_space<semaphore_mem>>) src(%arg8 : memref<32x128xf32, #tpu.memory_space<vmem>>) dst(%dma_wait3A_309 : memref<32x128xf32, #tpu.memory_space<vmem_shared>>)
    %dma_wait3A_310 = arith.constant 0 : i32
    %dma_wait3A_311 = arith.constant 0 : i32
    %dma_wait3A_312 = tpu.memref_slice %arg14[%add3A_158, %dma_wait3A_311] : memref<10240x128xf32, #tpu.memory_space<vmem_shared>> -> memref<32x128xf32, #tpu.memory_space<vmem_shared>>
    %dma_wait3A_313 = tpu.memref_slice %arg16[%dma_wait3A_310] : memref<4x!tpu.dma_semaphore, #tpu.memory_space<semaphore_mem>> -> memref<1x!tpu.dma_semaphore, #tpu.memory_space<semaphore_mem>>
    %dma_wait3A_314 = tpu.memref_squeeze %dma_wait3A_313 : memref<1x!tpu.dma_semaphore, #tpu.memory_space<semaphore_mem>> -> memref<!tpu.dma_semaphore, #tpu.memory_space<semaphore_mem>>
    %dma_wait3A_315 = arith.constant 0 : i32
    %dma_wait3A_316 = tpu.memref_slice %arg14[%add3A_158, %dma_wait3A_315] : memref<10240x128xf32, #tpu.memory_space<vmem_shared>> -> memref<32x128xf32, #tpu.memory_space<vmem_shared>>
    tpu.wait_dma2 semaphore(%dma_wait3A_314 : memref<!tpu.dma_semaphore, #tpu.memory_space<semaphore_mem>>) src(%arg8 : memref<32x128xf32, #tpu.memory_space<vmem>>) dst(%dma_wait3A_316 : memref<32x128xf32, #tpu.memory_space<vmem_shared>>)
    %dma_wait3A_317 = arith.constant 0 : i32
    %dma_wait3A_318 = arith.constant 0 : i32
    %dma_wait3A_319 = tpu.memref_slice %arg14[%add3A_167, %dma_wait3A_318] : memref<10240x128xf32, #tpu.memory_space<vmem_shared>> -> memref<32x128xf32, #tpu.memory_space<vmem_shared>>
    %dma_wait3A_320 = tpu.memref_slice %arg16[%dma_wait3A_317] : memref<4x!tpu.dma_semaphore, #tpu.memory_space<semaphore_mem>> -> memref<1x!tpu.dma_semaphore, #tpu.memory_space<semaphore_mem>>
    %dma_wait3A_321 = tpu.memref_squeeze %dma_wait3A_320 : memref<1x!tpu.dma_semaphore, #tpu.memory_space<semaphore_mem>> -> memref<!tpu.dma_semaphore, #tpu.memory_space<semaphore_mem>>
    %dma_wait3A_322 = arith.constant 0 : i32
    %dma_wait3A_323 = tpu.memref_slice %arg14[%add3A_167, %dma_wait3A_322] : memref<10240x128xf32, #tpu.memory_space<vmem_shared>> -> memref<32x128xf32, #tpu.memory_space<vmem_shared>>
    tpu.wait_dma2 semaphore(%dma_wait3A_321 : memref<!tpu.dma_semaphore, #tpu.memory_space<semaphore_mem>>) src(%arg8 : memref<32x128xf32, #tpu.memory_space<vmem>>) dst(%dma_wait3A_323 : memref<32x128xf32, #tpu.memory_space<vmem_shared>>)
    %dma_wait3A_324 = arith.constant 0 : i32
    %dma_wait3A_325 = arith.constant 0 : i32
    %dma_wait3A_326 = tpu.memref_slice %arg14[%add3A_176, %dma_wait3A_325] : memref<10240x128xf32, #tpu.memory_space<vmem_shared>> -> memref<32x128xf32, #tpu.memory_space<vmem_shared>>
    %dma_wait3A_327 = tpu.memref_slice %arg16[%dma_wait3A_324] : memref<4x!tpu.dma_semaphore, #tpu.memory_space<semaphore_mem>> -> memref<1x!tpu.dma_semaphore, #tpu.memory_space<semaphore_mem>>
    %dma_wait3A_328 = tpu.memref_squeeze %dma_wait3A_327 : memref<1x!tpu.dma_semaphore, #tpu.memory_space<semaphore_mem>> -> memref<!tpu.dma_semaphore, #tpu.memory_space<semaphore_mem>>
    %dma_wait3A_329 = arith.constant 0 : i32
    %dma_wait3A_330 = tpu.memref_slice %arg14[%add3A_176, %dma_wait3A_329] : memref<10240x128xf32, #tpu.memory_space<vmem_shared>> -> memref<32x128xf32, #tpu.memory_space<vmem_shared>>
    tpu.wait_dma2 semaphore(%dma_wait3A_328 : memref<!tpu.dma_semaphore, #tpu.memory_space<semaphore_mem>>) src(%arg8 : memref<32x128xf32, #tpu.memory_space<vmem>>) dst(%dma_wait3A_330 : memref<32x128xf32, #tpu.memory_space<vmem_shared>>)
    %dma_wait3A_331 = arith.constant 0 : i32
    %dma_wait3A_332 = arith.constant 0 : i32
    %dma_wait3A_333 = tpu.memref_slice %arg14[%add3A_185, %dma_wait3A_332] : memref<10240x128xf32, #tpu.memory_space<vmem_shared>> -> memref<32x128xf32, #tpu.memory_space<vmem_shared>>
    %dma_wait3A_334 = tpu.memref_slice %arg16[%dma_wait3A_331] : memref<4x!tpu.dma_semaphore, #tpu.memory_space<semaphore_mem>> -> memref<1x!tpu.dma_semaphore, #tpu.memory_space<semaphore_mem>>
    %dma_wait3A_335 = tpu.memref_squeeze %dma_wait3A_334 : memref<1x!tpu.dma_semaphore, #tpu.memory_space<semaphore_mem>> -> memref<!tpu.dma_semaphore, #tpu.memory_space<semaphore_mem>>
    %dma_wait3A_336 = arith.constant 0 : i32
    %dma_wait3A_337 = tpu.memref_slice %arg14[%add3A_185, %dma_wait3A_336] : memref<10240x128xf32, #tpu.memory_space<vmem_shared>> -> memref<32x128xf32, #tpu.memory_space<vmem_shared>>
    tpu.wait_dma2 semaphore(%dma_wait3A_335 : memref<!tpu.dma_semaphore, #tpu.memory_space<semaphore_mem>>) src(%arg8 : memref<32x128xf32, #tpu.memory_space<vmem>>) dst(%dma_wait3A_337 : memref<32x128xf32, #tpu.memory_space<vmem_shared>>)
    %dma_wait3A_338 = arith.constant 0 : i32
    %dma_wait3A_339 = arith.constant 0 : i32
    %dma_wait3A_340 = tpu.memref_slice %arg14[%add3A_194, %dma_wait3A_339] : memref<10240x128xf32, #tpu.memory_space<vmem_shared>> -> memref<32x128xf32, #tpu.memory_space<vmem_shared>>
    %dma_wait3A_341 = tpu.memref_slice %arg16[%dma_wait3A_338] : memref<4x!tpu.dma_semaphore, #tpu.memory_space<semaphore_mem>> -> memref<1x!tpu.dma_semaphore, #tpu.memory_space<semaphore_mem>>
    %dma_wait3A_342 = tpu.memref_squeeze %dma_wait3A_341 : memref<1x!tpu.dma_semaphore, #tpu.memory_space<semaphore_mem>> -> memref<!tpu.dma_semaphore, #tpu.memory_space<semaphore_mem>>
    %dma_wait3A_343 = arith.constant 0 : i32
    %dma_wait3A_344 = tpu.memref_slice %arg14[%add3A_194, %dma_wait3A_343] : memref<10240x128xf32, #tpu.memory_space<vmem_shared>> -> memref<32x128xf32, #tpu.memory_space<vmem_shared>>
    tpu.wait_dma2 semaphore(%dma_wait3A_342 : memref<!tpu.dma_semaphore, #tpu.memory_space<semaphore_mem>>) src(%arg8 : memref<32x128xf32, #tpu.memory_space<vmem>>) dst(%dma_wait3A_344 : memref<32x128xf32, #tpu.memory_space<vmem_shared>>)
    %dma_wait3A_345 = arith.constant 0 : i32
    %dma_wait3A_346 = arith.constant 0 : i32
    %dma_wait3A_347 = tpu.memref_slice %arg14[%add3A_203, %dma_wait3A_346] : memref<10240x128xf32, #tpu.memory_space<vmem_shared>> -> memref<32x128xf32, #tpu.memory_space<vmem_shared>>
    %dma_wait3A_348 = tpu.memref_slice %arg16[%dma_wait3A_345] : memref<4x!tpu.dma_semaphore, #tpu.memory_space<semaphore_mem>> -> memref<1x!tpu.dma_semaphore, #tpu.memory_space<semaphore_mem>>
    %dma_wait3A_349 = tpu.memref_squeeze %dma_wait3A_348 : memref<1x!tpu.dma_semaphore, #tpu.memory_space<semaphore_mem>> -> memref<!tpu.dma_semaphore, #tpu.memory_space<semaphore_mem>>
    %dma_wait3A_350 = arith.constant 0 : i32
    %dma_wait3A_351 = tpu.memref_slice %arg14[%add3A_203, %dma_wait3A_350] : memref<10240x128xf32, #tpu.memory_space<vmem_shared>> -> memref<32x128xf32, #tpu.memory_space<vmem_shared>>
    tpu.wait_dma2 semaphore(%dma_wait3A_349 : memref<!tpu.dma_semaphore, #tpu.memory_space<semaphore_mem>>) src(%arg8 : memref<32x128xf32, #tpu.memory_space<vmem>>) dst(%dma_wait3A_351 : memref<32x128xf32, #tpu.memory_space<vmem_shared>>)
    %dma_wait3A_352 = arith.constant 0 : i32
    %dma_wait3A_353 = arith.constant 0 : i32
    %dma_wait3A_354 = tpu.memref_slice %arg14[%add3A_212, %dma_wait3A_353] : memref<10240x128xf32, #tpu.memory_space<vmem_shared>> -> memref<32x128xf32, #tpu.memory_space<vmem_shared>>
    %dma_wait3A_355 = tpu.memref_slice %arg16[%dma_wait3A_352] : memref<4x!tpu.dma_semaphore, #tpu.memory_space<semaphore_mem>> -> memref<1x!tpu.dma_semaphore, #tpu.memory_space<semaphore_mem>>
    %dma_wait3A_356 = tpu.memref_squeeze %dma_wait3A_355 : memref<1x!tpu.dma_semaphore, #tpu.memory_space<semaphore_mem>> -> memref<!tpu.dma_semaphore, #tpu.memory_space<semaphore_mem>>
    %dma_wait3A_357 = arith.constant 0 : i32
    %dma_wait3A_358 = tpu.memref_slice %arg14[%add3A_212, %dma_wait3A_357] : memref<10240x128xf32, #tpu.memory_space<vmem_shared>> -> memref<32x128xf32, #tpu.memory_space<vmem_shared>>
    tpu.wait_dma2 semaphore(%dma_wait3A_356 : memref<!tpu.dma_semaphore, #tpu.memory_space<semaphore_mem>>) src(%arg8 : memref<32x128xf32, #tpu.memory_space<vmem>>) dst(%dma_wait3A_358 : memref<32x128xf32, #tpu.memory_space<vmem_shared>>)
    %dma_wait3A_359 = arith.constant 0 : i32
    %dma_wait3A_360 = arith.constant 0 : i32
    %dma_wait3A_361 = arith.constant 0 : i32
    %dma_wait3A_362 = tpu.memref_slice %arg3[%add3A, %dma_wait3A_360, %dma_wait3A_361] : memref<32x80x125xi32, #tpu.memory_space<hbm>> -> memref<1x80x125xi32, #tpu.memory_space<hbm>>
    %dma_wait3A_363 = tpu.memref_squeeze %dma_wait3A_362 : memref<1x80x125xi32, #tpu.memory_space<hbm>> -> memref<80x125xi32, #tpu.memory_space<hbm>>
    %dma_wait3A_364 = tpu.memref_slice %arg17[%dma_wait3A_359] : memref<4x!tpu.dma_semaphore, #tpu.memory_space<semaphore_mem>> -> memref<1x!tpu.dma_semaphore, #tpu.memory_space<semaphore_mem>>
    %dma_wait3A_365 = tpu.memref_squeeze %dma_wait3A_364 : memref<1x!tpu.dma_semaphore, #tpu.memory_space<semaphore_mem>> -> memref<!tpu.dma_semaphore, #tpu.memory_space<semaphore_mem>>
    %dma_wait3A_366 = arith.constant 0 : i32
    %dma_wait3A_367 = arith.constant 0 : i32
    %dma_wait3A_368 = tpu.memref_slice %arg3[%add3A, %dma_wait3A_366, %dma_wait3A_367] : memref<32x80x125xi32, #tpu.memory_space<hbm>> -> memref<1x80x125xi32, #tpu.memory_space<hbm>>
    %dma_wait3A_369 = tpu.memref_squeeze %dma_wait3A_368 : memref<1x80x125xi32, #tpu.memory_space<hbm>> -> memref<80x125xi32, #tpu.memory_space<hbm>>
    tpu.wait_dma2 semaphore(%dma_wait3A_365 : memref<!tpu.dma_semaphore, #tpu.memory_space<semaphore_mem>>) src(%dma_wait3A_369 : memref<80x125xi32, #tpu.memory_space<hbm>>) dst(%arg7 : memref<80x125xi32, #tpu.memory_space<vmem>>)
    %dma_wait3A_370 = arith.constant 0 : i32
    %dma_wait3A_371 = tpu.memref_slice %arg15[%mul3A_25] : memref<10240xf32, #tpu.memory_space<vmem_shared>> -> memref<640xf32, #tpu.memory_space<vmem_shared>>
    %dma_wait3A_372 = tpu.memref_slice %arg18[%dma_wait3A_370] : memref<4x!tpu.dma_semaphore, #tpu.memory_space<semaphore_mem>> -> memref<1x!tpu.dma_semaphore, #tpu.memory_space<semaphore_mem>>
    %dma_wait3A_373 = tpu.memref_squeeze %dma_wait3A_372 : memref<1x!tpu.dma_semaphore, #tpu.memory_space<semaphore_mem>> -> memref<!tpu.dma_semaphore, #tpu.memory_space<semaphore_mem>>
    %dma_wait3A_374 = tpu.memref_slice %arg15[%mul3A_25] : memref<10240xf32, #tpu.memory_space<vmem_shared>> -> memref<640xf32, #tpu.memory_space<vmem_shared>>
    tpu.wait_dma2 semaphore(%dma_wait3A_373 : memref<!tpu.dma_semaphore, #tpu.memory_space<semaphore_mem>>) src(%arg13 : memref<640xf32, #tpu.memory_space<vmem>>) dst(%dma_wait3A_374 : memref<640xf32, #tpu.memory_space<vmem_shared>>)
    %barrier3A = arith.constant 0 : index
    tpu.barrier barrier_id(%barrier3A)
    %dma_start3A_375 = arith.constant 0 : i32
    %dma_start3A_376 = arith.constant 0 : i32
    %dma_start3A_377 = arith.constant 0 : i32
    %dma_start3A_378 = arith.constant 0 : i32
    %dma_start3A_379 = tpu.memref_slice %arg8[%dma_start3A_377, %dma_start3A_378] : memref<32x128xf32, #tpu.memory_space<vmem>> -> memref<32x128xf32, #tpu.memory_space<vmem>>
    %dma_start3A_380 = arith.constant 0 : i32
    %dma_start3A_381 = arith.constant 0 : i32
    %dma_start3A_382 = tpu.memref_slice %arg2[%add3A, %dma_start3A_375, %dma_start3A_380, %dma_start3A_381] : memref<32x80x125x128xf32, #tpu.memory_space<hbm>> -> memref<1x1x32x128xf32, #tpu.memory_space<hbm>>
    %dma_start3A_383 = tpu.memref_squeeze %dma_start3A_382 : memref<1x1x32x128xf32, #tpu.memory_space<hbm>> -> memref<32x128xf32, #tpu.memory_space<hbm>>
    %dma_start3A_384 = tpu.memref_slice %arg16[%dma_start3A_376] : memref<4x!tpu.dma_semaphore, #tpu.memory_space<semaphore_mem>> -> memref<1x!tpu.dma_semaphore, #tpu.memory_space<semaphore_mem>>
    %dma_start3A_385 = tpu.memref_squeeze %dma_start3A_384 : memref<1x!tpu.dma_semaphore, #tpu.memory_space<semaphore_mem>> -> memref<!tpu.dma_semaphore, #tpu.memory_space<semaphore_mem>>
    %dma_start3A_386 = arith.constant 0 : i32
    %dma_start3A_387 = arith.constant 0 : i32
    %dma_start3A_388 = tpu.memref_slice %arg8[%dma_start3A_386, %dma_start3A_387] : memref<32x128xf32, #tpu.memory_space<vmem>> -> memref<32x128xf32, #tpu.memory_space<vmem>>
    %dma_start3A_389 = arith.constant 0 : i32
    %dma_start3A_390 = arith.constant 0 : i32
    %dma_start3A_391 = tpu.memref_slice %arg2[%add3A, %dma_start3A_375, %dma_start3A_389, %dma_start3A_390] : memref<32x80x125x128xf32, #tpu.memory_space<hbm>> -> memref<1x1x32x128xf32, #tpu.memory_space<hbm>>
    %dma_start3A_392 = tpu.memref_squeeze %dma_start3A_391 : memref<1x1x32x128xf32, #tpu.memory_space<hbm>> -> memref<32x128xf32, #tpu.memory_space<hbm>>
    tpu.enqueue_dma source(%dma_start3A_392 : memref<32x128xf32, #tpu.memory_space<hbm>>) target(%dma_start3A_388 : memref<32x128xf32, #tpu.memory_space<vmem>>) target_semaphore(%dma_start3A_385 : memref<!tpu.dma_semaphore, #tpu.memory_space<semaphore_mem>>)
    %dma_start3A_393 = arith.constant 0 : i32
    %dma_start3A_394 = arith.constant 1 : i32
    %dma_start3A_395 = arith.constant 0 : i32
    %dma_start3A_396 = arith.constant 0 : i32
    %dma_start3A_397 = tpu.memref_slice %arg9[%dma_start3A_395, %dma_start3A_396] : memref<32x128xf32, #tpu.memory_space<vmem>> -> memref<32x128xf32, #tpu.memory_space<vmem>>
    %dma_start3A_398 = arith.constant 32 : i32
    %dma_start3A_399 = arith.constant 0 : i32
    %dma_start3A_400 = tpu.memref_slice %arg2[%add3A, %dma_start3A_393, %dma_start3A_398, %dma_start3A_399] : memref<32x80x125x128xf32, #tpu.memory_space<hbm>> -> memref<1x1x32x128xf32, #tpu.memory_space<hbm>>
    %dma_start3A_401 = tpu.memref_squeeze %dma_start3A_400 : memref<1x1x32x128xf32, #tpu.memory_space<hbm>> -> memref<32x128xf32, #tpu.memory_space<hbm>>
    %dma_start3A_402 = tpu.memref_slice %arg16[%dma_start3A_394] : memref<4x!tpu.dma_semaphore, #tpu.memory_space<semaphore_mem>> -> memref<1x!tpu.dma_semaphore, #tpu.memory_space<semaphore_mem>>
    %dma_start3A_403 = tpu.memref_squeeze %dma_start3A_402 : memref<1x!tpu.dma_semaphore, #tpu.memory_space<semaphore_mem>> -> memref<!tpu.dma_semaphore, #tpu.memory_space<semaphore_mem>>
    %dma_start3A_404 = arith.constant 0 : i32
    %dma_start3A_405 = arith.constant 0 : i32
    %dma_start3A_406 = tpu.memref_slice %arg9[%dma_start3A_404, %dma_start3A_405] : memref<32x128xf32, #tpu.memory_space<vmem>> -> memref<32x128xf32, #tpu.memory_space<vmem>>
    %dma_start3A_407 = arith.constant 32 : i32
    %dma_start3A_408 = arith.constant 0 : i32
    %dma_start3A_409 = tpu.memref_slice %arg2[%add3A, %dma_start3A_393, %dma_start3A_407, %dma_start3A_408] : memref<32x80x125x128xf32, #tpu.memory_space<hbm>> -> memref<1x1x32x128xf32, #tpu.memory_space<hbm>>
    %dma_start3A_410 = tpu.memref_squeeze %dma_start3A_409 : memref<1x1x32x128xf32, #tpu.memory_space<hbm>> -> memref<32x128xf32, #tpu.memory_space<hbm>>
    tpu.enqueue_dma source(%dma_start3A_410 : memref<32x128xf32, #tpu.memory_space<hbm>>) target(%dma_start3A_406 : memref<32x128xf32, #tpu.memory_space<vmem>>) target_semaphore(%dma_start3A_403 : memref<!tpu.dma_semaphore, #tpu.memory_space<semaphore_mem>>)
    %dma_start3A_411 = arith.constant 0 : i32
    %dma_start3A_412 = arith.constant 2 : i32
    %dma_start3A_413 = arith.constant 0 : i32
    %dma_start3A_414 = arith.constant 0 : i32
    %dma_start3A_415 = tpu.memref_slice %arg10[%dma_start3A_413, %dma_start3A_414] : memref<32x128xf32, #tpu.memory_space<vmem>> -> memref<32x128xf32, #tpu.memory_space<vmem>>
    %dma_start3A_416 = arith.constant 64 : i32
    %dma_start3A_417 = arith.constant 0 : i32
    %dma_start3A_418 = tpu.memref_slice %arg2[%add3A, %dma_start3A_411, %dma_start3A_416, %dma_start3A_417] : memref<32x80x125x128xf32, #tpu.memory_space<hbm>> -> memref<1x1x32x128xf32, #tpu.memory_space<hbm>>
    %dma_start3A_419 = tpu.memref_squeeze %dma_start3A_418 : memref<1x1x32x128xf32, #tpu.memory_space<hbm>> -> memref<32x128xf32, #tpu.memory_space<hbm>>
    %dma_start3A_420 = tpu.memref_slice %arg16[%dma_start3A_412] : memref<4x!tpu.dma_semaphore, #tpu.memory_space<semaphore_mem>> -> memref<1x!tpu.dma_semaphore, #tpu.memory_space<semaphore_mem>>
    %dma_start3A_421 = tpu.memref_squeeze %dma_start3A_420 : memref<1x!tpu.dma_semaphore, #tpu.memory_space<semaphore_mem>> -> memref<!tpu.dma_semaphore, #tpu.memory_space<semaphore_mem>>
    %dma_start3A_422 = arith.constant 0 : i32
    %dma_start3A_423 = arith.constant 0 : i32
    %dma_start3A_424 = tpu.memref_slice %arg10[%dma_start3A_422, %dma_start3A_423] : memref<32x128xf32, #tpu.memory_space<vmem>> -> memref<32x128xf32, #tpu.memory_space<vmem>>
    %dma_start3A_425 = arith.constant 64 : i32
    %dma_start3A_426 = arith.constant 0 : i32
    %dma_start3A_427 = tpu.memref_slice %arg2[%add3A, %dma_start3A_411, %dma_start3A_425, %dma_start3A_426] : memref<32x80x125x128xf32, #tpu.memory_space<hbm>> -> memref<1x1x32x128xf32, #tpu.memory_space<hbm>>
    %dma_start3A_428 = tpu.memref_squeeze %dma_start3A_427 : memref<1x1x32x128xf32, #tpu.memory_space<hbm>> -> memref<32x128xf32, #tpu.memory_space<hbm>>
    tpu.enqueue_dma source(%dma_start3A_428 : memref<32x128xf32, #tpu.memory_space<hbm>>) target(%dma_start3A_424 : memref<32x128xf32, #tpu.memory_space<vmem>>) target_semaphore(%dma_start3A_421 : memref<!tpu.dma_semaphore, #tpu.memory_space<semaphore_mem>>)
    %dma_start3A_429 = arith.constant 0 : i32
    %dma_start3A_430 = arith.constant 3 : i32
    %dma_start3A_431 = arith.constant 0 : i32
    %dma_start3A_432 = arith.constant 0 : i32
    %dma_start3A_433 = tpu.memref_slice %arg11[%dma_start3A_431, %dma_start3A_432] : memref<32x128xf32, #tpu.memory_space<vmem>> -> memref<29x128xf32, #tpu.memory_space<vmem>>
    %dma_start3A_434 = arith.constant 96 : i32
    %dma_start3A_435 = arith.constant 0 : i32
    %dma_start3A_436 = tpu.memref_slice %arg2[%add3A, %dma_start3A_429, %dma_start3A_434, %dma_start3A_435] : memref<32x80x125x128xf32, #tpu.memory_space<hbm>> -> memref<1x1x29x128xf32, #tpu.memory_space<hbm>>
    %dma_start3A_437 = tpu.memref_squeeze %dma_start3A_436 : memref<1x1x29x128xf32, #tpu.memory_space<hbm>> -> memref<29x128xf32, #tpu.memory_space<hbm>>
    %dma_start3A_438 = tpu.memref_slice %arg16[%dma_start3A_430] : memref<4x!tpu.dma_semaphore, #tpu.memory_space<semaphore_mem>> -> memref<1x!tpu.dma_semaphore, #tpu.memory_space<semaphore_mem>>
    %dma_start3A_439 = tpu.memref_squeeze %dma_start3A_438 : memref<1x!tpu.dma_semaphore, #tpu.memory_space<semaphore_mem>> -> memref<!tpu.dma_semaphore, #tpu.memory_space<semaphore_mem>>
    %dma_start3A_440 = arith.constant 0 : i32
    %dma_start3A_441 = arith.constant 0 : i32
    %dma_start3A_442 = tpu.memref_slice %arg11[%dma_start3A_440, %dma_start3A_441] : memref<32x128xf32, #tpu.memory_space<vmem>> -> memref<29x128xf32, #tpu.memory_space<vmem>>
    %dma_start3A_443 = arith.constant 96 : i32
    %dma_start3A_444 = arith.constant 0 : i32
    %dma_start3A_445 = tpu.memref_slice %arg2[%add3A, %dma_start3A_429, %dma_start3A_443, %dma_start3A_444] : memref<32x80x125x128xf32, #tpu.memory_space<hbm>> -> memref<1x1x29x128xf32, #tpu.memory_space<hbm>>
    %dma_start3A_446 = tpu.memref_squeeze %dma_start3A_445 : memref<1x1x29x128xf32, #tpu.memory_space<hbm>> -> memref<29x128xf32, #tpu.memory_space<hbm>>
    tpu.enqueue_dma source(%dma_start3A_446 : memref<29x128xf32, #tpu.memory_space<hbm>>) target(%dma_start3A_442 : memref<29x128xf32, #tpu.memory_space<vmem>>) target_semaphore(%dma_start3A_439 : memref<!tpu.dma_semaphore, #tpu.memory_space<semaphore_mem>>)
    %scan3A_447 = arith.constant 0 : i32
    %scan3A_448 = arith.constant 0 : i32
    %scan3A_449 = arith.constant 80 : i32
    %scan3A_450 = arith.addi %scan3A_448, %scan3A_449 : i32
    %scan3A_451 = arith.constant 1 : i32
    %scan3A_452 = scf.for %scan3A_492 = %scan3A_448 to %scan3A_450 step %scan3A_451 iter_args(%scan3A_493 = %scan3A_447) -> (i32)  : i32 {
      %dma_wait3A_494 = arith.constant 0 : i32
      %dma_wait3A_495 = arith.constant 0 : i32
      %dma_wait3A_496 = arith.constant 0 : i32
      %dma_wait3A_497 = tpu.memref_slice %arg8[%dma_wait3A_495, %dma_wait3A_496] : memref<32x128xf32, #tpu.memory_space<vmem>> -> memref<32x128xf32, #tpu.memory_space<vmem>>
      %dma_wait3A_498 = arith.constant 0 : i32
      %dma_wait3A_499 = arith.constant 0 : i32
      %dma_wait3A_500 = tpu.memref_slice %arg2[%add3A, %scan3A_492, %dma_wait3A_498, %dma_wait3A_499] : memref<32x80x125x128xf32, #tpu.memory_space<hbm>> -> memref<1x1x32x128xf32, #tpu.memory_space<hbm>>
      %dma_wait3A_501 = tpu.memref_squeeze %dma_wait3A_500 : memref<1x1x32x128xf32, #tpu.memory_space<hbm>> -> memref<32x128xf32, #tpu.memory_space<hbm>>
      %dma_wait3A_502 = tpu.memref_slice %arg16[%dma_wait3A_494] : memref<4x!tpu.dma_semaphore, #tpu.memory_space<semaphore_mem>> -> memref<1x!tpu.dma_semaphore, #tpu.memory_space<semaphore_mem>>
      %dma_wait3A_503 = tpu.memref_squeeze %dma_wait3A_502 : memref<1x!tpu.dma_semaphore, #tpu.memory_space<semaphore_mem>> -> memref<!tpu.dma_semaphore, #tpu.memory_space<semaphore_mem>>
      %dma_wait3A_504 = arith.constant 0 : i32
      %dma_wait3A_505 = arith.constant 0 : i32
      %dma_wait3A_506 = tpu.memref_slice %arg8[%dma_wait3A_504, %dma_wait3A_505] : memref<32x128xf32, #tpu.memory_space<vmem>> -> memref<32x128xf32, #tpu.memory_space<vmem>>
      %dma_wait3A_507 = arith.constant 0 : i32
      %dma_wait3A_508 = arith.constant 0 : i32
      %dma_wait3A_509 = tpu.memref_slice %arg2[%add3A, %scan3A_492, %dma_wait3A_507, %dma_wait3A_508] : memref<32x80x125x128xf32, #tpu.memory_space<hbm>> -> memref<1x1x32x128xf32, #tpu.memory_space<hbm>>
      %dma_wait3A_510 = tpu.memref_squeeze %dma_wait3A_509 : memref<1x1x32x128xf32, #tpu.memory_space<hbm>> -> memref<32x128xf32, #tpu.memory_space<hbm>>
      tpu.wait_dma2 semaphore(%dma_wait3A_503 : memref<!tpu.dma_semaphore, #tpu.memory_space<semaphore_mem>>) src(%dma_wait3A_510 : memref<32x128xf32, #tpu.memory_space<hbm>>) dst(%dma_wait3A_506 : memref<32x128xf32, #tpu.memory_space<vmem>>)
      %dma_start3A_511 = arith.constant 0 : i32
      %dma_start3A_512 = arith.constant 0 : i32
      %dma_start3A_513 = arith.constant 0 : i32
      %dma_start3A_514 = tpu.memref_slice %arg8[%dma_start3A_512, %dma_start3A_513] : memref<32x128xf32, #tpu.memory_space<vmem>> -> memref<32x128xf32, #tpu.memory_space<vmem>>
      %dma_start3A_515 = arith.constant 0 : i32
      %dma_start3A_516 = tpu.memref_slice %arg7[%scan3A_492, %dma_start3A_515] : memref<80x125xi32, #tpu.memory_space<vmem>> -> memref<1x32xi32, #tpu.memory_space<vmem>>
      %dma_start3A_517 = tpu.memref_squeeze %dma_start3A_516 : memref<1x32xi32, #tpu.memory_space<vmem>> -> memref<32xi32, #tpu.memory_space<vmem>>
      %dma_start3A_518 = arith.constant 0 : i32
      %dma_start3A_519 = arith.constant 0 : i32
      %dma_start3A_520 = tpu.memref_slice %arg14[%dma_start3A_518, %dma_start3A_519] : memref<10240x128xf32, #tpu.memory_space<vmem_shared>> -> memref<10240x128xf32, #tpu.memory_space<vmem_shared>>
      %dma_start3A_521 = tpu.memref_slice %arg17[%dma_start3A_511] : memref<4x!tpu.dma_semaphore, #tpu.memory_space<semaphore_mem>> -> memref<1x!tpu.dma_semaphore, #tpu.memory_space<semaphore_mem>>
      %dma_start3A_522 = tpu.memref_squeeze %dma_start3A_521 : memref<1x!tpu.dma_semaphore, #tpu.memory_space<semaphore_mem>> -> memref<!tpu.dma_semaphore, #tpu.memory_space<semaphore_mem>>
      tpu.enqueue_indirect_dma source(%dma_start3A_514 : memref<32x128xf32, #tpu.memory_space<vmem>>) target(%dma_start3A_520 : memref<10240x128xf32, #tpu.memory_space<vmem_shared>>) offsets(%dma_start3A_517 : memref<32xi32, #tpu.memory_space<vmem>>) semaphore(%dma_start3A_522 : memref<!tpu.dma_semaphore, #tpu.memory_space<semaphore_mem>>) {add = true}
      %dma_start3A_523 = arith.constant 0 : i32
      %dma_start3A_524 = arith.constant 0 : i32
      %dma_start3A_525 = tpu.memref_slice %arg12[%dma_start3A_524] : memref<128xf32, #tpu.memory_space<vmem>> -> memref<32xf32, #tpu.memory_space<vmem>>
      %dma_start3A_526 = arith.constant 0 : i32
      %dma_start3A_527 = tpu.memref_slice %arg7[%scan3A_492, %dma_start3A_526] : memref<80x125xi32, #tpu.memory_space<vmem>> -> memref<1x32xi32, #tpu.memory_space<vmem>>
      %dma_start3A_528 = tpu.memref_squeeze %dma_start3A_527 : memref<1x32xi32, #tpu.memory_space<vmem>> -> memref<32xi32, #tpu.memory_space<vmem>>
      %dma_start3A_529 = arith.constant 0 : i32
      %dma_start3A_530 = tpu.memref_slice %arg15[%dma_start3A_529] : memref<10240xf32, #tpu.memory_space<vmem_shared>> -> memref<10240xf32, #tpu.memory_space<vmem_shared>>
      %dma_start3A_531 = tpu.memref_slice %arg18[%dma_start3A_523] : memref<4x!tpu.dma_semaphore, #tpu.memory_space<semaphore_mem>> -> memref<1x!tpu.dma_semaphore, #tpu.memory_space<semaphore_mem>>
      %dma_start3A_532 = tpu.memref_squeeze %dma_start3A_531 : memref<1x!tpu.dma_semaphore, #tpu.memory_space<semaphore_mem>> -> memref<!tpu.dma_semaphore, #tpu.memory_space<semaphore_mem>>
      tpu.enqueue_indirect_dma source(%dma_start3A_525 : memref<32xf32, #tpu.memory_space<vmem>>) target(%dma_start3A_530 : memref<10240xf32, #tpu.memory_space<vmem_shared>>) offsets(%dma_start3A_528 : memref<32xi32, #tpu.memory_space<vmem>>) semaphore(%dma_start3A_532 : memref<!tpu.dma_semaphore, #tpu.memory_space<semaphore_mem>>) {add = true}
      %dma_start3A_533 = arith.constant 0 : i32
      %dma_start3A_534 = arith.constant 0 : i32
      %dma_start3A_535 = arith.constant 0 : i32
      %dma_start3A_536 = tpu.memref_slice %arg8[%dma_start3A_534, %dma_start3A_535] : memref<32x128xf32, #tpu.memory_space<vmem>> -> memref<32x128xf32, #tpu.memory_space<vmem>>
      %dma_start3A_537 = arith.constant 0 : i32
      %dma_start3A_538 = arith.constant 0 : i32
      %dma_start3A_539 = tpu.memref_slice %arg6[%add3A, %scan3A_492, %dma_start3A_537, %dma_start3A_538] : memref<32x80x125x128xf32, #tpu.memory_space<hbm>> -> memref<1x1x32x128xf32, #tpu.memory_space<hbm>>
      %dma_start3A_540 = tpu.memref_squeeze %dma_start3A_539 : memref<1x1x32x128xf32, #tpu.memory_space<hbm>> -> memref<32x128xf32, #tpu.memory_space<hbm>>
      %dma_start3A_541 = tpu.memref_slice %arg19[%dma_start3A_533] : memref<4x!tpu.dma_semaphore, #tpu.memory_space<semaphore_mem>> -> memref<1x!tpu.dma_semaphore, #tpu.memory_space<semaphore_mem>>
      %dma_start3A_542 = tpu.memref_squeeze %dma_start3A_541 : memref<1x!tpu.dma_semaphore, #tpu.memory_space<semaphore_mem>> -> memref<!tpu.dma_semaphore, #tpu.memory_space<semaphore_mem>>
      %dma_start3A_543 = arith.constant 0 : i32
      %dma_start3A_544 = arith.constant 0 : i32
      %dma_start3A_545 = tpu.memref_slice %arg6[%add3A, %scan3A_492, %dma_start3A_543, %dma_start3A_544] : memref<32x80x125x128xf32, #tpu.memory_space<hbm>> -> memref<1x1x32x128xf32, #tpu.memory_space<hbm>>
      %dma_start3A_546 = tpu.memref_squeeze %dma_start3A_545 : memref<1x1x32x128xf32, #tpu.memory_space<hbm>> -> memref<32x128xf32, #tpu.memory_space<hbm>>
      %dma_start3A_547 = arith.constant 0 : i32
      %dma_start3A_548 = arith.constant 0 : i32
      %dma_start3A_549 = tpu.memref_slice %arg8[%dma_start3A_547, %dma_start3A_548] : memref<32x128xf32, #tpu.memory_space<vmem>> -> memref<32x128xf32, #tpu.memory_space<vmem>>
      tpu.enqueue_dma source(%dma_start3A_549 : memref<32x128xf32, #tpu.memory_space<vmem>>) target(%dma_start3A_546 : memref<32x128xf32, #tpu.memory_space<hbm>>) target_semaphore(%dma_start3A_542 : memref<!tpu.dma_semaphore, #tpu.memory_space<semaphore_mem>>)
      %dma_wait3A_550 = arith.constant 0 : i32
      %dma_wait3A_551 = arith.constant 0 : i32
      %dma_wait3A_552 = arith.constant 0 : i32
      %dma_wait3A_553 = tpu.memref_slice %arg8[%dma_wait3A_551, %dma_wait3A_552] : memref<32x128xf32, #tpu.memory_space<vmem>> -> memref<32x128xf32, #tpu.memory_space<vmem>>
      %dma_wait3A_554 = arith.constant 0 : i32
      %dma_wait3A_555 = tpu.memref_slice %arg7[%scan3A_492, %dma_wait3A_554] : memref<80x125xi32, #tpu.memory_space<vmem>> -> memref<1x32xi32, #tpu.memory_space<vmem>>
      %dma_wait3A_556 = tpu.memref_squeeze %dma_wait3A_555 : memref<1x32xi32, #tpu.memory_space<vmem>> -> memref<32xi32, #tpu.memory_space<vmem>>
      %dma_wait3A_557 = arith.constant 0 : i32
      %dma_wait3A_558 = arith.constant 0 : i32
      %dma_wait3A_559 = tpu.memref_slice %arg14[%dma_wait3A_557, %dma_wait3A_558] : memref<10240x128xf32, #tpu.memory_space<vmem_shared>> -> memref<10240x128xf32, #tpu.memory_space<vmem_shared>>
      %dma_wait3A_560 = tpu.memref_slice %arg17[%dma_wait3A_550] : memref<4x!tpu.dma_semaphore, #tpu.memory_space<semaphore_mem>> -> memref<1x!tpu.dma_semaphore, #tpu.memory_space<semaphore_mem>>
      %dma_wait3A_561 = tpu.memref_squeeze %dma_wait3A_560 : memref<1x!tpu.dma_semaphore, #tpu.memory_space<semaphore_mem>> -> memref<!tpu.dma_semaphore, #tpu.memory_space<semaphore_mem>>
      tpu.wait_indirect_dma semaphore(%dma_wait3A_561 : memref<!tpu.dma_semaphore, #tpu.memory_space<semaphore_mem>>) src(%dma_wait3A_553 : memref<32x128xf32, #tpu.memory_space<vmem>>) dst(%dma_wait3A_559 : memref<10240x128xf32, #tpu.memory_space<vmem_shared>>)
      %dma_wait3A_562 = arith.constant 0 : i32
      %dma_wait3A_563 = arith.constant 0 : i32
      %dma_wait3A_564 = tpu.memref_slice %arg12[%dma_wait3A_563] : memref<128xf32, #tpu.memory_space<vmem>> -> memref<32xf32, #tpu.memory_space<vmem>>
      %dma_wait3A_565 = arith.constant 0 : i32
      %dma_wait3A_566 = tpu.memref_slice %arg7[%scan3A_492, %dma_wait3A_565] : memref<80x125xi32, #tpu.memory_space<vmem>> -> memref<1x32xi32, #tpu.memory_space<vmem>>
      %dma_wait3A_567 = tpu.memref_squeeze %dma_wait3A_566 : memref<1x32xi32, #tpu.memory_space<vmem>> -> memref<32xi32, #tpu.memory_space<vmem>>
      %dma_wait3A_568 = arith.constant 0 : i32
      %dma_wait3A_569 = tpu.memref_slice %arg15[%dma_wait3A_568] : memref<10240xf32, #tpu.memory_space<vmem_shared>> -> memref<10240xf32, #tpu.memory_space<vmem_shared>>
      %dma_wait3A_570 = tpu.memref_slice %arg18[%dma_wait3A_562] : memref<4x!tpu.dma_semaphore, #tpu.memory_space<semaphore_mem>> -> memref<1x!tpu.dma_semaphore, #tpu.memory_space<semaphore_mem>>
      %dma_wait3A_571 = tpu.memref_squeeze %dma_wait3A_570 : memref<1x!tpu.dma_semaphore, #tpu.memory_space<semaphore_mem>> -> memref<!tpu.dma_semaphore, #tpu.memory_space<semaphore_mem>>
      tpu.wait_indirect_dma semaphore(%dma_wait3A_571 : memref<!tpu.dma_semaphore, #tpu.memory_space<semaphore_mem>>) src(%dma_wait3A_564 : memref<32xf32, #tpu.memory_space<vmem>>) dst(%dma_wait3A_569 : memref<10240xf32, #tpu.memory_space<vmem_shared>>)
      %dma_wait3A_572 = arith.constant 0 : i32
      %dma_wait3A_573 = arith.constant 0 : i32
      %dma_wait3A_574 = arith.constant 0 : i32
      %dma_wait3A_575 = tpu.memref_slice %arg8[%dma_wait3A_573, %dma_wait3A_574] : memref<32x128xf32, #tpu.memory_space<vmem>> -> memref<32x128xf32, #tpu.memory_space<vmem>>
      %dma_wait3A_576 = arith.constant 0 : i32
      %dma_wait3A_577 = arith.constant 0 : i32
      %dma_wait3A_578 = tpu.memref_slice %arg6[%add3A, %scan3A_492, %dma_wait3A_576, %dma_wait3A_577] : memref<32x80x125x128xf32, #tpu.memory_space<hbm>> -> memref<1x1x32x128xf32, #tpu.memory_space<hbm>>
      %dma_wait3A_579 = tpu.memref_squeeze %dma_wait3A_578 : memref<1x1x32x128xf32, #tpu.memory_space<hbm>> -> memref<32x128xf32, #tpu.memory_space<hbm>>
      %dma_wait3A_580 = tpu.memref_slice %arg19[%dma_wait3A_572] : memref<4x!tpu.dma_semaphore, #tpu.memory_space<semaphore_mem>> -> memref<1x!tpu.dma_semaphore, #tpu.memory_space<semaphore_mem>>
      %dma_wait3A_581 = tpu.memref_squeeze %dma_wait3A_580 : memref<1x!tpu.dma_semaphore, #tpu.memory_space<semaphore_mem>> -> memref<!tpu.dma_semaphore, #tpu.memory_space<semaphore_mem>>
      %dma_wait3A_582 = arith.constant 0 : i32
      %dma_wait3A_583 = arith.constant 0 : i32
      %dma_wait3A_584 = tpu.memref_slice %arg6[%add3A, %scan3A_492, %dma_wait3A_582, %dma_wait3A_583] : memref<32x80x125x128xf32, #tpu.memory_space<hbm>> -> memref<1x1x32x128xf32, #tpu.memory_space<hbm>>
      %dma_wait3A_585 = tpu.memref_squeeze %dma_wait3A_584 : memref<1x1x32x128xf32, #tpu.memory_space<hbm>> -> memref<32x128xf32, #tpu.memory_space<hbm>>
      %dma_wait3A_586 = arith.constant 0 : i32
      %dma_wait3A_587 = arith.constant 0 : i32
      %dma_wait3A_588 = tpu.memref_slice %arg8[%dma_wait3A_586, %dma_wait3A_587] : memref<32x128xf32, #tpu.memory_space<vmem>> -> memref<32x128xf32, #tpu.memory_space<vmem>>
      tpu.wait_dma2 semaphore(%dma_wait3A_581 : memref<!tpu.dma_semaphore, #tpu.memory_space<semaphore_mem>>) src(%dma_wait3A_588 : memref<32x128xf32, #tpu.memory_space<vmem>>) dst(%dma_wait3A_585 : memref<32x128xf32, #tpu.memory_space<hbm>>)
      %add3A_589 = arith.constant 1 : i32
      %add3A_590 = arith.addi %scan3A_492, %add3A_589 : i32
      %lt3A = arith.constant 80 : i32
      %lt3A_591 = arith.cmpi slt, %add3A_590, %lt3A : i32
      %convert_element_type3A = arith.extui %lt3A_591 : i1 to i32
      %cond3A = arith.constant 0 : i32
      %cond3A_592 = arith.cmpi ne, %convert_element_type3A, %cond3A : i32
      scf.if %cond3A_592 {
        %add3A_900 = arith.constant 1 : i32
        %add3A_901 = arith.addi %scan3A_492, %add3A_900 : i32
        %dma_start3A_902 = arith.constant 0 : i32
        %dma_start3A_903 = arith.constant 0 : i32
        %dma_start3A_904 = arith.constant 0 : i32
        %dma_start3A_905 = tpu.memref_slice %arg8[%dma_start3A_903, %dma_start3A_904] : memref<32x128xf32, #tpu.memory_space<vmem>> -> memref<32x128xf32, #tpu.memory_space<vmem>>
        %dma_start3A_906 = arith.constant 0 : i32
        %dma_start3A_907 = arith.constant 0 : i32
        %dma_start3A_908 = tpu.memref_slice %arg2[%add3A, %add3A_901, %dma_start3A_906, %dma_start3A_907] : memref<32x80x125x128xf32, #tpu.memory_space<hbm>> -> memref<1x1x32x128xf32, #tpu.memory_space<hbm>>
        %dma_start3A_909 = tpu.memref_squeeze %dma_start3A_908 : memref<1x1x32x128xf32, #tpu.memory_space<hbm>> -> memref<32x128xf32, #tpu.memory_space<hbm>>
        %dma_start3A_910 = tpu.memref_slice %arg16[%dma_start3A_902] : memref<4x!tpu.dma_semaphore, #tpu.memory_space<semaphore_mem>> -> memref<1x!tpu.dma_semaphore, #tpu.memory_space<semaphore_mem>>
        %dma_start3A_911 = tpu.memref_squeeze %dma_start3A_910 : memref<1x!tpu.dma_semaphore, #tpu.memory_space<semaphore_mem>> -> memref<!tpu.dma_semaphore, #tpu.memory_space<semaphore_mem>>
        %dma_start3A_912 = arith.constant 0 : i32
        %dma_start3A_913 = arith.constant 0 : i32
        %dma_start3A_914 = tpu.memref_slice %arg8[%dma_start3A_912, %dma_start3A_913] : memref<32x128xf32, #tpu.memory_space<vmem>> -> memref<32x128xf32, #tpu.memory_space<vmem>>
        %dma_start3A_915 = arith.constant 0 : i32
        %dma_start3A_916 = arith.constant 0 : i32
        %dma_start3A_917 = tpu.memref_slice %arg2[%add3A, %add3A_901, %dma_start3A_915, %dma_start3A_916] : memref<32x80x125x128xf32, #tpu.memory_space<hbm>> -> memref<1x1x32x128xf32, #tpu.memory_space<hbm>>
        %dma_start3A_918 = tpu.memref_squeeze %dma_start3A_917 : memref<1x1x32x128xf32, #tpu.memory_space<hbm>> -> memref<32x128xf32, #tpu.memory_space<hbm>>
        tpu.enqueue_dma source(%dma_start3A_918 : memref<32x128xf32, #tpu.memory_space<hbm>>) target(%dma_start3A_914 : memref<32x128xf32, #tpu.memory_space<vmem>>) target_semaphore(%dma_start3A_911 : memref<!tpu.dma_semaphore, #tpu.memory_space<semaphore_mem>>)
      } else {
      }
      %dma_wait3A_593 = arith.constant 1 : i32
      %dma_wait3A_594 = arith.constant 0 : i32
      %dma_wait3A_595 = arith.constant 0 : i32
      %dma_wait3A_596 = tpu.memref_slice %arg9[%dma_wait3A_594, %dma_wait3A_595] : memref<32x128xf32, #tpu.memory_space<vmem>> -> memref<32x128xf32, #tpu.memory_space<vmem>>
      %dma_wait3A_597 = arith.constant 32 : i32
      %dma_wait3A_598 = arith.constant 0 : i32
      %dma_wait3A_599 = tpu.memref_slice %arg2[%add3A, %scan3A_492, %dma_wait3A_597, %dma_wait3A_598] : memref<32x80x125x128xf32, #tpu.memory_space<hbm>> -> memref<1x1x32x128xf32, #tpu.memory_space<hbm>>
      %dma_wait3A_600 = tpu.memref_squeeze %dma_wait3A_599 : memref<1x1x32x128xf32, #tpu.memory_space<hbm>> -> memref<32x128xf32, #tpu.memory_space<hbm>>
      %dma_wait3A_601 = tpu.memref_slice %arg16[%dma_wait3A_593] : memref<4x!tpu.dma_semaphore, #tpu.memory_space<semaphore_mem>> -> memref<1x!tpu.dma_semaphore, #tpu.memory_space<semaphore_mem>>
      %dma_wait3A_602 = tpu.memref_squeeze %dma_wait3A_601 : memref<1x!tpu.dma_semaphore, #tpu.memory_space<semaphore_mem>> -> memref<!tpu.dma_semaphore, #tpu.memory_space<semaphore_mem>>
      %dma_wait3A_603 = arith.constant 0 : i32
      %dma_wait3A_604 = arith.constant 0 : i32
      %dma_wait3A_605 = tpu.memref_slice %arg9[%dma_wait3A_603, %dma_wait3A_604] : memref<32x128xf32, #tpu.memory_space<vmem>> -> memref<32x128xf32, #tpu.memory_space<vmem>>
      %dma_wait3A_606 = arith.constant 32 : i32
      %dma_wait3A_607 = arith.constant 0 : i32
      %dma_wait3A_608 = tpu.memref_slice %arg2[%add3A, %scan3A_492, %dma_wait3A_606, %dma_wait3A_607] : memref<32x80x125x128xf32, #tpu.memory_space<hbm>> -> memref<1x1x32x128xf32, #tpu.memory_space<hbm>>
      %dma_wait3A_609 = tpu.memref_squeeze %dma_wait3A_608 : memref<1x1x32x128xf32, #tpu.memory_space<hbm>> -> memref<32x128xf32, #tpu.memory_space<hbm>>
      tpu.wait_dma2 semaphore(%dma_wait3A_602 : memref<!tpu.dma_semaphore, #tpu.memory_space<semaphore_mem>>) src(%dma_wait3A_609 : memref<32x128xf32, #tpu.memory_space<hbm>>) dst(%dma_wait3A_605 : memref<32x128xf32, #tpu.memory_space<vmem>>)
      %dma_start3A_610 = arith.constant 1 : i32
      %dma_start3A_611 = arith.constant 0 : i32
      %dma_start3A_612 = arith.constant 0 : i32
      %dma_start3A_613 = tpu.memref_slice %arg9[%dma_start3A_611, %dma_start3A_612] : memref<32x128xf32, #tpu.memory_space<vmem>> -> memref<32x128xf32, #tpu.memory_space<vmem>>
      %dma_start3A_614 = arith.constant 32 : i32
      %dma_start3A_615 = tpu.memref_slice %arg7[%scan3A_492, %dma_start3A_614] : memref<80x125xi32, #tpu.memory_space<vmem>> -> memref<1x32xi32, #tpu.memory_space<vmem>>
      %dma_start3A_616 = tpu.memref_squeeze %dma_start3A_615 : memref<1x32xi32, #tpu.memory_space<vmem>> -> memref<32xi32, #tpu.memory_space<vmem>>
      %dma_start3A_617 = arith.constant 0 : i32
      %dma_start3A_618 = arith.constant 0 : i32
      %dma_start3A_619 = tpu.memref_slice %arg14[%dma_start3A_617, %dma_start3A_618] : memref<10240x128xf32, #tpu.memory_space<vmem_shared>> -> memref<10240x128xf32, #tpu.memory_space<vmem_shared>>
      %dma_start3A_620 = tpu.memref_slice %arg17[%dma_start3A_610] : memref<4x!tpu.dma_semaphore, #tpu.memory_space<semaphore_mem>> -> memref<1x!tpu.dma_semaphore, #tpu.memory_space<semaphore_mem>>
      %dma_start3A_621 = tpu.memref_squeeze %dma_start3A_620 : memref<1x!tpu.dma_semaphore, #tpu.memory_space<semaphore_mem>> -> memref<!tpu.dma_semaphore, #tpu.memory_space<semaphore_mem>>
      tpu.enqueue_indirect_dma source(%dma_start3A_613 : memref<32x128xf32, #tpu.memory_space<vmem>>) target(%dma_start3A_619 : memref<10240x128xf32, #tpu.memory_space<vmem_shared>>) offsets(%dma_start3A_616 : memref<32xi32, #tpu.memory_space<vmem>>) semaphore(%dma_start3A_621 : memref<!tpu.dma_semaphore, #tpu.memory_space<semaphore_mem>>) {add = true}
      %dma_start3A_622 = arith.constant 1 : i32
      %dma_start3A_623 = arith.constant 0 : i32
      %dma_start3A_624 = tpu.memref_slice %arg12[%dma_start3A_623] : memref<128xf32, #tpu.memory_space<vmem>> -> memref<32xf32, #tpu.memory_space<vmem>>
      %dma_start3A_625 = arith.constant 32 : i32
      %dma_start3A_626 = tpu.memref_slice %arg7[%scan3A_492, %dma_start3A_625] : memref<80x125xi32, #tpu.memory_space<vmem>> -> memref<1x32xi32, #tpu.memory_space<vmem>>
      %dma_start3A_627 = tpu.memref_squeeze %dma_start3A_626 : memref<1x32xi32, #tpu.memory_space<vmem>> -> memref<32xi32, #tpu.memory_space<vmem>>
      %dma_start3A_628 = arith.constant 0 : i32
      %dma_start3A_629 = tpu.memref_slice %arg15[%dma_start3A_628] : memref<10240xf32, #tpu.memory_space<vmem_shared>> -> memref<10240xf32, #tpu.memory_space<vmem_shared>>
      %dma_start3A_630 = tpu.memref_slice %arg18[%dma_start3A_622] : memref<4x!tpu.dma_semaphore, #tpu.memory_space<semaphore_mem>> -> memref<1x!tpu.dma_semaphore, #tpu.memory_space<semaphore_mem>>
      %dma_start3A_631 = tpu.memref_squeeze %dma_start3A_630 : memref<1x!tpu.dma_semaphore, #tpu.memory_space<semaphore_mem>> -> memref<!tpu.dma_semaphore, #tpu.memory_space<semaphore_mem>>
      tpu.enqueue_indirect_dma source(%dma_start3A_624 : memref<32xf32, #tpu.memory_space<vmem>>) target(%dma_start3A_629 : memref<10240xf32, #tpu.memory_space<vmem_shared>>) offsets(%dma_start3A_627 : memref<32xi32, #tpu.memory_space<vmem>>) semaphore(%dma_start3A_631 : memref<!tpu.dma_semaphore, #tpu.memory_space<semaphore_mem>>) {add = true}
      %dma_start3A_632 = arith.constant 1 : i32
      %dma_start3A_633 = arith.constant 0 : i32
      %dma_start3A_634 = arith.constant 0 : i32
      %dma_start3A_635 = tpu.memref_slice %arg9[%dma_start3A_633, %dma_start3A_634] : memref<32x128xf32, #tpu.memory_space<vmem>> -> memref<32x128xf32, #tpu.memory_space<vmem>>
      %dma_start3A_636 = arith.constant 32 : i32
      %dma_start3A_637 = arith.constant 0 : i32
      %dma_start3A_638 = tpu.memref_slice %arg6[%add3A, %scan3A_492, %dma_start3A_636, %dma_start3A_637] : memref<32x80x125x128xf32, #tpu.memory_space<hbm>> -> memref<1x1x32x128xf32, #tpu.memory_space<hbm>>
      %dma_start3A_639 = tpu.memref_squeeze %dma_start3A_638 : memref<1x1x32x128xf32, #tpu.memory_space<hbm>> -> memref<32x128xf32, #tpu.memory_space<hbm>>
      %dma_start3A_640 = tpu.memref_slice %arg19[%dma_start3A_632] : memref<4x!tpu.dma_semaphore, #tpu.memory_space<semaphore_mem>> -> memref<1x!tpu.dma_semaphore, #tpu.memory_space<semaphore_mem>>
      %dma_start3A_641 = tpu.memref_squeeze %dma_start3A_640 : memref<1x!tpu.dma_semaphore, #tpu.memory_space<semaphore_mem>> -> memref<!tpu.dma_semaphore, #tpu.memory_space<semaphore_mem>>
      %dma_start3A_642 = arith.constant 32 : i32
      %dma_start3A_643 = arith.constant 0 : i32
      %dma_start3A_644 = tpu.memref_slice %arg6[%add3A, %scan3A_492, %dma_start3A_642, %dma_start3A_643] : memref<32x80x125x128xf32, #tpu.memory_space<hbm>> -> memref<1x1x32x128xf32, #tpu.memory_space<hbm>>
      %dma_start3A_645 = tpu.memref_squeeze %dma_start3A_644 : memref<1x1x32x128xf32, #tpu.memory_space<hbm>> -> memref<32x128xf32, #tpu.memory_space<hbm>>
      %dma_start3A_646 = arith.constant 0 : i32
      %dma_start3A_647 = arith.constant 0 : i32
      %dma_start3A_648 = tpu.memref_slice %arg9[%dma_start3A_646, %dma_start3A_647] : memref<32x128xf32, #tpu.memory_space<vmem>> -> memref<32x128xf32, #tpu.memory_space<vmem>>
      tpu.enqueue_dma source(%dma_start3A_648 : memref<32x128xf32, #tpu.memory_space<vmem>>) target(%dma_start3A_645 : memref<32x128xf32, #tpu.memory_space<hbm>>) target_semaphore(%dma_start3A_641 : memref<!tpu.dma_semaphore, #tpu.memory_space<semaphore_mem>>)
      %dma_wait3A_649 = arith.constant 1 : i32
      %dma_wait3A_650 = arith.constant 0 : i32
      %dma_wait3A_651 = arith.constant 0 : i32
      %dma_wait3A_652 = tpu.memref_slice %arg9[%dma_wait3A_650, %dma_wait3A_651] : memref<32x128xf32, #tpu.memory_space<vmem>> -> memref<32x128xf32, #tpu.memory_space<vmem>>
      %dma_wait3A_653 = arith.constant 32 : i32
      %dma_wait3A_654 = tpu.memref_slice %arg7[%scan3A_492, %dma_wait3A_653] : memref<80x125xi32, #tpu.memory_space<vmem>> -> memref<1x32xi32, #tpu.memory_space<vmem>>
      %dma_wait3A_655 = tpu.memref_squeeze %dma_wait3A_654 : memref<1x32xi32, #tpu.memory_space<vmem>> -> memref<32xi32, #tpu.memory_space<vmem>>
      %dma_wait3A_656 = arith.constant 0 : i32
      %dma_wait3A_657 = arith.constant 0 : i32
      %dma_wait3A_658 = tpu.memref_slice %arg14[%dma_wait3A_656, %dma_wait3A_657] : memref<10240x128xf32, #tpu.memory_space<vmem_shared>> -> memref<10240x128xf32, #tpu.memory_space<vmem_shared>>
      %dma_wait3A_659 = tpu.memref_slice %arg17[%dma_wait3A_649] : memref<4x!tpu.dma_semaphore, #tpu.memory_space<semaphore_mem>> -> memref<1x!tpu.dma_semaphore, #tpu.memory_space<semaphore_mem>>
      %dma_wait3A_660 = tpu.memref_squeeze %dma_wait3A_659 : memref<1x!tpu.dma_semaphore, #tpu.memory_space<semaphore_mem>> -> memref<!tpu.dma_semaphore, #tpu.memory_space<semaphore_mem>>
      tpu.wait_indirect_dma semaphore(%dma_wait3A_660 : memref<!tpu.dma_semaphore, #tpu.memory_space<semaphore_mem>>) src(%dma_wait3A_652 : memref<32x128xf32, #tpu.memory_space<vmem>>) dst(%dma_wait3A_658 : memref<10240x128xf32, #tpu.memory_space<vmem_shared>>)
      %dma_wait3A_661 = arith.constant 1 : i32
      %dma_wait3A_662 = arith.constant 0 : i32
      %dma_wait3A_663 = tpu.memref_slice %arg12[%dma_wait3A_662] : memref<128xf32, #tpu.memory_space<vmem>> -> memref<32xf32, #tpu.memory_space<vmem>>
      %dma_wait3A_664 = arith.constant 32 : i32
      %dma_wait3A_665 = tpu.memref_slice %arg7[%scan3A_492, %dma_wait3A_664] : memref<80x125xi32, #tpu.memory_space<vmem>> -> memref<1x32xi32, #tpu.memory_space<vmem>>
      %dma_wait3A_666 = tpu.memref_squeeze %dma_wait3A_665 : memref<1x32xi32, #tpu.memory_space<vmem>> -> memref<32xi32, #tpu.memory_space<vmem>>
      %dma_wait3A_667 = arith.constant 0 : i32
      %dma_wait3A_668 = tpu.memref_slice %arg15[%dma_wait3A_667] : memref<10240xf32, #tpu.memory_space<vmem_shared>> -> memref<10240xf32, #tpu.memory_space<vmem_shared>>
      %dma_wait3A_669 = tpu.memref_slice %arg18[%dma_wait3A_661] : memref<4x!tpu.dma_semaphore, #tpu.memory_space<semaphore_mem>> -> memref<1x!tpu.dma_semaphore, #tpu.memory_space<semaphore_mem>>
      %dma_wait3A_670 = tpu.memref_squeeze %dma_wait3A_669 : memref<1x!tpu.dma_semaphore, #tpu.memory_space<semaphore_mem>> -> memref<!tpu.dma_semaphore, #tpu.memory_space<semaphore_mem>>
      tpu.wait_indirect_dma semaphore(%dma_wait3A_670 : memref<!tpu.dma_semaphore, #tpu.memory_space<semaphore_mem>>) src(%dma_wait3A_663 : memref<32xf32, #tpu.memory_space<vmem>>) dst(%dma_wait3A_668 : memref<10240xf32, #tpu.memory_space<vmem_shared>>)
      %dma_wait3A_671 = arith.constant 1 : i32
      %dma_wait3A_672 = arith.constant 0 : i32
      %dma_wait3A_673 = arith.constant 0 : i32
      %dma_wait3A_674 = tpu.memref_slice %arg9[%dma_wait3A_672, %dma_wait3A_673] : memref<32x128xf32, #tpu.memory_space<vmem>> -> memref<32x128xf32, #tpu.memory_space<vmem>>
      %dma_wait3A_675 = arith.constant 32 : i32
      %dma_wait3A_676 = arith.constant 0 : i32
      %dma_wait3A_677 = tpu.memref_slice %arg6[%add3A, %scan3A_492, %dma_wait3A_675, %dma_wait3A_676] : memref<32x80x125x128xf32, #tpu.memory_space<hbm>> -> memref<1x1x32x128xf32, #tpu.memory_space<hbm>>
      %dma_wait3A_678 = tpu.memref_squeeze %dma_wait3A_677 : memref<1x1x32x128xf32, #tpu.memory_space<hbm>> -> memref<32x128xf32, #tpu.memory_space<hbm>>
      %dma_wait3A_679 = tpu.memref_slice %arg19[%dma_wait3A_671] : memref<4x!tpu.dma_semaphore, #tpu.memory_space<semaphore_mem>> -> memref<1x!tpu.dma_semaphore, #tpu.memory_space<semaphore_mem>>
      %dma_wait3A_680 = tpu.memref_squeeze %dma_wait3A_679 : memref<1x!tpu.dma_semaphore, #tpu.memory_space<semaphore_mem>> -> memref<!tpu.dma_semaphore, #tpu.memory_space<semaphore_mem>>
      %dma_wait3A_681 = arith.constant 32 : i32
      %dma_wait3A_682 = arith.constant 0 : i32
      %dma_wait3A_683 = tpu.memref_slice %arg6[%add3A, %scan3A_492, %dma_wait3A_681, %dma_wait3A_682] : memref<32x80x125x128xf32, #tpu.memory_space<hbm>> -> memref<1x1x32x128xf32, #tpu.memory_space<hbm>>
      %dma_wait3A_684 = tpu.memref_squeeze %dma_wait3A_683 : memref<1x1x32x128xf32, #tpu.memory_space<hbm>> -> memref<32x128xf32, #tpu.memory_space<hbm>>
      %dma_wait3A_685 = arith.constant 0 : i32
      %dma_wait3A_686 = arith.constant 0 : i32
      %dma_wait3A_687 = tpu.memref_slice %arg9[%dma_wait3A_685, %dma_wait3A_686] : memref<32x128xf32, #tpu.memory_space<vmem>> -> memref<32x128xf32, #tpu.memory_space<vmem>>
      tpu.wait_dma2 semaphore(%dma_wait3A_680 : memref<!tpu.dma_semaphore, #tpu.memory_space<semaphore_mem>>) src(%dma_wait3A_687 : memref<32x128xf32, #tpu.memory_space<vmem>>) dst(%dma_wait3A_684 : memref<32x128xf32, #tpu.memory_space<hbm>>)
      %add3A_688 = arith.constant 1 : i32
      %add3A_689 = arith.addi %scan3A_492, %add3A_688 : i32
      %lt3A_690 = arith.constant 80 : i32
      %lt3A_691 = arith.cmpi slt, %add3A_689, %lt3A_690 : i32
      %convert_element_type3A_692 = arith.extui %lt3A_691 : i1 to i32
      %cond3A_693 = arith.constant 0 : i32
      %cond3A_694 = arith.cmpi ne, %convert_element_type3A_692, %cond3A_693 : i32
      scf.if %cond3A_694 {
        %add3A_900 = arith.constant 1 : i32
        %add3A_901 = arith.addi %scan3A_492, %add3A_900 : i32
        %dma_start3A_902 = arith.constant 1 : i32
        %dma_start3A_903 = arith.constant 0 : i32
        %dma_start3A_904 = arith.constant 0 : i32
        %dma_start3A_905 = tpu.memref_slice %arg9[%dma_start3A_903, %dma_start3A_904] : memref<32x128xf32, #tpu.memory_space<vmem>> -> memref<32x128xf32, #tpu.memory_space<vmem>>
        %dma_start3A_906 = arith.constant 32 : i32
        %dma_start3A_907 = arith.constant 0 : i32
        %dma_start3A_908 = tpu.memref_slice %arg2[%add3A, %add3A_901, %dma_start3A_906, %dma_start3A_907] : memref<32x80x125x128xf32, #tpu.memory_space<hbm>> -> memref<1x1x32x128xf32, #tpu.memory_space<hbm>>
        %dma_start3A_909 = tpu.memref_squeeze %dma_start3A_908 : memref<1x1x32x128xf32, #tpu.memory_space<hbm>> -> memref<32x128xf32, #tpu.memory_space<hbm>>
        %dma_start3A_910 = tpu.memref_slice %arg16[%dma_start3A_902] : memref<4x!tpu.dma_semaphore, #tpu.memory_space<semaphore_mem>> -> memref<1x!tpu.dma_semaphore, #tpu.memory_space<semaphore_mem>>
        %dma_start3A_911 = tpu.memref_squeeze %dma_start3A_910 : memref<1x!tpu.dma_semaphore, #tpu.memory_space<semaphore_mem>> -> memref<!tpu.dma_semaphore, #tpu.memory_space<semaphore_mem>>
        %dma_start3A_912 = arith.constant 0 : i32
        %dma_start3A_913 = arith.constant 0 : i32
        %dma_start3A_914 = tpu.memref_slice %arg9[%dma_start3A_912, %dma_start3A_913] : memref<32x128xf32, #tpu.memory_space<vmem>> -> memref<32x128xf32, #tpu.memory_space<vmem>>
        %dma_start3A_915 = arith.constant 32 : i32
        %dma_start3A_916 = arith.constant 0 : i32
        %dma_start3A_917 = tpu.memref_slice %arg2[%add3A, %add3A_901, %dma_start3A_915, %dma_start3A_916] : memref<32x80x125x128xf32, #tpu.memory_space<hbm>> -> memref<1x1x32x128xf32, #tpu.memory_space<hbm>>
        %dma_start3A_918 = tpu.memref_squeeze %dma_start3A_917 : memref<1x1x32x128xf32, #tpu.memory_space<hbm>> -> memref<32x128xf32, #tpu.memory_space<hbm>>
        tpu.enqueue_dma source(%dma_start3A_918 : memref<32x128xf32, #tpu.memory_space<hbm>>) target(%dma_start3A_914 : memref<32x128xf32, #tpu.memory_space<vmem>>) target_semaphore(%dma_start3A_911 : memref<!tpu.dma_semaphore, #tpu.memory_space<semaphore_mem>>)
      } else {
      }
      %dma_wait3A_695 = arith.constant 2 : i32
      %dma_wait3A_696 = arith.constant 0 : i32
      %dma_wait3A_697 = arith.constant 0 : i32
      %dma_wait3A_698 = tpu.memref_slice %arg10[%dma_wait3A_696, %dma_wait3A_697] : memref<32x128xf32, #tpu.memory_space<vmem>> -> memref<32x128xf32, #tpu.memory_space<vmem>>
      %dma_wait3A_699 = arith.constant 64 : i32
      %dma_wait3A_700 = arith.constant 0 : i32
      %dma_wait3A_701 = tpu.memref_slice %arg2[%add3A, %scan3A_492, %dma_wait3A_699, %dma_wait3A_700] : memref<32x80x125x128xf32, #tpu.memory_space<hbm>> -> memref<1x1x32x128xf32, #tpu.memory_space<hbm>>
      %dma_wait3A_702 = tpu.memref_squeeze %dma_wait3A_701 : memref<1x1x32x128xf32, #tpu.memory_space<hbm>> -> memref<32x128xf32, #tpu.memory_space<hbm>>
      %dma_wait3A_703 = tpu.memref_slice %arg16[%dma_wait3A_695] : memref<4x!tpu.dma_semaphore, #tpu.memory_space<semaphore_mem>> -> memref<1x!tpu.dma_semaphore, #tpu.memory_space<semaphore_mem>>
      %dma_wait3A_704 = tpu.memref_squeeze %dma_wait3A_703 : memref<1x!tpu.dma_semaphore, #tpu.memory_space<semaphore_mem>> -> memref<!tpu.dma_semaphore, #tpu.memory_space<semaphore_mem>>
      %dma_wait3A_705 = arith.constant 0 : i32
      %dma_wait3A_706 = arith.constant 0 : i32
      %dma_wait3A_707 = tpu.memref_slice %arg10[%dma_wait3A_705, %dma_wait3A_706] : memref<32x128xf32, #tpu.memory_space<vmem>> -> memref<32x128xf32, #tpu.memory_space<vmem>>
      %dma_wait3A_708 = arith.constant 64 : i32
      %dma_wait3A_709 = arith.constant 0 : i32
      %dma_wait3A_710 = tpu.memref_slice %arg2[%add3A, %scan3A_492, %dma_wait3A_708, %dma_wait3A_709] : memref<32x80x125x128xf32, #tpu.memory_space<hbm>> -> memref<1x1x32x128xf32, #tpu.memory_space<hbm>>
      %dma_wait3A_711 = tpu.memref_squeeze %dma_wait3A_710 : memref<1x1x32x128xf32, #tpu.memory_space<hbm>> -> memref<32x128xf32, #tpu.memory_space<hbm>>
      tpu.wait_dma2 semaphore(%dma_wait3A_704 : memref<!tpu.dma_semaphore, #tpu.memory_space<semaphore_mem>>) src(%dma_wait3A_711 : memref<32x128xf32, #tpu.memory_space<hbm>>) dst(%dma_wait3A_707 : memref<32x128xf32, #tpu.memory_space<vmem>>)
      %dma_start3A_712 = arith.constant 2 : i32
      %dma_start3A_713 = arith.constant 0 : i32
      %dma_start3A_714 = arith.constant 0 : i32
      %dma_start3A_715 = tpu.memref_slice %arg10[%dma_start3A_713, %dma_start3A_714] : memref<32x128xf32, #tpu.memory_space<vmem>> -> memref<32x128xf32, #tpu.memory_space<vmem>>
      %dma_start3A_716 = arith.constant 64 : i32
      %dma_start3A_717 = tpu.memref_slice %arg7[%scan3A_492, %dma_start3A_716] : memref<80x125xi32, #tpu.memory_space<vmem>> -> memref<1x32xi32, #tpu.memory_space<vmem>>
      %dma_start3A_718 = tpu.memref_squeeze %dma_start3A_717 : memref<1x32xi32, #tpu.memory_space<vmem>> -> memref<32xi32, #tpu.memory_space<vmem>>
      %dma_start3A_719 = arith.constant 0 : i32
      %dma_start3A_720 = arith.constant 0 : i32
      %dma_start3A_721 = tpu.memref_slice %arg14[%dma_start3A_719, %dma_start3A_720] : memref<10240x128xf32, #tpu.memory_space<vmem_shared>> -> memref<10240x128xf32, #tpu.memory_space<vmem_shared>>
      %dma_start3A_722 = tpu.memref_slice %arg17[%dma_start3A_712] : memref<4x!tpu.dma_semaphore, #tpu.memory_space<semaphore_mem>> -> memref<1x!tpu.dma_semaphore, #tpu.memory_space<semaphore_mem>>
      %dma_start3A_723 = tpu.memref_squeeze %dma_start3A_722 : memref<1x!tpu.dma_semaphore, #tpu.memory_space<semaphore_mem>> -> memref<!tpu.dma_semaphore, #tpu.memory_space<semaphore_mem>>
      tpu.enqueue_indirect_dma source(%dma_start3A_715 : memref<32x128xf32, #tpu.memory_space<vmem>>) target(%dma_start3A_721 : memref<10240x128xf32, #tpu.memory_space<vmem_shared>>) offsets(%dma_start3A_718 : memref<32xi32, #tpu.memory_space<vmem>>) semaphore(%dma_start3A_723 : memref<!tpu.dma_semaphore, #tpu.memory_space<semaphore_mem>>) {add = true}
      %dma_start3A_724 = arith.constant 2 : i32
      %dma_start3A_725 = arith.constant 0 : i32
      %dma_start3A_726 = tpu.memref_slice %arg12[%dma_start3A_725] : memref<128xf32, #tpu.memory_space<vmem>> -> memref<32xf32, #tpu.memory_space<vmem>>
      %dma_start3A_727 = arith.constant 64 : i32
      %dma_start3A_728 = tpu.memref_slice %arg7[%scan3A_492, %dma_start3A_727] : memref<80x125xi32, #tpu.memory_space<vmem>> -> memref<1x32xi32, #tpu.memory_space<vmem>>
      %dma_start3A_729 = tpu.memref_squeeze %dma_start3A_728 : memref<1x32xi32, #tpu.memory_space<vmem>> -> memref<32xi32, #tpu.memory_space<vmem>>
      %dma_start3A_730 = arith.constant 0 : i32
      %dma_start3A_731 = tpu.memref_slice %arg15[%dma_start3A_730] : memref<10240xf32, #tpu.memory_space<vmem_shared>> -> memref<10240xf32, #tpu.memory_space<vmem_shared>>
      %dma_start3A_732 = tpu.memref_slice %arg18[%dma_start3A_724] : memref<4x!tpu.dma_semaphore, #tpu.memory_space<semaphore_mem>> -> memref<1x!tpu.dma_semaphore, #tpu.memory_space<semaphore_mem>>
      %dma_start3A_733 = tpu.memref_squeeze %dma_start3A_732 : memref<1x!tpu.dma_semaphore, #tpu.memory_space<semaphore_mem>> -> memref<!tpu.dma_semaphore, #tpu.memory_space<semaphore_mem>>
      tpu.enqueue_indirect_dma source(%dma_start3A_726 : memref<32xf32, #tpu.memory_space<vmem>>) target(%dma_start3A_731 : memref<10240xf32, #tpu.memory_space<vmem_shared>>) offsets(%dma_start3A_729 : memref<32xi32, #tpu.memory_space<vmem>>) semaphore(%dma_start3A_733 : memref<!tpu.dma_semaphore, #tpu.memory_space<semaphore_mem>>) {add = true}
      %dma_start3A_734 = arith.constant 2 : i32
      %dma_start3A_735 = arith.constant 0 : i32
      %dma_start3A_736 = arith.constant 0 : i32
      %dma_start3A_737 = tpu.memref_slice %arg10[%dma_start3A_735, %dma_start3A_736] : memref<32x128xf32, #tpu.memory_space<vmem>> -> memref<32x128xf32, #tpu.memory_space<vmem>>
      %dma_start3A_738 = arith.constant 64 : i32
      %dma_start3A_739 = arith.constant 0 : i32
      %dma_start3A_740 = tpu.memref_slice %arg6[%add3A, %scan3A_492, %dma_start3A_738, %dma_start3A_739] : memref<32x80x125x128xf32, #tpu.memory_space<hbm>> -> memref<1x1x32x128xf32, #tpu.memory_space<hbm>>
      %dma_start3A_741 = tpu.memref_squeeze %dma_start3A_740 : memref<1x1x32x128xf32, #tpu.memory_space<hbm>> -> memref<32x128xf32, #tpu.memory_space<hbm>>
      %dma_start3A_742 = tpu.memref_slice %arg19[%dma_start3A_734] : memref<4x!tpu.dma_semaphore, #tpu.memory_space<semaphore_mem>> -> memref<1x!tpu.dma_semaphore, #tpu.memory_space<semaphore_mem>>
      %dma_start3A_743 = tpu.memref_squeeze %dma_start3A_742 : memref<1x!tpu.dma_semaphore, #tpu.memory_space<semaphore_mem>> -> memref<!tpu.dma_semaphore, #tpu.memory_space<semaphore_mem>>
      %dma_start3A_744 = arith.constant 64 : i32
      %dma_start3A_745 = arith.constant 0 : i32
      %dma_start3A_746 = tpu.memref_slice %arg6[%add3A, %scan3A_492, %dma_start3A_744, %dma_start3A_745] : memref<32x80x125x128xf32, #tpu.memory_space<hbm>> -> memref<1x1x32x128xf32, #tpu.memory_space<hbm>>
      %dma_start3A_747 = tpu.memref_squeeze %dma_start3A_746 : memref<1x1x32x128xf32, #tpu.memory_space<hbm>> -> memref<32x128xf32, #tpu.memory_space<hbm>>
      %dma_start3A_748 = arith.constant 0 : i32
      %dma_start3A_749 = arith.constant 0 : i32
      %dma_start3A_750 = tpu.memref_slice %arg10[%dma_start3A_748, %dma_start3A_749] : memref<32x128xf32, #tpu.memory_space<vmem>> -> memref<32x128xf32, #tpu.memory_space<vmem>>
      tpu.enqueue_dma source(%dma_start3A_750 : memref<32x128xf32, #tpu.memory_space<vmem>>) target(%dma_start3A_747 : memref<32x128xf32, #tpu.memory_space<hbm>>) target_semaphore(%dma_start3A_743 : memref<!tpu.dma_semaphore, #tpu.memory_space<semaphore_mem>>)
      %dma_wait3A_751 = arith.constant 2 : i32
      %dma_wait3A_752 = arith.constant 0 : i32
      %dma_wait3A_753 = arith.constant 0 : i32
      %dma_wait3A_754 = tpu.memref_slice %arg10[%dma_wait3A_752, %dma_wait3A_753] : memref<32x128xf32, #tpu.memory_space<vmem>> -> memref<32x128xf32, #tpu.memory_space<vmem>>
      %dma_wait3A_755 = arith.constant 64 : i32
      %dma_wait3A_756 = tpu.memref_slice %arg7[%scan3A_492, %dma_wait3A_755] : memref<80x125xi32, #tpu.memory_space<vmem>> -> memref<1x32xi32, #tpu.memory_space<vmem>>
      %dma_wait3A_757 = tpu.memref_squeeze %dma_wait3A_756 : memref<1x32xi32, #tpu.memory_space<vmem>> -> memref<32xi32, #tpu.memory_space<vmem>>
      %dma_wait3A_758 = arith.constant 0 : i32
      %dma_wait3A_759 = arith.constant 0 : i32
      %dma_wait3A_760 = tpu.memref_slice %arg14[%dma_wait3A_758, %dma_wait3A_759] : memref<10240x128xf32, #tpu.memory_space<vmem_shared>> -> memref<10240x128xf32, #tpu.memory_space<vmem_shared>>
      %dma_wait3A_761 = tpu.memref_slice %arg17[%dma_wait3A_751] : memref<4x!tpu.dma_semaphore, #tpu.memory_space<semaphore_mem>> -> memref<1x!tpu.dma_semaphore, #tpu.memory_space<semaphore_mem>>
      %dma_wait3A_762 = tpu.memref_squeeze %dma_wait3A_761 : memref<1x!tpu.dma_semaphore, #tpu.memory_space<semaphore_mem>> -> memref<!tpu.dma_semaphore, #tpu.memory_space<semaphore_mem>>
      tpu.wait_indirect_dma semaphore(%dma_wait3A_762 : memref<!tpu.dma_semaphore, #tpu.memory_space<semaphore_mem>>) src(%dma_wait3A_754 : memref<32x128xf32, #tpu.memory_space<vmem>>) dst(%dma_wait3A_760 : memref<10240x128xf32, #tpu.memory_space<vmem_shared>>)
      %dma_wait3A_763 = arith.constant 2 : i32
      %dma_wait3A_764 = arith.constant 0 : i32
      %dma_wait3A_765 = tpu.memref_slice %arg12[%dma_wait3A_764] : memref<128xf32, #tpu.memory_space<vmem>> -> memref<32xf32, #tpu.memory_space<vmem>>
      %dma_wait3A_766 = arith.constant 64 : i32
      %dma_wait3A_767 = tpu.memref_slice %arg7[%scan3A_492, %dma_wait3A_766] : memref<80x125xi32, #tpu.memory_space<vmem>> -> memref<1x32xi32, #tpu.memory_space<vmem>>
      %dma_wait3A_768 = tpu.memref_squeeze %dma_wait3A_767 : memref<1x32xi32, #tpu.memory_space<vmem>> -> memref<32xi32, #tpu.memory_space<vmem>>
      %dma_wait3A_769 = arith.constant 0 : i32
      %dma_wait3A_770 = tpu.memref_slice %arg15[%dma_wait3A_769] : memref<10240xf32, #tpu.memory_space<vmem_shared>> -> memref<10240xf32, #tpu.memory_space<vmem_shared>>
      %dma_wait3A_771 = tpu.memref_slice %arg18[%dma_wait3A_763] : memref<4x!tpu.dma_semaphore, #tpu.memory_space<semaphore_mem>> -> memref<1x!tpu.dma_semaphore, #tpu.memory_space<semaphore_mem>>
      %dma_wait3A_772 = tpu.memref_squeeze %dma_wait3A_771 : memref<1x!tpu.dma_semaphore, #tpu.memory_space<semaphore_mem>> -> memref<!tpu.dma_semaphore, #tpu.memory_space<semaphore_mem>>
      tpu.wait_indirect_dma semaphore(%dma_wait3A_772 : memref<!tpu.dma_semaphore, #tpu.memory_space<semaphore_mem>>) src(%dma_wait3A_765 : memref<32xf32, #tpu.memory_space<vmem>>) dst(%dma_wait3A_770 : memref<10240xf32, #tpu.memory_space<vmem_shared>>)
      %dma_wait3A_773 = arith.constant 2 : i32
      %dma_wait3A_774 = arith.constant 0 : i32
      %dma_wait3A_775 = arith.constant 0 : i32
      %dma_wait3A_776 = tpu.memref_slice %arg10[%dma_wait3A_774, %dma_wait3A_775] : memref<32x128xf32, #tpu.memory_space<vmem>> -> memref<32x128xf32, #tpu.memory_space<vmem>>
      %dma_wait3A_777 = arith.constant 64 : i32
      %dma_wait3A_778 = arith.constant 0 : i32
      %dma_wait3A_779 = tpu.memref_slice %arg6[%add3A, %scan3A_492, %dma_wait3A_777, %dma_wait3A_778] : memref<32x80x125x128xf32, #tpu.memory_space<hbm>> -> memref<1x1x32x128xf32, #tpu.memory_space<hbm>>
      %dma_wait3A_780 = tpu.memref_squeeze %dma_wait3A_779 : memref<1x1x32x128xf32, #tpu.memory_space<hbm>> -> memref<32x128xf32, #tpu.memory_space<hbm>>
      %dma_wait3A_781 = tpu.memref_slice %arg19[%dma_wait3A_773] : memref<4x!tpu.dma_semaphore, #tpu.memory_space<semaphore_mem>> -> memref<1x!tpu.dma_semaphore, #tpu.memory_space<semaphore_mem>>
      %dma_wait3A_782 = tpu.memref_squeeze %dma_wait3A_781 : memref<1x!tpu.dma_semaphore, #tpu.memory_space<semaphore_mem>> -> memref<!tpu.dma_semaphore, #tpu.memory_space<semaphore_mem>>
      %dma_wait3A_783 = arith.constant 64 : i32
      %dma_wait3A_784 = arith.constant 0 : i32
      %dma_wait3A_785 = tpu.memref_slice %arg6[%add3A, %scan3A_492, %dma_wait3A_783, %dma_wait3A_784] : memref<32x80x125x128xf32, #tpu.memory_space<hbm>> -> memref<1x1x32x128xf32, #tpu.memory_space<hbm>>
      %dma_wait3A_786 = tpu.memref_squeeze %dma_wait3A_785 : memref<1x1x32x128xf32, #tpu.memory_space<hbm>> -> memref<32x128xf32, #tpu.memory_space<hbm>>
      %dma_wait3A_787 = arith.constant 0 : i32
      %dma_wait3A_788 = arith.constant 0 : i32
      %dma_wait3A_789 = tpu.memref_slice %arg10[%dma_wait3A_787, %dma_wait3A_788] : memref<32x128xf32, #tpu.memory_space<vmem>> -> memref<32x128xf32, #tpu.memory_space<vmem>>
      tpu.wait_dma2 semaphore(%dma_wait3A_782 : memref<!tpu.dma_semaphore, #tpu.memory_space<semaphore_mem>>) src(%dma_wait3A_789 : memref<32x128xf32, #tpu.memory_space<vmem>>) dst(%dma_wait3A_786 : memref<32x128xf32, #tpu.memory_space<hbm>>)
      %add3A_790 = arith.constant 1 : i32
      %add3A_791 = arith.addi %scan3A_492, %add3A_790 : i32
      %lt3A_792 = arith.constant 80 : i32
      %lt3A_793 = arith.cmpi slt, %add3A_791, %lt3A_792 : i32
      %convert_element_type3A_794 = arith.extui %lt3A_793 : i1 to i32
      %cond3A_795 = arith.constant 0 : i32
      %cond3A_796 = arith.cmpi ne, %convert_element_type3A_794, %cond3A_795 : i32
      scf.if %cond3A_796 {
        %add3A_900 = arith.constant 1 : i32
        %add3A_901 = arith.addi %scan3A_492, %add3A_900 : i32
        %dma_start3A_902 = arith.constant 2 : i32
        %dma_start3A_903 = arith.constant 0 : i32
        %dma_start3A_904 = arith.constant 0 : i32
        %dma_start3A_905 = tpu.memref_slice %arg10[%dma_start3A_903, %dma_start3A_904] : memref<32x128xf32, #tpu.memory_space<vmem>> -> memref<32x128xf32, #tpu.memory_space<vmem>>
        %dma_start3A_906 = arith.constant 64 : i32
        %dma_start3A_907 = arith.constant 0 : i32
        %dma_start3A_908 = tpu.memref_slice %arg2[%add3A, %add3A_901, %dma_start3A_906, %dma_start3A_907] : memref<32x80x125x128xf32, #tpu.memory_space<hbm>> -> memref<1x1x32x128xf32, #tpu.memory_space<hbm>>
        %dma_start3A_909 = tpu.memref_squeeze %dma_start3A_908 : memref<1x1x32x128xf32, #tpu.memory_space<hbm>> -> memref<32x128xf32, #tpu.memory_space<hbm>>
        %dma_start3A_910 = tpu.memref_slice %arg16[%dma_start3A_902] : memref<4x!tpu.dma_semaphore, #tpu.memory_space<semaphore_mem>> -> memref<1x!tpu.dma_semaphore, #tpu.memory_space<semaphore_mem>>
        %dma_start3A_911 = tpu.memref_squeeze %dma_start3A_910 : memref<1x!tpu.dma_semaphore, #tpu.memory_space<semaphore_mem>> -> memref<!tpu.dma_semaphore, #tpu.memory_space<semaphore_mem>>
        %dma_start3A_912 = arith.constant 0 : i32
        %dma_start3A_913 = arith.constant 0 : i32
        %dma_start3A_914 = tpu.memref_slice %arg10[%dma_start3A_912, %dma_start3A_913] : memref<32x128xf32, #tpu.memory_space<vmem>> -> memref<32x128xf32, #tpu.memory_space<vmem>>
        %dma_start3A_915 = arith.constant 64 : i32
        %dma_start3A_916 = arith.constant 0 : i32
        %dma_start3A_917 = tpu.memref_slice %arg2[%add3A, %add3A_901, %dma_start3A_915, %dma_start3A_916] : memref<32x80x125x128xf32, #tpu.memory_space<hbm>> -> memref<1x1x32x128xf32, #tpu.memory_space<hbm>>
        %dma_start3A_918 = tpu.memref_squeeze %dma_start3A_917 : memref<1x1x32x128xf32, #tpu.memory_space<hbm>> -> memref<32x128xf32, #tpu.memory_space<hbm>>
        tpu.enqueue_dma source(%dma_start3A_918 : memref<32x128xf32, #tpu.memory_space<hbm>>) target(%dma_start3A_914 : memref<32x128xf32, #tpu.memory_space<vmem>>) target_semaphore(%dma_start3A_911 : memref<!tpu.dma_semaphore, #tpu.memory_space<semaphore_mem>>)
      } else {
      }
      %dma_wait3A_797 = arith.constant 3 : i32
      %dma_wait3A_798 = arith.constant 0 : i32
      %dma_wait3A_799 = arith.constant 0 : i32
      %dma_wait3A_800 = tpu.memref_slice %arg11[%dma_wait3A_798, %dma_wait3A_799] : memref<32x128xf32, #tpu.memory_space<vmem>> -> memref<29x128xf32, #tpu.memory_space<vmem>>
      %dma_wait3A_801 = arith.constant 96 : i32
      %dma_wait3A_802 = arith.constant 0 : i32
      %dma_wait3A_803 = tpu.memref_slice %arg2[%add3A, %scan3A_492, %dma_wait3A_801, %dma_wait3A_802] : memref<32x80x125x128xf32, #tpu.memory_space<hbm>> -> memref<1x1x29x128xf32, #tpu.memory_space<hbm>>
      %dma_wait3A_804 = tpu.memref_squeeze %dma_wait3A_803 : memref<1x1x29x128xf32, #tpu.memory_space<hbm>> -> memref<29x128xf32, #tpu.memory_space<hbm>>
      %dma_wait3A_805 = tpu.memref_slice %arg16[%dma_wait3A_797] : memref<4x!tpu.dma_semaphore, #tpu.memory_space<semaphore_mem>> -> memref<1x!tpu.dma_semaphore, #tpu.memory_space<semaphore_mem>>
      %dma_wait3A_806 = tpu.memref_squeeze %dma_wait3A_805 : memref<1x!tpu.dma_semaphore, #tpu.memory_space<semaphore_mem>> -> memref<!tpu.dma_semaphore, #tpu.memory_space<semaphore_mem>>
      %dma_wait3A_807 = arith.constant 0 : i32
      %dma_wait3A_808 = arith.constant 0 : i32
      %dma_wait3A_809 = tpu.memref_slice %arg11[%dma_wait3A_807, %dma_wait3A_808] : memref<32x128xf32, #tpu.memory_space<vmem>> -> memref<29x128xf32, #tpu.memory_space<vmem>>
      %dma_wait3A_810 = arith.constant 96 : i32
      %dma_wait3A_811 = arith.constant 0 : i32
      %dma_wait3A_812 = tpu.memref_slice %arg2[%add3A, %scan3A_492, %dma_wait3A_810, %dma_wait3A_811] : memref<32x80x125x128xf32, #tpu.memory_space<hbm>> -> memref<1x1x29x128xf32, #tpu.memory_space<hbm>>
      %dma_wait3A_813 = tpu.memref_squeeze %dma_wait3A_812 : memref<1x1x29x128xf32, #tpu.memory_space<hbm>> -> memref<29x128xf32, #tpu.memory_space<hbm>>
      tpu.wait_dma2 semaphore(%dma_wait3A_806 : memref<!tpu.dma_semaphore, #tpu.memory_space<semaphore_mem>>) src(%dma_wait3A_813 : memref<29x128xf32, #tpu.memory_space<hbm>>) dst(%dma_wait3A_809 : memref<29x128xf32, #tpu.memory_space<vmem>>)
      %dma_start3A_814 = arith.constant 3 : i32
      %dma_start3A_815 = arith.constant 0 : i32
      %dma_start3A_816 = arith.constant 0 : i32
      %dma_start3A_817 = tpu.memref_slice %arg11[%dma_start3A_815, %dma_start3A_816] : memref<32x128xf32, #tpu.memory_space<vmem>> -> memref<29x128xf32, #tpu.memory_space<vmem>>
      %dma_start3A_818 = arith.constant 96 : i32
      %dma_start3A_819 = tpu.memref_slice %arg7[%scan3A_492, %dma_start3A_818] : memref<80x125xi32, #tpu.memory_space<vmem>> -> memref<1x29xi32, #tpu.memory_space<vmem>>
      %dma_start3A_820 = tpu.memref_squeeze %dma_start3A_819 : memref<1x29xi32, #tpu.memory_space<vmem>> -> memref<29xi32, #tpu.memory_space<vmem>>
      %dma_start3A_821 = arith.constant 0 : i32
      %dma_start3A_822 = arith.constant 0 : i32
      %dma_start3A_823 = tpu.memref_slice %arg14[%dma_start3A_821, %dma_start3A_822] : memref<10240x128xf32, #tpu.memory_space<vmem_shared>> -> memref<10240x128xf32, #tpu.memory_space<vmem_shared>>
      %dma_start3A_824 = tpu.memref_slice %arg17[%dma_start3A_814] : memref<4x!tpu.dma_semaphore, #tpu.memory_space<semaphore_mem>> -> memref<1x!tpu.dma_semaphore, #tpu.memory_space<semaphore_mem>>
      %dma_start3A_825 = tpu.memref_squeeze %dma_start3A_824 : memref<1x!tpu.dma_semaphore, #tpu.memory_space<semaphore_mem>> -> memref<!tpu.dma_semaphore, #tpu.memory_space<semaphore_mem>>
      tpu.enqueue_indirect_dma source(%dma_start3A_817 : memref<29x128xf32, #tpu.memory_space<vmem>>) target(%dma_start3A_823 : memref<10240x128xf32, #tpu.memory_space<vmem_shared>>) offsets(%dma_start3A_820 : memref<29xi32, #tpu.memory_space<vmem>>) semaphore(%dma_start3A_825 : memref<!tpu.dma_semaphore, #tpu.memory_space<semaphore_mem>>) {add = true}
      %dma_start3A_826 = arith.constant 3 : i32
      %dma_start3A_827 = arith.constant 0 : i32
      %dma_start3A_828 = tpu.memref_slice %arg12[%dma_start3A_827] : memref<128xf32, #tpu.memory_space<vmem>> -> memref<29xf32, #tpu.memory_space<vmem>>
      %dma_start3A_829 = arith.constant 96 : i32
      %dma_start3A_830 = tpu.memref_slice %arg7[%scan3A_492, %dma_start3A_829] : memref<80x125xi32, #tpu.memory_space<vmem>> -> memref<1x29xi32, #tpu.memory_space<vmem>>
      %dma_start3A_831 = tpu.memref_squeeze %dma_start3A_830 : memref<1x29xi32, #tpu.memory_space<vmem>> -> memref<29xi32, #tpu.memory_space<vmem>>
      %dma_start3A_832 = arith.constant 0 : i32
      %dma_start3A_833 = tpu.memref_slice %arg15[%dma_start3A_832] : memref<10240xf32, #tpu.memory_space<vmem_shared>> -> memref<10240xf32, #tpu.memory_space<vmem_shared>>
      %dma_start3A_834 = tpu.memref_slice %arg18[%dma_start3A_826] : memref<4x!tpu.dma_semaphore, #tpu.memory_space<semaphore_mem>> -> memref<1x!tpu.dma_semaphore, #tpu.memory_space<semaphore_mem>>
      %dma_start3A_835 = tpu.memref_squeeze %dma_start3A_834 : memref<1x!tpu.dma_semaphore, #tpu.memory_space<semaphore_mem>> -> memref<!tpu.dma_semaphore, #tpu.memory_space<semaphore_mem>>
      tpu.enqueue_indirect_dma source(%dma_start3A_828 : memref<29xf32, #tpu.memory_space<vmem>>) target(%dma_start3A_833 : memref<10240xf32, #tpu.memory_space<vmem_shared>>) offsets(%dma_start3A_831 : memref<29xi32, #tpu.memory_space<vmem>>) semaphore(%dma_start3A_835 : memref<!tpu.dma_semaphore, #tpu.memory_space<semaphore_mem>>) {add = true}
      %dma_start3A_836 = arith.constant 3 : i32
      %dma_start3A_837 = arith.constant 0 : i32
      %dma_start3A_838 = arith.constant 0 : i32
      %dma_start3A_839 = tpu.memref_slice %arg11[%dma_start3A_837, %dma_start3A_838] : memref<32x128xf32, #tpu.memory_space<vmem>> -> memref<29x128xf32, #tpu.memory_space<vmem>>
      %dma_start3A_840 = arith.constant 96 : i32
      %dma_start3A_841 = arith.constant 0 : i32
      %dma_start3A_842 = tpu.memref_slice %arg6[%add3A, %scan3A_492, %dma_start3A_840, %dma_start3A_841] : memref<32x80x125x128xf32, #tpu.memory_space<hbm>> -> memref<1x1x29x128xf32, #tpu.memory_space<hbm>>
      %dma_start3A_843 = tpu.memref_squeeze %dma_start3A_842 : memref<1x1x29x128xf32, #tpu.memory_space<hbm>> -> memref<29x128xf32, #tpu.memory_space<hbm>>
      %dma_start3A_844 = tpu.memref_slice %arg19[%dma_start3A_836] : memref<4x!tpu.dma_semaphore, #tpu.memory_space<semaphore_mem>> -> memref<1x!tpu.dma_semaphore, #tpu.memory_space<semaphore_mem>>
      %dma_start3A_845 = tpu.memref_squeeze %dma_start3A_844 : memref<1x!tpu.dma_semaphore, #tpu.memory_space<semaphore_mem>> -> memref<!tpu.dma_semaphore, #tpu.memory_space<semaphore_mem>>
      %dma_start3A_846 = arith.constant 96 : i32
      %dma_start3A_847 = arith.constant 0 : i32
      %dma_start3A_848 = tpu.memref_slice %arg6[%add3A, %scan3A_492, %dma_start3A_846, %dma_start3A_847] : memref<32x80x125x128xf32, #tpu.memory_space<hbm>> -> memref<1x1x29x128xf32, #tpu.memory_space<hbm>>
      %dma_start3A_849 = tpu.memref_squeeze %dma_start3A_848 : memref<1x1x29x128xf32, #tpu.memory_space<hbm>> -> memref<29x128xf32, #tpu.memory_space<hbm>>
      %dma_start3A_850 = arith.constant 0 : i32
      %dma_start3A_851 = arith.constant 0 : i32
      %dma_start3A_852 = tpu.memref_slice %arg11[%dma_start3A_850, %dma_start3A_851] : memref<32x128xf32, #tpu.memory_space<vmem>> -> memref<29x128xf32, #tpu.memory_space<vmem>>
      tpu.enqueue_dma source(%dma_start3A_852 : memref<29x128xf32, #tpu.memory_space<vmem>>) target(%dma_start3A_849 : memref<29x128xf32, #tpu.memory_space<hbm>>) target_semaphore(%dma_start3A_845 : memref<!tpu.dma_semaphore, #tpu.memory_space<semaphore_mem>>)
      %dma_wait3A_853 = arith.constant 3 : i32
      %dma_wait3A_854 = arith.constant 0 : i32
      %dma_wait3A_855 = arith.constant 0 : i32
      %dma_wait3A_856 = tpu.memref_slice %arg11[%dma_wait3A_854, %dma_wait3A_855] : memref<32x128xf32, #tpu.memory_space<vmem>> -> memref<29x128xf32, #tpu.memory_space<vmem>>
      %dma_wait3A_857 = arith.constant 96 : i32
      %dma_wait3A_858 = tpu.memref_slice %arg7[%scan3A_492, %dma_wait3A_857] : memref<80x125xi32, #tpu.memory_space<vmem>> -> memref<1x29xi32, #tpu.memory_space<vmem>>
      %dma_wait3A_859 = tpu.memref_squeeze %dma_wait3A_858 : memref<1x29xi32, #tpu.memory_space<vmem>> -> memref<29xi32, #tpu.memory_space<vmem>>
      %dma_wait3A_860 = arith.constant 0 : i32
      %dma_wait3A_861 = arith.constant 0 : i32
      %dma_wait3A_862 = tpu.memref_slice %arg14[%dma_wait3A_860, %dma_wait3A_861] : memref<10240x128xf32, #tpu.memory_space<vmem_shared>> -> memref<10240x128xf32, #tpu.memory_space<vmem_shared>>
      %dma_wait3A_863 = tpu.memref_slice %arg17[%dma_wait3A_853] : memref<4x!tpu.dma_semaphore, #tpu.memory_space<semaphore_mem>> -> memref<1x!tpu.dma_semaphore, #tpu.memory_space<semaphore_mem>>
      %dma_wait3A_864 = tpu.memref_squeeze %dma_wait3A_863 : memref<1x!tpu.dma_semaphore, #tpu.memory_space<semaphore_mem>> -> memref<!tpu.dma_semaphore, #tpu.memory_space<semaphore_mem>>
      tpu.wait_indirect_dma semaphore(%dma_wait3A_864 : memref<!tpu.dma_semaphore, #tpu.memory_space<semaphore_mem>>) src(%dma_wait3A_856 : memref<29x128xf32, #tpu.memory_space<vmem>>) dst(%dma_wait3A_862 : memref<10240x128xf32, #tpu.memory_space<vmem_shared>>)
      %dma_wait3A_865 = arith.constant 3 : i32
      %dma_wait3A_866 = arith.constant 0 : i32
      %dma_wait3A_867 = tpu.memref_slice %arg12[%dma_wait3A_866] : memref<128xf32, #tpu.memory_space<vmem>> -> memref<29xf32, #tpu.memory_space<vmem>>
      %dma_wait3A_868 = arith.constant 96 : i32
      %dma_wait3A_869 = tpu.memref_slice %arg7[%scan3A_492, %dma_wait3A_868] : memref<80x125xi32, #tpu.memory_space<vmem>> -> memref<1x29xi32, #tpu.memory_space<vmem>>
      %dma_wait3A_870 = tpu.memref_squeeze %dma_wait3A_869 : memref<1x29xi32, #tpu.memory_space<vmem>> -> memref<29xi32, #tpu.memory_space<vmem>>
      %dma_wait3A_871 = arith.constant 0 : i32
      %dma_wait3A_872 = tpu.memref_slice %arg15[%dma_wait3A_871] : memref<10240xf32, #tpu.memory_space<vmem_shared>> -> memref<10240xf32, #tpu.memory_space<vmem_shared>>
      %dma_wait3A_873 = tpu.memref_slice %arg18[%dma_wait3A_865] : memref<4x!tpu.dma_semaphore, #tpu.memory_space<semaphore_mem>> -> memref<1x!tpu.dma_semaphore, #tpu.memory_space<semaphore_mem>>
      %dma_wait3A_874 = tpu.memref_squeeze %dma_wait3A_873 : memref<1x!tpu.dma_semaphore, #tpu.memory_space<semaphore_mem>> -> memref<!tpu.dma_semaphore, #tpu.memory_space<semaphore_mem>>
      tpu.wait_indirect_dma semaphore(%dma_wait3A_874 : memref<!tpu.dma_semaphore, #tpu.memory_space<semaphore_mem>>) src(%dma_wait3A_867 : memref<29xf32, #tpu.memory_space<vmem>>) dst(%dma_wait3A_872 : memref<10240xf32, #tpu.memory_space<vmem_shared>>)
      %dma_wait3A_875 = arith.constant 3 : i32
      %dma_wait3A_876 = arith.constant 0 : i32
      %dma_wait3A_877 = arith.constant 0 : i32
      %dma_wait3A_878 = tpu.memref_slice %arg11[%dma_wait3A_876, %dma_wait3A_877] : memref<32x128xf32, #tpu.memory_space<vmem>> -> memref<29x128xf32, #tpu.memory_space<vmem>>
      %dma_wait3A_879 = arith.constant 96 : i32
      %dma_wait3A_880 = arith.constant 0 : i32
      %dma_wait3A_881 = tpu.memref_slice %arg6[%add3A, %scan3A_492, %dma_wait3A_879, %dma_wait3A_880] : memref<32x80x125x128xf32, #tpu.memory_space<hbm>> -> memref<1x1x29x128xf32, #tpu.memory_space<hbm>>
      %dma_wait3A_882 = tpu.memref_squeeze %dma_wait3A_881 : memref<1x1x29x128xf32, #tpu.memory_space<hbm>> -> memref<29x128xf32, #tpu.memory_space<hbm>>
      %dma_wait3A_883 = tpu.memref_slice %arg19[%dma_wait3A_875] : memref<4x!tpu.dma_semaphore, #tpu.memory_space<semaphore_mem>> -> memref<1x!tpu.dma_semaphore, #tpu.memory_space<semaphore_mem>>
      %dma_wait3A_884 = tpu.memref_squeeze %dma_wait3A_883 : memref<1x!tpu.dma_semaphore, #tpu.memory_space<semaphore_mem>> -> memref<!tpu.dma_semaphore, #tpu.memory_space<semaphore_mem>>
      %dma_wait3A_885 = arith.constant 96 : i32
      %dma_wait3A_886 = arith.constant 0 : i32
      %dma_wait3A_887 = tpu.memref_slice %arg6[%add3A, %scan3A_492, %dma_wait3A_885, %dma_wait3A_886] : memref<32x80x125x128xf32, #tpu.memory_space<hbm>> -> memref<1x1x29x128xf32, #tpu.memory_space<hbm>>
      %dma_wait3A_888 = tpu.memref_squeeze %dma_wait3A_887 : memref<1x1x29x128xf32, #tpu.memory_space<hbm>> -> memref<29x128xf32, #tpu.memory_space<hbm>>
      %dma_wait3A_889 = arith.constant 0 : i32
      %dma_wait3A_890 = arith.constant 0 : i32
      %dma_wait3A_891 = tpu.memref_slice %arg11[%dma_wait3A_889, %dma_wait3A_890] : memref<32x128xf32, #tpu.memory_space<vmem>> -> memref<29x128xf32, #tpu.memory_space<vmem>>
      tpu.wait_dma2 semaphore(%dma_wait3A_884 : memref<!tpu.dma_semaphore, #tpu.memory_space<semaphore_mem>>) src(%dma_wait3A_891 : memref<29x128xf32, #tpu.memory_space<vmem>>) dst(%dma_wait3A_888 : memref<29x128xf32, #tpu.memory_space<hbm>>)
      %add3A_892 = arith.constant 1 : i32
      %add3A_893 = arith.addi %scan3A_492, %add3A_892 : i32
      %lt3A_894 = arith.constant 80 : i32
      %lt3A_895 = arith.cmpi slt, %add3A_893, %lt3A_894 : i32
      %convert_element_type3A_896 = arith.extui %lt3A_895 : i1 to i32
      %cond3A_897 = arith.constant 0 : i32
      %cond3A_898 = arith.cmpi ne, %convert_element_type3A_896, %cond3A_897 : i32
      scf.if %cond3A_898 {
        %add3A_900 = arith.constant 1 : i32
        %add3A_901 = arith.addi %scan3A_492, %add3A_900 : i32
        %dma_start3A_902 = arith.constant 3 : i32
        %dma_start3A_903 = arith.constant 0 : i32
        %dma_start3A_904 = arith.constant 0 : i32
        %dma_start3A_905 = tpu.memref_slice %arg11[%dma_start3A_903, %dma_start3A_904] : memref<32x128xf32, #tpu.memory_space<vmem>> -> memref<29x128xf32, #tpu.memory_space<vmem>>
        %dma_start3A_906 = arith.constant 96 : i32
        %dma_start3A_907 = arith.constant 0 : i32
        %dma_start3A_908 = tpu.memref_slice %arg2[%add3A, %add3A_901, %dma_start3A_906, %dma_start3A_907] : memref<32x80x125x128xf32, #tpu.memory_space<hbm>> -> memref<1x1x29x128xf32, #tpu.memory_space<hbm>>
        %dma_start3A_909 = tpu.memref_squeeze %dma_start3A_908 : memref<1x1x29x128xf32, #tpu.memory_space<hbm>> -> memref<29x128xf32, #tpu.memory_space<hbm>>
        %dma_start3A_910 = tpu.memref_slice %arg16[%dma_start3A_902] : memref<4x!tpu.dma_semaphore, #tpu.memory_space<semaphore_mem>> -> memref<1x!tpu.dma_semaphore, #tpu.memory_space<semaphore_mem>>
        %dma_start3A_911 = tpu.memref_squeeze %dma_start3A_910 : memref<1x!tpu.dma_semaphore, #tpu.memory_space<semaphore_mem>> -> memref<!tpu.dma_semaphore, #tpu.memory_space<semaphore_mem>>
        %dma_start3A_912 = arith.constant 0 : i32
        %dma_start3A_913 = arith.constant 0 : i32
        %dma_start3A_914 = tpu.memref_slice %arg11[%dma_start3A_912, %dma_start3A_913] : memref<32x128xf32, #tpu.memory_space<vmem>> -> memref<29x128xf32, #tpu.memory_space<vmem>>
        %dma_start3A_915 = arith.constant 96 : i32
        %dma_start3A_916 = arith.constant 0 : i32
        %dma_start3A_917 = tpu.memref_slice %arg2[%add3A, %add3A_901, %dma_start3A_915, %dma_start3A_916] : memref<32x80x125x128xf32, #tpu.memory_space<hbm>> -> memref<1x1x29x128xf32, #tpu.memory_space<hbm>>
        %dma_start3A_918 = tpu.memref_squeeze %dma_start3A_917 : memref<1x1x29x128xf32, #tpu.memory_space<hbm>> -> memref<29x128xf32, #tpu.memory_space<hbm>>
        tpu.enqueue_dma source(%dma_start3A_918 : memref<29x128xf32, #tpu.memory_space<hbm>>) target(%dma_start3A_914 : memref<29x128xf32, #tpu.memory_space<vmem>>) target_semaphore(%dma_start3A_911 : memref<!tpu.dma_semaphore, #tpu.memory_space<semaphore_mem>>)
      } else {
      }
      %scan3A_899 = arith.constant 0 : i32
      scf.yield %scan3A_899 : i32
    }
    %scan3A_453 = arith.constant 80 : i32
    %barrier3A_454 = arith.constant 0 : index
    tpu.barrier barrier_id(%barrier3A_454)
    %mul3A_455 = arith.constant 640 : i32
    %mul3A_456 = arith.muli %arg1, %mul3A_455 : i32
    %mul3A_457 = arith.constant 640 : i32
    %mul3A_458 = arith.muli %arg1, %mul3A_457 : i32
    %dma_start3A_459 = arith.constant 0 : i32
    %dma_start3A_460 = tpu.memref_slice %arg16[%dma_start3A_459] : memref<4x!tpu.dma_semaphore, #tpu.memory_space<semaphore_mem>> -> memref<1x!tpu.dma_semaphore, #tpu.memory_space<semaphore_mem>>
    %dma_start3A_461 = tpu.memref_squeeze %dma_start3A_460 : memref<1x!tpu.dma_semaphore, #tpu.memory_space<semaphore_mem>> -> memref<!tpu.dma_semaphore, #tpu.memory_space<semaphore_mem>>
    %dma_start3A_462 = arith.constant 0 : i32
    %dma_start3A_463 = tpu.memref_slice %arg4[%arg0, %mul3A_458, %dma_start3A_462] : memref<2x10240x128xf32, #tpu.memory_space<hbm>> -> memref<1x640x128xf32, #tpu.memory_space<hbm>>
    %dma_start3A_464 = tpu.memref_squeeze %dma_start3A_463 : memref<1x640x128xf32, #tpu.memory_space<hbm>> -> memref<640x128xf32, #tpu.memory_space<hbm>>
    %dma_start3A_465 = arith.constant 0 : i32
    %dma_start3A_466 = tpu.memref_slice %arg14[%mul3A_456, %dma_start3A_465] : memref<10240x128xf32, #tpu.memory_space<vmem_shared>> -> memref<640x128xf32, #tpu.memory_space<vmem_shared>>
    tpu.enqueue_dma source(%dma_start3A_466 : memref<640x128xf32, #tpu.memory_space<vmem_shared>>) target(%dma_start3A_464 : memref<640x128xf32, #tpu.memory_space<hbm>>) target_semaphore(%dma_start3A_461 : memref<!tpu.dma_semaphore, #tpu.memory_space<semaphore_mem>>)
    %mul3A_467 = arith.constant 640 : i32
    %mul3A_468 = arith.muli %arg1, %mul3A_467 : i32
    %mul3A_469 = arith.constant 10240 : i32
    %mul3A_470 = arith.muli %arg0, %mul3A_469 : i32
    %mul3A_471 = arith.constant 640 : i32
    %mul3A_472 = arith.muli %arg1, %mul3A_471 : i32
    %add3A_473 = arith.addi %mul3A_470, %mul3A_472 : i32
    %dma_start3A_474 = arith.constant 0 : i32
    %dma_start3A_475 = tpu.memref_slice %arg18[%dma_start3A_474] : memref<4x!tpu.dma_semaphore, #tpu.memory_space<semaphore_mem>> -> memref<1x!tpu.dma_semaphore, #tpu.memory_space<semaphore_mem>>
    %dma_start3A_476 = tpu.memref_squeeze %dma_start3A_475 : memref<1x!tpu.dma_semaphore, #tpu.memory_space<semaphore_mem>> -> memref<!tpu.dma_semaphore, #tpu.memory_space<semaphore_mem>>
    %dma_start3A_477 = tpu.memref_slice %arg5[%add3A_473] : memref<20480xf32, #tpu.memory_space<hbm>> -> memref<640xf32, #tpu.memory_space<hbm>>
    %dma_start3A_478 = tpu.memref_slice %arg15[%mul3A_468] : memref<10240xf32, #tpu.memory_space<vmem_shared>> -> memref<640xf32, #tpu.memory_space<vmem_shared>>
    tpu.enqueue_dma source(%dma_start3A_478 : memref<640xf32, #tpu.memory_space<vmem_shared>>) target(%dma_start3A_477 : memref<640xf32, #tpu.memory_space<hbm>>) target_semaphore(%dma_start3A_476 : memref<!tpu.dma_semaphore, #tpu.memory_space<semaphore_mem>>)
    %dma_wait3A_479 = arith.constant 0 : i32
    %dma_wait3A_480 = tpu.memref_slice %arg16[%dma_wait3A_479] : memref<4x!tpu.dma_semaphore, #tpu.memory_space<semaphore_mem>> -> memref<1x!tpu.dma_semaphore, #tpu.memory_space<semaphore_mem>>
    %dma_wait3A_481 = tpu.memref_squeeze %dma_wait3A_480 : memref<1x!tpu.dma_semaphore, #tpu.memory_space<semaphore_mem>> -> memref<!tpu.dma_semaphore, #tpu.memory_space<semaphore_mem>>
    %dma_wait3A_482 = arith.constant 0 : i32
    %dma_wait3A_483 = tpu.memref_slice %arg4[%arg0, %mul3A_458, %dma_wait3A_482] : memref<2x10240x128xf32, #tpu.memory_space<hbm>> -> memref<1x640x128xf32, #tpu.memory_space<hbm>>
    %dma_wait3A_484 = tpu.memref_squeeze %dma_wait3A_483 : memref<1x640x128xf32, #tpu.memory_space<hbm>> -> memref<640x128xf32, #tpu.memory_space<hbm>>
    %dma_wait3A_485 = arith.constant 0 : i32
    %dma_wait3A_486 = tpu.memref_slice %arg14[%mul3A_456, %dma_wait3A_485] : memref<10240x128xf32, #tpu.memory_space<vmem_shared>> -> memref<640x128xf32, #tpu.memory_space<vmem_shared>>
    tpu.wait_dma2 semaphore(%dma_wait3A_481 : memref<!tpu.dma_semaphore, #tpu.memory_space<semaphore_mem>>) src(%dma_wait3A_486 : memref<640x128xf32, #tpu.memory_space<vmem_shared>>) dst(%dma_wait3A_484 : memref<640x128xf32, #tpu.memory_space<hbm>>)
    %dma_wait3A_487 = arith.constant 0 : i32
    %dma_wait3A_488 = tpu.memref_slice %arg18[%dma_wait3A_487] : memref<4x!tpu.dma_semaphore, #tpu.memory_space<semaphore_mem>> -> memref<1x!tpu.dma_semaphore, #tpu.memory_space<semaphore_mem>>
    %dma_wait3A_489 = tpu.memref_squeeze %dma_wait3A_488 : memref<1x!tpu.dma_semaphore, #tpu.memory_space<semaphore_mem>> -> memref<!tpu.dma_semaphore, #tpu.memory_space<semaphore_mem>>
    %dma_wait3A_490 = tpu.memref_slice %arg5[%add3A_473] : memref<20480xf32, #tpu.memory_space<hbm>> -> memref<640xf32, #tpu.memory_space<hbm>>
    %dma_wait3A_491 = tpu.memref_slice %arg15[%mul3A_468] : memref<10240xf32, #tpu.memory_space<vmem_shared>> -> memref<640xf32, #tpu.memory_space<vmem_shared>>
    tpu.wait_dma2 semaphore(%dma_wait3A_489 : memref<!tpu.dma_semaphore, #tpu.memory_space<semaphore_mem>>) src(%dma_wait3A_491 : memref<640xf32, #tpu.memory_space<vmem_shared>>) dst(%dma_wait3A_490 : memref<640xf32, #tpu.memory_space<hbm>>)
    return
  }
}

#map = affine_map<(d0, d1) -> (0, 0)>
#map1 = affine_map<(d0, d1) -> (0, 0, 0)>
module attributes {stable_mosaic.version = 14 : i64} {
  func.func @k(%arg0: i32, %arg1: i32, %arg2: memref<10000x128xf32, #tpu.memory_space<hbm>>, %arg3: memref<32x80x125xi32, #tpu.memory_space<hbm>>, %arg4: memref<32x80x125xi32, #tpu.memory_space<hbm>>, %arg5: memref<2x10240x128xf32, #tpu.memory_space<hbm>>, %arg6: memref<80x125xi32, #tpu.memory_space<vmem>>, %arg7: memref<80x125xi32, #tpu.memory_space<vmem>>, %arg8: memref<32x128xf32, #tpu.memory_space<vmem>>, %arg9: memref<32x128xf32, #tpu.memory_space<vmem>>, %arg10: memref<32x128xf32, #tpu.memory_space<vmem>>, %arg11: memref<32x128xf32, #tpu.memory_space<vmem>>, %arg12: memref<10240x128xf32, #tpu.memory_space<vmem_shared>>, %arg13: memref<4x!tpu.dma_semaphore, #tpu.memory_space<semaphore_mem>>, %arg14: memref<4x!tpu.dma_semaphore, #tpu.memory_space<semaphore_mem>>) attributes {dimension_semantics = [#tpu.dimension_semantics<core_parallel>, #tpu.dimension_semantics<subcore_parallel>], iteration_bounds = array<i64: 2, 16>, scalar_prefetch = 0 : i64, scratch_operands = 9 : i64, tpu.core_type = #tpu.core_type<sc_vector_subcore>, window_params = [{transform_indices = #map}, {transform_indices = #map1}, {transform_indices = #map1}, {transform_indices = #map1}]} {
    %mul3A = arith.constant 16 : i32
    %mul3A_0 = arith.muli %arg0, %mul3A : i32
    %add3A = arith.addi %mul3A_0, %arg1 : i32
    %scan3A = arith.constant 0 : i32
    %scan3A_1 = arith.constant 0 : i32
    %scan3A_2 = arith.constant 256 : i32
    %scan3A_3 = arith.addi %scan3A_1, %scan3A_2 : i32
    %scan3A_4 = arith.constant 1 : i32
    %scan3A_5 = scf.for %scan3A_435 = %scan3A_1 to %scan3A_3 step %scan3A_4 iter_args(%scan3A_436 = %scan3A) -> (i32)  : i32 {
      %jit3A = arith.constant 8 : i32
      %div3A = arith.divsi %scan3A_435, %jit3A : i32
      %sign3A = arith.constant 0 : i32
      %sign3A_437 = arith.cmpi sgt, %scan3A_435, %sign3A : i32
      %sign3A_438 = arith.extui %sign3A_437 : i1 to i32
      %sign3A_439 = arith.constant 0 : i32
      %sign3A_440 = arith.cmpi slt, %scan3A_435, %sign3A_439 : i32
      %sign3A_441 = arith.extui %sign3A_440 : i1 to i32
      %sign3A_442 = arith.subi %sign3A_438, %sign3A_441 : i32
      %sign3A_443 = arith.constant 0 : i32
      %sign3A_444 = arith.cmpi sgt, %jit3A, %sign3A_443 : i32
      %sign3A_445 = arith.extui %sign3A_444 : i1 to i32
      %sign3A_446 = arith.constant 0 : i32
      %sign3A_447 = arith.cmpi slt, %jit3A, %sign3A_446 : i32
      %sign3A_448 = arith.extui %sign3A_447 : i1 to i32
      %sign3A_449 = arith.subi %sign3A_445, %sign3A_448 : i32
      %ne3A = arith.cmpi ne, %sign3A_442, %sign3A_449 : i32
      %rem3A = arith.remsi %scan3A_435, %jit3A : i32
      %ne3A_450 = arith.constant 0 : i32
      %ne3A_451 = arith.cmpi ne, %rem3A, %ne3A_450 : i32
      %and3A = arith.andi %ne3A, %ne3A_451 : i1
      %sub3A = arith.constant 1 : i32
      %sub3A_452 = arith.subi %div3A, %sub3A : i32
      %select_n3A = arith.select %and3A, %sub3A_452, %div3A : i32
      %jit3A_453 = arith.constant 8 : i32
      %eq3A = arith.constant 0 : i32
      %eq3A_454 = arith.cmpi eq, %jit3A_453, %eq3A : i32
      %jit3A_455 = arith.constant 1 : i32
      %select_n3A_456 = arith.select %eq3A_454, %jit3A_455, %jit3A_453 : i32
      %rem3A_457 = arith.remsi %scan3A_435, %select_n3A_456 : i32
      %ne3A_458 = arith.constant 0 : i32
      %ne3A_459 = arith.cmpi ne, %rem3A_457, %ne3A_458 : i32
      %lt3A = arith.constant 0 : i32
      %lt3A_460 = arith.cmpi slt, %rem3A_457, %lt3A : i32
      %lt3A_461 = arith.constant 0 : i32
      %lt3A_462 = arith.cmpi slt, %select_n3A_456, %lt3A_461 : i32
      %ne3A_463 = arith.xori %lt3A_460, %lt3A_462 : i1
      %and3A_464 = arith.andi %ne3A_463, %ne3A_459 : i1
      %add3A_465 = arith.addi %rem3A_457, %select_n3A_456 : i32
      %select_n3A_466 = arith.select %and3A_464, %add3A_465, %rem3A_457 : i32
      %mul3A_467 = arith.constant 16 : i32
      %mul3A_468 = arith.muli %select_n3A_466, %mul3A_467 : i32
      %broadcast_in_dim3A = arith.constant 0.000000e+00 : f32
      %broadcast_in_dim3A_469 = vector.broadcast %broadcast_in_dim3A : f32 to vector<16xf32>
      %swap3A = arith.index_cast %select_n3A : i32 to index
      %swap3A_470 = arith.index_cast %mul3A_468 : i32 to index
      %swap3A_471 = tpu.vector_load %arg8[%swap3A, %swap3A_470] {strides = array<i32>} : memref<32x128xf32, #tpu.memory_space<vmem>>, vector<1x16xf32>,
      %swap3A_472 = vector.shape_cast %swap3A_471 : vector<1x16xf32> to vector<16xf32>
      %swap3A_473 = vector.shape_cast %broadcast_in_dim3A_469 : vector<16xf32> to vector<1x16xf32>
      tpu.vector_store %arg8[%swap3A, %swap3A_470], %swap3A_473 {strides = array<i32>} : memref<32x128xf32, #tpu.memory_space<vmem>>, vector<1x16xf32>,
      %scan3A_474 = arith.constant 0 : i32
      scf.yield %scan3A_474 : i32
    }
    %scan3A_6 = arith.constant 256 : i32
    %dma_start3A = arith.constant 0 : i32
    %dma_start3A_7 = arith.constant 0 : i32
    %dma_start3A_8 = arith.constant 0 : i32
    %dma_start3A_9 = tpu.memref_slice %arg3[%add3A, %dma_start3A_7, %dma_start3A_8] : memref<32x80x125xi32, #tpu.memory_space<hbm>> -> memref<1x80x125xi32, #tpu.memory_space<hbm>>
    %dma_start3A_10 = tpu.memref_squeeze %dma_start3A_9 : memref<1x80x125xi32, #tpu.memory_space<hbm>> -> memref<80x125xi32, #tpu.memory_space<hbm>>
    %dma_start3A_11 = tpu.memref_slice %arg14[%dma_start3A] : memref<4x!tpu.dma_semaphore, #tpu.memory_space<semaphore_mem>> -> memref<1x!tpu.dma_semaphore, #tpu.memory_space<semaphore_mem>>
    %dma_start3A_12 = tpu.memref_squeeze %dma_start3A_11 : memref<1x!tpu.dma_semaphore, #tpu.memory_space<semaphore_mem>> -> memref<!tpu.dma_semaphore, #tpu.memory_space<semaphore_mem>>
    %dma_start3A_13 = arith.constant 0 : i32
    %dma_start3A_14 = arith.constant 0 : i32
    %dma_start3A_15 = tpu.memref_slice %arg3[%add3A, %dma_start3A_13, %dma_start3A_14] : memref<32x80x125xi32, #tpu.memory_space<hbm>> -> memref<1x80x125xi32, #tpu.memory_space<hbm>>
    %dma_start3A_16 = tpu.memref_squeeze %dma_start3A_15 : memref<1x80x125xi32, #tpu.memory_space<hbm>> -> memref<80x125xi32, #tpu.memory_space<hbm>>
    tpu.enqueue_dma source(%dma_start3A_16 : memref<80x125xi32, #tpu.memory_space<hbm>>) target(%arg6 : memref<80x125xi32, #tpu.memory_space<vmem>>) target_semaphore(%dma_start3A_12 : memref<!tpu.dma_semaphore, #tpu.memory_space<semaphore_mem>>)
    %dma_start3A_17 = arith.constant 1 : i32
    %dma_start3A_18 = arith.constant 0 : i32
    %dma_start3A_19 = arith.constant 0 : i32
    %dma_start3A_20 = tpu.memref_slice %arg4[%add3A, %dma_start3A_18, %dma_start3A_19] : memref<32x80x125xi32, #tpu.memory_space<hbm>> -> memref<1x80x125xi32, #tpu.memory_space<hbm>>
    %dma_start3A_21 = tpu.memref_squeeze %dma_start3A_20 : memref<1x80x125xi32, #tpu.memory_space<hbm>> -> memref<80x125xi32, #tpu.memory_space<hbm>>
    %dma_start3A_22 = tpu.memref_slice %arg14[%dma_start3A_17] : memref<4x!tpu.dma_semaphore, #tpu.memory_space<semaphore_mem>> -> memref<1x!tpu.dma_semaphore, #tpu.memory_space<semaphore_mem>>
    %dma_start3A_23 = tpu.memref_squeeze %dma_start3A_22 : memref<1x!tpu.dma_semaphore, #tpu.memory_space<semaphore_mem>> -> memref<!tpu.dma_semaphore, #tpu.memory_space<semaphore_mem>>
    %dma_start3A_24 = arith.constant 0 : i32
    %dma_start3A_25 = arith.constant 0 : i32
    %dma_start3A_26 = tpu.memref_slice %arg4[%add3A, %dma_start3A_24, %dma_start3A_25] : memref<32x80x125xi32, #tpu.memory_space<hbm>> -> memref<1x80x125xi32, #tpu.memory_space<hbm>>
    %dma_start3A_27 = tpu.memref_squeeze %dma_start3A_26 : memref<1x80x125xi32, #tpu.memory_space<hbm>> -> memref<80x125xi32, #tpu.memory_space<hbm>>
    tpu.enqueue_dma source(%dma_start3A_27 : memref<80x125xi32, #tpu.memory_space<hbm>>) target(%arg7 : memref<80x125xi32, #tpu.memory_space<vmem>>) target_semaphore(%dma_start3A_23 : memref<!tpu.dma_semaphore, #tpu.memory_space<semaphore_mem>>)
    %mul3A_28 = arith.constant 640 : i32
    %mul3A_29 = arith.muli %arg1, %mul3A_28 : i32
    %add3A_30 = arith.constant 0 : i32
    %add3A_31 = arith.addi %mul3A_29, %add3A_30 : i32
    %dma_start3A_32 = arith.constant 0 : i32
    %dma_start3A_33 = arith.constant 0 : i32
    %dma_start3A_34 = tpu.memref_slice %arg12[%add3A_31, %dma_start3A_33] : memref<10240x128xf32, #tpu.memory_space<vmem_shared>> -> memref<32x128xf32, #tpu.memory_space<vmem_shared>>
    %dma_start3A_35 = tpu.memref_slice %arg13[%dma_start3A_32] : memref<4x!tpu.dma_semaphore, #tpu.memory_space<semaphore_mem>> -> memref<1x!tpu.dma_semaphore, #tpu.memory_space<semaphore_mem>>
    %dma_start3A_36 = tpu.memref_squeeze %dma_start3A_35 : memref<1x!tpu.dma_semaphore, #tpu.memory_space<semaphore_mem>> -> memref<!tpu.dma_semaphore, #tpu.memory_space<semaphore_mem>>
    %dma_start3A_37 = arith.constant 0 : i32
    %dma_start3A_38 = tpu.memref_slice %arg12[%add3A_31, %dma_start3A_37] : memref<10240x128xf32, #tpu.memory_space<vmem_shared>> -> memref<32x128xf32, #tpu.memory_space<vmem_shared>>
    tpu.enqueue_dma source(%arg8 : memref<32x128xf32, #tpu.memory_space<vmem>>) target(%dma_start3A_38 : memref<32x128xf32, #tpu.memory_space<vmem_shared>>) target_semaphore(%dma_start3A_36 : memref<!tpu.dma_semaphore, #tpu.memory_space<semaphore_mem>>)
    %add3A_39 = arith.constant 32 : i32
    %add3A_40 = arith.addi %mul3A_29, %add3A_39 : i32
    %dma_start3A_41 = arith.constant 0 : i32
    %dma_start3A_42 = arith.constant 0 : i32
    %dma_start3A_43 = tpu.memref_slice %arg12[%add3A_40, %dma_start3A_42] : memref<10240x128xf32, #tpu.memory_space<vmem_shared>> -> memref<32x128xf32, #tpu.memory_space<vmem_shared>>
    %dma_start3A_44 = tpu.memref_slice %arg13[%dma_start3A_41] : memref<4x!tpu.dma_semaphore, #tpu.memory_space<semaphore_mem>> -> memref<1x!tpu.dma_semaphore, #tpu.memory_space<semaphore_mem>>
    %dma_start3A_45 = tpu.memref_squeeze %dma_start3A_44 : memref<1x!tpu.dma_semaphore, #tpu.memory_space<semaphore_mem>> -> memref<!tpu.dma_semaphore, #tpu.memory_space<semaphore_mem>>
    %dma_start3A_46 = arith.constant 0 : i32
    %dma_start3A_47 = tpu.memref_slice %arg12[%add3A_40, %dma_start3A_46] : memref<10240x128xf32, #tpu.memory_space<vmem_shared>> -> memref<32x128xf32, #tpu.memory_space<vmem_shared>>
    tpu.enqueue_dma source(%arg8 : memref<32x128xf32, #tpu.memory_space<vmem>>) target(%dma_start3A_47 : memref<32x128xf32, #tpu.memory_space<vmem_shared>>) target_semaphore(%dma_start3A_45 : memref<!tpu.dma_semaphore, #tpu.memory_space<semaphore_mem>>)
    %add3A_48 = arith.constant 64 : i32
    %add3A_49 = arith.addi %mul3A_29, %add3A_48 : i32
    %dma_start3A_50 = arith.constant 0 : i32
    %dma_start3A_51 = arith.constant 0 : i32
    %dma_start3A_52 = tpu.memref_slice %arg12[%add3A_49, %dma_start3A_51] : memref<10240x128xf32, #tpu.memory_space<vmem_shared>> -> memref<32x128xf32, #tpu.memory_space<vmem_shared>>
    %dma_start3A_53 = tpu.memref_slice %arg13[%dma_start3A_50] : memref<4x!tpu.dma_semaphore, #tpu.memory_space<semaphore_mem>> -> memref<1x!tpu.dma_semaphore, #tpu.memory_space<semaphore_mem>>
    %dma_start3A_54 = tpu.memref_squeeze %dma_start3A_53 : memref<1x!tpu.dma_semaphore, #tpu.memory_space<semaphore_mem>> -> memref<!tpu.dma_semaphore, #tpu.memory_space<semaphore_mem>>
    %dma_start3A_55 = arith.constant 0 : i32
    %dma_start3A_56 = tpu.memref_slice %arg12[%add3A_49, %dma_start3A_55] : memref<10240x128xf32, #tpu.memory_space<vmem_shared>> -> memref<32x128xf32, #tpu.memory_space<vmem_shared>>
    tpu.enqueue_dma source(%arg8 : memref<32x128xf32, #tpu.memory_space<vmem>>) target(%dma_start3A_56 : memref<32x128xf32, #tpu.memory_space<vmem_shared>>) target_semaphore(%dma_start3A_54 : memref<!tpu.dma_semaphore, #tpu.memory_space<semaphore_mem>>)
    %add3A_57 = arith.constant 96 : i32
    %add3A_58 = arith.addi %mul3A_29, %add3A_57 : i32
    %dma_start3A_59 = arith.constant 0 : i32
    %dma_start3A_60 = arith.constant 0 : i32
    %dma_start3A_61 = tpu.memref_slice %arg12[%add3A_58, %dma_start3A_60] : memref<10240x128xf32, #tpu.memory_space<vmem_shared>> -> memref<32x128xf32, #tpu.memory_space<vmem_shared>>
    %dma_start3A_62 = tpu.memref_slice %arg13[%dma_start3A_59] : memref<4x!tpu.dma_semaphore, #tpu.memory_space<semaphore_mem>> -> memref<1x!tpu.dma_semaphore, #tpu.memory_space<semaphore_mem>>
    %dma_start3A_63 = tpu.memref_squeeze %dma_start3A_62 : memref<1x!tpu.dma_semaphore, #tpu.memory_space<semaphore_mem>> -> memref<!tpu.dma_semaphore, #tpu.memory_space<semaphore_mem>>
    %dma_start3A_64 = arith.constant 0 : i32
    %dma_start3A_65 = tpu.memref_slice %arg12[%add3A_58, %dma_start3A_64] : memref<10240x128xf32, #tpu.memory_space<vmem_shared>> -> memref<32x128xf32, #tpu.memory_space<vmem_shared>>
    tpu.enqueue_dma source(%arg8 : memref<32x128xf32, #tpu.memory_space<vmem>>) target(%dma_start3A_65 : memref<32x128xf32, #tpu.memory_space<vmem_shared>>) target_semaphore(%dma_start3A_63 : memref<!tpu.dma_semaphore, #tpu.memory_space<semaphore_mem>>)
    %add3A_66 = arith.constant 128 : i32
    %add3A_67 = arith.addi %mul3A_29, %add3A_66 : i32
    %dma_start3A_68 = arith.constant 0 : i32
    %dma_start3A_69 = arith.constant 0 : i32
    %dma_start3A_70 = tpu.memref_slice %arg12[%add3A_67, %dma_start3A_69] : memref<10240x128xf32, #tpu.memory_space<vmem_shared>> -> memref<32x128xf32, #tpu.memory_space<vmem_shared>>
    %dma_start3A_71 = tpu.memref_slice %arg13[%dma_start3A_68] : memref<4x!tpu.dma_semaphore, #tpu.memory_space<semaphore_mem>> -> memref<1x!tpu.dma_semaphore, #tpu.memory_space<semaphore_mem>>
    %dma_start3A_72 = tpu.memref_squeeze %dma_start3A_71 : memref<1x!tpu.dma_semaphore, #tpu.memory_space<semaphore_mem>> -> memref<!tpu.dma_semaphore, #tpu.memory_space<semaphore_mem>>
    %dma_start3A_73 = arith.constant 0 : i32
    %dma_start3A_74 = tpu.memref_slice %arg12[%add3A_67, %dma_start3A_73] : memref<10240x128xf32, #tpu.memory_space<vmem_shared>> -> memref<32x128xf32, #tpu.memory_space<vmem_shared>>
    tpu.enqueue_dma source(%arg8 : memref<32x128xf32, #tpu.memory_space<vmem>>) target(%dma_start3A_74 : memref<32x128xf32, #tpu.memory_space<vmem_shared>>) target_semaphore(%dma_start3A_72 : memref<!tpu.dma_semaphore, #tpu.memory_space<semaphore_mem>>)
    %add3A_75 = arith.constant 160 : i32
    %add3A_76 = arith.addi %mul3A_29, %add3A_75 : i32
    %dma_start3A_77 = arith.constant 0 : i32
    %dma_start3A_78 = arith.constant 0 : i32
    %dma_start3A_79 = tpu.memref_slice %arg12[%add3A_76, %dma_start3A_78] : memref<10240x128xf32, #tpu.memory_space<vmem_shared>> -> memref<32x128xf32, #tpu.memory_space<vmem_shared>>
    %dma_start3A_80 = tpu.memref_slice %arg13[%dma_start3A_77] : memref<4x!tpu.dma_semaphore, #tpu.memory_space<semaphore_mem>> -> memref<1x!tpu.dma_semaphore, #tpu.memory_space<semaphore_mem>>
    %dma_start3A_81 = tpu.memref_squeeze %dma_start3A_80 : memref<1x!tpu.dma_semaphore, #tpu.memory_space<semaphore_mem>> -> memref<!tpu.dma_semaphore, #tpu.memory_space<semaphore_mem>>
    %dma_start3A_82 = arith.constant 0 : i32
    %dma_start3A_83 = tpu.memref_slice %arg12[%add3A_76, %dma_start3A_82] : memref<10240x128xf32, #tpu.memory_space<vmem_shared>> -> memref<32x128xf32, #tpu.memory_space<vmem_shared>>
    tpu.enqueue_dma source(%arg8 : memref<32x128xf32, #tpu.memory_space<vmem>>) target(%dma_start3A_83 : memref<32x128xf32, #tpu.memory_space<vmem_shared>>) target_semaphore(%dma_start3A_81 : memref<!tpu.dma_semaphore, #tpu.memory_space<semaphore_mem>>)
    %add3A_84 = arith.constant 192 : i32
    %add3A_85 = arith.addi %mul3A_29, %add3A_84 : i32
    %dma_start3A_86 = arith.constant 0 : i32
    %dma_start3A_87 = arith.constant 0 : i32
    %dma_start3A_88 = tpu.memref_slice %arg12[%add3A_85, %dma_start3A_87] : memref<10240x128xf32, #tpu.memory_space<vmem_shared>> -> memref<32x128xf32, #tpu.memory_space<vmem_shared>>
    %dma_start3A_89 = tpu.memref_slice %arg13[%dma_start3A_86] : memref<4x!tpu.dma_semaphore, #tpu.memory_space<semaphore_mem>> -> memref<1x!tpu.dma_semaphore, #tpu.memory_space<semaphore_mem>>
    %dma_start3A_90 = tpu.memref_squeeze %dma_start3A_89 : memref<1x!tpu.dma_semaphore, #tpu.memory_space<semaphore_mem>> -> memref<!tpu.dma_semaphore, #tpu.memory_space<semaphore_mem>>
    %dma_start3A_91 = arith.constant 0 : i32
    %dma_start3A_92 = tpu.memref_slice %arg12[%add3A_85, %dma_start3A_91] : memref<10240x128xf32, #tpu.memory_space<vmem_shared>> -> memref<32x128xf32, #tpu.memory_space<vmem_shared>>
    tpu.enqueue_dma source(%arg8 : memref<32x128xf32, #tpu.memory_space<vmem>>) target(%dma_start3A_92 : memref<32x128xf32, #tpu.memory_space<vmem_shared>>) target_semaphore(%dma_start3A_90 : memref<!tpu.dma_semaphore, #tpu.memory_space<semaphore_mem>>)
    %add3A_93 = arith.constant 224 : i32
    %add3A_94 = arith.addi %mul3A_29, %add3A_93 : i32
    %dma_start3A_95 = arith.constant 0 : i32
    %dma_start3A_96 = arith.constant 0 : i32
    %dma_start3A_97 = tpu.memref_slice %arg12[%add3A_94, %dma_start3A_96] : memref<10240x128xf32, #tpu.memory_space<vmem_shared>> -> memref<32x128xf32, #tpu.memory_space<vmem_shared>>
    %dma_start3A_98 = tpu.memref_slice %arg13[%dma_start3A_95] : memref<4x!tpu.dma_semaphore, #tpu.memory_space<semaphore_mem>> -> memref<1x!tpu.dma_semaphore, #tpu.memory_space<semaphore_mem>>
    %dma_start3A_99 = tpu.memref_squeeze %dma_start3A_98 : memref<1x!tpu.dma_semaphore, #tpu.memory_space<semaphore_mem>> -> memref<!tpu.dma_semaphore, #tpu.memory_space<semaphore_mem>>
    %dma_start3A_100 = arith.constant 0 : i32
    %dma_start3A_101 = tpu.memref_slice %arg12[%add3A_94, %dma_start3A_100] : memref<10240x128xf32, #tpu.memory_space<vmem_shared>> -> memref<32x128xf32, #tpu.memory_space<vmem_shared>>
    tpu.enqueue_dma source(%arg8 : memref<32x128xf32, #tpu.memory_space<vmem>>) target(%dma_start3A_101 : memref<32x128xf32, #tpu.memory_space<vmem_shared>>) target_semaphore(%dma_start3A_99 : memref<!tpu.dma_semaphore, #tpu.memory_space<semaphore_mem>>)
    %add3A_102 = arith.constant 256 : i32
    %add3A_103 = arith.addi %mul3A_29, %add3A_102 : i32
    %dma_start3A_104 = arith.constant 0 : i32
    %dma_start3A_105 = arith.constant 0 : i32
    %dma_start3A_106 = tpu.memref_slice %arg12[%add3A_103, %dma_start3A_105] : memref<10240x128xf32, #tpu.memory_space<vmem_shared>> -> memref<32x128xf32, #tpu.memory_space<vmem_shared>>
    %dma_start3A_107 = tpu.memref_slice %arg13[%dma_start3A_104] : memref<4x!tpu.dma_semaphore, #tpu.memory_space<semaphore_mem>> -> memref<1x!tpu.dma_semaphore, #tpu.memory_space<semaphore_mem>>
    %dma_start3A_108 = tpu.memref_squeeze %dma_start3A_107 : memref<1x!tpu.dma_semaphore, #tpu.memory_space<semaphore_mem>> -> memref<!tpu.dma_semaphore, #tpu.memory_space<semaphore_mem>>
    %dma_start3A_109 = arith.constant 0 : i32
    %dma_start3A_110 = tpu.memref_slice %arg12[%add3A_103, %dma_start3A_109] : memref<10240x128xf32, #tpu.memory_space<vmem_shared>> -> memref<32x128xf32, #tpu.memory_space<vmem_shared>>
    tpu.enqueue_dma source(%arg8 : memref<32x128xf32, #tpu.memory_space<vmem>>) target(%dma_start3A_110 : memref<32x128xf32, #tpu.memory_space<vmem_shared>>) target_semaphore(%dma_start3A_108 : memref<!tpu.dma_semaphore, #tpu.memory_space<semaphore_mem>>)
    %add3A_111 = arith.constant 288 : i32
    %add3A_112 = arith.addi %mul3A_29, %add3A_111 : i32
    %dma_start3A_113 = arith.constant 0 : i32
    %dma_start3A_114 = arith.constant 0 : i32
    %dma_start3A_115 = tpu.memref_slice %arg12[%add3A_112, %dma_start3A_114] : memref<10240x128xf32, #tpu.memory_space<vmem_shared>> -> memref<32x128xf32, #tpu.memory_space<vmem_shared>>
    %dma_start3A_116 = tpu.memref_slice %arg13[%dma_start3A_113] : memref<4x!tpu.dma_semaphore, #tpu.memory_space<semaphore_mem>> -> memref<1x!tpu.dma_semaphore, #tpu.memory_space<semaphore_mem>>
    %dma_start3A_117 = tpu.memref_squeeze %dma_start3A_116 : memref<1x!tpu.dma_semaphore, #tpu.memory_space<semaphore_mem>> -> memref<!tpu.dma_semaphore, #tpu.memory_space<semaphore_mem>>
    %dma_start3A_118 = arith.constant 0 : i32
    %dma_start3A_119 = tpu.memref_slice %arg12[%add3A_112, %dma_start3A_118] : memref<10240x128xf32, #tpu.memory_space<vmem_shared>> -> memref<32x128xf32, #tpu.memory_space<vmem_shared>>
    tpu.enqueue_dma source(%arg8 : memref<32x128xf32, #tpu.memory_space<vmem>>) target(%dma_start3A_119 : memref<32x128xf32, #tpu.memory_space<vmem_shared>>) target_semaphore(%dma_start3A_117 : memref<!tpu.dma_semaphore, #tpu.memory_space<semaphore_mem>>)
    %add3A_120 = arith.constant 320 : i32
    %add3A_121 = arith.addi %mul3A_29, %add3A_120 : i32
    %dma_start3A_122 = arith.constant 0 : i32
    %dma_start3A_123 = arith.constant 0 : i32
    %dma_start3A_124 = tpu.memref_slice %arg12[%add3A_121, %dma_start3A_123] : memref<10240x128xf32, #tpu.memory_space<vmem_shared>> -> memref<32x128xf32, #tpu.memory_space<vmem_shared>>
    %dma_start3A_125 = tpu.memref_slice %arg13[%dma_start3A_122] : memref<4x!tpu.dma_semaphore, #tpu.memory_space<semaphore_mem>> -> memref<1x!tpu.dma_semaphore, #tpu.memory_space<semaphore_mem>>
    %dma_start3A_126 = tpu.memref_squeeze %dma_start3A_125 : memref<1x!tpu.dma_semaphore, #tpu.memory_space<semaphore_mem>> -> memref<!tpu.dma_semaphore, #tpu.memory_space<semaphore_mem>>
    %dma_start3A_127 = arith.constant 0 : i32
    %dma_start3A_128 = tpu.memref_slice %arg12[%add3A_121, %dma_start3A_127] : memref<10240x128xf32, #tpu.memory_space<vmem_shared>> -> memref<32x128xf32, #tpu.memory_space<vmem_shared>>
    tpu.enqueue_dma source(%arg8 : memref<32x128xf32, #tpu.memory_space<vmem>>) target(%dma_start3A_128 : memref<32x128xf32, #tpu.memory_space<vmem_shared>>) target_semaphore(%dma_start3A_126 : memref<!tpu.dma_semaphore, #tpu.memory_space<semaphore_mem>>)
    %add3A_129 = arith.constant 352 : i32
    %add3A_130 = arith.addi %mul3A_29, %add3A_129 : i32
    %dma_start3A_131 = arith.constant 0 : i32
    %dma_start3A_132 = arith.constant 0 : i32
    %dma_start3A_133 = tpu.memref_slice %arg12[%add3A_130, %dma_start3A_132] : memref<10240x128xf32, #tpu.memory_space<vmem_shared>> -> memref<32x128xf32, #tpu.memory_space<vmem_shared>>
    %dma_start3A_134 = tpu.memref_slice %arg13[%dma_start3A_131] : memref<4x!tpu.dma_semaphore, #tpu.memory_space<semaphore_mem>> -> memref<1x!tpu.dma_semaphore, #tpu.memory_space<semaphore_mem>>
    %dma_start3A_135 = tpu.memref_squeeze %dma_start3A_134 : memref<1x!tpu.dma_semaphore, #tpu.memory_space<semaphore_mem>> -> memref<!tpu.dma_semaphore, #tpu.memory_space<semaphore_mem>>
    %dma_start3A_136 = arith.constant 0 : i32
    %dma_start3A_137 = tpu.memref_slice %arg12[%add3A_130, %dma_start3A_136] : memref<10240x128xf32, #tpu.memory_space<vmem_shared>> -> memref<32x128xf32, #tpu.memory_space<vmem_shared>>
    tpu.enqueue_dma source(%arg8 : memref<32x128xf32, #tpu.memory_space<vmem>>) target(%dma_start3A_137 : memref<32x128xf32, #tpu.memory_space<vmem_shared>>) target_semaphore(%dma_start3A_135 : memref<!tpu.dma_semaphore, #tpu.memory_space<semaphore_mem>>)
    %add3A_138 = arith.constant 384 : i32
    %add3A_139 = arith.addi %mul3A_29, %add3A_138 : i32
    %dma_start3A_140 = arith.constant 0 : i32
    %dma_start3A_141 = arith.constant 0 : i32
    %dma_start3A_142 = tpu.memref_slice %arg12[%add3A_139, %dma_start3A_141] : memref<10240x128xf32, #tpu.memory_space<vmem_shared>> -> memref<32x128xf32, #tpu.memory_space<vmem_shared>>
    %dma_start3A_143 = tpu.memref_slice %arg13[%dma_start3A_140] : memref<4x!tpu.dma_semaphore, #tpu.memory_space<semaphore_mem>> -> memref<1x!tpu.dma_semaphore, #tpu.memory_space<semaphore_mem>>
    %dma_start3A_144 = tpu.memref_squeeze %dma_start3A_143 : memref<1x!tpu.dma_semaphore, #tpu.memory_space<semaphore_mem>> -> memref<!tpu.dma_semaphore, #tpu.memory_space<semaphore_mem>>
    %dma_start3A_145 = arith.constant 0 : i32
    %dma_start3A_146 = tpu.memref_slice %arg12[%add3A_139, %dma_start3A_145] : memref<10240x128xf32, #tpu.memory_space<vmem_shared>> -> memref<32x128xf32, #tpu.memory_space<vmem_shared>>
    tpu.enqueue_dma source(%arg8 : memref<32x128xf32, #tpu.memory_space<vmem>>) target(%dma_start3A_146 : memref<32x128xf32, #tpu.memory_space<vmem_shared>>) target_semaphore(%dma_start3A_144 : memref<!tpu.dma_semaphore, #tpu.memory_space<semaphore_mem>>)
    %add3A_147 = arith.constant 416 : i32
    %add3A_148 = arith.addi %mul3A_29, %add3A_147 : i32
    %dma_start3A_149 = arith.constant 0 : i32
    %dma_start3A_150 = arith.constant 0 : i32
    %dma_start3A_151 = tpu.memref_slice %arg12[%add3A_148, %dma_start3A_150] : memref<10240x128xf32, #tpu.memory_space<vmem_shared>> -> memref<32x128xf32, #tpu.memory_space<vmem_shared>>
    %dma_start3A_152 = tpu.memref_slice %arg13[%dma_start3A_149] : memref<4x!tpu.dma_semaphore, #tpu.memory_space<semaphore_mem>> -> memref<1x!tpu.dma_semaphore, #tpu.memory_space<semaphore_mem>>
    %dma_start3A_153 = tpu.memref_squeeze %dma_start3A_152 : memref<1x!tpu.dma_semaphore, #tpu.memory_space<semaphore_mem>> -> memref<!tpu.dma_semaphore, #tpu.memory_space<semaphore_mem>>
    %dma_start3A_154 = arith.constant 0 : i32
    %dma_start3A_155 = tpu.memref_slice %arg12[%add3A_148, %dma_start3A_154] : memref<10240x128xf32, #tpu.memory_space<vmem_shared>> -> memref<32x128xf32, #tpu.memory_space<vmem_shared>>
    tpu.enqueue_dma source(%arg8 : memref<32x128xf32, #tpu.memory_space<vmem>>) target(%dma_start3A_155 : memref<32x128xf32, #tpu.memory_space<vmem_shared>>) target_semaphore(%dma_start3A_153 : memref<!tpu.dma_semaphore, #tpu.memory_space<semaphore_mem>>)
    %add3A_156 = arith.constant 448 : i32
    %add3A_157 = arith.addi %mul3A_29, %add3A_156 : i32
    %dma_start3A_158 = arith.constant 0 : i32
    %dma_start3A_159 = arith.constant 0 : i32
    %dma_start3A_160 = tpu.memref_slice %arg12[%add3A_157, %dma_start3A_159] : memref<10240x128xf32, #tpu.memory_space<vmem_shared>> -> memref<32x128xf32, #tpu.memory_space<vmem_shared>>
    %dma_start3A_161 = tpu.memref_slice %arg13[%dma_start3A_158] : memref<4x!tpu.dma_semaphore, #tpu.memory_space<semaphore_mem>> -> memref<1x!tpu.dma_semaphore, #tpu.memory_space<semaphore_mem>>
    %dma_start3A_162 = tpu.memref_squeeze %dma_start3A_161 : memref<1x!tpu.dma_semaphore, #tpu.memory_space<semaphore_mem>> -> memref<!tpu.dma_semaphore, #tpu.memory_space<semaphore_mem>>
    %dma_start3A_163 = arith.constant 0 : i32
    %dma_start3A_164 = tpu.memref_slice %arg12[%add3A_157, %dma_start3A_163] : memref<10240x128xf32, #tpu.memory_space<vmem_shared>> -> memref<32x128xf32, #tpu.memory_space<vmem_shared>>
    tpu.enqueue_dma source(%arg8 : memref<32x128xf32, #tpu.memory_space<vmem>>) target(%dma_start3A_164 : memref<32x128xf32, #tpu.memory_space<vmem_shared>>) target_semaphore(%dma_start3A_162 : memref<!tpu.dma_semaphore, #tpu.memory_space<semaphore_mem>>)
    %add3A_165 = arith.constant 480 : i32
    %add3A_166 = arith.addi %mul3A_29, %add3A_165 : i32
    %dma_start3A_167 = arith.constant 0 : i32
    %dma_start3A_168 = arith.constant 0 : i32
    %dma_start3A_169 = tpu.memref_slice %arg12[%add3A_166, %dma_start3A_168] : memref<10240x128xf32, #tpu.memory_space<vmem_shared>> -> memref<32x128xf32, #tpu.memory_space<vmem_shared>>
    %dma_start3A_170 = tpu.memref_slice %arg13[%dma_start3A_167] : memref<4x!tpu.dma_semaphore, #tpu.memory_space<semaphore_mem>> -> memref<1x!tpu.dma_semaphore, #tpu.memory_space<semaphore_mem>>
    %dma_start3A_171 = tpu.memref_squeeze %dma_start3A_170 : memref<1x!tpu.dma_semaphore, #tpu.memory_space<semaphore_mem>> -> memref<!tpu.dma_semaphore, #tpu.memory_space<semaphore_mem>>
    %dma_start3A_172 = arith.constant 0 : i32
    %dma_start3A_173 = tpu.memref_slice %arg12[%add3A_166, %dma_start3A_172] : memref<10240x128xf32, #tpu.memory_space<vmem_shared>> -> memref<32x128xf32, #tpu.memory_space<vmem_shared>>
    tpu.enqueue_dma source(%arg8 : memref<32x128xf32, #tpu.memory_space<vmem>>) target(%dma_start3A_173 : memref<32x128xf32, #tpu.memory_space<vmem_shared>>) target_semaphore(%dma_start3A_171 : memref<!tpu.dma_semaphore, #tpu.memory_space<semaphore_mem>>)
    %add3A_174 = arith.constant 512 : i32
    %add3A_175 = arith.addi %mul3A_29, %add3A_174 : i32
    %dma_start3A_176 = arith.constant 0 : i32
    %dma_start3A_177 = arith.constant 0 : i32
    %dma_start3A_178 = tpu.memref_slice %arg12[%add3A_175, %dma_start3A_177] : memref<10240x128xf32, #tpu.memory_space<vmem_shared>> -> memref<32x128xf32, #tpu.memory_space<vmem_shared>>
    %dma_start3A_179 = tpu.memref_slice %arg13[%dma_start3A_176] : memref<4x!tpu.dma_semaphore, #tpu.memory_space<semaphore_mem>> -> memref<1x!tpu.dma_semaphore, #tpu.memory_space<semaphore_mem>>
    %dma_start3A_180 = tpu.memref_squeeze %dma_start3A_179 : memref<1x!tpu.dma_semaphore, #tpu.memory_space<semaphore_mem>> -> memref<!tpu.dma_semaphore, #tpu.memory_space<semaphore_mem>>
    %dma_start3A_181 = arith.constant 0 : i32
    %dma_start3A_182 = tpu.memref_slice %arg12[%add3A_175, %dma_start3A_181] : memref<10240x128xf32, #tpu.memory_space<vmem_shared>> -> memref<32x128xf32, #tpu.memory_space<vmem_shared>>
    tpu.enqueue_dma source(%arg8 : memref<32x128xf32, #tpu.memory_space<vmem>>) target(%dma_start3A_182 : memref<32x128xf32, #tpu.memory_space<vmem_shared>>) target_semaphore(%dma_start3A_180 : memref<!tpu.dma_semaphore, #tpu.memory_space<semaphore_mem>>)
    %add3A_183 = arith.constant 544 : i32
    %add3A_184 = arith.addi %mul3A_29, %add3A_183 : i32
    %dma_start3A_185 = arith.constant 0 : i32
    %dma_start3A_186 = arith.constant 0 : i32
    %dma_start3A_187 = tpu.memref_slice %arg12[%add3A_184, %dma_start3A_186] : memref<10240x128xf32, #tpu.memory_space<vmem_shared>> -> memref<32x128xf32, #tpu.memory_space<vmem_shared>>
    %dma_start3A_188 = tpu.memref_slice %arg13[%dma_start3A_185] : memref<4x!tpu.dma_semaphore, #tpu.memory_space<semaphore_mem>> -> memref<1x!tpu.dma_semaphore, #tpu.memory_space<semaphore_mem>>
    %dma_start3A_189 = tpu.memref_squeeze %dma_start3A_188 : memref<1x!tpu.dma_semaphore, #tpu.memory_space<semaphore_mem>> -> memref<!tpu.dma_semaphore, #tpu.memory_space<semaphore_mem>>
    %dma_start3A_190 = arith.constant 0 : i32
    %dma_start3A_191 = tpu.memref_slice %arg12[%add3A_184, %dma_start3A_190] : memref<10240x128xf32, #tpu.memory_space<vmem_shared>> -> memref<32x128xf32, #tpu.memory_space<vmem_shared>>
    tpu.enqueue_dma source(%arg8 : memref<32x128xf32, #tpu.memory_space<vmem>>) target(%dma_start3A_191 : memref<32x128xf32, #tpu.memory_space<vmem_shared>>) target_semaphore(%dma_start3A_189 : memref<!tpu.dma_semaphore, #tpu.memory_space<semaphore_mem>>)
    %add3A_192 = arith.constant 576 : i32
    %add3A_193 = arith.addi %mul3A_29, %add3A_192 : i32
    %dma_start3A_194 = arith.constant 0 : i32
    %dma_start3A_195 = arith.constant 0 : i32
    %dma_start3A_196 = tpu.memref_slice %arg12[%add3A_193, %dma_start3A_195] : memref<10240x128xf32, #tpu.memory_space<vmem_shared>> -> memref<32x128xf32, #tpu.memory_space<vmem_shared>>
    %dma_start3A_197 = tpu.memref_slice %arg13[%dma_start3A_194] : memref<4x!tpu.dma_semaphore, #tpu.memory_space<semaphore_mem>> -> memref<1x!tpu.dma_semaphore, #tpu.memory_space<semaphore_mem>>
    %dma_start3A_198 = tpu.memref_squeeze %dma_start3A_197 : memref<1x!tpu.dma_semaphore, #tpu.memory_space<semaphore_mem>> -> memref<!tpu.dma_semaphore, #tpu.memory_space<semaphore_mem>>
    %dma_start3A_199 = arith.constant 0 : i32
    %dma_start3A_200 = tpu.memref_slice %arg12[%add3A_193, %dma_start3A_199] : memref<10240x128xf32, #tpu.memory_space<vmem_shared>> -> memref<32x128xf32, #tpu.memory_space<vmem_shared>>
    tpu.enqueue_dma source(%arg8 : memref<32x128xf32, #tpu.memory_space<vmem>>) target(%dma_start3A_200 : memref<32x128xf32, #tpu.memory_space<vmem_shared>>) target_semaphore(%dma_start3A_198 : memref<!tpu.dma_semaphore, #tpu.memory_space<semaphore_mem>>)
    %add3A_201 = arith.constant 608 : i32
    %add3A_202 = arith.addi %mul3A_29, %add3A_201 : i32
    %dma_start3A_203 = arith.constant 0 : i32
    %dma_start3A_204 = arith.constant 0 : i32
    %dma_start3A_205 = tpu.memref_slice %arg12[%add3A_202, %dma_start3A_204] : memref<10240x128xf32, #tpu.memory_space<vmem_shared>> -> memref<32x128xf32, #tpu.memory_space<vmem_shared>>
    %dma_start3A_206 = tpu.memref_slice %arg13[%dma_start3A_203] : memref<4x!tpu.dma_semaphore, #tpu.memory_space<semaphore_mem>> -> memref<1x!tpu.dma_semaphore, #tpu.memory_space<semaphore_mem>>
    %dma_start3A_207 = tpu.memref_squeeze %dma_start3A_206 : memref<1x!tpu.dma_semaphore, #tpu.memory_space<semaphore_mem>> -> memref<!tpu.dma_semaphore, #tpu.memory_space<semaphore_mem>>
    %dma_start3A_208 = arith.constant 0 : i32
    %dma_start3A_209 = tpu.memref_slice %arg12[%add3A_202, %dma_start3A_208] : memref<10240x128xf32, #tpu.memory_space<vmem_shared>> -> memref<32x128xf32, #tpu.memory_space<vmem_shared>>
    tpu.enqueue_dma source(%arg8 : memref<32x128xf32, #tpu.memory_space<vmem>>) target(%dma_start3A_209 : memref<32x128xf32, #tpu.memory_space<vmem_shared>>) target_semaphore(%dma_start3A_207 : memref<!tpu.dma_semaphore, #tpu.memory_space<semaphore_mem>>)
    %dma_wait3A = arith.constant 0 : i32
    %dma_wait3A_210 = arith.constant 0 : i32
    %dma_wait3A_211 = tpu.memref_slice %arg12[%add3A_31, %dma_wait3A_210] : memref<10240x128xf32, #tpu.memory_space<vmem_shared>> -> memref<32x128xf32, #tpu.memory_space<vmem_shared>>
    %dma_wait3A_212 = tpu.memref_slice %arg13[%dma_wait3A] : memref<4x!tpu.dma_semaphore, #tpu.memory_space<semaphore_mem>> -> memref<1x!tpu.dma_semaphore, #tpu.memory_space<semaphore_mem>>
    %dma_wait3A_213 = tpu.memref_squeeze %dma_wait3A_212 : memref<1x!tpu.dma_semaphore, #tpu.memory_space<semaphore_mem>> -> memref<!tpu.dma_semaphore, #tpu.memory_space<semaphore_mem>>
    %dma_wait3A_214 = arith.constant 0 : i32
    %dma_wait3A_215 = tpu.memref_slice %arg12[%add3A_31, %dma_wait3A_214] : memref<10240x128xf32, #tpu.memory_space<vmem_shared>> -> memref<32x128xf32, #tpu.memory_space<vmem_shared>>
    tpu.wait_dma2 semaphore(%dma_wait3A_213 : memref<!tpu.dma_semaphore, #tpu.memory_space<semaphore_mem>>) src(%arg8 : memref<32x128xf32, #tpu.memory_space<vmem>>) dst(%dma_wait3A_215 : memref<32x128xf32, #tpu.memory_space<vmem_shared>>)
    %dma_wait3A_216 = arith.constant 0 : i32
    %dma_wait3A_217 = arith.constant 0 : i32
    %dma_wait3A_218 = tpu.memref_slice %arg12[%add3A_40, %dma_wait3A_217] : memref<10240x128xf32, #tpu.memory_space<vmem_shared>> -> memref<32x128xf32, #tpu.memory_space<vmem_shared>>
    %dma_wait3A_219 = tpu.memref_slice %arg13[%dma_wait3A_216] : memref<4x!tpu.dma_semaphore, #tpu.memory_space<semaphore_mem>> -> memref<1x!tpu.dma_semaphore, #tpu.memory_space<semaphore_mem>>
    %dma_wait3A_220 = tpu.memref_squeeze %dma_wait3A_219 : memref<1x!tpu.dma_semaphore, #tpu.memory_space<semaphore_mem>> -> memref<!tpu.dma_semaphore, #tpu.memory_space<semaphore_mem>>
    %dma_wait3A_221 = arith.constant 0 : i32
    %dma_wait3A_222 = tpu.memref_slice %arg12[%add3A_40, %dma_wait3A_221] : memref<10240x128xf32, #tpu.memory_space<vmem_shared>> -> memref<32x128xf32, #tpu.memory_space<vmem_shared>>
    tpu.wait_dma2 semaphore(%dma_wait3A_220 : memref<!tpu.dma_semaphore, #tpu.memory_space<semaphore_mem>>) src(%arg8 : memref<32x128xf32, #tpu.memory_space<vmem>>) dst(%dma_wait3A_222 : memref<32x128xf32, #tpu.memory_space<vmem_shared>>)
    %dma_wait3A_223 = arith.constant 0 : i32
    %dma_wait3A_224 = arith.constant 0 : i32
    %dma_wait3A_225 = tpu.memref_slice %arg12[%add3A_49, %dma_wait3A_224] : memref<10240x128xf32, #tpu.memory_space<vmem_shared>> -> memref<32x128xf32, #tpu.memory_space<vmem_shared>>
    %dma_wait3A_226 = tpu.memref_slice %arg13[%dma_wait3A_223] : memref<4x!tpu.dma_semaphore, #tpu.memory_space<semaphore_mem>> -> memref<1x!tpu.dma_semaphore, #tpu.memory_space<semaphore_mem>>
    %dma_wait3A_227 = tpu.memref_squeeze %dma_wait3A_226 : memref<1x!tpu.dma_semaphore, #tpu.memory_space<semaphore_mem>> -> memref<!tpu.dma_semaphore, #tpu.memory_space<semaphore_mem>>
    %dma_wait3A_228 = arith.constant 0 : i32
    %dma_wait3A_229 = tpu.memref_slice %arg12[%add3A_49, %dma_wait3A_228] : memref<10240x128xf32, #tpu.memory_space<vmem_shared>> -> memref<32x128xf32, #tpu.memory_space<vmem_shared>>
    tpu.wait_dma2 semaphore(%dma_wait3A_227 : memref<!tpu.dma_semaphore, #tpu.memory_space<semaphore_mem>>) src(%arg8 : memref<32x128xf32, #tpu.memory_space<vmem>>) dst(%dma_wait3A_229 : memref<32x128xf32, #tpu.memory_space<vmem_shared>>)
    %dma_wait3A_230 = arith.constant 0 : i32
    %dma_wait3A_231 = arith.constant 0 : i32
    %dma_wait3A_232 = tpu.memref_slice %arg12[%add3A_58, %dma_wait3A_231] : memref<10240x128xf32, #tpu.memory_space<vmem_shared>> -> memref<32x128xf32, #tpu.memory_space<vmem_shared>>
    %dma_wait3A_233 = tpu.memref_slice %arg13[%dma_wait3A_230] : memref<4x!tpu.dma_semaphore, #tpu.memory_space<semaphore_mem>> -> memref<1x!tpu.dma_semaphore, #tpu.memory_space<semaphore_mem>>
    %dma_wait3A_234 = tpu.memref_squeeze %dma_wait3A_233 : memref<1x!tpu.dma_semaphore, #tpu.memory_space<semaphore_mem>> -> memref<!tpu.dma_semaphore, #tpu.memory_space<semaphore_mem>>
    %dma_wait3A_235 = arith.constant 0 : i32
    %dma_wait3A_236 = tpu.memref_slice %arg12[%add3A_58, %dma_wait3A_235] : memref<10240x128xf32, #tpu.memory_space<vmem_shared>> -> memref<32x128xf32, #tpu.memory_space<vmem_shared>>
    tpu.wait_dma2 semaphore(%dma_wait3A_234 : memref<!tpu.dma_semaphore, #tpu.memory_space<semaphore_mem>>) src(%arg8 : memref<32x128xf32, #tpu.memory_space<vmem>>) dst(%dma_wait3A_236 : memref<32x128xf32, #tpu.memory_space<vmem_shared>>)
    %dma_wait3A_237 = arith.constant 0 : i32
    %dma_wait3A_238 = arith.constant 0 : i32
    %dma_wait3A_239 = tpu.memref_slice %arg12[%add3A_67, %dma_wait3A_238] : memref<10240x128xf32, #tpu.memory_space<vmem_shared>> -> memref<32x128xf32, #tpu.memory_space<vmem_shared>>
    %dma_wait3A_240 = tpu.memref_slice %arg13[%dma_wait3A_237] : memref<4x!tpu.dma_semaphore, #tpu.memory_space<semaphore_mem>> -> memref<1x!tpu.dma_semaphore, #tpu.memory_space<semaphore_mem>>
    %dma_wait3A_241 = tpu.memref_squeeze %dma_wait3A_240 : memref<1x!tpu.dma_semaphore, #tpu.memory_space<semaphore_mem>> -> memref<!tpu.dma_semaphore, #tpu.memory_space<semaphore_mem>>
    %dma_wait3A_242 = arith.constant 0 : i32
    %dma_wait3A_243 = tpu.memref_slice %arg12[%add3A_67, %dma_wait3A_242] : memref<10240x128xf32, #tpu.memory_space<vmem_shared>> -> memref<32x128xf32, #tpu.memory_space<vmem_shared>>
    tpu.wait_dma2 semaphore(%dma_wait3A_241 : memref<!tpu.dma_semaphore, #tpu.memory_space<semaphore_mem>>) src(%arg8 : memref<32x128xf32, #tpu.memory_space<vmem>>) dst(%dma_wait3A_243 : memref<32x128xf32, #tpu.memory_space<vmem_shared>>)
    %dma_wait3A_244 = arith.constant 0 : i32
    %dma_wait3A_245 = arith.constant 0 : i32
    %dma_wait3A_246 = tpu.memref_slice %arg12[%add3A_76, %dma_wait3A_245] : memref<10240x128xf32, #tpu.memory_space<vmem_shared>> -> memref<32x128xf32, #tpu.memory_space<vmem_shared>>
    %dma_wait3A_247 = tpu.memref_slice %arg13[%dma_wait3A_244] : memref<4x!tpu.dma_semaphore, #tpu.memory_space<semaphore_mem>> -> memref<1x!tpu.dma_semaphore, #tpu.memory_space<semaphore_mem>>
    %dma_wait3A_248 = tpu.memref_squeeze %dma_wait3A_247 : memref<1x!tpu.dma_semaphore, #tpu.memory_space<semaphore_mem>> -> memref<!tpu.dma_semaphore, #tpu.memory_space<semaphore_mem>>
    %dma_wait3A_249 = arith.constant 0 : i32
    %dma_wait3A_250 = tpu.memref_slice %arg12[%add3A_76, %dma_wait3A_249] : memref<10240x128xf32, #tpu.memory_space<vmem_shared>> -> memref<32x128xf32, #tpu.memory_space<vmem_shared>>
    tpu.wait_dma2 semaphore(%dma_wait3A_248 : memref<!tpu.dma_semaphore, #tpu.memory_space<semaphore_mem>>) src(%arg8 : memref<32x128xf32, #tpu.memory_space<vmem>>) dst(%dma_wait3A_250 : memref<32x128xf32, #tpu.memory_space<vmem_shared>>)
    %dma_wait3A_251 = arith.constant 0 : i32
    %dma_wait3A_252 = arith.constant 0 : i32
    %dma_wait3A_253 = tpu.memref_slice %arg12[%add3A_85, %dma_wait3A_252] : memref<10240x128xf32, #tpu.memory_space<vmem_shared>> -> memref<32x128xf32, #tpu.memory_space<vmem_shared>>
    %dma_wait3A_254 = tpu.memref_slice %arg13[%dma_wait3A_251] : memref<4x!tpu.dma_semaphore, #tpu.memory_space<semaphore_mem>> -> memref<1x!tpu.dma_semaphore, #tpu.memory_space<semaphore_mem>>
    %dma_wait3A_255 = tpu.memref_squeeze %dma_wait3A_254 : memref<1x!tpu.dma_semaphore, #tpu.memory_space<semaphore_mem>> -> memref<!tpu.dma_semaphore, #tpu.memory_space<semaphore_mem>>
    %dma_wait3A_256 = arith.constant 0 : i32
    %dma_wait3A_257 = tpu.memref_slice %arg12[%add3A_85, %dma_wait3A_256] : memref<10240x128xf32, #tpu.memory_space<vmem_shared>> -> memref<32x128xf32, #tpu.memory_space<vmem_shared>>
    tpu.wait_dma2 semaphore(%dma_wait3A_255 : memref<!tpu.dma_semaphore, #tpu.memory_space<semaphore_mem>>) src(%arg8 : memref<32x128xf32, #tpu.memory_space<vmem>>) dst(%dma_wait3A_257 : memref<32x128xf32, #tpu.memory_space<vmem_shared>>)
    %dma_wait3A_258 = arith.constant 0 : i32
    %dma_wait3A_259 = arith.constant 0 : i32
    %dma_wait3A_260 = tpu.memref_slice %arg12[%add3A_94, %dma_wait3A_259] : memref<10240x128xf32, #tpu.memory_space<vmem_shared>> -> memref<32x128xf32, #tpu.memory_space<vmem_shared>>
    %dma_wait3A_261 = tpu.memref_slice %arg13[%dma_wait3A_258] : memref<4x!tpu.dma_semaphore, #tpu.memory_space<semaphore_mem>> -> memref<1x!tpu.dma_semaphore, #tpu.memory_space<semaphore_mem>>
    %dma_wait3A_262 = tpu.memref_squeeze %dma_wait3A_261 : memref<1x!tpu.dma_semaphore, #tpu.memory_space<semaphore_mem>> -> memref<!tpu.dma_semaphore, #tpu.memory_space<semaphore_mem>>
    %dma_wait3A_263 = arith.constant 0 : i32
    %dma_wait3A_264 = tpu.memref_slice %arg12[%add3A_94, %dma_wait3A_263] : memref<10240x128xf32, #tpu.memory_space<vmem_shared>> -> memref<32x128xf32, #tpu.memory_space<vmem_shared>>
    tpu.wait_dma2 semaphore(%dma_wait3A_262 : memref<!tpu.dma_semaphore, #tpu.memory_space<semaphore_mem>>) src(%arg8 : memref<32x128xf32, #tpu.memory_space<vmem>>) dst(%dma_wait3A_264 : memref<32x128xf32, #tpu.memory_space<vmem_shared>>)
    %dma_wait3A_265 = arith.constant 0 : i32
    %dma_wait3A_266 = arith.constant 0 : i32
    %dma_wait3A_267 = tpu.memref_slice %arg12[%add3A_103, %dma_wait3A_266] : memref<10240x128xf32, #tpu.memory_space<vmem_shared>> -> memref<32x128xf32, #tpu.memory_space<vmem_shared>>
    %dma_wait3A_268 = tpu.memref_slice %arg13[%dma_wait3A_265] : memref<4x!tpu.dma_semaphore, #tpu.memory_space<semaphore_mem>> -> memref<1x!tpu.dma_semaphore, #tpu.memory_space<semaphore_mem>>
    %dma_wait3A_269 = tpu.memref_squeeze %dma_wait3A_268 : memref<1x!tpu.dma_semaphore, #tpu.memory_space<semaphore_mem>> -> memref<!tpu.dma_semaphore, #tpu.memory_space<semaphore_mem>>
    %dma_wait3A_270 = arith.constant 0 : i32
    %dma_wait3A_271 = tpu.memref_slice %arg12[%add3A_103, %dma_wait3A_270] : memref<10240x128xf32, #tpu.memory_space<vmem_shared>> -> memref<32x128xf32, #tpu.memory_space<vmem_shared>>
    tpu.wait_dma2 semaphore(%dma_wait3A_269 : memref<!tpu.dma_semaphore, #tpu.memory_space<semaphore_mem>>) src(%arg8 : memref<32x128xf32, #tpu.memory_space<vmem>>) dst(%dma_wait3A_271 : memref<32x128xf32, #tpu.memory_space<vmem_shared>>)
    %dma_wait3A_272 = arith.constant 0 : i32
    %dma_wait3A_273 = arith.constant 0 : i32
    %dma_wait3A_274 = tpu.memref_slice %arg12[%add3A_112, %dma_wait3A_273] : memref<10240x128xf32, #tpu.memory_space<vmem_shared>> -> memref<32x128xf32, #tpu.memory_space<vmem_shared>>
    %dma_wait3A_275 = tpu.memref_slice %arg13[%dma_wait3A_272] : memref<4x!tpu.dma_semaphore, #tpu.memory_space<semaphore_mem>> -> memref<1x!tpu.dma_semaphore, #tpu.memory_space<semaphore_mem>>
    %dma_wait3A_276 = tpu.memref_squeeze %dma_wait3A_275 : memref<1x!tpu.dma_semaphore, #tpu.memory_space<semaphore_mem>> -> memref<!tpu.dma_semaphore, #tpu.memory_space<semaphore_mem>>
    %dma_wait3A_277 = arith.constant 0 : i32
    %dma_wait3A_278 = tpu.memref_slice %arg12[%add3A_112, %dma_wait3A_277] : memref<10240x128xf32, #tpu.memory_space<vmem_shared>> -> memref<32x128xf32, #tpu.memory_space<vmem_shared>>
    tpu.wait_dma2 semaphore(%dma_wait3A_276 : memref<!tpu.dma_semaphore, #tpu.memory_space<semaphore_mem>>) src(%arg8 : memref<32x128xf32, #tpu.memory_space<vmem>>) dst(%dma_wait3A_278 : memref<32x128xf32, #tpu.memory_space<vmem_shared>>)
    %dma_wait3A_279 = arith.constant 0 : i32
    %dma_wait3A_280 = arith.constant 0 : i32
    %dma_wait3A_281 = tpu.memref_slice %arg12[%add3A_121, %dma_wait3A_280] : memref<10240x128xf32, #tpu.memory_space<vmem_shared>> -> memref<32x128xf32, #tpu.memory_space<vmem_shared>>
    %dma_wait3A_282 = tpu.memref_slice %arg13[%dma_wait3A_279] : memref<4x!tpu.dma_semaphore, #tpu.memory_space<semaphore_mem>> -> memref<1x!tpu.dma_semaphore, #tpu.memory_space<semaphore_mem>>
    %dma_wait3A_283 = tpu.memref_squeeze %dma_wait3A_282 : memref<1x!tpu.dma_semaphore, #tpu.memory_space<semaphore_mem>> -> memref<!tpu.dma_semaphore, #tpu.memory_space<semaphore_mem>>
    %dma_wait3A_284 = arith.constant 0 : i32
    %dma_wait3A_285 = tpu.memref_slice %arg12[%add3A_121, %dma_wait3A_284] : memref<10240x128xf32, #tpu.memory_space<vmem_shared>> -> memref<32x128xf32, #tpu.memory_space<vmem_shared>>
    tpu.wait_dma2 semaphore(%dma_wait3A_283 : memref<!tpu.dma_semaphore, #tpu.memory_space<semaphore_mem>>) src(%arg8 : memref<32x128xf32, #tpu.memory_space<vmem>>) dst(%dma_wait3A_285 : memref<32x128xf32, #tpu.memory_space<vmem_shared>>)
    %dma_wait3A_286 = arith.constant 0 : i32
    %dma_wait3A_287 = arith.constant 0 : i32
    %dma_wait3A_288 = tpu.memref_slice %arg12[%add3A_130, %dma_wait3A_287] : memref<10240x128xf32, #tpu.memory_space<vmem_shared>> -> memref<32x128xf32, #tpu.memory_space<vmem_shared>>
    %dma_wait3A_289 = tpu.memref_slice %arg13[%dma_wait3A_286] : memref<4x!tpu.dma_semaphore, #tpu.memory_space<semaphore_mem>> -> memref<1x!tpu.dma_semaphore, #tpu.memory_space<semaphore_mem>>
    %dma_wait3A_290 = tpu.memref_squeeze %dma_wait3A_289 : memref<1x!tpu.dma_semaphore, #tpu.memory_space<semaphore_mem>> -> memref<!tpu.dma_semaphore, #tpu.memory_space<semaphore_mem>>
    %dma_wait3A_291 = arith.constant 0 : i32
    %dma_wait3A_292 = tpu.memref_slice %arg12[%add3A_130, %dma_wait3A_291] : memref<10240x128xf32, #tpu.memory_space<vmem_shared>> -> memref<32x128xf32, #tpu.memory_space<vmem_shared>>
    tpu.wait_dma2 semaphore(%dma_wait3A_290 : memref<!tpu.dma_semaphore, #tpu.memory_space<semaphore_mem>>) src(%arg8 : memref<32x128xf32, #tpu.memory_space<vmem>>) dst(%dma_wait3A_292 : memref<32x128xf32, #tpu.memory_space<vmem_shared>>)
    %dma_wait3A_293 = arith.constant 0 : i32
    %dma_wait3A_294 = arith.constant 0 : i32
    %dma_wait3A_295 = tpu.memref_slice %arg12[%add3A_139, %dma_wait3A_294] : memref<10240x128xf32, #tpu.memory_space<vmem_shared>> -> memref<32x128xf32, #tpu.memory_space<vmem_shared>>
    %dma_wait3A_296 = tpu.memref_slice %arg13[%dma_wait3A_293] : memref<4x!tpu.dma_semaphore, #tpu.memory_space<semaphore_mem>> -> memref<1x!tpu.dma_semaphore, #tpu.memory_space<semaphore_mem>>
    %dma_wait3A_297 = tpu.memref_squeeze %dma_wait3A_296 : memref<1x!tpu.dma_semaphore, #tpu.memory_space<semaphore_mem>> -> memref<!tpu.dma_semaphore, #tpu.memory_space<semaphore_mem>>
    %dma_wait3A_298 = arith.constant 0 : i32
    %dma_wait3A_299 = tpu.memref_slice %arg12[%add3A_139, %dma_wait3A_298] : memref<10240x128xf32, #tpu.memory_space<vmem_shared>> -> memref<32x128xf32, #tpu.memory_space<vmem_shared>>
    tpu.wait_dma2 semaphore(%dma_wait3A_297 : memref<!tpu.dma_semaphore, #tpu.memory_space<semaphore_mem>>) src(%arg8 : memref<32x128xf32, #tpu.memory_space<vmem>>) dst(%dma_wait3A_299 : memref<32x128xf32, #tpu.memory_space<vmem_shared>>)
    %dma_wait3A_300 = arith.constant 0 : i32
    %dma_wait3A_301 = arith.constant 0 : i32
    %dma_wait3A_302 = tpu.memref_slice %arg12[%add3A_148, %dma_wait3A_301] : memref<10240x128xf32, #tpu.memory_space<vmem_shared>> -> memref<32x128xf32, #tpu.memory_space<vmem_shared>>
    %dma_wait3A_303 = tpu.memref_slice %arg13[%dma_wait3A_300] : memref<4x!tpu.dma_semaphore, #tpu.memory_space<semaphore_mem>> -> memref<1x!tpu.dma_semaphore, #tpu.memory_space<semaphore_mem>>
    %dma_wait3A_304 = tpu.memref_squeeze %dma_wait3A_303 : memref<1x!tpu.dma_semaphore, #tpu.memory_space<semaphore_mem>> -> memref<!tpu.dma_semaphore, #tpu.memory_space<semaphore_mem>>
    %dma_wait3A_305 = arith.constant 0 : i32
    %dma_wait3A_306 = tpu.memref_slice %arg12[%add3A_148, %dma_wait3A_305] : memref<10240x128xf32, #tpu.memory_space<vmem_shared>> -> memref<32x128xf32, #tpu.memory_space<vmem_shared>>
    tpu.wait_dma2 semaphore(%dma_wait3A_304 : memref<!tpu.dma_semaphore, #tpu.memory_space<semaphore_mem>>) src(%arg8 : memref<32x128xf32, #tpu.memory_space<vmem>>) dst(%dma_wait3A_306 : memref<32x128xf32, #tpu.memory_space<vmem_shared>>)
    %dma_wait3A_307 = arith.constant 0 : i32
    %dma_wait3A_308 = arith.constant 0 : i32
    %dma_wait3A_309 = tpu.memref_slice %arg12[%add3A_157, %dma_wait3A_308] : memref<10240x128xf32, #tpu.memory_space<vmem_shared>> -> memref<32x128xf32, #tpu.memory_space<vmem_shared>>
    %dma_wait3A_310 = tpu.memref_slice %arg13[%dma_wait3A_307] : memref<4x!tpu.dma_semaphore, #tpu.memory_space<semaphore_mem>> -> memref<1x!tpu.dma_semaphore, #tpu.memory_space<semaphore_mem>>
    %dma_wait3A_311 = tpu.memref_squeeze %dma_wait3A_310 : memref<1x!tpu.dma_semaphore, #tpu.memory_space<semaphore_mem>> -> memref<!tpu.dma_semaphore, #tpu.memory_space<semaphore_mem>>
    %dma_wait3A_312 = arith.constant 0 : i32
    %dma_wait3A_313 = tpu.memref_slice %arg12[%add3A_157, %dma_wait3A_312] : memref<10240x128xf32, #tpu.memory_space<vmem_shared>> -> memref<32x128xf32, #tpu.memory_space<vmem_shared>>
    tpu.wait_dma2 semaphore(%dma_wait3A_311 : memref<!tpu.dma_semaphore, #tpu.memory_space<semaphore_mem>>) src(%arg8 : memref<32x128xf32, #tpu.memory_space<vmem>>) dst(%dma_wait3A_313 : memref<32x128xf32, #tpu.memory_space<vmem_shared>>)
    %dma_wait3A_314 = arith.constant 0 : i32
    %dma_wait3A_315 = arith.constant 0 : i32
    %dma_wait3A_316 = tpu.memref_slice %arg12[%add3A_166, %dma_wait3A_315] : memref<10240x128xf32, #tpu.memory_space<vmem_shared>> -> memref<32x128xf32, #tpu.memory_space<vmem_shared>>
    %dma_wait3A_317 = tpu.memref_slice %arg13[%dma_wait3A_314] : memref<4x!tpu.dma_semaphore, #tpu.memory_space<semaphore_mem>> -> memref<1x!tpu.dma_semaphore, #tpu.memory_space<semaphore_mem>>
    %dma_wait3A_318 = tpu.memref_squeeze %dma_wait3A_317 : memref<1x!tpu.dma_semaphore, #tpu.memory_space<semaphore_mem>> -> memref<!tpu.dma_semaphore, #tpu.memory_space<semaphore_mem>>
    %dma_wait3A_319 = arith.constant 0 : i32
    %dma_wait3A_320 = tpu.memref_slice %arg12[%add3A_166, %dma_wait3A_319] : memref<10240x128xf32, #tpu.memory_space<vmem_shared>> -> memref<32x128xf32, #tpu.memory_space<vmem_shared>>
    tpu.wait_dma2 semaphore(%dma_wait3A_318 : memref<!tpu.dma_semaphore, #tpu.memory_space<semaphore_mem>>) src(%arg8 : memref<32x128xf32, #tpu.memory_space<vmem>>) dst(%dma_wait3A_320 : memref<32x128xf32, #tpu.memory_space<vmem_shared>>)
    %dma_wait3A_321 = arith.constant 0 : i32
    %dma_wait3A_322 = arith.constant 0 : i32
    %dma_wait3A_323 = tpu.memref_slice %arg12[%add3A_175, %dma_wait3A_322] : memref<10240x128xf32, #tpu.memory_space<vmem_shared>> -> memref<32x128xf32, #tpu.memory_space<vmem_shared>>
    %dma_wait3A_324 = tpu.memref_slice %arg13[%dma_wait3A_321] : memref<4x!tpu.dma_semaphore, #tpu.memory_space<semaphore_mem>> -> memref<1x!tpu.dma_semaphore, #tpu.memory_space<semaphore_mem>>
    %dma_wait3A_325 = tpu.memref_squeeze %dma_wait3A_324 : memref<1x!tpu.dma_semaphore, #tpu.memory_space<semaphore_mem>> -> memref<!tpu.dma_semaphore, #tpu.memory_space<semaphore_mem>>
    %dma_wait3A_326 = arith.constant 0 : i32
    %dma_wait3A_327 = tpu.memref_slice %arg12[%add3A_175, %dma_wait3A_326] : memref<10240x128xf32, #tpu.memory_space<vmem_shared>> -> memref<32x128xf32, #tpu.memory_space<vmem_shared>>
    tpu.wait_dma2 semaphore(%dma_wait3A_325 : memref<!tpu.dma_semaphore, #tpu.memory_space<semaphore_mem>>) src(%arg8 : memref<32x128xf32, #tpu.memory_space<vmem>>) dst(%dma_wait3A_327 : memref<32x128xf32, #tpu.memory_space<vmem_shared>>)
    %dma_wait3A_328 = arith.constant 0 : i32
    %dma_wait3A_329 = arith.constant 0 : i32
    %dma_wait3A_330 = tpu.memref_slice %arg12[%add3A_184, %dma_wait3A_329] : memref<10240x128xf32, #tpu.memory_space<vmem_shared>> -> memref<32x128xf32, #tpu.memory_space<vmem_shared>>
    %dma_wait3A_331 = tpu.memref_slice %arg13[%dma_wait3A_328] : memref<4x!tpu.dma_semaphore, #tpu.memory_space<semaphore_mem>> -> memref<1x!tpu.dma_semaphore, #tpu.memory_space<semaphore_mem>>
    %dma_wait3A_332 = tpu.memref_squeeze %dma_wait3A_331 : memref<1x!tpu.dma_semaphore, #tpu.memory_space<semaphore_mem>> -> memref<!tpu.dma_semaphore, #tpu.memory_space<semaphore_mem>>
    %dma_wait3A_333 = arith.constant 0 : i32
    %dma_wait3A_334 = tpu.memref_slice %arg12[%add3A_184, %dma_wait3A_333] : memref<10240x128xf32, #tpu.memory_space<vmem_shared>> -> memref<32x128xf32, #tpu.memory_space<vmem_shared>>
    tpu.wait_dma2 semaphore(%dma_wait3A_332 : memref<!tpu.dma_semaphore, #tpu.memory_space<semaphore_mem>>) src(%arg8 : memref<32x128xf32, #tpu.memory_space<vmem>>) dst(%dma_wait3A_334 : memref<32x128xf32, #tpu.memory_space<vmem_shared>>)
    %dma_wait3A_335 = arith.constant 0 : i32
    %dma_wait3A_336 = arith.constant 0 : i32
    %dma_wait3A_337 = tpu.memref_slice %arg12[%add3A_193, %dma_wait3A_336] : memref<10240x128xf32, #tpu.memory_space<vmem_shared>> -> memref<32x128xf32, #tpu.memory_space<vmem_shared>>
    %dma_wait3A_338 = tpu.memref_slice %arg13[%dma_wait3A_335] : memref<4x!tpu.dma_semaphore, #tpu.memory_space<semaphore_mem>> -> memref<1x!tpu.dma_semaphore, #tpu.memory_space<semaphore_mem>>
    %dma_wait3A_339 = tpu.memref_squeeze %dma_wait3A_338 : memref<1x!tpu.dma_semaphore, #tpu.memory_space<semaphore_mem>> -> memref<!tpu.dma_semaphore, #tpu.memory_space<semaphore_mem>>
    %dma_wait3A_340 = arith.constant 0 : i32
    %dma_wait3A_341 = tpu.memref_slice %arg12[%add3A_193, %dma_wait3A_340] : memref<10240x128xf32, #tpu.memory_space<vmem_shared>> -> memref<32x128xf32, #tpu.memory_space<vmem_shared>>
    tpu.wait_dma2 semaphore(%dma_wait3A_339 : memref<!tpu.dma_semaphore, #tpu.memory_space<semaphore_mem>>) src(%arg8 : memref<32x128xf32, #tpu.memory_space<vmem>>) dst(%dma_wait3A_341 : memref<32x128xf32, #tpu.memory_space<vmem_shared>>)
    %dma_wait3A_342 = arith.constant 0 : i32
    %dma_wait3A_343 = arith.constant 0 : i32
    %dma_wait3A_344 = tpu.memref_slice %arg12[%add3A_202, %dma_wait3A_343] : memref<10240x128xf32, #tpu.memory_space<vmem_shared>> -> memref<32x128xf32, #tpu.memory_space<vmem_shared>>
    %dma_wait3A_345 = tpu.memref_slice %arg13[%dma_wait3A_342] : memref<4x!tpu.dma_semaphore, #tpu.memory_space<semaphore_mem>> -> memref<1x!tpu.dma_semaphore, #tpu.memory_space<semaphore_mem>>
    %dma_wait3A_346 = tpu.memref_squeeze %dma_wait3A_345 : memref<1x!tpu.dma_semaphore, #tpu.memory_space<semaphore_mem>> -> memref<!tpu.dma_semaphore, #tpu.memory_space<semaphore_mem>>
    %dma_wait3A_347 = arith.constant 0 : i32
    %dma_wait3A_348 = tpu.memref_slice %arg12[%add3A_202, %dma_wait3A_347] : memref<10240x128xf32, #tpu.memory_space<vmem_shared>> -> memref<32x128xf32, #tpu.memory_space<vmem_shared>>
    tpu.wait_dma2 semaphore(%dma_wait3A_346 : memref<!tpu.dma_semaphore, #tpu.memory_space<semaphore_mem>>) src(%arg8 : memref<32x128xf32, #tpu.memory_space<vmem>>) dst(%dma_wait3A_348 : memref<32x128xf32, #tpu.memory_space<vmem_shared>>)
    %dma_wait3A_349 = arith.constant 0 : i32
    %dma_wait3A_350 = arith.constant 0 : i32
    %dma_wait3A_351 = arith.constant 0 : i32
    %dma_wait3A_352 = tpu.memref_slice %arg3[%add3A, %dma_wait3A_350, %dma_wait3A_351] : memref<32x80x125xi32, #tpu.memory_space<hbm>> -> memref<1x80x125xi32, #tpu.memory_space<hbm>>
    %dma_wait3A_353 = tpu.memref_squeeze %dma_wait3A_352 : memref<1x80x125xi32, #tpu.memory_space<hbm>> -> memref<80x125xi32, #tpu.memory_space<hbm>>
    %dma_wait3A_354 = tpu.memref_slice %arg14[%dma_wait3A_349] : memref<4x!tpu.dma_semaphore, #tpu.memory_space<semaphore_mem>> -> memref<1x!tpu.dma_semaphore, #tpu.memory_space<semaphore_mem>>
    %dma_wait3A_355 = tpu.memref_squeeze %dma_wait3A_354 : memref<1x!tpu.dma_semaphore, #tpu.memory_space<semaphore_mem>> -> memref<!tpu.dma_semaphore, #tpu.memory_space<semaphore_mem>>
    %dma_wait3A_356 = arith.constant 0 : i32
    %dma_wait3A_357 = arith.constant 0 : i32
    %dma_wait3A_358 = tpu.memref_slice %arg3[%add3A, %dma_wait3A_356, %dma_wait3A_357] : memref<32x80x125xi32, #tpu.memory_space<hbm>> -> memref<1x80x125xi32, #tpu.memory_space<hbm>>
    %dma_wait3A_359 = tpu.memref_squeeze %dma_wait3A_358 : memref<1x80x125xi32, #tpu.memory_space<hbm>> -> memref<80x125xi32, #tpu.memory_space<hbm>>
    tpu.wait_dma2 semaphore(%dma_wait3A_355 : memref<!tpu.dma_semaphore, #tpu.memory_space<semaphore_mem>>) src(%dma_wait3A_359 : memref<80x125xi32, #tpu.memory_space<hbm>>) dst(%arg6 : memref<80x125xi32, #tpu.memory_space<vmem>>)
    %dma_wait3A_360 = arith.constant 1 : i32
    %dma_wait3A_361 = arith.constant 0 : i32
    %dma_wait3A_362 = arith.constant 0 : i32
    %dma_wait3A_363 = tpu.memref_slice %arg4[%add3A, %dma_wait3A_361, %dma_wait3A_362] : memref<32x80x125xi32, #tpu.memory_space<hbm>> -> memref<1x80x125xi32, #tpu.memory_space<hbm>>
    %dma_wait3A_364 = tpu.memref_squeeze %dma_wait3A_363 : memref<1x80x125xi32, #tpu.memory_space<hbm>> -> memref<80x125xi32, #tpu.memory_space<hbm>>
    %dma_wait3A_365 = tpu.memref_slice %arg14[%dma_wait3A_360] : memref<4x!tpu.dma_semaphore, #tpu.memory_space<semaphore_mem>> -> memref<1x!tpu.dma_semaphore, #tpu.memory_space<semaphore_mem>>
    %dma_wait3A_366 = tpu.memref_squeeze %dma_wait3A_365 : memref<1x!tpu.dma_semaphore, #tpu.memory_space<semaphore_mem>> -> memref<!tpu.dma_semaphore, #tpu.memory_space<semaphore_mem>>
    %dma_wait3A_367 = arith.constant 0 : i32
    %dma_wait3A_368 = arith.constant 0 : i32
    %dma_wait3A_369 = tpu.memref_slice %arg4[%add3A, %dma_wait3A_367, %dma_wait3A_368] : memref<32x80x125xi32, #tpu.memory_space<hbm>> -> memref<1x80x125xi32, #tpu.memory_space<hbm>>
    %dma_wait3A_370 = tpu.memref_squeeze %dma_wait3A_369 : memref<1x80x125xi32, #tpu.memory_space<hbm>> -> memref<80x125xi32, #tpu.memory_space<hbm>>
    tpu.wait_dma2 semaphore(%dma_wait3A_366 : memref<!tpu.dma_semaphore, #tpu.memory_space<semaphore_mem>>) src(%dma_wait3A_370 : memref<80x125xi32, #tpu.memory_space<hbm>>) dst(%arg7 : memref<80x125xi32, #tpu.memory_space<vmem>>)
    %barrier3A = arith.constant 0 : index
    tpu.barrier barrier_id(%barrier3A)
    %dma_start3A_371 = arith.constant 0 : i32
    %dma_start3A_372 = arith.constant 0 : i32
    %dma_start3A_373 = arith.constant 0 : i32
    %dma_start3A_374 = arith.constant 0 : i32
    %dma_start3A_375 = tpu.memref_slice %arg8[%dma_start3A_373, %dma_start3A_374] : memref<32x128xf32, #tpu.memory_space<vmem>> -> memref<32x128xf32, #tpu.memory_space<vmem>>
    %dma_start3A_376 = arith.constant 0 : i32
    %dma_start3A_377 = tpu.memref_slice %arg6[%dma_start3A_371, %dma_start3A_376] : memref<80x125xi32, #tpu.memory_space<vmem>> -> memref<1x32xi32, #tpu.memory_space<vmem>>
    %dma_start3A_378 = tpu.memref_squeeze %dma_start3A_377 : memref<1x32xi32, #tpu.memory_space<vmem>> -> memref<32xi32, #tpu.memory_space<vmem>>
    %dma_start3A_379 = arith.constant 0 : i32
    %dma_start3A_380 = arith.constant 0 : i32
    %dma_start3A_381 = tpu.memref_slice %arg2[%dma_start3A_379, %dma_start3A_380] : memref<10000x128xf32, #tpu.memory_space<hbm>> -> memref<10000x128xf32, #tpu.memory_space<hbm>>
    %dma_start3A_382 = tpu.memref_slice %arg13[%dma_start3A_372] : memref<4x!tpu.dma_semaphore, #tpu.memory_space<semaphore_mem>> -> memref<1x!tpu.dma_semaphore, #tpu.memory_space<semaphore_mem>>
    %dma_start3A_383 = tpu.memref_squeeze %dma_start3A_382 : memref<1x!tpu.dma_semaphore, #tpu.memory_space<semaphore_mem>> -> memref<!tpu.dma_semaphore, #tpu.memory_space<semaphore_mem>>
    tpu.enqueue_indirect_dma source(%dma_start3A_381 : memref<10000x128xf32, #tpu.memory_space<hbm>>) target(%dma_start3A_375 : memref<32x128xf32, #tpu.memory_space<vmem>>) offsets(%dma_start3A_378 : memref<32xi32, #tpu.memory_space<vmem>>) semaphore(%dma_start3A_383 : memref<!tpu.dma_semaphore, #tpu.memory_space<semaphore_mem>>)
    %dma_start3A_384 = arith.constant 0 : i32
    %dma_start3A_385 = arith.constant 1 : i32
    %dma_start3A_386 = arith.constant 0 : i32
    %dma_start3A_387 = arith.constant 0 : i32
    %dma_start3A_388 = tpu.memref_slice %arg9[%dma_start3A_386, %dma_start3A_387] : memref<32x128xf32, #tpu.memory_space<vmem>> -> memref<32x128xf32, #tpu.memory_space<vmem>>
    %dma_start3A_389 = arith.constant 32 : i32
    %dma_start3A_390 = tpu.memref_slice %arg6[%dma_start3A_384, %dma_start3A_389] : memref<80x125xi32, #tpu.memory_space<vmem>> -> memref<1x32xi32, #tpu.memory_space<vmem>>
    %dma_start3A_391 = tpu.memref_squeeze %dma_start3A_390 : memref<1x32xi32, #tpu.memory_space<vmem>> -> memref<32xi32, #tpu.memory_space<vmem>>
    %dma_start3A_392 = arith.constant 0 : i32
    %dma_start3A_393 = arith.constant 0 : i32
    %dma_start3A_394 = tpu.memref_slice %arg2[%dma_start3A_392, %dma_start3A_393] : memref<10000x128xf32, #tpu.memory_space<hbm>> -> memref<10000x128xf32, #tpu.memory_space<hbm>>
    %dma_start3A_395 = tpu.memref_slice %arg13[%dma_start3A_385] : memref<4x!tpu.dma_semaphore, #tpu.memory_space<semaphore_mem>> -> memref<1x!tpu.dma_semaphore, #tpu.memory_space<semaphore_mem>>
    %dma_start3A_396 = tpu.memref_squeeze %dma_start3A_395 : memref<1x!tpu.dma_semaphore, #tpu.memory_space<semaphore_mem>> -> memref<!tpu.dma_semaphore, #tpu.memory_space<semaphore_mem>>
    tpu.enqueue_indirect_dma source(%dma_start3A_394 : memref<10000x128xf32, #tpu.memory_space<hbm>>) target(%dma_start3A_388 : memref<32x128xf32, #tpu.memory_space<vmem>>) offsets(%dma_start3A_391 : memref<32xi32, #tpu.memory_space<vmem>>) semaphore(%dma_start3A_396 : memref<!tpu.dma_semaphore, #tpu.memory_space<semaphore_mem>>)
    %dma_start3A_397 = arith.constant 0 : i32
    %dma_start3A_398 = arith.constant 2 : i32
    %dma_start3A_399 = arith.constant 0 : i32
    %dma_start3A_400 = arith.constant 0 : i32
    %dma_start3A_401 = tpu.memref_slice %arg10[%dma_start3A_399, %dma_start3A_400] : memref<32x128xf32, #tpu.memory_space<vmem>> -> memref<32x128xf32, #tpu.memory_space<vmem>>
    %dma_start3A_402 = arith.constant 64 : i32
    %dma_start3A_403 = tpu.memref_slice %arg6[%dma_start3A_397, %dma_start3A_402] : memref<80x125xi32, #tpu.memory_space<vmem>> -> memref<1x32xi32, #tpu.memory_space<vmem>>
    %dma_start3A_404 = tpu.memref_squeeze %dma_start3A_403 : memref<1x32xi32, #tpu.memory_space<vmem>> -> memref<32xi32, #tpu.memory_space<vmem>>
    %dma_start3A_405 = arith.constant 0 : i32
    %dma_start3A_406 = arith.constant 0 : i32
    %dma_start3A_407 = tpu.memref_slice %arg2[%dma_start3A_405, %dma_start3A_406] : memref<10000x128xf32, #tpu.memory_space<hbm>> -> memref<10000x128xf32, #tpu.memory_space<hbm>>
    %dma_start3A_408 = tpu.memref_slice %arg13[%dma_start3A_398] : memref<4x!tpu.dma_semaphore, #tpu.memory_space<semaphore_mem>> -> memref<1x!tpu.dma_semaphore, #tpu.memory_space<semaphore_mem>>
    %dma_start3A_409 = tpu.memref_squeeze %dma_start3A_408 : memref<1x!tpu.dma_semaphore, #tpu.memory_space<semaphore_mem>> -> memref<!tpu.dma_semaphore, #tpu.memory_space<semaphore_mem>>
    tpu.enqueue_indirect_dma source(%dma_start3A_407 : memref<10000x128xf32, #tpu.memory_space<hbm>>) target(%dma_start3A_401 : memref<32x128xf32, #tpu.memory_space<vmem>>) offsets(%dma_start3A_404 : memref<32xi32, #tpu.memory_space<vmem>>) semaphore(%dma_start3A_409 : memref<!tpu.dma_semaphore, #tpu.memory_space<semaphore_mem>>)
    %dma_start3A_410 = arith.constant 0 : i32
    %dma_start3A_411 = arith.constant 3 : i32
    %dma_start3A_412 = arith.constant 0 : i32
    %dma_start3A_413 = arith.constant 0 : i32
    %dma_start3A_414 = tpu.memref_slice %arg11[%dma_start3A_412, %dma_start3A_413] : memref<32x128xf32, #tpu.memory_space<vmem>> -> memref<29x128xf32, #tpu.memory_space<vmem>>
    %dma_start3A_415 = arith.constant 96 : i32
    %dma_start3A_416 = tpu.memref_slice %arg6[%dma_start3A_410, %dma_start3A_415] : memref<80x125xi32, #tpu.memory_space<vmem>> -> memref<1x29xi32, #tpu.memory_space<vmem>>
    %dma_start3A_417 = tpu.memref_squeeze %dma_start3A_416 : memref<1x29xi32, #tpu.memory_space<vmem>> -> memref<29xi32, #tpu.memory_space<vmem>>
    %dma_start3A_418 = arith.constant 0 : i32
    %dma_start3A_419 = arith.constant 0 : i32
    %dma_start3A_420 = tpu.memref_slice %arg2[%dma_start3A_418, %dma_start3A_419] : memref<10000x128xf32, #tpu.memory_space<hbm>> -> memref<10000x128xf32, #tpu.memory_space<hbm>>
    %dma_start3A_421 = tpu.memref_slice %arg13[%dma_start3A_411] : memref<4x!tpu.dma_semaphore, #tpu.memory_space<semaphore_mem>> -> memref<1x!tpu.dma_semaphore, #tpu.memory_space<semaphore_mem>>
    %dma_start3A_422 = tpu.memref_squeeze %dma_start3A_421 : memref<1x!tpu.dma_semaphore, #tpu.memory_space<semaphore_mem>> -> memref<!tpu.dma_semaphore, #tpu.memory_space<semaphore_mem>>
    tpu.enqueue_indirect_dma source(%dma_start3A_420 : memref<10000x128xf32, #tpu.memory_space<hbm>>) target(%dma_start3A_414 : memref<29x128xf32, #tpu.memory_space<vmem>>) offsets(%dma_start3A_417 : memref<29xi32, #tpu.memory_space<vmem>>) semaphore(%dma_start3A_422 : memref<!tpu.dma_semaphore, #tpu.memory_space<semaphore_mem>>)
    %scan3A_423 = arith.constant 0 : i32
    %scan3A_424 = arith.constant 0 : i32
    %scan3A_425 = arith.constant 80 : i32
    %scan3A_426 = arith.addi %scan3A_424, %scan3A_425 : i32
    %scan3A_427 = arith.constant 1 : i32
    %scan3A_428 = scf.for %scan3A_435 = %scan3A_424 to %scan3A_426 step %scan3A_427 iter_args(%scan3A_436 = %scan3A_423) -> (i32)  : i32 {
      %dma_wait3A_437 = arith.constant 0 : i32
      %dma_wait3A_438 = arith.constant 0 : i32
      %dma_wait3A_439 = arith.constant 0 : i32
      %dma_wait3A_440 = tpu.memref_slice %arg8[%dma_wait3A_438, %dma_wait3A_439] : memref<32x128xf32, #tpu.memory_space<vmem>> -> memref<32x128xf32, #tpu.memory_space<vmem>>
      %dma_wait3A_441 = arith.constant 0 : i32
      %dma_wait3A_442 = tpu.memref_slice %arg6[%scan3A_435, %dma_wait3A_441] : memref<80x125xi32, #tpu.memory_space<vmem>> -> memref<1x32xi32, #tpu.memory_space<vmem>>
      %dma_wait3A_443 = tpu.memref_squeeze %dma_wait3A_442 : memref<1x32xi32, #tpu.memory_space<vmem>> -> memref<32xi32, #tpu.memory_space<vmem>>
      %dma_wait3A_444 = arith.constant 0 : i32
      %dma_wait3A_445 = arith.constant 0 : i32
      %dma_wait3A_446 = tpu.memref_slice %arg2[%dma_wait3A_444, %dma_wait3A_445] : memref<10000x128xf32, #tpu.memory_space<hbm>> -> memref<10000x128xf32, #tpu.memory_space<hbm>>
      %dma_wait3A_447 = tpu.memref_slice %arg13[%dma_wait3A_437] : memref<4x!tpu.dma_semaphore, #tpu.memory_space<semaphore_mem>> -> memref<1x!tpu.dma_semaphore, #tpu.memory_space<semaphore_mem>>
      %dma_wait3A_448 = tpu.memref_squeeze %dma_wait3A_447 : memref<1x!tpu.dma_semaphore, #tpu.memory_space<semaphore_mem>> -> memref<!tpu.dma_semaphore, #tpu.memory_space<semaphore_mem>>
      tpu.wait_indirect_dma semaphore(%dma_wait3A_448 : memref<!tpu.dma_semaphore, #tpu.memory_space<semaphore_mem>>) src(%dma_wait3A_446 : memref<10000x128xf32, #tpu.memory_space<hbm>>) dst(%dma_wait3A_440 : memref<32x128xf32, #tpu.memory_space<vmem>>)
      %dma_start3A_449 = arith.constant 0 : i32
      %dma_start3A_450 = arith.constant 0 : i32
      %dma_start3A_451 = arith.constant 0 : i32
      %dma_start3A_452 = tpu.memref_slice %arg8[%dma_start3A_450, %dma_start3A_451] : memref<32x128xf32, #tpu.memory_space<vmem>> -> memref<32x128xf32, #tpu.memory_space<vmem>>
      %dma_start3A_453 = arith.constant 0 : i32
      %dma_start3A_454 = tpu.memref_slice %arg7[%scan3A_435, %dma_start3A_453] : memref<80x125xi32, #tpu.memory_space<vmem>> -> memref<1x32xi32, #tpu.memory_space<vmem>>
      %dma_start3A_455 = tpu.memref_squeeze %dma_start3A_454 : memref<1x32xi32, #tpu.memory_space<vmem>> -> memref<32xi32, #tpu.memory_space<vmem>>
      %dma_start3A_456 = arith.constant 0 : i32
      %dma_start3A_457 = arith.constant 0 : i32
      %dma_start3A_458 = tpu.memref_slice %arg12[%dma_start3A_456, %dma_start3A_457] : memref<10240x128xf32, #tpu.memory_space<vmem_shared>> -> memref<10240x128xf32, #tpu.memory_space<vmem_shared>>
      %dma_start3A_459 = tpu.memref_slice %arg14[%dma_start3A_449] : memref<4x!tpu.dma_semaphore, #tpu.memory_space<semaphore_mem>> -> memref<1x!tpu.dma_semaphore, #tpu.memory_space<semaphore_mem>>
      %dma_start3A_460 = tpu.memref_squeeze %dma_start3A_459 : memref<1x!tpu.dma_semaphore, #tpu.memory_space<semaphore_mem>> -> memref<!tpu.dma_semaphore, #tpu.memory_space<semaphore_mem>>
      tpu.enqueue_indirect_dma source(%dma_start3A_452 : memref<32x128xf32, #tpu.memory_space<vmem>>) target(%dma_start3A_458 : memref<10240x128xf32, #tpu.memory_space<vmem_shared>>) offsets(%dma_start3A_455 : memref<32xi32, #tpu.memory_space<vmem>>) semaphore(%dma_start3A_460 : memref<!tpu.dma_semaphore, #tpu.memory_space<semaphore_mem>>) {add = true}
      %dma_wait3A_461 = arith.constant 0 : i32
      %dma_wait3A_462 = arith.constant 0 : i32
      %dma_wait3A_463 = arith.constant 0 : i32
      %dma_wait3A_464 = tpu.memref_slice %arg8[%dma_wait3A_462, %dma_wait3A_463] : memref<32x128xf32, #tpu.memory_space<vmem>> -> memref<32x128xf32, #tpu.memory_space<vmem>>
      %dma_wait3A_465 = arith.constant 0 : i32
      %dma_wait3A_466 = tpu.memref_slice %arg7[%scan3A_435, %dma_wait3A_465] : memref<80x125xi32, #tpu.memory_space<vmem>> -> memref<1x32xi32, #tpu.memory_space<vmem>>
      %dma_wait3A_467 = tpu.memref_squeeze %dma_wait3A_466 : memref<1x32xi32, #tpu.memory_space<vmem>> -> memref<32xi32, #tpu.memory_space<vmem>>
      %dma_wait3A_468 = arith.constant 0 : i32
      %dma_wait3A_469 = arith.constant 0 : i32
      %dma_wait3A_470 = tpu.memref_slice %arg12[%dma_wait3A_468, %dma_wait3A_469] : memref<10240x128xf32, #tpu.memory_space<vmem_shared>> -> memref<10240x128xf32, #tpu.memory_space<vmem_shared>>
      %dma_wait3A_471 = tpu.memref_slice %arg14[%dma_wait3A_461] : memref<4x!tpu.dma_semaphore, #tpu.memory_space<semaphore_mem>> -> memref<1x!tpu.dma_semaphore, #tpu.memory_space<semaphore_mem>>
      %dma_wait3A_472 = tpu.memref_squeeze %dma_wait3A_471 : memref<1x!tpu.dma_semaphore, #tpu.memory_space<semaphore_mem>> -> memref<!tpu.dma_semaphore, #tpu.memory_space<semaphore_mem>>
      tpu.wait_indirect_dma semaphore(%dma_wait3A_472 : memref<!tpu.dma_semaphore, #tpu.memory_space<semaphore_mem>>) src(%dma_wait3A_464 : memref<32x128xf32, #tpu.memory_space<vmem>>) dst(%dma_wait3A_470 : memref<10240x128xf32, #tpu.memory_space<vmem_shared>>)
      %add3A_473 = arith.constant 1 : i32
      %add3A_474 = arith.addi %scan3A_435, %add3A_473 : i32
      %lt3A = arith.constant 80 : i32
      %lt3A_475 = arith.cmpi slt, %add3A_474, %lt3A : i32
      %convert_element_type3A = arith.extui %lt3A_475 : i1 to i32
      %cond3A = arith.constant 0 : i32
      %cond3A_476 = arith.cmpi ne, %convert_element_type3A, %cond3A : i32
      scf.if %cond3A_476 {
        %add3A_607 = arith.constant 1 : i32
        %add3A_608 = arith.addi %scan3A_435, %add3A_607 : i32
        %dma_start3A_609 = arith.constant 0 : i32
        %dma_start3A_610 = arith.constant 0 : i32
        %dma_start3A_611 = arith.constant 0 : i32
        %dma_start3A_612 = tpu.memref_slice %arg8[%dma_start3A_610, %dma_start3A_611] : memref<32x128xf32, #tpu.memory_space<vmem>> -> memref<32x128xf32, #tpu.memory_space<vmem>>
        %dma_start3A_613 = arith.constant 0 : i32
        %dma_start3A_614 = tpu.memref_slice %arg6[%add3A_608, %dma_start3A_613] : memref<80x125xi32, #tpu.memory_space<vmem>> -> memref<1x32xi32, #tpu.memory_space<vmem>>
        %dma_start3A_615 = tpu.memref_squeeze %dma_start3A_614 : memref<1x32xi32, #tpu.memory_space<vmem>> -> memref<32xi32, #tpu.memory_space<vmem>>
        %dma_start3A_616 = arith.constant 0 : i32
        %dma_start3A_617 = arith.constant 0 : i32
        %dma_start3A_618 = tpu.memref_slice %arg2[%dma_start3A_616, %dma_start3A_617] : memref<10000x128xf32, #tpu.memory_space<hbm>> -> memref<10000x128xf32, #tpu.memory_space<hbm>>
        %dma_start3A_619 = tpu.memref_slice %arg13[%dma_start3A_609] : memref<4x!tpu.dma_semaphore, #tpu.memory_space<semaphore_mem>> -> memref<1x!tpu.dma_semaphore, #tpu.memory_space<semaphore_mem>>
        %dma_start3A_620 = tpu.memref_squeeze %dma_start3A_619 : memref<1x!tpu.dma_semaphore, #tpu.memory_space<semaphore_mem>> -> memref<!tpu.dma_semaphore, #tpu.memory_space<semaphore_mem>>
        tpu.enqueue_indirect_dma source(%dma_start3A_618 : memref<10000x128xf32, #tpu.memory_space<hbm>>) target(%dma_start3A_612 : memref<32x128xf32, #tpu.memory_space<vmem>>) offsets(%dma_start3A_615 : memref<32xi32, #tpu.memory_space<vmem>>) semaphore(%dma_start3A_620 : memref<!tpu.dma_semaphore, #tpu.memory_space<semaphore_mem>>)
      } else {
      }
      %dma_wait3A_477 = arith.constant 1 : i32
      %dma_wait3A_478 = arith.constant 0 : i32
      %dma_wait3A_479 = arith.constant 0 : i32
      %dma_wait3A_480 = tpu.memref_slice %arg9[%dma_wait3A_478, %dma_wait3A_479] : memref<32x128xf32, #tpu.memory_space<vmem>> -> memref<32x128xf32, #tpu.memory_space<vmem>>
      %dma_wait3A_481 = arith.constant 32 : i32
      %dma_wait3A_482 = tpu.memref_slice %arg6[%scan3A_435, %dma_wait3A_481] : memref<80x125xi32, #tpu.memory_space<vmem>> -> memref<1x32xi32, #tpu.memory_space<vmem>>
      %dma_wait3A_483 = tpu.memref_squeeze %dma_wait3A_482 : memref<1x32xi32, #tpu.memory_space<vmem>> -> memref<32xi32, #tpu.memory_space<vmem>>
      %dma_wait3A_484 = arith.constant 0 : i32
      %dma_wait3A_485 = arith.constant 0 : i32
      %dma_wait3A_486 = tpu.memref_slice %arg2[%dma_wait3A_484, %dma_wait3A_485] : memref<10000x128xf32, #tpu.memory_space<hbm>> -> memref<10000x128xf32, #tpu.memory_space<hbm>>
      %dma_wait3A_487 = tpu.memref_slice %arg13[%dma_wait3A_477] : memref<4x!tpu.dma_semaphore, #tpu.memory_space<semaphore_mem>> -> memref<1x!tpu.dma_semaphore, #tpu.memory_space<semaphore_mem>>
      %dma_wait3A_488 = tpu.memref_squeeze %dma_wait3A_487 : memref<1x!tpu.dma_semaphore, #tpu.memory_space<semaphore_mem>> -> memref<!tpu.dma_semaphore, #tpu.memory_space<semaphore_mem>>
      tpu.wait_indirect_dma semaphore(%dma_wait3A_488 : memref<!tpu.dma_semaphore, #tpu.memory_space<semaphore_mem>>) src(%dma_wait3A_486 : memref<10000x128xf32, #tpu.memory_space<hbm>>) dst(%dma_wait3A_480 : memref<32x128xf32, #tpu.memory_space<vmem>>)
      %dma_start3A_489 = arith.constant 1 : i32
      %dma_start3A_490 = arith.constant 0 : i32
      %dma_start3A_491 = arith.constant 0 : i32
      %dma_start3A_492 = tpu.memref_slice %arg9[%dma_start3A_490, %dma_start3A_491] : memref<32x128xf32, #tpu.memory_space<vmem>> -> memref<32x128xf32, #tpu.memory_space<vmem>>
      %dma_start3A_493 = arith.constant 32 : i32
      %dma_start3A_494 = tpu.memref_slice %arg7[%scan3A_435, %dma_start3A_493] : memref<80x125xi32, #tpu.memory_space<vmem>> -> memref<1x32xi32, #tpu.memory_space<vmem>>
      %dma_start3A_495 = tpu.memref_squeeze %dma_start3A_494 : memref<1x32xi32, #tpu.memory_space<vmem>> -> memref<32xi32, #tpu.memory_space<vmem>>
      %dma_start3A_496 = arith.constant 0 : i32
      %dma_start3A_497 = arith.constant 0 : i32
      %dma_start3A_498 = tpu.memref_slice %arg12[%dma_start3A_496, %dma_start3A_497] : memref<10240x128xf32, #tpu.memory_space<vmem_shared>> -> memref<10240x128xf32, #tpu.memory_space<vmem_shared>>
      %dma_start3A_499 = tpu.memref_slice %arg14[%dma_start3A_489] : memref<4x!tpu.dma_semaphore, #tpu.memory_space<semaphore_mem>> -> memref<1x!tpu.dma_semaphore, #tpu.memory_space<semaphore_mem>>
      %dma_start3A_500 = tpu.memref_squeeze %dma_start3A_499 : memref<1x!tpu.dma_semaphore, #tpu.memory_space<semaphore_mem>> -> memref<!tpu.dma_semaphore, #tpu.memory_space<semaphore_mem>>
      tpu.enqueue_indirect_dma source(%dma_start3A_492 : memref<32x128xf32, #tpu.memory_space<vmem>>) target(%dma_start3A_498 : memref<10240x128xf32, #tpu.memory_space<vmem_shared>>) offsets(%dma_start3A_495 : memref<32xi32, #tpu.memory_space<vmem>>) semaphore(%dma_start3A_500 : memref<!tpu.dma_semaphore, #tpu.memory_space<semaphore_mem>>) {add = true}
      %dma_wait3A_501 = arith.constant 1 : i32
      %dma_wait3A_502 = arith.constant 0 : i32
      %dma_wait3A_503 = arith.constant 0 : i32
      %dma_wait3A_504 = tpu.memref_slice %arg9[%dma_wait3A_502, %dma_wait3A_503] : memref<32x128xf32, #tpu.memory_space<vmem>> -> memref<32x128xf32, #tpu.memory_space<vmem>>
      %dma_wait3A_505 = arith.constant 32 : i32
      %dma_wait3A_506 = tpu.memref_slice %arg7[%scan3A_435, %dma_wait3A_505] : memref<80x125xi32, #tpu.memory_space<vmem>> -> memref<1x32xi32, #tpu.memory_space<vmem>>
      %dma_wait3A_507 = tpu.memref_squeeze %dma_wait3A_506 : memref<1x32xi32, #tpu.memory_space<vmem>> -> memref<32xi32, #tpu.memory_space<vmem>>
      %dma_wait3A_508 = arith.constant 0 : i32
      %dma_wait3A_509 = arith.constant 0 : i32
      %dma_wait3A_510 = tpu.memref_slice %arg12[%dma_wait3A_508, %dma_wait3A_509] : memref<10240x128xf32, #tpu.memory_space<vmem_shared>> -> memref<10240x128xf32, #tpu.memory_space<vmem_shared>>
      %dma_wait3A_511 = tpu.memref_slice %arg14[%dma_wait3A_501] : memref<4x!tpu.dma_semaphore, #tpu.memory_space<semaphore_mem>> -> memref<1x!tpu.dma_semaphore, #tpu.memory_space<semaphore_mem>>
      %dma_wait3A_512 = tpu.memref_squeeze %dma_wait3A_511 : memref<1x!tpu.dma_semaphore, #tpu.memory_space<semaphore_mem>> -> memref<!tpu.dma_semaphore, #tpu.memory_space<semaphore_mem>>
      tpu.wait_indirect_dma semaphore(%dma_wait3A_512 : memref<!tpu.dma_semaphore, #tpu.memory_space<semaphore_mem>>) src(%dma_wait3A_504 : memref<32x128xf32, #tpu.memory_space<vmem>>) dst(%dma_wait3A_510 : memref<10240x128xf32, #tpu.memory_space<vmem_shared>>)
      %add3A_513 = arith.constant 1 : i32
      %add3A_514 = arith.addi %scan3A_435, %add3A_513 : i32
      %lt3A_515 = arith.constant 80 : i32
      %lt3A_516 = arith.cmpi slt, %add3A_514, %lt3A_515 : i32
      %convert_element_type3A_517 = arith.extui %lt3A_516 : i1 to i32
      %cond3A_518 = arith.constant 0 : i32
      %cond3A_519 = arith.cmpi ne, %convert_element_type3A_517, %cond3A_518 : i32
      scf.if %cond3A_519 {
        %add3A_607 = arith.constant 1 : i32
        %add3A_608 = arith.addi %scan3A_435, %add3A_607 : i32
        %dma_start3A_609 = arith.constant 1 : i32
        %dma_start3A_610 = arith.constant 0 : i32
        %dma_start3A_611 = arith.constant 0 : i32
        %dma_start3A_612 = tpu.memref_slice %arg9[%dma_start3A_610, %dma_start3A_611] : memref<32x128xf32, #tpu.memory_space<vmem>> -> memref<32x128xf32, #tpu.memory_space<vmem>>
        %dma_start3A_613 = arith.constant 32 : i32
        %dma_start3A_614 = tpu.memref_slice %arg6[%add3A_608, %dma_start3A_613] : memref<80x125xi32, #tpu.memory_space<vmem>> -> memref<1x32xi32, #tpu.memory_space<vmem>>
        %dma_start3A_615 = tpu.memref_squeeze %dma_start3A_614 : memref<1x32xi32, #tpu.memory_space<vmem>> -> memref<32xi32, #tpu.memory_space<vmem>>
        %dma_start3A_616 = arith.constant 0 : i32
        %dma_start3A_617 = arith.constant 0 : i32
        %dma_start3A_618 = tpu.memref_slice %arg2[%dma_start3A_616, %dma_start3A_617] : memref<10000x128xf32, #tpu.memory_space<hbm>> -> memref<10000x128xf32, #tpu.memory_space<hbm>>
        %dma_start3A_619 = tpu.memref_slice %arg13[%dma_start3A_609] : memref<4x!tpu.dma_semaphore, #tpu.memory_space<semaphore_mem>> -> memref<1x!tpu.dma_semaphore, #tpu.memory_space<semaphore_mem>>
        %dma_start3A_620 = tpu.memref_squeeze %dma_start3A_619 : memref<1x!tpu.dma_semaphore, #tpu.memory_space<semaphore_mem>> -> memref<!tpu.dma_semaphore, #tpu.memory_space<semaphore_mem>>
        tpu.enqueue_indirect_dma source(%dma_start3A_618 : memref<10000x128xf32, #tpu.memory_space<hbm>>) target(%dma_start3A_612 : memref<32x128xf32, #tpu.memory_space<vmem>>) offsets(%dma_start3A_615 : memref<32xi32, #tpu.memory_space<vmem>>) semaphore(%dma_start3A_620 : memref<!tpu.dma_semaphore, #tpu.memory_space<semaphore_mem>>)
      } else {
      }
      %dma_wait3A_520 = arith.constant 2 : i32
      %dma_wait3A_521 = arith.constant 0 : i32
      %dma_wait3A_522 = arith.constant 0 : i32
      %dma_wait3A_523 = tpu.memref_slice %arg10[%dma_wait3A_521, %dma_wait3A_522] : memref<32x128xf32, #tpu.memory_space<vmem>> -> memref<32x128xf32, #tpu.memory_space<vmem>>
      %dma_wait3A_524 = arith.constant 64 : i32
      %dma_wait3A_525 = tpu.memref_slice %arg6[%scan3A_435, %dma_wait3A_524] : memref<80x125xi32, #tpu.memory_space<vmem>> -> memref<1x32xi32, #tpu.memory_space<vmem>>
      %dma_wait3A_526 = tpu.memref_squeeze %dma_wait3A_525 : memref<1x32xi32, #tpu.memory_space<vmem>> -> memref<32xi32, #tpu.memory_space<vmem>>
      %dma_wait3A_527 = arith.constant 0 : i32
      %dma_wait3A_528 = arith.constant 0 : i32
      %dma_wait3A_529 = tpu.memref_slice %arg2[%dma_wait3A_527, %dma_wait3A_528] : memref<10000x128xf32, #tpu.memory_space<hbm>> -> memref<10000x128xf32, #tpu.memory_space<hbm>>
      %dma_wait3A_530 = tpu.memref_slice %arg13[%dma_wait3A_520] : memref<4x!tpu.dma_semaphore, #tpu.memory_space<semaphore_mem>> -> memref<1x!tpu.dma_semaphore, #tpu.memory_space<semaphore_mem>>
      %dma_wait3A_531 = tpu.memref_squeeze %dma_wait3A_530 : memref<1x!tpu.dma_semaphore, #tpu.memory_space<semaphore_mem>> -> memref<!tpu.dma_semaphore, #tpu.memory_space<semaphore_mem>>
      tpu.wait_indirect_dma semaphore(%dma_wait3A_531 : memref<!tpu.dma_semaphore, #tpu.memory_space<semaphore_mem>>) src(%dma_wait3A_529 : memref<10000x128xf32, #tpu.memory_space<hbm>>) dst(%dma_wait3A_523 : memref<32x128xf32, #tpu.memory_space<vmem>>)
      %dma_start3A_532 = arith.constant 2 : i32
      %dma_start3A_533 = arith.constant 0 : i32
      %dma_start3A_534 = arith.constant 0 : i32
      %dma_start3A_535 = tpu.memref_slice %arg10[%dma_start3A_533, %dma_start3A_534] : memref<32x128xf32, #tpu.memory_space<vmem>> -> memref<32x128xf32, #tpu.memory_space<vmem>>
      %dma_start3A_536 = arith.constant 64 : i32
      %dma_start3A_537 = tpu.memref_slice %arg7[%scan3A_435, %dma_start3A_536] : memref<80x125xi32, #tpu.memory_space<vmem>> -> memref<1x32xi32, #tpu.memory_space<vmem>>
      %dma_start3A_538 = tpu.memref_squeeze %dma_start3A_537 : memref<1x32xi32, #tpu.memory_space<vmem>> -> memref<32xi32, #tpu.memory_space<vmem>>
      %dma_start3A_539 = arith.constant 0 : i32
      %dma_start3A_540 = arith.constant 0 : i32
      %dma_start3A_541 = tpu.memref_slice %arg12[%dma_start3A_539, %dma_start3A_540] : memref<10240x128xf32, #tpu.memory_space<vmem_shared>> -> memref<10240x128xf32, #tpu.memory_space<vmem_shared>>
      %dma_start3A_542 = tpu.memref_slice %arg14[%dma_start3A_532] : memref<4x!tpu.dma_semaphore, #tpu.memory_space<semaphore_mem>> -> memref<1x!tpu.dma_semaphore, #tpu.memory_space<semaphore_mem>>
      %dma_start3A_543 = tpu.memref_squeeze %dma_start3A_542 : memref<1x!tpu.dma_semaphore, #tpu.memory_space<semaphore_mem>> -> memref<!tpu.dma_semaphore, #tpu.memory_space<semaphore_mem>>
      tpu.enqueue_indirect_dma source(%dma_start3A_535 : memref<32x128xf32, #tpu.memory_space<vmem>>) target(%dma_start3A_541 : memref<10240x128xf32, #tpu.memory_space<vmem_shared>>) offsets(%dma_start3A_538 : memref<32xi32, #tpu.memory_space<vmem>>) semaphore(%dma_start3A_543 : memref<!tpu.dma_semaphore, #tpu.memory_space<semaphore_mem>>) {add = true}
      %dma_wait3A_544 = arith.constant 2 : i32
      %dma_wait3A_545 = arith.constant 0 : i32
      %dma_wait3A_546 = arith.constant 0 : i32
      %dma_wait3A_547 = tpu.memref_slice %arg10[%dma_wait3A_545, %dma_wait3A_546] : memref<32x128xf32, #tpu.memory_space<vmem>> -> memref<32x128xf32, #tpu.memory_space<vmem>>
      %dma_wait3A_548 = arith.constant 64 : i32
      %dma_wait3A_549 = tpu.memref_slice %arg7[%scan3A_435, %dma_wait3A_548] : memref<80x125xi32, #tpu.memory_space<vmem>> -> memref<1x32xi32, #tpu.memory_space<vmem>>
      %dma_wait3A_550 = tpu.memref_squeeze %dma_wait3A_549 : memref<1x32xi32, #tpu.memory_space<vmem>> -> memref<32xi32, #tpu.memory_space<vmem>>
      %dma_wait3A_551 = arith.constant 0 : i32
      %dma_wait3A_552 = arith.constant 0 : i32
      %dma_wait3A_553 = tpu.memref_slice %arg12[%dma_wait3A_551, %dma_wait3A_552] : memref<10240x128xf32, #tpu.memory_space<vmem_shared>> -> memref<10240x128xf32, #tpu.memory_space<vmem_shared>>
      %dma_wait3A_554 = tpu.memref_slice %arg14[%dma_wait3A_544] : memref<4x!tpu.dma_semaphore, #tpu.memory_space<semaphore_mem>> -> memref<1x!tpu.dma_semaphore, #tpu.memory_space<semaphore_mem>>
      %dma_wait3A_555 = tpu.memref_squeeze %dma_wait3A_554 : memref<1x!tpu.dma_semaphore, #tpu.memory_space<semaphore_mem>> -> memref<!tpu.dma_semaphore, #tpu.memory_space<semaphore_mem>>
      tpu.wait_indirect_dma semaphore(%dma_wait3A_555 : memref<!tpu.dma_semaphore, #tpu.memory_space<semaphore_mem>>) src(%dma_wait3A_547 : memref<32x128xf32, #tpu.memory_space<vmem>>) dst(%dma_wait3A_553 : memref<10240x128xf32, #tpu.memory_space<vmem_shared>>)
      %add3A_556 = arith.constant 1 : i32
      %add3A_557 = arith.addi %scan3A_435, %add3A_556 : i32
      %lt3A_558 = arith.constant 80 : i32
      %lt3A_559 = arith.cmpi slt, %add3A_557, %lt3A_558 : i32
      %convert_element_type3A_560 = arith.extui %lt3A_559 : i1 to i32
      %cond3A_561 = arith.constant 0 : i32
      %cond3A_562 = arith.cmpi ne, %convert_element_type3A_560, %cond3A_561 : i32
      scf.if %cond3A_562 {
        %add3A_607 = arith.constant 1 : i32
        %add3A_608 = arith.addi %scan3A_435, %add3A_607 : i32
        %dma_start3A_609 = arith.constant 2 : i32
        %dma_start3A_610 = arith.constant 0 : i32
        %dma_start3A_611 = arith.constant 0 : i32
        %dma_start3A_612 = tpu.memref_slice %arg10[%dma_start3A_610, %dma_start3A_611] : memref<32x128xf32, #tpu.memory_space<vmem>> -> memref<32x128xf32, #tpu.memory_space<vmem>>
        %dma_start3A_613 = arith.constant 64 : i32
        %dma_start3A_614 = tpu.memref_slice %arg6[%add3A_608, %dma_start3A_613] : memref<80x125xi32, #tpu.memory_space<vmem>> -> memref<1x32xi32, #tpu.memory_space<vmem>>
        %dma_start3A_615 = tpu.memref_squeeze %dma_start3A_614 : memref<1x32xi32, #tpu.memory_space<vmem>> -> memref<32xi32, #tpu.memory_space<vmem>>
        %dma_start3A_616 = arith.constant 0 : i32
        %dma_start3A_617 = arith.constant 0 : i32
        %dma_start3A_618 = tpu.memref_slice %arg2[%dma_start3A_616, %dma_start3A_617] : memref<10000x128xf32, #tpu.memory_space<hbm>> -> memref<10000x128xf32, #tpu.memory_space<hbm>>
        %dma_start3A_619 = tpu.memref_slice %arg13[%dma_start3A_609] : memref<4x!tpu.dma_semaphore, #tpu.memory_space<semaphore_mem>> -> memref<1x!tpu.dma_semaphore, #tpu.memory_space<semaphore_mem>>
        %dma_start3A_620 = tpu.memref_squeeze %dma_start3A_619 : memref<1x!tpu.dma_semaphore, #tpu.memory_space<semaphore_mem>> -> memref<!tpu.dma_semaphore, #tpu.memory_space<semaphore_mem>>
        tpu.enqueue_indirect_dma source(%dma_start3A_618 : memref<10000x128xf32, #tpu.memory_space<hbm>>) target(%dma_start3A_612 : memref<32x128xf32, #tpu.memory_space<vmem>>) offsets(%dma_start3A_615 : memref<32xi32, #tpu.memory_space<vmem>>) semaphore(%dma_start3A_620 : memref<!tpu.dma_semaphore, #tpu.memory_space<semaphore_mem>>)
      } else {
      }
      %dma_wait3A_563 = arith.constant 3 : i32
      %dma_wait3A_564 = arith.constant 0 : i32
      %dma_wait3A_565 = arith.constant 0 : i32
      %dma_wait3A_566 = tpu.memref_slice %arg11[%dma_wait3A_564, %dma_wait3A_565] : memref<32x128xf32, #tpu.memory_space<vmem>> -> memref<29x128xf32, #tpu.memory_space<vmem>>
      %dma_wait3A_567 = arith.constant 96 : i32
      %dma_wait3A_568 = tpu.memref_slice %arg6[%scan3A_435, %dma_wait3A_567] : memref<80x125xi32, #tpu.memory_space<vmem>> -> memref<1x29xi32, #tpu.memory_space<vmem>>
      %dma_wait3A_569 = tpu.memref_squeeze %dma_wait3A_568 : memref<1x29xi32, #tpu.memory_space<vmem>> -> memref<29xi32, #tpu.memory_space<vmem>>
      %dma_wait3A_570 = arith.constant 0 : i32
      %dma_wait3A_571 = arith.constant 0 : i32
      %dma_wait3A_572 = tpu.memref_slice %arg2[%dma_wait3A_570, %dma_wait3A_571] : memref<10000x128xf32, #tpu.memory_space<hbm>> -> memref<10000x128xf32, #tpu.memory_space<hbm>>
      %dma_wait3A_573 = tpu.memref_slice %arg13[%dma_wait3A_563] : memref<4x!tpu.dma_semaphore, #tpu.memory_space<semaphore_mem>> -> memref<1x!tpu.dma_semaphore, #tpu.memory_space<semaphore_mem>>
      %dma_wait3A_574 = tpu.memref_squeeze %dma_wait3A_573 : memref<1x!tpu.dma_semaphore, #tpu.memory_space<semaphore_mem>> -> memref<!tpu.dma_semaphore, #tpu.memory_space<semaphore_mem>>
      tpu.wait_indirect_dma semaphore(%dma_wait3A_574 : memref<!tpu.dma_semaphore, #tpu.memory_space<semaphore_mem>>) src(%dma_wait3A_572 : memref<10000x128xf32, #tpu.memory_space<hbm>>) dst(%dma_wait3A_566 : memref<29x128xf32, #tpu.memory_space<vmem>>)
      %dma_start3A_575 = arith.constant 3 : i32
      %dma_start3A_576 = arith.constant 0 : i32
      %dma_start3A_577 = arith.constant 0 : i32
      %dma_start3A_578 = tpu.memref_slice %arg11[%dma_start3A_576, %dma_start3A_577] : memref<32x128xf32, #tpu.memory_space<vmem>> -> memref<29x128xf32, #tpu.memory_space<vmem>>
      %dma_start3A_579 = arith.constant 96 : i32
      %dma_start3A_580 = tpu.memref_slice %arg7[%scan3A_435, %dma_start3A_579] : memref<80x125xi32, #tpu.memory_space<vmem>> -> memref<1x29xi32, #tpu.memory_space<vmem>>
      %dma_start3A_581 = tpu.memref_squeeze %dma_start3A_580 : memref<1x29xi32, #tpu.memory_space<vmem>> -> memref<29xi32, #tpu.memory_space<vmem>>
      %dma_start3A_582 = arith.constant 0 : i32
      %dma_start3A_583 = arith.constant 0 : i32
      %dma_start3A_584 = tpu.memref_slice %arg12[%dma_start3A_582, %dma_start3A_583] : memref<10240x128xf32, #tpu.memory_space<vmem_shared>> -> memref<10240x128xf32, #tpu.memory_space<vmem_shared>>
      %dma_start3A_585 = tpu.memref_slice %arg14[%dma_start3A_575] : memref<4x!tpu.dma_semaphore, #tpu.memory_space<semaphore_mem>> -> memref<1x!tpu.dma_semaphore, #tpu.memory_space<semaphore_mem>>
      %dma_start3A_586 = tpu.memref_squeeze %dma_start3A_585 : memref<1x!tpu.dma_semaphore, #tpu.memory_space<semaphore_mem>> -> memref<!tpu.dma_semaphore, #tpu.memory_space<semaphore_mem>>
      tpu.enqueue_indirect_dma source(%dma_start3A_578 : memref<29x128xf32, #tpu.memory_space<vmem>>) target(%dma_start3A_584 : memref<10240x128xf32, #tpu.memory_space<vmem_shared>>) offsets(%dma_start3A_581 : memref<29xi32, #tpu.memory_space<vmem>>) semaphore(%dma_start3A_586 : memref<!tpu.dma_semaphore, #tpu.memory_space<semaphore_mem>>) {add = true}
      %dma_wait3A_587 = arith.constant 3 : i32
      %dma_wait3A_588 = arith.constant 0 : i32
      %dma_wait3A_589 = arith.constant 0 : i32
      %dma_wait3A_590 = tpu.memref_slice %arg11[%dma_wait3A_588, %dma_wait3A_589] : memref<32x128xf32, #tpu.memory_space<vmem>> -> memref<29x128xf32, #tpu.memory_space<vmem>>
      %dma_wait3A_591 = arith.constant 96 : i32
      %dma_wait3A_592 = tpu.memref_slice %arg7[%scan3A_435, %dma_wait3A_591] : memref<80x125xi32, #tpu.memory_space<vmem>> -> memref<1x29xi32, #tpu.memory_space<vmem>>
      %dma_wait3A_593 = tpu.memref_squeeze %dma_wait3A_592 : memref<1x29xi32, #tpu.memory_space<vmem>> -> memref<29xi32, #tpu.memory_space<vmem>>
      %dma_wait3A_594 = arith.constant 0 : i32
      %dma_wait3A_595 = arith.constant 0 : i32
      %dma_wait3A_596 = tpu.memref_slice %arg12[%dma_wait3A_594, %dma_wait3A_595] : memref<10240x128xf32, #tpu.memory_space<vmem_shared>> -> memref<10240x128xf32, #tpu.memory_space<vmem_shared>>
      %dma_wait3A_597 = tpu.memref_slice %arg14[%dma_wait3A_587] : memref<4x!tpu.dma_semaphore, #tpu.memory_space<semaphore_mem>> -> memref<1x!tpu.dma_semaphore, #tpu.memory_space<semaphore_mem>>
      %dma_wait3A_598 = tpu.memref_squeeze %dma_wait3A_597 : memref<1x!tpu.dma_semaphore, #tpu.memory_space<semaphore_mem>> -> memref<!tpu.dma_semaphore, #tpu.memory_space<semaphore_mem>>
      tpu.wait_indirect_dma semaphore(%dma_wait3A_598 : memref<!tpu.dma_semaphore, #tpu.memory_space<semaphore_mem>>) src(%dma_wait3A_590 : memref<29x128xf32, #tpu.memory_space<vmem>>) dst(%dma_wait3A_596 : memref<10240x128xf32, #tpu.memory_space<vmem_shared>>)
      %add3A_599 = arith.constant 1 : i32
      %add3A_600 = arith.addi %scan3A_435, %add3A_599 : i32
      %lt3A_601 = arith.constant 80 : i32
      %lt3A_602 = arith.cmpi slt, %add3A_600, %lt3A_601 : i32
      %convert_element_type3A_603 = arith.extui %lt3A_602 : i1 to i32
      %cond3A_604 = arith.constant 0 : i32
      %cond3A_605 = arith.cmpi ne, %convert_element_type3A_603, %cond3A_604 : i32
      scf.if %cond3A_605 {
        %add3A_607 = arith.constant 1 : i32
        %add3A_608 = arith.addi %scan3A_435, %add3A_607 : i32
        %dma_start3A_609 = arith.constant 3 : i32
        %dma_start3A_610 = arith.constant 0 : i32
        %dma_start3A_611 = arith.constant 0 : i32
        %dma_start3A_612 = tpu.memref_slice %arg11[%dma_start3A_610, %dma_start3A_611] : memref<32x128xf32, #tpu.memory_space<vmem>> -> memref<29x128xf32, #tpu.memory_space<vmem>>
        %dma_start3A_613 = arith.constant 96 : i32
        %dma_start3A_614 = tpu.memref_slice %arg6[%add3A_608, %dma_start3A_613] : memref<80x125xi32, #tpu.memory_space<vmem>> -> memref<1x29xi32, #tpu.memory_space<vmem>>
        %dma_start3A_615 = tpu.memref_squeeze %dma_start3A_614 : memref<1x29xi32, #tpu.memory_space<vmem>> -> memref<29xi32, #tpu.memory_space<vmem>>
        %dma_start3A_616 = arith.constant 0 : i32
        %dma_start3A_617 = arith.constant 0 : i32
        %dma_start3A_618 = tpu.memref_slice %arg2[%dma_start3A_616, %dma_start3A_617] : memref<10000x128xf32, #tpu.memory_space<hbm>> -> memref<10000x128xf32, #tpu.memory_space<hbm>>
        %dma_start3A_619 = tpu.memref_slice %arg13[%dma_start3A_609] : memref<4x!tpu.dma_semaphore, #tpu.memory_space<semaphore_mem>> -> memref<1x!tpu.dma_semaphore, #tpu.memory_space<semaphore_mem>>
        %dma_start3A_620 = tpu.memref_squeeze %dma_start3A_619 : memref<1x!tpu.dma_semaphore, #tpu.memory_space<semaphore_mem>> -> memref<!tpu.dma_semaphore, #tpu.memory_space<semaphore_mem>>
        tpu.enqueue_indirect_dma source(%dma_start3A_618 : memref<10000x128xf32, #tpu.memory_space<hbm>>) target(%dma_start3A_612 : memref<29x128xf32, #tpu.memory_space<vmem>>) offsets(%dma_start3A_615 : memref<29xi32, #tpu.memory_space<vmem>>) semaphore(%dma_start3A_620 : memref<!tpu.dma_semaphore, #tpu.memory_space<semaphore_mem>>)
      } else {
      }
      %scan3A_606 = arith.constant 0 : i32
      scf.yield %scan3A_606 : i32
    }
    %scan3A_429 = arith.constant 80 : i32
    %barrier3A_430 = arith.constant 0 : index
    tpu.barrier barrier_id(%barrier3A_430)
    %mul3A_431 = arith.constant 640 : i32
    %mul3A_432 = arith.muli %arg1, %mul3A_431 : i32
    %mul3A_433 = arith.constant 640 : i32
    %mul3A_434 = arith.muli %arg1, %mul3A_433 : i32
    "tpu.region"() ({
      %run_scoped3A = tpu.sem_alloc : memref<!tpu.dma_semaphore, #tpu.memory_space<semaphore_mem>>
      %dma_start3A_435 = arith.constant 0 : i32
      %dma_start3A_436 = tpu.memref_slice %arg5[%arg0, %mul3A_434, %dma_start3A_435] : memref<2x10240x128xf32, #tpu.memory_space<hbm>> -> memref<1x640x128xf32, #tpu.memory_space<hbm>>
      %dma_start3A_437 = tpu.memref_squeeze %dma_start3A_436 : memref<1x640x128xf32, #tpu.memory_space<hbm>> -> memref<640x128xf32, #tpu.memory_space<hbm>>
      %dma_start3A_438 = arith.constant 0 : i32
      %dma_start3A_439 = tpu.memref_slice %arg12[%mul3A_432, %dma_start3A_438] : memref<10240x128xf32, #tpu.memory_space<vmem_shared>> -> memref<640x128xf32, #tpu.memory_space<vmem_shared>>
      tpu.enqueue_dma source(%dma_start3A_439 : memref<640x128xf32, #tpu.memory_space<vmem_shared>>) target(%dma_start3A_437 : memref<640x128xf32, #tpu.memory_space<hbm>>) target_semaphore(%run_scoped3A : memref<!tpu.dma_semaphore, #tpu.memory_space<semaphore_mem>>)
      %dma_wait3A_440 = arith.constant 0 : i32
      %dma_wait3A_441 = tpu.memref_slice %arg5[%arg0, %mul3A_434, %dma_wait3A_440] : memref<2x10240x128xf32, #tpu.memory_space<hbm>> -> memref<1x640x128xf32, #tpu.memory_space<hbm>>
      %dma_wait3A_442 = tpu.memref_squeeze %dma_wait3A_441 : memref<1x640x128xf32, #tpu.memory_space<hbm>> -> memref<640x128xf32, #tpu.memory_space<hbm>>
      %dma_wait3A_443 = arith.constant 0 : i32
      %dma_wait3A_444 = tpu.memref_slice %arg12[%mul3A_432, %dma_wait3A_443] : memref<10240x128xf32, #tpu.memory_space<vmem_shared>> -> memref<640x128xf32, #tpu.memory_space<vmem_shared>>
      tpu.wait_dma2 semaphore(%run_scoped3A : memref<!tpu.dma_semaphore, #tpu.memory_space<semaphore_mem>>) src(%dma_wait3A_444 : memref<640x128xf32, #tpu.memory_space<vmem_shared>>) dst(%dma_wait3A_442 : memref<640x128xf32, #tpu.memory_space<hbm>>)
      tpu.yield
    }) : () -> ()
    return
  }
}

module attributes {stable_mosaic.version = 14 : i64} {
  func.func @_tc_stage1_body(%arg0: i32, %arg1: memref<2000x128xf32, #tpu.memory_space<vmem>>, %arg2: memref<1x2000x128xf32, #tpu.memory_space<vmem>>, %arg3: memref<1x2000x128xf32, #tpu.memory_space<vmem>>, %arg4: memref<2000x1xf32, #tpu.memory_space<vmem>>, %arg5: memref<2000x1xf32, #tpu.memory_space<vmem>>, %arg6: memref<128x128xf32, #tpu.memory_space<vmem>>, %arg7: memref<1x128xf32, #tpu.memory_space<vmem>>, %arg8: memref<2000x128xf32, #tpu.memory_space<vmem>>) attributes {dimension_semantics = [#tpu.dimension_semantics<arbitrary>], iteration_bounds = array<i64: 5>, scalar_prefetch = 0 : i64, scratch_operands = 0 : i64, tpu.core_type = #tpu.core_type<tc>, window_params = [{transform_indices = @transform_0, window_bounds = array<i64: 2000, 128>}, {transform_indices = @transform_1, window_bounds = array<i64: 1, 2000, 128>}, {transform_indices = @transform_2, window_bounds = array<i64: 1, 2000, 128>}, {transform_indices = @transform_3, window_bounds = array<i64: 2000, 1>}, {transform_indices = @transform_4, window_bounds = array<i64: 2000, 1>}, {pipeline_mode = #tpu.pipeline_mode<synchronous>, transform_indices = @transform_5, window_bounds = array<i64: 128, 128>}, {pipeline_mode = #tpu.pipeline_mode<synchronous>, transform_indices = @transform_6, window_bounds = array<i64: 1, 128>}, {transform_indices = @transform_7, window_bounds = array<i64: 2000, 128>}]} {
    %get3A = arith.constant 0 : index
    %get3A_0 = arith.constant 0 : index
    %get3A_1 = vector.load %arg1[%get3A, %get3A_0] : memref<2000x128xf32, #tpu.memory_space<vmem>>, vector<2000x128xf32>
    %get3A_2 = arith.constant 0 : index
    %get3A_3 = arith.constant 0 : index
    %get3A_4 = arith.constant 0 : index
    %get3A_5 = vector.load %arg2[%get3A_2, %get3A_3, %get3A_4] : memref<1x2000x128xf32, #tpu.memory_space<vmem>>, vector<1x2000x128xf32>
    %get3A_6 = vector.shape_cast %get3A_5 : vector<1x2000x128xf32> to vector<2000x128xf32>
    %get3A_7 = arith.constant 0 : index
    %get3A_8 = arith.constant 0 : index
    %get3A_9 = arith.constant 0 : index
    %get3A_10 = vector.load %arg3[%get3A_7, %get3A_8, %get3A_9] : memref<1x2000x128xf32, #tpu.memory_space<vmem>>, vector<1x2000x128xf32>
    %get3A_11 = vector.shape_cast %get3A_10 : vector<1x2000x128xf32> to vector<2000x128xf32>
    %add3A = arith.addf %get3A_6, %get3A_11 : vector<2000x128xf32>
    %get3A_12 = arith.constant 0 : index
    %get3A_13 = arith.constant 0 : index
    %get3A_14 = vector.load %arg4[%get3A_12, %get3A_13] : memref<2000x1xf32, #tpu.memory_space<vmem>>, vector<2000x1xf32>
    %mul3A = vector.broadcast %get3A_14 : vector<2000x1xf32> to vector<2000x128xf32>
    %mul3A_15 = arith.mulf %add3A, %mul3A : vector<2000x128xf32>
    %add3A_16 = arith.addf %get3A_1, %mul3A_15 : vector<2000x128xf32>
    %get3A_17 = arith.constant 0 : index
    %get3A_18 = arith.constant 0 : index
    %get3A_19 = vector.load %arg6[%get3A_17, %get3A_18] : memref<128x128xf32, #tpu.memory_space<vmem>>, vector<128x128xf32>
    %dot_general3A = arith.constant dense<0.000000e+00> : vector<2000x128xf32>
    %dot_general3A_20 = tpu.matmul %add3A_16, %get3A_19, %dot_general3A {dimension_numbers = #tpu.dot_dimension_numbers<[1], [0], [0], [1], [0, 0, 1, 1], [], []>, transpose_lhs_hint = false} : vector<2000x128xf32>, vector<128x128xf32>, vector<2000x128xf32> -> vector<2000x128xf32>
    %get3A_21 = arith.constant 0 : index
    %get3A_22 = arith.constant 0 : index
    %get3A_23 = vector.load %arg7[%get3A_21, %get3A_22] : memref<1x128xf32, #tpu.memory_space<vmem>>, vector<1x128xf32>
    %add3A_24 = vector.broadcast %get3A_23 : vector<1x128xf32> to vector<2000x128xf32>
    %add3A_25 = arith.addf %dot_general3A_20, %add3A_24 : vector<2000x128xf32>
    %get3A_26 = arith.constant 0 : index
    %get3A_27 = arith.constant 0 : index
    %get3A_28 = vector.load %arg5[%get3A_26, %get3A_27] : memref<2000x1xf32, #tpu.memory_space<vmem>>, vector<2000x1xf32>
    %mul3A_29 = vector.broadcast %get3A_28 : vector<2000x1xf32> to vector<2000x128xf32>
    %mul3A_30 = arith.mulf %add3A_25, %mul3A_29 : vector<2000x128xf32>
    %swap3A = arith.constant 0 : index
    %swap3A_31 = arith.constant 0 : index
    %swap3A_32 = vector.load %arg8[%swap3A, %swap3A_31] : memref<2000x128xf32, #tpu.memory_space<vmem>>, vector<2000x128xf32>
    tpu.vector_store %arg8[%swap3A, %swap3A_31], %mul3A_30 {strides = array<i32>} : memref<2000x128xf32, #tpu.memory_space<vmem>>, vector<2000x128xf32>,
    return
  }
  func.func @transform_0(%arg0: i32) -> (i32, i32) {
    %c0_i32 = arith.constant 0 : i32
    %c0_i32_0 = arith.constant 0 : i32
    return %arg0, %c0_i32 : i32, i32
  }
  func.func @transform_1(%arg0: i32) -> (i32, i32, i32) {
    %c0_i32 = arith.constant 0 : i32
    %c0_i32_0 = arith.constant 0 : i32
    %c0_i32_1 = arith.constant 0 : i32
    return %c0_i32, %arg0, %c0_i32_0 : i32, i32, i32
  }
  func.func @transform_2(%arg0: i32) -> (i32, i32, i32) {
    %c1_i32 = arith.constant 1 : i32
    %c0_i32 = arith.constant 0 : i32
    %c0_i32_0 = arith.constant 0 : i32
    return %c1_i32, %arg0, %c0_i32 : i32, i32, i32
  }
  func.func @transform_3(%arg0: i32) -> (i32, i32) {
    %c0_i32 = arith.constant 0 : i32
    %c0_i32_0 = arith.constant 0 : i32
    return %arg0, %c0_i32 : i32, i32
  }
  func.func @transform_4(%arg0: i32) -> (i32, i32) {
    %c0_i32 = arith.constant 0 : i32
    %c0_i32_0 = arith.constant 0 : i32
    return %arg0, %c0_i32 : i32, i32
  }
  func.func @transform_5(%arg0: i32) -> (i32, i32) {
    %c0_i32 = arith.constant 0 : i32
    %c0_i32_0 = arith.constant 0 : i32
    %c0_i32_1 = arith.constant 0 : i32
    return %c0_i32, %c0_i32_0 : i32, i32
  }
  func.func @transform_6(%arg0: i32) -> (i32, i32) {
    %c0_i32 = arith.constant 0 : i32
    %c0_i32_0 = arith.constant 0 : i32
    %c0_i32_1 = arith.constant 0 : i32
    return %c0_i32, %c0_i32_0 : i32, i32
  }
  func.func @transform_7(%arg0: i32) -> (i32, i32) {
    %c0_i32 = arith.constant 0 : i32
    %c0_i32_0 = arith.constant 0 : i32
    return %arg0, %c0_i32 : i32, i32
  }
}

module attributes {stable_mosaic.version = 14 : i64} {
  func.func @_tc_conv_body(%arg0: i32, %arg1: memref<1x2000x128xf32, #tpu.memory_space<vmem>>, %arg2: memref<1x2000x128xf32, #tpu.memory_space<vmem>>, %arg3: memref<2000x128xf32, #tpu.memory_space<vmem>>, %arg4: memref<2000x1xf32, #tpu.memory_space<vmem>>, %arg5: memref<128x128xf32, #tpu.memory_space<vmem>>, %arg6: memref<1x128xf32, #tpu.memory_space<vmem>>, %arg7: memref<2000x128xf32, #tpu.memory_space<vmem>>) attributes {dimension_semantics = [#tpu.dimension_semantics<arbitrary>], iteration_bounds = array<i64: 5>, scalar_prefetch = 0 : i64, scratch_operands = 0 : i64, tpu.core_type = #tpu.core_type<tc>, window_params = [{transform_indices = @transform_0, window_bounds = array<i64: 1, 2000, 128>}, {transform_indices = @transform_1, window_bounds = array<i64: 1, 2000, 128>}, {transform_indices = @transform_2, window_bounds = array<i64: 2000, 128>}, {transform_indices = @transform_3, window_bounds = array<i64: 2000, 1>}, {pipeline_mode = #tpu.pipeline_mode<synchronous>, transform_indices = @transform_4, window_bounds = array<i64: 128, 128>}, {pipeline_mode = #tpu.pipeline_mode<synchronous>, transform_indices = @transform_5, window_bounds = array<i64: 1, 128>}, {transform_indices = @transform_6, window_bounds = array<i64: 2000, 128>}]} {
    %get3A = arith.constant 0 : index
    %get3A_0 = arith.constant 0 : index
    %get3A_1 = arith.constant 0 : index
    %get3A_2 = vector.load %arg1[%get3A, %get3A_0, %get3A_1] : memref<1x2000x128xf32, #tpu.memory_space<vmem>>, vector<1x2000x128xf32>
    %get3A_3 = vector.shape_cast %get3A_2 : vector<1x2000x128xf32> to vector<2000x128xf32>
    %get3A_4 = arith.constant 0 : index
    %get3A_5 = arith.constant 0 : index
    %get3A_6 = arith.constant 0 : index
    %get3A_7 = vector.load %arg2[%get3A_4, %get3A_5, %get3A_6] : memref<1x2000x128xf32, #tpu.memory_space<vmem>>, vector<1x2000x128xf32>
    %get3A_8 = vector.shape_cast %get3A_7 : vector<1x2000x128xf32> to vector<2000x128xf32>
    %add3A = arith.addf %get3A_3, %get3A_8 : vector<2000x128xf32>
    %get3A_9 = arith.constant 0 : index
    %get3A_10 = arith.constant 0 : index
    %get3A_11 = vector.load %arg3[%get3A_9, %get3A_10] : memref<2000x128xf32, #tpu.memory_space<vmem>>, vector<2000x128xf32>
    %add3A_12 = arith.addf %add3A, %get3A_11 : vector<2000x128xf32>
    %get3A_13 = arith.constant 0 : index
    %get3A_14 = arith.constant 0 : index
    %get3A_15 = vector.load %arg4[%get3A_13, %get3A_14] : memref<2000x1xf32, #tpu.memory_space<vmem>>, vector<2000x1xf32>
    %mul3A = vector.broadcast %get3A_15 : vector<2000x1xf32> to vector<2000x128xf32>
    %mul3A_16 = arith.mulf %add3A_12, %mul3A : vector<2000x128xf32>
    %get3A_17 = arith.constant 0 : index
    %get3A_18 = arith.constant 0 : index
    %get3A_19 = vector.load %arg5[%get3A_17, %get3A_18] : memref<128x128xf32, #tpu.memory_space<vmem>>, vector<128x128xf32>
    %dot_general3A = arith.constant dense<0.000000e+00> : vector<2000x128xf32>
    %dot_general3A_20 = tpu.matmul %mul3A_16, %get3A_19, %dot_general3A {dimension_numbers = #tpu.dot_dimension_numbers<[1], [0], [0], [1], [0, 0, 1, 1], [], []>, transpose_lhs_hint = false} : vector<2000x128xf32>, vector<128x128xf32>, vector<2000x128xf32> -> vector<2000x128xf32>
    %get3A_21 = arith.constant 0 : index
    %get3A_22 = arith.constant 0 : index
    %get3A_23 = vector.load %arg6[%get3A_21, %get3A_22] : memref<1x128xf32, #tpu.memory_space<vmem>>, vector<1x128xf32>
    %add3A_24 = vector.broadcast %get3A_23 : vector<1x128xf32> to vector<2000x128xf32>
    %add3A_25 = arith.addf %dot_general3A_20, %add3A_24 : vector<2000x128xf32>
    %max3A = arith.constant 0.000000e+00 : f32
    %max3A_26 = vector.broadcast %max3A : f32 to vector<2000x128xf32>
    %max3A_27 = arith.maximumf %add3A_25, %max3A_26 : vector<2000x128xf32>
    %get3A_28 = arith.constant 0 : index
    %get3A_29 = arith.constant 0 : index
    %get3A_30 = vector.load %arg4[%get3A_28, %get3A_29] : memref<2000x1xf32, #tpu.memory_space<vmem>>, vector<2000x1xf32>
    %mul3A_31 = vector.broadcast %get3A_30 : vector<2000x1xf32> to vector<2000x128xf32>
    %mul3A_32 = arith.mulf %max3A_27, %mul3A_31 : vector<2000x128xf32>
    %swap3A = arith.constant 0 : index
    %swap3A_33 = arith.constant 0 : index
    %swap3A_34 = vector.load %arg7[%swap3A, %swap3A_33] : memref<2000x128xf32, #tpu.memory_space<vmem>>, vector<2000x128xf32>
    tpu.vector_store %arg7[%swap3A, %swap3A_33], %mul3A_32 {strides = array<i32>} : memref<2000x128xf32, #tpu.memory_space<vmem>>, vector<2000x128xf32>,
    return
  }
  func.func @transform_0(%arg0: i32) -> (i32, i32, i32) {
    %c0_i32 = arith.constant 0 : i32
    %c0_i32_0 = arith.constant 0 : i32
    %c0_i32_1 = arith.constant 0 : i32
    return %c0_i32, %arg0, %c0_i32_0 : i32, i32, i32
  }
  func.func @transform_1(%arg0: i32) -> (i32, i32, i32) {
    %c1_i32 = arith.constant 1 : i32
    %c0_i32 = arith.constant 0 : i32
    %c0_i32_0 = arith.constant 0 : i32
    return %c1_i32, %arg0, %c0_i32 : i32, i32, i32
  }
  func.func @transform_2(%arg0: i32) -> (i32, i32) {
    %c0_i32 = arith.constant 0 : i32
    %c0_i32_0 = arith.constant 0 : i32
    return %arg0, %c0_i32 : i32, i32
  }
  func.func @transform_3(%arg0: i32) -> (i32, i32) {
    %c0_i32 = arith.constant 0 : i32
    %c0_i32_0 = arith.constant 0 : i32
    return %arg0, %c0_i32 : i32, i32
  }
  func.func @transform_4(%arg0: i32) -> (i32, i32) {
    %c0_i32 = arith.constant 0 : i32
    %c0_i32_0 = arith.constant 0 : i32
    %c0_i32_1 = arith.constant 0 : i32
    return %c0_i32, %c0_i32_0 : i32, i32
  }
  func.func @transform_5(%arg0: i32) -> (i32, i32) {
    %c0_i32 = arith.constant 0 : i32
    %c0_i32_0 = arith.constant 0 : i32
    %c0_i32_1 = arith.constant 0 : i32
    return %c0_i32, %c0_i32_0 : i32, i32
  }
  func.func @transform_6(%arg0: i32) -> (i32, i32) {
    %c0_i32 = arith.constant 0 : i32
    %c0_i32_0 = arith.constant 0 : i32
    return %arg0, %c0_i32 : i32, i32
  }
}

module attributes {stable_mosaic.version = 14 : i64} {
  func.func @_tc_conv_body(%arg0: i32, %arg1: memref<1x2000x128xf32, #tpu.memory_space<vmem>>, %arg2: memref<1x2000x128xf32, #tpu.memory_space<vmem>>, %arg3: memref<2000x128xf32, #tpu.memory_space<vmem>>, %arg4: memref<2000x1xf32, #tpu.memory_space<vmem>>, %arg5: memref<128x128xf32, #tpu.memory_space<vmem>>, %arg6: memref<1x128xf32, #tpu.memory_space<vmem>>, %arg7: memref<2000x128xf32, #tpu.memory_space<vmem>>) attributes {dimension_semantics = [#tpu.dimension_semantics<arbitrary>], iteration_bounds = array<i64: 5>, scalar_prefetch = 0 : i64, scratch_operands = 0 : i64, tpu.core_type = #tpu.core_type<tc>, window_params = [{transform_indices = @transform_0, window_bounds = array<i64: 1, 2000, 128>}, {transform_indices = @transform_1, window_bounds = array<i64: 1, 2000, 128>}, {transform_indices = @transform_2, window_bounds = array<i64: 2000, 128>}, {transform_indices = @transform_3, window_bounds = array<i64: 2000, 1>}, {pipeline_mode = #tpu.pipeline_mode<synchronous>, transform_indices = @transform_4, window_bounds = array<i64: 128, 128>}, {pipeline_mode = #tpu.pipeline_mode<synchronous>, transform_indices = @transform_5, window_bounds = array<i64: 1, 128>}, {transform_indices = @transform_6, window_bounds = array<i64: 2000, 128>}]} {
    %get3A = arith.constant 0 : index
    %get3A_0 = arith.constant 0 : index
    %get3A_1 = arith.constant 0 : index
    %get3A_2 = vector.load %arg1[%get3A, %get3A_0, %get3A_1] : memref<1x2000x128xf32, #tpu.memory_space<vmem>>, vector<1x2000x128xf32>
    %get3A_3 = vector.shape_cast %get3A_2 : vector<1x2000x128xf32> to vector<2000x128xf32>
    %get3A_4 = arith.constant 0 : index
    %get3A_5 = arith.constant 0 : index
    %get3A_6 = arith.constant 0 : index
    %get3A_7 = vector.load %arg2[%get3A_4, %get3A_5, %get3A_6] : memref<1x2000x128xf32, #tpu.memory_space<vmem>>, vector<1x2000x128xf32>
    %get3A_8 = vector.shape_cast %get3A_7 : vector<1x2000x128xf32> to vector<2000x128xf32>
    %add3A = arith.addf %get3A_3, %get3A_8 : vector<2000x128xf32>
    %get3A_9 = arith.constant 0 : index
    %get3A_10 = arith.constant 0 : index
    %get3A_11 = vector.load %arg3[%get3A_9, %get3A_10] : memref<2000x128xf32, #tpu.memory_space<vmem>>, vector<2000x128xf32>
    %add3A_12 = arith.addf %add3A, %get3A_11 : vector<2000x128xf32>
    %get3A_13 = arith.constant 0 : index
    %get3A_14 = arith.constant 0 : index
    %get3A_15 = vector.load %arg4[%get3A_13, %get3A_14] : memref<2000x1xf32, #tpu.memory_space<vmem>>, vector<2000x1xf32>
    %mul3A = vector.broadcast %get3A_15 : vector<2000x1xf32> to vector<2000x128xf32>
    %mul3A_16 = arith.mulf %add3A_12, %mul3A : vector<2000x128xf32>
    %get3A_17 = arith.constant 0 : index
    %get3A_18 = arith.constant 0 : index
    %get3A_19 = vector.load %arg5[%get3A_17, %get3A_18] : memref<128x128xf32, #tpu.memory_space<vmem>>, vector<128x128xf32>
    %dot_general3A = arith.constant dense<0.000000e+00> : vector<2000x128xf32>
    %dot_general3A_20 = tpu.matmul %mul3A_16, %get3A_19, %dot_general3A {dimension_numbers = #tpu.dot_dimension_numbers<[1], [0], [0], [1], [0, 0, 1, 1], [], []>, transpose_lhs_hint = false} : vector<2000x128xf32>, vector<128x128xf32>, vector<2000x128xf32> -> vector<2000x128xf32>
    %get3A_21 = arith.constant 0 : index
    %get3A_22 = arith.constant 0 : index
    %get3A_23 = vector.load %arg6[%get3A_21, %get3A_22] : memref<1x128xf32, #tpu.memory_space<vmem>>, vector<1x128xf32>
    %add3A_24 = vector.broadcast %get3A_23 : vector<1x128xf32> to vector<2000x128xf32>
    %add3A_25 = arith.addf %dot_general3A_20, %add3A_24 : vector<2000x128xf32>
    %swap3A = arith.constant 0 : index
    %swap3A_26 = arith.constant 0 : index
    %swap3A_27 = vector.load %arg7[%swap3A, %swap3A_26] : memref<2000x128xf32, #tpu.memory_space<vmem>>, vector<2000x128xf32>
    tpu.vector_store %arg7[%swap3A, %swap3A_26], %add3A_25 {strides = array<i32>} : memref<2000x128xf32, #tpu.memory_space<vmem>>, vector<2000x128xf32>,
    return
  }
  func.func @transform_0(%arg0: i32) -> (i32, i32, i32) {
    %c0_i32 = arith.constant 0 : i32
    %c0_i32_0 = arith.constant 0 : i32
    %c0_i32_1 = arith.constant 0 : i32
    return %c0_i32, %arg0, %c0_i32_0 : i32, i32, i32
  }
  func.func @transform_1(%arg0: i32) -> (i32, i32, i32) {
    %c1_i32 = arith.constant 1 : i32
    %c0_i32 = arith.constant 0 : i32
    %c0_i32_0 = arith.constant 0 : i32
    return %c1_i32, %arg0, %c0_i32 : i32, i32, i32
  }
  func.func @transform_2(%arg0: i32) -> (i32, i32) {
    %c0_i32 = arith.constant 0 : i32
    %c0_i32_0 = arith.constant 0 : i32
    return %arg0, %c0_i32 : i32, i32
  }
  func.func @transform_3(%arg0: i32) -> (i32, i32) {
    %c0_i32 = arith.constant 0 : i32
    %c0_i32_0 = arith.constant 0 : i32
    return %arg0, %c0_i32 : i32, i32
  }
  func.func @transform_4(%arg0: i32) -> (i32, i32) {
    %c0_i32 = arith.constant 0 : i32
    %c0_i32_0 = arith.constant 0 : i32
    %c0_i32_1 = arith.constant 0 : i32
    return %c0_i32, %c0_i32_0 : i32, i32
  }
  func.func @transform_5(%arg0: i32) -> (i32, i32) {
    %c0_i32 = arith.constant 0 : i32
    %c0_i32_0 = arith.constant 0 : i32
    %c0_i32_1 = arith.constant 0 : i32
    return %c0_i32, %c0_i32_0 : i32, i32
  }
  func.func @transform_6(%arg0: i32) -> (i32, i32) {
    %c0_i32 = arith.constant 0 : i32
    %c0_i32_0 = arith.constant 0 : i32
    return %arg0, %c0_i32 : i32, i32
  }
}

</mosaic_0001>

<sc_bundles>
// kernel: kernel.11.cloned.1.call-start
scs
__scs_entry_jumppad:
0x0: {  	(pc) =	sbr.rel $0x88, $3  }
0x1: {  	(tag) =	ssettag $0x0;
	lr =	simm.s32 $0x1  }
0x2: {  	[smem:$0x3F98] =	sst lr;
	_ =	strace $0xD0000000  }
0x3: {  	_ = 	snop  }
0x4: {  	_ = 	snop  }
0x5: {  	_ = 	snop  }
0x6: {  	_ = 	snop  }
0x7: {  	_ = 	snop  }
__scs_overlays_trampoline_lowered:
0x8: {  	[smem:$0x3FA7] =	sst s0  }
0x9: {  	[smem:$0x3FA8] =	sst s1  }
0xa: {  	[smem:$0x3FA9] =	sst s2  }
0xb: {  	[smem:$0x3FAA] =	sst s3  }
0xc: {  	[smem:$0x3FAB] =	sst s4  }
0xd: {  	[smem:$0x3FAC] =	sst s5  }
0xe: {  	[smem:$0x3FAD] =	sst s6  }
0xf: {  	[smem:$0x3FAE] =	sst s7  }
0x10: {  	[smem:$0x3FAF] =	sst s8  }
0x11: {  	[smem:$0x3FB0] =	sst s9;
	s0 =	simm.s32 @!p0 $0x0  }
0x12: {  	s1 =	sld [smem:$0x3F96];
	s0 =	simm.s32 @p0 $0x1  }
0x13: {  	[smem:$0x3FB1] =	sst s0;
	s0 =	simm.s32 @!p1 $0x0  }
0x14: {  	s2 =	sld [smem:$0x3F95];
	s0 =	simm.s32 @p1 $0x1  }
0x15: {  	[smem:$0x3FB2] =	sst s0;
	s0 =	simm.s32 @!p2 $0x0  }
0x16: {  	s3 =	sld [smem:$0x3FDB];
	s0 =	simm.s32 @p2 $0x1  }
0x17: {  	s4 =	simm.s32 $0x1BF5;
	[smem:$0x3FB4] =	sst s0  }
0x18: {  	s0 =	sld [smem:$0x3F97];
	_ =	swait.ge [sflag:s4], $0x0  }
0x19: {  	s7 =	sld [smem:$0x3F98]  }
0x1a: {  	s8 =	sadd.s32 $0xFFFFE003, lr  }
0x1b: {  	s9 =	sadd.s32 $0xFFFFFEF7, lr;
	s5 =	simm.s32 $0xFFFFFFFF;
	p2 =	slt.u32 s8, $0xFFFFF086  }
0x1c: {  	p1 =	slt.u32 s9, $0xF7A;
	s5 =	simm.s32 @!p2 $0x0  }
0x1d: {  	s5 =	simm.s32 @p1 $0x1;
	p0 =	seq.s32 s7, s2  }
0x1e: {  	s7 =	smul.u32 @!p0 $0xF7A, s2;
	p2 =	seq.s32 @!p0 s5, $0x0  }
0x1f: {  	s9 =	smul.u32 $0xF7A, s1;
	s8 =	simm.s32 @!p0 $0x1BF5;
	p2 =	por !p2, p0  }
0x20: {  	[sflag:s8] =	ssyncset.s32 @!p0 $0xFFFFF086;
	s6 =	sadd.s32 @!p0 s3, s7;
	s7 =	simm.s32 @!p0 $0x108  }
0x21: {  	s3 =	sadd.s32 s3, s9;
	s6 =	sadd.s32 @!p0 $0x88, s6;
	s7 =	simm.s32 @p2 $0x1082  }
0x22: {  	[simem:s7], [sflag:s8] =	dma.local @!p0 [hbm:s6], $0xF7A  }
0x23: {  	s9 =	sor.u32 $0xD0000000, s2;
	s6 =	simm.s32 $0x108;
	_ =	swait.ge @!p0 [sflag:s8], $0x0  }
0x24: {  	s3 =	sadd.s32 $0x88, s3;
	s6 =	simm.s32 @!p1 $0x1082;
	[sflag:s4] =	ssyncset.s32 $0xFFFFF086  }
0x25: {  	[simem:s6], [sflag:s4] =	dma.local [hbm:s3], $0xF7A  }
0x26: {  	[smem:$0x3F98] =	sst s1;
	(tag) =	ssettag s2;
	_ =	strace s9  }
0x27: {  	s1 =	sld [smem:$0x3FA8]  }
0x28: {  	s2 =	sld [smem:$0x3FA9]  }
0x29: {  	s4 =	sld [smem:$0x3FAB]  }
0x2a: {  	p0 =	seq.s32 s5, $0x0;
	s5 =	sld [smem:$0x3FAC]  }
0x2b: {  	s6 =	sld [smem:$0x3FAD]  }
0x2c: {  	s7 =	sld [smem:$0x3FAE]  }
0x2d: {  	s3 =	simm.s32 $0x108;
	s8 =	sld [smem:$0x3FAF]  }
0x2e: {  	s3 =	simm.s32 @!p0 $0x1082;
	s9 =	sld [smem:$0x3FB0]  }
0x2f: {  	lr =	sadd.s32 s0, s3;
	s0 =	sld [smem:$0x3FA7]  }
0x30: {  	s3 =	sld [smem:$0x3FAA]  }
0x31: {  	[smem:$0x3FB3] =	sst s10  }
0x32: {  	s10 =	sld [smem:$0x3FB1];
	_ =	sdelay $0x3  }
0x33: {  	p0 =	seq.s32 s10, $0x1;
	s10 =	sld [smem:$0x3FB3];
	_ =	sdelay $0x3  }
0x34: {  	[smem:$0x3FB3] =	sst s10  }
0x35: {  	s10 =	sld [smem:$0x3FB2];
	_ =	sdelay $0x3  }
0x36: {  	p1 =	seq.s32 s10, $0x1;
	s10 =	sld [smem:$0x3FB3];
	_ =	sdelay $0x3  }
0x37: {  	[smem:$0x3FB3] =	sst s10  }
0x38: {  	s10 =	sld [smem:$0x3FB4]  }
0x39: {  	_ = 	snop;
	(pc) =	sbr.ind lr, $3  }
0x3a: {  	_ = 	snop  }
0x3b: {  	_ = 	snop  }
0x3c: {  	p2 =	seq.s32 s10, $0x1;
	s10 =	sld [smem:$0x3FB3]  }
0x3d: {  	_ =	shalt  }
0x3e: {  	_ =	shalt  }
0x3f: {  	_ =	shalt  }
0x40: {  	_ =	shalt  }
0x41: {  	_ =	shalt  }
0x42: {  	_ =	shalt  }
0x43: {  	_ =	shalt  }
0x44: {  	_ =	shalt  }
0x45: {  	_ =	shalt  }
0x46: {  	_ =	shalt  }
0x47: {  	_ =	shalt  }
0x48: {  	_ =	shalt  }
0x49: {  	_ =	shalt  }
0x4a: {  	_ =	shalt  }
0x4b: {  	_ =	shalt  }
0x4c: {  	_ =	shalt  }
0x4d: {  	_ =	shalt  }
0x4e: {  	_ =	shalt  }
0x4f: {  	_ =	shalt  }
0x50: {  	_ =	shalt  }
0x51: {  	_ =	shalt  }
0x52: {  	_ =	shalt  }
0x53: {  	_ =	shalt  }
0x54: {  	_ =	shalt  }
0x55: {  	_ =	shalt  }
0x56: {  	_ =	shalt  }
0x57: {  	_ =	shalt  }
0x58: {  	_ =	shalt  }
0x59: {  	_ =	shalt  }
0x5a: {  	_ =	shalt  }
0x5b: {  	_ =	shalt  }
0x5c: {  	_ =	shalt  }
0x5d: {  	_ =	shalt  }
0x5e: {  	_ =	shalt  }
0x5f: {  	_ =	shalt  }
0x60: {  	_ =	shalt  }
0x61: {  	_ =	shalt  }
0x62: {  	_ =	shalt  }
0x63: {  	_ =	shalt  }
0x64: {  	_ =	shalt  }
0x65: {  	_ =	shalt  }
0x66: {  	_ =	shalt  }
0x67: {  	_ =	shalt  }
0x68: {  	_ =	shalt  }
0x69: {  	_ =	shalt  }
0x6a: {  	_ =	shalt  }
0x6b: {  	_ =	shalt  }
0x6c: {  	_ =	shalt  }
0x6d: {  	_ =	shalt  }
0x6e: {  	_ =	shalt  }
0x6f: {  	_ =	shalt  }
0x70: {  	_ =	shalt  }
0x71: {  	_ =	shalt  }
0x72: {  	_ =	shalt  }
0x73: {  	_ =	shalt  }
0x74: {  	_ =	shalt  }
0x75: {  	_ =	shalt  }
0x76: {  	_ =	shalt  }
0x77: {  	_ =	shalt  }
0x78: {  	_ =	shalt  }
0x79: {  	_ =	shalt  }
0x7a: {  	_ =	shalt  }
0x7b: {  	_ =	shalt  }
0x7c: {  	_ =	shalt  }
0x7d: {  	_ =	shalt  }
0x7e: {  	_ =	shalt  }
0x7f: {  	_ =	shalt  }
0x80: {  	_ =	shalt  }
0x81: {  	_ =	shalt  }
0x82: {  	_ =	shalt  }
0x83: {  	_ =	shalt  }
0x84: {  	_ =	shalt  }
0x85: {  	_ =	shalt  }
0x86: {  	_ =	shalt  }
0x87: {  	_ =	shalt  }
.Lfunc_end0:
.L_simem_size_0:
called_computation.1_lowered:
.L_overlay_start_0:
0x88: {  	s2 =	sld [smem:$0x3FD9]  }
0x89: {  	s3 =	sld [smem:$0x3FFE];
	_ =	sdelay $0x1  }
0x8a: {  	s1 =	srdreg.scid  }
0x8b: {  	s0 =	sand.u32 $0x1, s1  }
0x8c: {  	s14 =	sshll.u32 s0, $0xA;
	s2 =	sadd.s32 s3, s2  }
0x8d: {  	s2 =	sadd.s32 s2, s14  }
0x8e: {  	[smem:$0x3FBF] =	sst s2  }
0x8f: {  	_ = 	snop  }
0x90: {  	s2 =	sld [smem:$0x3FD0];
	_ =	sdelay $0x2  }
0x91: {  	s15 =	simm.s32 $0xA;
	s4 =	simm.s32 $0x10  }
0x92: {  	[smem:s4], [sflag:s15] =	dma.local [hbm:s2], $0x1  }
0x93: {  	_ =	swait.eq [sflag:s15], $0x1  }
0x94: {  	[sflag:s15] =	ssyncset.done $0x0  }
0x95: {  	s16 =	sld [smem:$0x10];
	[sflag:s15] =	ssyncadd.s32 $0xFFFFFFFF  }
0x96: {  	s17 =	sld [smem:$0x11];
	(tm) =	ssettm $0x1  }
0x97: {  	s18 =	sld [smem:$0x3FFB];
	_ =	sdelay $0x3  }
0x98: {  	_ =	strace s18  }
0x99: {  	s4 =	sld [smem:$0x3FFC];
	_ =	sdelay $0x3  }
0x9a: {  	_ =	strace s4  }
0x9b: {  	s4 =	sld [smem:$0x3FFD];
	_ =	sdelay $0x3  }
0x9c: {  	_ =	strace s4  }
0x9d: {  	_ =	strace $0x8FFFFFFF  }
0x9e: {  	s19 =	sld [smem:$0x3FDB];
	_ =	sdelay $0x1  }
0x9f: {  	s5 =	simm.s32 $_scs_section_size  }
0xa0: {  	s6 =	simm.s32 $_size__tile_overlayer_lowered;
	s7 =	simm.s32 $_tile_overlayer_lowered  }
0xa1: {  	s22 =	simm.s32 $0x1BFF;
	s21 =	sshll.u32 s7, $0x1;
	s4 =	sadd.s32 s5, s19  }
0xa2: {  	s8 =	simm.s32 $0x0;
	s20 =	sshll.u32 s6, $0x1;
	s6 =	sadd.s32 s21, s4  }
0xa3: {  	[timem:s8], [sflag:s22] =	dma.local [hbm:s6], s20  }
0xa4: {  	_ =	swait.ge [sflag:s22], s20  }
0xa5: {  	s5 =	ssub.s32 $0x0, s20;
	[sflag:s22] =	ssyncset.done $0x0  }
0xa6: {  	[sflag:s22] =	ssyncadd.s32 s5;
	_ =	sdelay $0x1  }
0xa7: {  	s23 =	simm.s32 $0x1B8B  }
0xa8: {  	_ =	swait.ge [sflag:s23], $0x1  }
0xa9: {  	[sflag:s23] =	ssyncset.done $0x0  }
0xaa: {  	s25 =	simm.s32 $0x1B8E;
	s24 =	sld [smem:$0x3FFE];
	[sflag:s23] =	ssyncadd.s32 $0xFFFFFFFF  }
0xab: {  	s26 =	simm.s32 $execute0_lowered;
	[smem:$0x3FD2] =	sst s25  }
0xac: {  	s6 =	sshll.u32 s26, $0x1;
	_ =	strace $0x80000049;
	[dreg:$0x1] =	wrdreg $0xFFFFFFFF  }
0xad: {  	s28 =	simm.s32 $_size_execute0_lowered;
	s4 =	sadd.s32 s4, s6;
	[dreg:$0x0] =	wrdreg $0x0  }
0xae: {  	s6 =	sshll.u32 s28, $0x1;
	[dreg:$0x2] =	wrdreg s4  }
0xaf: {  	[dreg:$0x3] =	wrdreg s6  }
0xb0: {  	[dreg:$0x4] =	wrdreg $0xC0  }
0xb1: {  	_ =	task [dreg:s8], $0x5FFFF  }
0xb2: {  	[dreg:$0x1] =	wrdreg $0xFFFFFFFF  }
0xb3: {  	[dreg:$0x0] =	wrdreg $0x60  }
0xb4: {  	[dreg:$0x2] =	wrdreg s16  }
0xb5: {  	[dreg:$0x3] =	wrdreg s24  }
0xb6: {  	[dreg:$0x4] =	wrdreg s17  }
0xb7: {  	[dreg:$0x5] =	wrdreg $0x90000  }
0xb8: {  	[dreg:$0x6] =	wrdreg $0x9  }
0xb9: {  	_ =	task.clear_ibuf [dreg:s8], $0x7FFFF;
	_ =	strace $0x90000049  }
0xba: {  	s29 =	simm.s32 $0x9;
	_ =	strace $0x8000004B  }
0xbb: {  	_ =	swait.ge [sflag:s29], $0x1  }
0xbc: {  	[sflag:s29] =	ssyncadd.s32 $0xFFFFFFFF  }
0xbd: {  	_ =	strace $0x9000004B  }
0xbe: {  	_ =	sfence  }
0xbf: {  	s30 =	sld [smem:$0x0];
	_ =	sdelay $0x2  }
0xc0: {  	s31 =	sshll.u32 s1, $0xD;
	s1 =	sshrl.u32 s1, $0x2  }
0xc1: {  	s3 =	sand.u32 $0x4000, s31;
	s1 =	sadd.s32 s1, s30  }
0xc2: {  	s0 =	sor.u32 s3, s0;
	s1 =	sshll.u32 s1, $0x11  }
0xc3: {  	s0 =	sor.u32 s1, s0  }
0xc4: {  	s0 =	sadd.s32 $0x8F2B, s0  }
0xc5: {  	[sflag:s0] =	ssyncadd.remote.s32 $0x1  }
0xc6: {  	_ =	sfence.sel $0xFFFF  }
0xc7: {  	[dreg:$0x0] =	wrdreg $0xFFFFFFFF;
	(pc) =	sbr.abs _section_cstart, $3  }
0xc8: {  	[dreg:$0x1] =	wrdreg $0xFFFFFFFF  }
0xc9: {  	_ =	task.clear_ibuf [dreg:s8], $0x2FFFF;
	_ =	strace $0x9FFFFFFF  }
0xca: {  	(tm) =	ssettm $0x7FFFFFFF  }
0xcb: {  	_ =	shalt  }
tec
execute0_lowered:
.L_overlay_start_1:
0x0: {  	(tag) =	ssettag $0x1  }
0x1: {  	s0 =	rddreg [dreg:$0x0]  }
0x2: {  	s2 =	rddreg [dreg:$0x1]  }
0x3: {  	s1 =	srdreg.scid;
	s4 =	rddreg [dreg:$0x2]  }
0x4: {  	s9 =	stileid.u32;
	s3 =	rddreg [dreg:$0x3]  }
0x5: {  	s6 =	simm.s32 $0x0;
	s31 =	simm.s32 $0x5000;
	s7 =	smul.u32 $0x50000, s9  }
0x6: {  	s30 =	simm.s32 $0x6;
	s1 =	sand.u32 $0x1, s1;
	[smem:$0x7FF] =	sst s6  }
0x7: {  	s21 =	smul.u32 $0x14000, s9;
	s5 =	sshll.u32 s1, $0x4;
	s12 =	sshrl.u32 s7, $0x2  }
0x8: {  	s10 =	ssub.s32 $0x2, s1;
	_ =	strace $0x8000004A;
	s7 =	sadd.s32 s12, s3  }
0x9: {  	s1 =	smul.u32 $0x140000, s1;
	s5 =	sor.u32 s9, s5;
	s14 =	sadd.s32 $0x1000, s7  }
0xa: {  	s8 =	sshrl.u32 s10, $0x1;
	s15 =	sadd.s32 $0x2000, s7;
	[dreg:$0x7] =	wrdreg s14  }
0xb: {  	s9 =	simm.s32 $0x8000;
	s16 =	sadd.s32 $0x3000, s7;
	[dreg:$0x8] =	wrdreg s15  }
0xc: {  	s5 =	smul.u32 $0x500, s5;
	s17 =	sadd.s32 $0x4000, s7;
	[dreg:$0x9] =	wrdreg s16  }
0xd: {  	s11 =	ssub.s32 s10, s8;
	s18 =	sadd.s32 $0x5000, s7;
	[dreg:$0xa] =	wrdreg s17  }
0xe: {  	s1 =	sadd.s32 s21, s1;
	s19 =	sadd.s32 $0x6000, s7;
	[dreg:$0xb] =	wrdreg s18  }
0xf: {  	s8 =	simm.s32 $0x1D;
	s20 =	sadd.s32 $0x7000, s7;
	[dreg:$0xc] =	wrdreg s19  }
0x10: {  	s10 =	simm.s32 $0x2;
	s6 =	sadd.s32 $0x8000, s7;
	[dreg:$0xd] =	wrdreg s20  }
0x11: {  	s12 =	simm.s32 $0x7;
	s22 =	sadd.s32 $0x9000, s7;
	[dreg:$0xe] =	wrdreg s6  }
0x12: {  	s23 =	sadd.s32 $0xA000, s7;
	s24 =	sadd.s32 $0xB000, s7;
	[dreg:$0xf] =	wrdreg s22  }
0x13: {  	s25 =	sadd.s32 $0xC000, s7;
	s26 =	sadd.s32 $0xD000, s7;
	[dreg:$0x10] =	wrdreg s23  }
0x14: {  	s21 =	sadd.s32 $0xE000, s7;
	s1 =	sshrl.u32 s1, $0x3;
	[dreg:$0x11] =	wrdreg s24  }
0x15: {  	s28 =	sadd.s32 $0x12000, s7;
	s29 =	sadd.s32 $0x13000, s7;
	[dreg:$0x12] =	wrdreg s25  }
0x16: {  	s2 =	sadd.s32 s5, s2;
	[dreg:$0x13] =	wrdreg s26;
	s22 =	sadd.s32 $0xF000, s7  }
0x17: {  	s23 =	sadd.s32 s4, s1;
	s24 =	sadd.s32 $0x10000, s7;
	s25 =	smax.u32 s11, $0x1  }
0x18: {  	s26 =	sadd.s32 $0x11000, s7;
	s1 =	simm.s32 $0x5;
	s4 =	simm.s32 $0x20  }
0x19: {  	s5 =	simm.s32 $0x6000;
	s6 =	simm.s32 $0x7000;
	s11 =	simm.s32 $0x3  }
0x1a: {  	s14 =	simm.s32 $0x8;
	s15 =	simm.s32 $0x9;
	s13 =	sadd.s32 $0xA0DA00, s2  }
0x1b: {  	s16 =	simm.s32 $0x0;
	s2 =	sadd.s32 $0x3000, s2;
	[dreg:$0x5] =	wrdreg s13  }
0x1c: {  	v0 =	vimm.f32 $0.0e+00;
	[dreg:$0x6] =	wrdreg s2;
	s2 =	simm.s32 $0x1;
	s13 =	simm.s32 $0x4  }
.LBB2_1:
0x1d: {  	s18 =	simm.s32 $0x0  }
0x1e: {  	s17 =	sand.u32 $0x3E00, s18  }
0x1f: {  	s18 =	sand.u32 $0x70, s18;
	s19 =	sshrl.u32 s17, $0x2  }
0x20: {  	s17 =	simm.s32 $0x40;
	s19 =	sor.u32 s18, s19;
	s18 =	simm.s32 $0x0  }
.LBB2_2:
0x21: {  	p0 =	sne.s32 s17, $0x3FC0  }
0x22: {  	[tilespmem:s19+$0x5000] =	vst v0;
	s18 =	sadd.s32 $0x10, s18;
	s19 =	smov.u32 s17;
	s17 =	sadd.s32 $0x40, s17  }
.Ltmp0:
0x23: {  	(pc) =	sbr.rel @p0 .LBB2_2-.Ltmp0, $4  }
0x24: {  	_ = 	snop  }
0x25: {  	s19 =	sand.u32 $0x3E00, s19  }
0x26: {  	s20 =	sand.u32 $0x70, s18;
	s19 =	sshrl.u32 s19, $0x2  }
0x27: {  	s19 =	sor.u32 s20, s19  }
0x28: {  	[tilespmem:s19+$0x5000] =	vst v0;
	s17 =	simm.s32 $0x0;
	s18 =	rddreg [dreg:$0x5]  }
0x29: {  	[tilespmem:s17], [sflag:$0x5] =	stream.linear.gather [hbm4b:s18+s17], $0x2800, $0x38;
	[tilespmem:$0x1D000] =	vst v63  }
0x2a: {  	s19 =	rddreg [dreg:$0x6];
	s20 =	simm.s32 $0x2800  }
0x2b: {  	[tilespmem:s20], [sflag:$0x6] =	stream.linear.gather [hbm4b:s19+s17], $0x2800, $0x38;
	[tilespmem:$0x1D000] =	vst v63  }
0x2c: {  	_ = 	snop  }
0x2d: {  	[spmem:s7] =	stream.linear.scatter [tilespmem:s31], [sflag:$0x1], $0x1000, $0x38;
	[tilespmem:$0x1D000] =	vst v63  }
0x2e: {  	s20 =	rddreg [dreg:$0x7]  }
0x2f: {  	[spmem:s20] =	stream.linear.scatter [tilespmem:s31], [sflag:$0x1], $0x1000, $0x38;
	[tilespmem:$0x1D000] =	vst v63  }
0x30: {  	s19 =	rddreg [dreg:$0x8]  }
0x31: {  	[spmem:s19] =	stream.linear.scatter [tilespmem:s31], [sflag:$0x1], $0x1000, $0x38;
	[tilespmem:$0x1D000] =	vst v63  }
0x32: {  	s20 =	rddreg [dreg:$0x9]  }
0x33: {  	[spmem:s20] =	stream.linear.scatter [tilespmem:s31], [sflag:$0x1], $0x1000, $0x38;
	[tilespmem:$0x1D000] =	vst v63  }
0x34: {  	s19 =	rddreg [dreg:$0xa]  }
0x35: {  	[spmem:s19] =	stream.linear.scatter [tilespmem:s31], [sflag:$0x1], $0x1000, $0x38;
	[tilespmem:$0x1D000] =	vst v63  }
0x36: {  	s20 =	rddreg [dreg:$0xb]  }
0x37: {  	[spmem:s20] =	stream.linear.scatter [tilespmem:s31], [sflag:$0x1], $0x1000, $0x38;
	[tilespmem:$0x1D000] =	vst v63  }
0x38: {  	s19 =	rddreg [dreg:$0xc]  }
0x39: {  	[spmem:s19] =	stream.linear.scatter [tilespmem:s31], [sflag:$0x1], $0x1000, $0x38;
	[tilespmem:$0x1D000] =	vst v63  }
0x3a: {  	s20 =	rddreg [dreg:$0xd]  }
0x3b: {  	[spmem:s20] =	stream.linear.scatter [tilespmem:s31], [sflag:$0x1], $0x1000, $0x38;
	[tilespmem:$0x1D000] =	vst v63  }
0x3c: {  	s19 =	rddreg [dreg:$0xe]  }
0x3d: {  	[spmem:s19] =	stream.linear.scatter [tilespmem:s31], [sflag:$0x1], $0x1000, $0x38;
	[tilespmem:$0x1D000] =	vst v63  }
0x3e: {  	s20 =	rddreg [dreg:$0xf]  }
0x3f: {  	[spmem:s20] =	stream.linear.scatter [tilespmem:s31], [sflag:$0x1], $0x1000, $0x38;
	[tilespmem:$0x1D000] =	vst v63  }
0x40: {  	s19 =	rddreg [dreg:$0x10]  }
0x41: {  	[spmem:s19] =	stream.linear.scatter [tilespmem:s31], [sflag:$0x1], $0x1000, $0x38;
	[tilespmem:$0x1D000] =	vst v63  }
0x42: {  	s20 =	rddreg [dreg:$0x11]  }
0x43: {  	[spmem:s20] =	stream.linear.scatter [tilespmem:s31], [sflag:$0x1], $0x1000, $0x38;
	[tilespmem:$0x1D000] =	vst v63  }
0x44: {  	s19 =	rddreg [dreg:$0x12]  }
0x45: {  	[spmem:s19] =	stream.linear.scatter [tilespmem:s31], [sflag:$0x1], $0x1000, $0x38;
	[tilespmem:$0x1D000] =	vst v63  }
0x46: {  	s20 =	rddreg [dreg:$0x13]  }
0x47: {  	[spmem:s20] =	stream.linear.scatter [tilespmem:s31], [sflag:$0x1], $0x1000, $0x38;
	[tilespmem:$0x1D000] =	vst v63  }
0x48: {  	_ = 	snop  }
0x49: {  	[spmem:s21] =	stream.linear.scatter [tilespmem:s31], [sflag:$0x1], $0x1000, $0x38;
	[tilespmem:$0x1D000] =	vst v63  }
0x4a: {  	_ = 	snop  }
0x4b: {  	[spmem:s22] =	stream.linear.scatter [tilespmem:s31], [sflag:$0x1], $0x1000, $0x38;
	[tilespmem:$0x1D000] =	vst v63  }
0x4c: {  	_ = 	snop  }
0x4d: {  	[spmem:s24] =	stream.linear.scatter [tilespmem:s31], [sflag:$0x1], $0x1000, $0x38;
	[tilespmem:$0x1D000] =	vst v63  }
0x4e: {  	_ = 	snop  }
0x4f: {  	[spmem:s26] =	stream.linear.scatter [tilespmem:s31], [sflag:$0x1], $0x1000, $0x38;
	[tilespmem:$0x1D000] =	vst v63  }
0x50: {  	_ = 	snop  }
0x51: {  	[spmem:s28] =	stream.linear.scatter [tilespmem:s31], [sflag:$0x1], $0x1000, $0x38;
	[tilespmem:$0x1D000] =	vst v63  }
0x52: {  	_ = 	snop  }
0x53: {  	[spmem:s29] =	stream.linear.scatter [tilespmem:s31], [sflag:$0x1], $0x1000, $0x38;
	[tilespmem:$0x1D000] =	vst v63  }
0x54: {  	_ =	swait.ge [sflag:s2], $0x1000  }
0x55: {  	[sflag:s2] =	ssyncset.done $0x0  }
0x56: {  	[sflag:s2] =	ssyncadd.s32 $0xFFFFF000  }
0x57: {  	_ =	swait.ge [sflag:s2], $0x1000  }
0x58: {  	[sflag:s2] =	ssyncset.done $0x0  }
0x59: {  	[sflag:s2] =	ssyncadd.s32 $0xFFFFF000  }
0x5a: {  	_ =	swait.ge [sflag:s2], $0x1000  }
0x5b: {  	[sflag:s2] =	ssyncset.done $0x0  }
0x5c: {  	[sflag:s2] =	ssyncadd.s32 $0xFFFFF000  }
0x5d: {  	_ =	swait.ge [sflag:s2], $0x1000  }
0x5e: {  	[sflag:s2] =	ssyncset.done $0x0  }
0x5f: {  	[sflag:s2] =	ssyncadd.s32 $0xFFFFF000  }
0x60: {  	_ =	swait.ge [sflag:s2], $0x1000  }
0x61: {  	[sflag:s2] =	ssyncset.done $0x0  }
0x62: {  	[sflag:s2] =	ssyncadd.s32 $0xFFFFF000  }
0x63: {  	_ =	swait.ge [sflag:s2], $0x1000  }
0x64: {  	[sflag:s2] =	ssyncset.done $0x0  }
0x65: {  	[sflag:s2] =	ssyncadd.s32 $0xFFFFF000  }
0x66: {  	_ =	swait.ge [sflag:s2], $0x1000  }
0x67: {  	[sflag:s2] =	ssyncset.done $0x0  }
0x68: {  	[sflag:s2] =	ssyncadd.s32 $0xFFFFF000  }
0x69: {  	_ =	swait.ge [sflag:s2], $0x1000  }
0x6a: {  	[sflag:s2] =	ssyncset.done $0x0  }
0x6b: {  	[sflag:s2] =	ssyncadd.s32 $0xFFFFF000  }
0x6c: {  	_ =	swait.ge [sflag:s2], $0x1000  }
0x6d: {  	[sflag:s2] =	ssyncset.done $0x0  }
0x6e: {  	[sflag:s2] =	ssyncadd.s32 $0xFFFFF000  }
0x6f: {  	_ =	swait.ge [sflag:s2], $0x1000  }
0x70: {  	[sflag:s2] =	ssyncset.done $0x0  }
0x71: {  	[sflag:s2] =	ssyncadd.s32 $0xFFFFF000  }
0x72: {  	_ =	swait.ge [sflag:s2], $0x1000  }
0x73: {  	[sflag:s2] =	ssyncset.done $0x0  }
0x74: {  	[sflag:s2] =	ssyncadd.s32 $0xFFFFF000  }
0x75: {  	_ =	swait.ge [sflag:s2], $0x1000  }
0x76: {  	[sflag:s2] =	ssyncset.done $0x0  }
0x77: {  	[sflag:s2] =	ssyncadd.s32 $0xFFFFF000  }
0x78: {  	_ =	swait.ge [sflag:s2], $0x1000  }
0x79: {  	[sflag:s2] =	ssyncset.done $0x0  }
0x7a: {  	[sflag:s2] =	ssyncadd.s32 $0xFFFFF000  }
0x7b: {  	_ =	swait.ge [sflag:s2], $0x1000  }
0x7c: {  	[sflag:s2] =	ssyncset.done $0x0  }
0x7d: {  	[sflag:s2] =	ssyncadd.s32 $0xFFFFF000  }
0x7e: {  	_ =	swait.ge [sflag:s2], $0x1000  }
0x7f: {  	[sflag:s2] =	ssyncset.done $0x0  }
0x80: {  	[sflag:s2] =	ssyncadd.s32 $0xFFFFF000  }
0x81: {  	_ =	swait.ge [sflag:s2], $0x1000  }
0x82: {  	[sflag:s2] =	ssyncset.done $0x0  }
0x83: {  	[sflag:s2] =	ssyncadd.s32 $0xFFFFF000  }
0x84: {  	_ =	swait.ge [sflag:s2], $0x1000  }
0x85: {  	[sflag:s2] =	ssyncset.done $0x0  }
0x86: {  	[sflag:s2] =	ssyncadd.s32 $0xFFFFF000  }
0x87: {  	_ =	swait.ge [sflag:s2], $0x1000  }
0x88: {  	[sflag:s2] =	ssyncset.done $0x0  }
0x89: {  	[sflag:s2] =	ssyncadd.s32 $0xFFFFF000  }
0x8a: {  	_ =	swait.ge [sflag:s2], $0x1000  }
0x8b: {  	[sflag:s2] =	ssyncset.done $0x0  }
0x8c: {  	[sflag:s2] =	ssyncadd.s32 $0xFFFFF000  }
0x8d: {  	_ =	swait.ge [sflag:s2], $0x1000  }
0x8e: {  	[sflag:s2] =	ssyncset.done $0x0  }
0x8f: {  	[sflag:s2] =	ssyncadd.s32 $0xFFFFF000  }
0x90: {  	_ =	swait.ge [sflag:s1], $0x2800  }
0x91: {  	[sflag:s1] =	ssyncset.done $0x0  }
0x92: {  	[sflag:s1] =	ssyncadd.s32 $0xFFFFD800  }
0x93: {  	_ =	swait.ge [sflag:s30], $0x2800  }
0x94: {  	[sflag:s30] =	ssyncset.done $0x0  }
0x95: {  	[sflag:s30] =	ssyncadd.s32 $0xFFFFD800  }
0x96: {  	[bflag:$0x0] =	sbarrier.arrive $0xFFFF  }
0x97: {  	[tilespmem:s31], [sflag:$0x1] =	stream.indirect.gather [hbm4b:s0+s4], $0x80, s17, s4, $0xb8;
	[tilespmem:$0x1D000] =	vst v63  }
0x98: {  	_ = 	snop  }
0x99: {  	[tilespmem:s5], [sflag:$0x2] =	stream.indirect.gather [hbm4b:s0+s4], $0x80, s4, s4, $0xb8;
	[tilespmem:$0x1D000] =	vst v63  }
0x9a: {  	s18 =	simm.s32 $0x40  }
0x9b: {  	[tilespmem:s6], [sflag:$0x3] =	stream.indirect.gather [hbm4b:s0+s4], $0x80, s18, s4, $0xb8;
	[tilespmem:$0x1D000] =	vst v63  }
0x9c: {  	s19 =	simm.s32 $0x60  }
0x9d: {  	[tilespmem:s9], [sflag:$0x4] =	stream.indirect.gather [hbm4b:s0+s8], $0x80, s19, s8, $0xb8;
	[tilespmem:$0x1D000] =	vst v63  }
0x9e: {  	_ =	swait.ge [sflag:s2], $0x1000  }
0x9f: {  	[sflag:s2] =	ssyncset.done $0x0  }
0xa0: {  	s20 =	simm.s32 $0x2800;
	[sflag:s2] =	ssyncadd.s32 $0xFFFFF000  }
0xa1: {  	[spmem:s3] =	stream.indirect.scatter.add.f32 [tilespmem:s31], [sflag:$0x5], $0x80, s20, s4, $0xb8;
	[tilespmem:$0x1D000] =	vst v63  }
0xa2: {  	_ =	swait.ge [sflag:s1], $0x1000  }
0xa3: {  	[sflag:s1] =	ssyncset.done $0x0  }
0xa4: {  	s18 =	simm.s32 $0x80;
	[sflag:s1] =	ssyncadd.s32 $0xFFFFF000  }
0xa5: {  	[tilespmem:s31], [sflag:$0x1] =	stream.indirect.gather [hbm4b:s0+s4], $0x80, s18, s4, $0xb8;
	[tilespmem:$0x1D000] =	vst v63  }
0xa6: {  	_ =	swait.ge [sflag:s10], $0x1000  }
0xa7: {  	[sflag:s10] =	ssyncset.done $0x0  }
0xa8: {  	s19 =	simm.s32 $0x2820;
	[sflag:s10] =	ssyncadd.s32 $0xFFFFF000  }
0xa9: {  	[spmem:s3] =	stream.indirect.scatter.add.f32 [tilespmem:s5], [sflag:$0x6], $0x80, s19, s4, $0xb8;
	[tilespmem:$0x1D000] =	vst v63  }
0xaa: {  	_ =	swait.ge [sflag:s30], $0x1000  }
0xab: {  	[sflag:s30] =	ssyncset.done $0x0  }
0xac: {  	s20 =	simm.s32 $0xA0;
	[sflag:s30] =	ssyncadd.s32 $0xFFFFF000  }
0xad: {  	[tilespmem:s5], [sflag:$0x2] =	stream.indirect.gather [hbm4b:s0+s4], $0x80, s20, s4, $0xb8;
	[tilespmem:$0x1D000] =	vst v63  }
0xae: {  	_ =	swait.ge [sflag:s11], $0x1000  }
0xaf: {  	[sflag:s11] =	ssyncset.done $0x0  }
0xb0: {  	s18 =	simm.s32 $0x2840;
	[sflag:s11] =	ssyncadd.s32 $0xFFFFF000  }
0xb1: {  	[spmem:s3] =	stream.indirect.scatter.add.f32 [tilespmem:s6], [sflag:$0x7], $0x80, s18, s4, $0xb8;
	[tilespmem:$0x1D000] =	vst v63  }
0xb2: {  	_ =	swait.ge [sflag:s12], $0x1000  }
0xb3: {  	[sflag:s12] =	ssyncset.done $0x0  }
0xb4: {  	s19 =	simm.s32 $0xC0;
	[sflag:s12] =	ssyncadd.s32 $0xFFFFF000  }
0xb5: {  	[tilespmem:s6], [sflag:$0x3] =	stream.indirect.gather [hbm4b:s0+s4], $0x80, s19, s4, $0xb8;
	[tilespmem:$0x1D000] =	vst v63  }
0xb6: {  	_ =	swait.ge [sflag:s13], $0xE80  }
0xb7: {  	[sflag:s13] =	ssyncset.done $0x0  }
0xb8: {  	s20 =	simm.s32 $0x2860;
	[sflag:s13] =	ssyncadd.s32 $0xFFFFF180  }
0xb9: {  	[spmem:s3] =	stream.indirect.scatter.add.f32 [tilespmem:s9], [sflag:$0x8], $0x80, s20, s8, $0xb8;
	[tilespmem:$0x1D000] =	vst v63  }
0xba: {  	_ =	swait.ge [sflag:s14], $0xE80  }
0xbb: {  	[sflag:s14] =	ssyncset.done $0x0  }
0xbc: {  	s17 =	simm.s32 $0x200;
	s18 =	simm.s32 $0xE0;
	[sflag:s14] =	ssyncadd.s32 $0xFFFFF180  }
.LBB2_4:
0xbd: {  	[tilespmem:s9], [sflag:$0x4] =	stream.indirect.gather [hbm4b:s0+s8], $0x80, s18, s8, $0xb8;
	[tilespmem:$0x1D000] =	vst v63  }
0xbe: {  	s18 =	smov.u32 s17  }
0xbf: {  	p0 =	sne.s32 s17, $0x9C00;
	s17 =	sadd.s32 $0x200, s17;
	_ =	swait.ge [sflag:s2], $0x1000  }
0xc0: {  	s18 =	sshra.s32 s18, $0x2;
	[sflag:s2] =	ssyncset.done $0x0  }
0xc1: {  	s19 =	sadd.s32 $0x2800, s18;
	[sflag:s2] =	ssyncadd.s32 $0xFFFFF000  }
0xc2: {  	[spmem:s3] =	stream.indirect.scatter.add.f32 [tilespmem:s31], [sflag:$0x5], $0x80, s19, s4, $0xb8;
	[tilespmem:$0x1D000] =	vst v63  }
0xc3: {  	_ =	swait.ge [sflag:s1], $0x1000  }
0xc4: {  	[sflag:s1] =	ssyncset.done $0x0  }
0xc5: {  	s19 =	sadd.s32 $0x80, s18;
	[sflag:s1] =	ssyncadd.s32 $0xFFFFF000  }
0xc6: {  	[tilespmem:s31], [sflag:$0x1] =	stream.indirect.gather [hbm4b:s0+s4], $0x80, s19, s4, $0xb8;
	[tilespmem:$0x1D000] =	vst v63  }
0xc7: {  	_ =	swait.ge [sflag:s10], $0x1000  }
0xc8: {  	[sflag:s10] =	ssyncset.done $0x0  }
0xc9: {  	s19 =	sadd.s32 $0x2820, s18;
	[sflag:s10] =	ssyncadd.s32 $0xFFFFF000  }
0xca: {  	[spmem:s3] =	stream.indirect.scatter.add.f32 [tilespmem:s5], [sflag:$0x6], $0x80, s19, s4, $0xb8;
	[tilespmem:$0x1D000] =	vst v63  }
0xcb: {  	_ =	swait.ge [sflag:s30], $0x1000  }
0xcc: {  	[sflag:s30] =	ssyncset.done $0x0  }
0xcd: {  	s19 =	sadd.s32 $0xA0, s18;
	[sflag:s30] =	ssyncadd.s32 $0xFFFFF000  }
0xce: {  	[tilespmem:s5], [sflag:$0x2] =	stream.indirect.gather [hbm4b:s0+s4], $0x80, s19, s4, $0xb8;
	[tilespmem:$0x1D000] =	vst v63  }
0xcf: {  	_ =	swait.ge [sflag:s11], $0x1000  }
0xd0: {  	[sflag:s11] =	ssyncset.done $0x0  }
0xd1: {  	s19 =	sadd.s32 $0x2840, s18;
	[sflag:s11] =	ssyncadd.s32 $0xFFFFF000  }
0xd2: {  	[spmem:s3] =	stream.indirect.scatter.add.f32 [tilespmem:s6], [sflag:$0x7], $0x80, s19, s4, $0xb8;
	[tilespmem:$0x1D000] =	vst v63  }
0xd3: {  	_ =	swait.ge [sflag:s12], $0x1000  }
0xd4: {  	[sflag:s12] =	ssyncset.done $0x0  }
0xd5: {  	s19 =	sadd.s32 $0xC0, s18;
	[sflag:s12] =	ssyncadd.s32 $0xFFFFF000  }
0xd6: {  	[tilespmem:s6], [sflag:$0x3] =	stream.indirect.gather [hbm4b:s0+s4], $0x80, s19, s4, $0xb8;
	[tilespmem:$0x1D000] =	vst v63  }
0xd7: {  	_ =	swait.ge [sflag:s13], $0xE80  }
0xd8: {  	[sflag:s13] =	ssyncset.done $0x0  }
.Ltmp1:
0xd9: {  	s19 =	sadd.s32 $0x2860, s18;
	[sflag:s13] =	ssyncadd.s32 $0xFFFFF180;
	(pc) =	sbr.rel @p0 .LBB2_4-.Ltmp1, $4  }
0xda: {  	[spmem:s3] =	stream.indirect.scatter.add.f32 [tilespmem:s9], [sflag:$0x8], $0x80, s19, s8, $0xb8;
	[tilespmem:$0x1D000] =	vst v63  }
0xdb: {  	_ =	swait.ge [sflag:s14], $0xE80  }
0xdc: {  	[sflag:s14] =	ssyncset.done $0x0  }
0xdd: {  	s18 =	sadd.s32 $0xE0, s18;
	[sflag:s14] =	ssyncadd.s32 $0xFFFFF180  }
0xde: {  	[tilespmem:s9], [sflag:$0x4] =	stream.indirect.gather [hbm4b:s0+s8], $0x80, s18, s8, $0xb8;
	[tilespmem:$0x1D000] =	vst v63  }
0xdf: {  	_ =	swait.ge [sflag:s2], $0x1000  }
0xe0: {  	[sflag:s2] =	ssyncset.done $0x0  }
0xe1: {  	s17 =	simm.s32 $0x4F80;
	[sflag:s2] =	ssyncadd.s32 $0xFFFFF000  }
0xe2: {  	[spmem:s3] =	stream.indirect.scatter.add.f32 [tilespmem:s31], [sflag:$0x5], $0x80, s17, s4, $0xb8;
	[tilespmem:$0x1D000] =	vst v63  }
0xe3: {  	_ =	swait.ge [sflag:s1], $0x1000  }
0xe4: {  	[sflag:s1] =	ssyncset.done $0x0  }
0xe5: {  	[sflag:s1] =	ssyncadd.s32 $0xFFFFF000  }
0xe6: {  	_ =	swait.ge [sflag:s10], $0x1000  }
0xe7: {  	[sflag:s10] =	ssyncset.done $0x0  }
0xe8: {  	s19 =	simm.s32 $0x4FA0;
	[sflag:s10] =	ssyncadd.s32 $0xFFFFF000  }
0xe9: {  	[spmem:s3] =	stream.indirect.scatter.add.f32 [tilespmem:s5], [sflag:$0x6], $0x80, s19, s4, $0xb8;
	[tilespmem:$0x1D000] =	vst v63  }
0xea: {  	_ =	swait.ge [sflag:s30], $0x1000  }
0xeb: {  	[sflag:s30] =	ssyncset.done $0x0  }
0xec: {  	[sflag:s30] =	ssyncadd.s32 $0xFFFFF000  }
0xed: {  	_ =	swait.ge [sflag:s11], $0x1000  }
0xee: {  	[sflag:s11] =	ssyncset.done $0x0  }
0xef: {  	s20 =	simm.s32 $0x4FC0;
	[sflag:s11] =	ssyncadd.s32 $0xFFFFF000  }
0xf0: {  	[spmem:s3] =	stream.indirect.scatter.add.f32 [tilespmem:s6], [sflag:$0x7], $0x80, s20, s4, $0xb8;
	[tilespmem:$0x1D000] =	vst v63  }
0xf1: {  	_ =	swait.ge [sflag:s12], $0x1000  }
0xf2: {  	[sflag:s12] =	ssyncset.done $0x0  }
0xf3: {  	[sflag:s12] =	ssyncadd.s32 $0xFFFFF000  }
0xf4: {  	_ =	swait.ge [sflag:s13], $0xE80  }
0xf5: {  	[sflag:s13] =	ssyncset.done $0x0  }
0xf6: {  	s18 =	simm.s32 $0x4FE0;
	[sflag:s13] =	ssyncadd.s32 $0xFFFFF180  }
0xf7: {  	[spmem:s3] =	stream.indirect.scatter.add.f32 [tilespmem:s9], [sflag:$0x8], $0x80, s18, s8, $0xb8;
	[tilespmem:$0x1D000] =	vst v63  }
0xf8: {  	s19 =	stileid.u32;
	_ =	swait.ge [sflag:s14], $0xE80  }
0xf9: {  	s16 =	sadd.s32 $0x1, s16;
	s17 =	sshll.u32 s19, $0x6;
	[sflag:s14] =	ssyncset.done $0x0  }
0xfa: {  	p0 =	sne.s32 s16, s25;
	s17 =	sor.u32 $0x1C09, s17;
	[sflag:s14] =	ssyncadd.s32 $0xFFFFF180  }
.Ltmp2:
0xfb: {  	s20 =	sshrl.u32 s7, $0x3;
	[bflag:$0x0] =	sbarrier.arrive $0xFFFF;
	(pc) =	sbr.rel @p0 .LBB2_1-.Ltmp2, $4  }
0xfc: {  	[hbm:s23], [sflag:s17] =	dma.local [spmem:s20], $0x2800  }
0xfd: {  	_ =	swait.ge [sflag:s15], $0x2800  }
0xfe: {  	[sflag:s15] =	ssyncset.done $0x0  }
0xff: {  	[sflag:s15] =	ssyncadd.s32 $0xFFFFD800  }
0x100: {  	_ =	sfence.sel $0x180000  }
0x101: {  	[bflag:$0x0] =	sbarrier.arrive $0xFFFF  }
0x102: {  	_ =	strace $0x9000004A  }
0x103: {  	s0 =	stileid.u32;
	[bflag:$0x2] =	sbarrier.arrive $0xFFFF  }
0x104: {  	p0 =	sne.s32 s0, $0x0;
	s0 =	rddreg [dreg:$0x4]  }
0x105: {  	s0 =	sadd.s32 @!p0 $0x100000, s0  }
0x106: {  	[sflag:s0] =	ssyncadd.tile.s32 @!p0 $0x1;
	_ =	shalt  }
.Lfunc_end2:
_tile_overlayer_lowered:
.L_overlay_start_2:
0x107: {  	(tag) =	ssettag $0x2  }
0x108: {  	s0 =	rddreg [dreg:$0x0];
	s2 =	stileid.u32  }
0x109: {  	s1 =	rddreg [dreg:$0x1];
	p0 =	sne.s32 s2, $0x0  }
0x10a: {  	s3 =	rddreg [dreg:$0x2];
	[bflag:$0x3] =	sbarrier.arrive $0xFFFF;
	s2 =	simm.s32 @!p0 $0x1C09  }
0x10b: {  	[timem:s3], [sflag:s2] =	dma.local @!p0 [hbm:s0], s1  }
0x10c: {  	s0 =	simm.s32 @!p0 $0x9  }
0x10d: {  	_ =	swait.ge @!p0 [sflag:s0], s1  }
0x10e: {  	s1 =	ssub.s32 @!p0 $0x0, s1;
	[sflag:s0] =	ssyncset.done @!p0 $0x0  }
0x10f: {  	[sflag:s0] =	ssyncadd.s32 @!p0 s1  }
0x110: {  	[bflag:$0x3] =	sbarrier.arrive $0xFFFF  }
0x111: {  	_ =	shalt  }

// kernel: kernel.14.cloned.1.call-start
scs
__scs_entry_jumppad:
0x0: {  	(pc) =	sbr.rel $0x88, $3  }
0x1: {  	(tag) =	ssettag $0x0;
	lr =	simm.s32 $0x1  }
0x2: {  	[smem:$0x3F98] =	sst lr;
	_ =	strace $0xD0000000  }
0x3: {  	_ = 	snop  }
0x4: {  	_ = 	snop  }
0x5: {  	_ = 	snop  }
0x6: {  	_ = 	snop  }
0x7: {  	_ = 	snop  }
__scs_overlays_trampoline_lowered:
0x8: {  	[smem:$0x3FA7] =	sst s0  }
0x9: {  	[smem:$0x3FA8] =	sst s1  }
0xa: {  	[smem:$0x3FA9] =	sst s2  }
0xb: {  	[smem:$0x3FAA] =	sst s3  }
0xc: {  	[smem:$0x3FAB] =	sst s4  }
0xd: {  	[smem:$0x3FAC] =	sst s5  }
0xe: {  	[smem:$0x3FAD] =	sst s6  }
0xf: {  	[smem:$0x3FAE] =	sst s7  }
0x10: {  	[smem:$0x3FAF] =	sst s8  }
0x11: {  	[smem:$0x3FB0] =	sst s9;
	s0 =	simm.s32 @!p0 $0x0  }
0x12: {  	s1 =	sld [smem:$0x3F96];
	s0 =	simm.s32 @p0 $0x1  }
0x13: {  	[smem:$0x3FB1] =	sst s0;
	s0 =	simm.s32 @!p1 $0x0  }
0x14: {  	s2 =	sld [smem:$0x3F95];
	s0 =	simm.s32 @p1 $0x1  }
0x15: {  	[smem:$0x3FB2] =	sst s0;
	s0 =	simm.s32 @!p2 $0x0  }
0x16: {  	s3 =	sld [smem:$0x3FDB];
	s0 =	simm.s32 @p2 $0x1  }
0x17: {  	s4 =	simm.s32 $0x1BF5;
	[smem:$0x3FB4] =	sst s0  }
0x18: {  	s0 =	sld [smem:$0x3F97];
	_ =	swait.ge [sflag:s4], $0x0  }
0x19: {  	s7 =	sld [smem:$0x3F98]  }
0x1a: {  	s8 =	sadd.s32 $0xFFFFE003, lr  }
0x1b: {  	s9 =	sadd.s32 $0xFFFFFEF7, lr;
	s5 =	simm.s32 $0xFFFFFFFF;
	p2 =	slt.u32 s8, $0xFFFFF086  }
0x1c: {  	p1 =	slt.u32 s9, $0xF7A;
	s5 =	simm.s32 @!p2 $0x0  }
0x1d: {  	s5 =	simm.s32 @p1 $0x1;
	p0 =	seq.s32 s7, s2  }
0x1e: {  	s7 =	smul.u32 @!p0 $0xF7A, s2;
	p2 =	seq.s32 @!p0 s5, $0x0  }
0x1f: {  	s9 =	smul.u32 $0xF7A, s1;
	s8 =	simm.s32 @!p0 $0x1BF5;
	p2 =	por !p2, p0  }
0x20: {  	[sflag:s8] =	ssyncset.s32 @!p0 $0xFFFFF086;
	s6 =	sadd.s32 @!p0 s3, s7;
	s7 =	simm.s32 @!p0 $0x108  }
0x21: {  	s3 =	sadd.s32 s3, s9;
	s6 =	sadd.s32 @!p0 $0x88, s6;
	s7 =	simm.s32 @p2 $0x1082  }
0x22: {  	[simem:s7], [sflag:s8] =	dma.local @!p0 [hbm:s6], $0xF7A  }
0x23: {  	s9 =	sor.u32 $0xD0000000, s2;
	s6 =	simm.s32 $0x108;
	_ =	swait.ge @!p0 [sflag:s8], $0x0  }
0x24: {  	s3 =	sadd.s32 $0x88, s3;
	s6 =	simm.s32 @!p1 $0x1082;
	[sflag:s4] =	ssyncset.s32 $0xFFFFF086  }
0x25: {  	[simem:s6], [sflag:s4] =	dma.local [hbm:s3], $0xF7A  }
0x26: {  	[smem:$0x3F98] =	sst s1;
	(tag) =	ssettag s2;
	_ =	strace s9  }
0x27: {  	s1 =	sld [smem:$0x3FA8]  }
0x28: {  	s2 =	sld [smem:$0x3FA9]  }
0x29: {  	s4 =	sld [smem:$0x3FAB]  }
0x2a: {  	p0 =	seq.s32 s5, $0x0;
	s5 =	sld [smem:$0x3FAC]  }
0x2b: {  	s6 =	sld [smem:$0x3FAD]  }
0x2c: {  	s7 =	sld [smem:$0x3FAE]  }
0x2d: {  	s3 =	simm.s32 $0x108;
	s8 =	sld [smem:$0x3FAF]  }
0x2e: {  	s3 =	simm.s32 @!p0 $0x1082;
	s9 =	sld [smem:$0x3FB0]  }
0x2f: {  	lr =	sadd.s32 s0, s3;
	s0 =	sld [smem:$0x3FA7]  }
0x30: {  	s3 =	sld [smem:$0x3FAA]  }
0x31: {  	[smem:$0x3FB3] =	sst s10  }
0x32: {  	s10 =	sld [smem:$0x3FB1];
	_ =	sdelay $0x3  }
0x33: {  	p0 =	seq.s32 s10, $0x1;
	s10 =	sld [smem:$0x3FB3];
	_ =	sdelay $0x3  }
0x34: {  	[smem:$0x3FB3] =	sst s10  }
0x35: {  	s10 =	sld [smem:$0x3FB2];
	_ =	sdelay $0x3  }
0x36: {  	p1 =	seq.s32 s10, $0x1;
	s10 =	sld [smem:$0x3FB3];
	_ =	sdelay $0x3  }
0x37: {  	[smem:$0x3FB3] =	sst s10  }
0x38: {  	s10 =	sld [smem:$0x3FB4]  }
0x39: {  	_ = 	snop;
	(pc) =	sbr.ind lr, $3  }
0x3a: {  	_ = 	snop  }
0x3b: {  	_ = 	snop  }
0x3c: {  	p2 =	seq.s32 s10, $0x1;
	s10 =	sld [smem:$0x3FB3]  }
0x3d: {  	_ =	shalt  }
0x3e: {  	_ =	shalt  }
0x3f: {  	_ =	shalt  }
0x40: {  	_ =	shalt  }
0x41: {  	_ =	shalt  }
0x42: {  	_ =	shalt  }
0x43: {  	_ =	shalt  }
0x44: {  	_ =	shalt  }
0x45: {  	_ =	shalt  }
0x46: {  	_ =	shalt  }
0x47: {  	_ =	shalt  }
0x48: {  	_ =	shalt  }
0x49: {  	_ =	shalt  }
0x4a: {  	_ =	shalt  }
0x4b: {  	_ =	shalt  }
0x4c: {  	_ =	shalt  }
0x4d: {  	_ =	shalt  }
0x4e: {  	_ =	shalt  }
0x4f: {  	_ =	shalt  }
0x50: {  	_ =	shalt  }
0x51: {  	_ =	shalt  }
0x52: {  	_ =	shalt  }
0x53: {  	_ =	shalt  }
0x54: {  	_ =	shalt  }
0x55: {  	_ =	shalt  }
0x56: {  	_ =	shalt  }
0x57: {  	_ =	shalt  }
0x58: {  	_ =	shalt  }
0x59: {  	_ =	shalt  }
0x5a: {  	_ =	shalt  }
0x5b: {  	_ =	shalt  }
0x5c: {  	_ =	shalt  }
0x5d: {  	_ =	shalt  }
0x5e: {  	_ =	shalt  }
0x5f: {  	_ =	shalt  }
0x60: {  	_ =	shalt  }
0x61: {  	_ =	shalt  }
0x62: {  	_ =	shalt  }
0x63: {  	_ =	shalt  }
0x64: {  	_ =	shalt  }
0x65: {  	_ =	shalt  }
0x66: {  	_ =	shalt  }
0x67: {  	_ =	shalt  }
0x68: {  	_ =	shalt  }
0x69: {  	_ =	shalt  }
0x6a: {  	_ =	shalt  }
0x6b: {  	_ =	shalt  }
0x6c: {  	_ =	shalt  }
0x6d: {  	_ =	shalt  }
0x6e: {  	_ =	shalt  }
0x6f: {  	_ =	shalt  }
0x70: {  	_ =	shalt  }
0x71: {  	_ =	shalt  }
0x72: {  	_ =	shalt  }
0x73: {  	_ =	shalt  }
0x74: {  	_ =	shalt  }
0x75: {  	_ =	shalt  }
0x76: {  	_ =	shalt  }
0x77: {  	_ =	shalt  }
0x78: {  	_ =	shalt  }
0x79: {  	_ =	shalt  }
0x7a: {  	_ =	shalt  }
0x7b: {  	_ =	shalt  }
0x7c: {  	_ =	shalt  }
0x7d: {  	_ =	shalt  }
0x7e: {  	_ =	shalt  }
0x7f: {  	_ =	shalt  }
0x80: {  	_ =	shalt  }
0x81: {  	_ =	shalt  }
0x82: {  	_ =	shalt  }
0x83: {  	_ =	shalt  }
0x84: {  	_ =	shalt  }
0x85: {  	_ =	shalt  }
0x86: {  	_ =	shalt  }
0x87: {  	_ =	shalt  }
.Lfunc_end0:
.L_simem_size_0:
called_computation.2_lowered:
.L_overlay_start_0:
0x88: {  	s2 =	sld [smem:$0x3FD9]  }
0x89: {  	s3 =	sld [smem:$0x3FFE];
	_ =	sdelay $0x1  }
0x8a: {  	s1 =	srdreg.scid  }
0x8b: {  	s0 =	sand.u32 $0x1, s1  }
0x8c: {  	s14 =	sshll.u32 s0, $0xA;
	s2 =	sadd.s32 s3, s2  }
0x8d: {  	s2 =	sadd.s32 s2, s14  }
0x8e: {  	[smem:$0x3FBF] =	sst s2  }
0x8f: {  	_ = 	snop  }
0x90: {  	s2 =	sld [smem:$0x3FD0];
	_ =	sdelay $0x2  }
0x91: {  	s15 =	simm.s32 $0xA;
	s4 =	simm.s32 $0x10  }
0x92: {  	[smem:s4], [sflag:s15] =	dma.local [hbm:s2], $0x1  }
0x93: {  	_ =	swait.eq [sflag:s15], $0x1  }
0x94: {  	[sflag:s15] =	ssyncset.done $0x0  }
0x95: {  	[sflag:s15] =	ssyncadd.s32 $0xFFFFFFFF  }
0x96: {  	s16 =	sld [smem:$0x10];
	(tm) =	ssettm $0x1  }
0x97: {  	s17 =	sld [smem:$0x3FFB];
	_ =	sdelay $0x3  }
0x98: {  	_ =	strace s17  }
0x99: {  	s3 =	sld [smem:$0x3FFC];
	_ =	sdelay $0x3  }
0x9a: {  	_ =	strace s3  }
0x9b: {  	s3 =	sld [smem:$0x3FFD];
	_ =	sdelay $0x3  }
0x9c: {  	_ =	strace s3  }
0x9d: {  	_ =	strace $0x8FFFFFFF  }
0x9e: {  	s18 =	sld [smem:$0x3FDB];
	_ =	sdelay $0x1  }
0x9f: {  	s19 =	simm.s32 $_scs_section_size  }
0xa0: {  	s5 =	simm.s32 $_size__tile_overlayer_lowered;
	s6 =	simm.s32 $_tile_overlayer_lowered  }
0xa1: {  	s22 =	simm.s32 $0x1BFF;
	s21 =	sshll.u32 s6, $0x1;
	s3 =	sadd.s32 s19, s18  }
0xa2: {  	s7 =	simm.s32 $0x0;
	s20 =	sshll.u32 s5, $0x1;
	s5 =	sadd.s32 s21, s3  }
0xa3: {  	[timem:s7], [sflag:s22] =	dma.local [hbm:s5], s20  }
0xa4: {  	_ =	swait.ge [sflag:s22], s20  }
0xa5: {  	s4 =	ssub.s32 $0x0, s20;
	[sflag:s22] =	ssyncset.done $0x0  }
0xa6: {  	[sflag:s22] =	ssyncadd.s32 s4;
	_ =	sdelay $0x1  }
0xa7: {  	s23 =	simm.s32 $0x1B8B  }
0xa8: {  	_ =	swait.ge [sflag:s23], $0x1  }
0xa9: {  	[sflag:s23] =	ssyncset.done $0x0  }
0xaa: {  	s25 =	simm.s32 $0x1B8E;
	s24 =	sld [smem:$0x3FFE];
	[sflag:s23] =	ssyncadd.s32 $0xFFFFFFFF  }
0xab: {  	s26 =	simm.s32 $execute0_lowered;
	[smem:$0x3FD2] =	sst s25  }
0xac: {  	s5 =	sshll.u32 s26, $0x1;
	_ =	strace $0x8000004C;
	[dreg:$0x1] =	wrdreg $0xFFFFFFFF  }
0xad: {  	s28 =	simm.s32 $_size_execute0_lowered;
	s3 =	sadd.s32 s3, s5;
	[dreg:$0x0] =	wrdreg $0x0  }
0xae: {  	s5 =	sshll.u32 s28, $0x1;
	[dreg:$0x2] =	wrdreg s3  }
0xaf: {  	[dreg:$0x3] =	wrdreg s5  }
0xb0: {  	[dreg:$0x4] =	wrdreg $0xC0  }
0xb1: {  	_ =	task [dreg:s7], $0x5FFFF  }
0xb2: {  	[dreg:$0x1] =	wrdreg $0xFFFFFFFF  }
0xb3: {  	[dreg:$0x0] =	wrdreg $0x60  }
0xb4: {  	[dreg:$0x2] =	wrdreg s16  }
0xb5: {  	[dreg:$0x3] =	wrdreg s24  }
0xb6: {  	[dreg:$0x4] =	wrdreg $0x90000  }
0xb7: {  	[dreg:$0x5] =	wrdreg $0x9  }
0xb8: {  	_ =	task.clear_ibuf [dreg:s7], $0x6FFFF;
	_ =	strace $0x9000004C  }
0xb9: {  	s29 =	simm.s32 $0x9;
	_ =	strace $0x8000004E  }
0xba: {  	_ =	swait.ge [sflag:s29], $0x1  }
0xbb: {  	[sflag:s29] =	ssyncadd.s32 $0xFFFFFFFF  }
0xbc: {  	_ =	strace $0x9000004E  }
0xbd: {  	_ =	sfence  }
0xbe: {  	s30 =	sld [smem:$0x0];
	_ =	sdelay $0x2  }
0xbf: {  	s31 =	sshll.u32 s1, $0xD;
	s1 =	sshrl.u32 s1, $0x2  }
0xc0: {  	s3 =	sand.u32 $0x4000, s31;
	s1 =	sadd.s32 s1, s30  }
0xc1: {  	s0 =	sor.u32 s3, s0;
	s1 =	sshll.u32 s1, $0x11  }
0xc2: {  	s0 =	sor.u32 s1, s0  }
0xc3: {  	s0 =	sadd.s32 $0x8F2B, s0  }
0xc4: {  	[sflag:s0] =	ssyncadd.remote.s32 $0x1  }
0xc5: {  	_ =	sfence.sel $0xFFFF  }
0xc6: {  	[dreg:$0x0] =	wrdreg $0xFFFFFFFF;
	(pc) =	sbr.abs _section_cstart, $3  }
0xc7: {  	[dreg:$0x1] =	wrdreg $0xFFFFFFFF  }
0xc8: {  	_ =	task.clear_ibuf [dreg:s7], $0x2FFFF;
	_ =	strace $0x9FFFFFFF  }
0xc9: {  	(tm) =	ssettm $0x7FFFFFFF  }
tec
execute0_lowered:
.L_overlay_start_1:
0x0: {  	(tag) =	ssettag $0x1  }
0x1: {  	s1 =	rddreg [dreg:$0x0]  }
0x2: {  	s0 =	rddreg [dreg:$0x1]  }
0x3: {  	s3 =	rddreg [dreg:$0x2];
	s7 =	stileid.u32  }
0x4: {  	s2 =	srdreg.scid;
	s6 =	smul.u32 $0x14000, s7  }
0x5: {  	s8 =	simm.s32 $0x0;
	s2 =	sand.u32 $0x1, s2;
	s11 =	smul.u32 $0x50000, s7  }
0x6: {  	s31 =	simm.s32 $0x5000;
	s30 =	simm.s32 $0x6;
	s5 =	smul.u32 $0x140000, s2  }
0x7: {  	s9 =	simm.s32 $0x8000;
	s10 =	simm.s32 $0x2;
	[smem:$0x7FF] =	sst s8  }
0x8: {  	s8 =	simm.s32 $0x1D;
	s5 =	sadd.s32 s6, s5;
	s6 =	sshrl.u32 s11, $0x2  }
0x9: {  	s4 =	sshll.u32 s2, $0x4;
	_ =	strace $0x8000004D;
	s6 =	sadd.s32 s6, s3  }
0xa: {  	s2 =	ssub.s32 $0x2, s2;
	s4 =	sor.u32 s7, s4;
	s14 =	sadd.s32 $0x1000, s6  }
0xb: {  	s12 =	sshrl.u32 s2, $0x1;
	s15 =	sadd.s32 $0x2000, s6;
	[dreg:$0x6] =	wrdreg s14  }
0xc: {  	s7 =	simm.s32 $0x7000;
	s16 =	sadd.s32 $0x3000, s6;
	[dreg:$0x7] =	wrdreg s15  }
0xd: {  	s4 =	smul.u32 $0x500, s4;
	s17 =	sadd.s32 $0x4000, s6;
	[dreg:$0x8] =	wrdreg s16  }
0xe: {  	s2 =	ssub.s32 s2, s12;
	s18 =	sadd.s32 $0x5000, s6;
	[dreg:$0x9] =	wrdreg s17  }
0xf: {  	s11 =	simm.s32 $0x3;
	s19 =	sadd.s32 $0x6000, s6;
	[dreg:$0xa] =	wrdreg s18  }
0x10: {  	s12 =	simm.s32 $0x7;
	s20 =	sadd.s32 $0x7000, s6;
	[dreg:$0xb] =	wrdreg s19  }
0x11: {  	s5 =	sshrl.u32 s5, $0x3;
	s21 =	sadd.s32 $0x8000, s6;
	[dreg:$0xc] =	wrdreg s20  }
0x12: {  	s4 =	sadd.s32 s4, s0;
	s22 =	sadd.s32 $0x9000, s6;
	[dreg:$0xd] =	wrdreg s21  }
0x13: {  	s0 =	sadd.s32 s5, s0;
	s23 =	sadd.s32 $0xA000, s6;
	[dreg:$0xe] =	wrdreg s22  }
0x14: {  	s24 =	sadd.s32 $0xB000, s6;
	s25 =	sadd.s32 $0xC000, s6;
	[dreg:$0xf] =	wrdreg s23  }
0x15: {  	s26 =	sadd.s32 $0xD000, s6;
	s28 =	sadd.s32 $0x12000, s6;
	[dreg:$0x10] =	wrdreg s24  }
0x16: {  	s29 =	sadd.s32 $0x13000, s6;
	s5 =	simm.s32 $0x6000;
	[dreg:$0x11] =	wrdreg s25  }
0x17: {  	s13 =	sadd.s32 $0xA0DA00, s4;
	s4 =	sadd.s32 $0x3000, s4;
	[dreg:$0x12] =	wrdreg s26  }
0x18: {  	s21 =	sadd.s32 $0xE000, s6;
	s22 =	sadd.s32 $0xF000, s6;
	s23 =	sadd.s32 $0x10000, s6  }
0x19: {  	s24 =	sadd.s32 $0xD000, s0;
	s25 =	smax.u32 s2, $0x1;
	s26 =	sadd.s32 $0x11000, s6  }
0x1a: {  	s0 =	simm.s32 $0x1;
	s2 =	simm.s32 $0x5;
	s14 =	simm.s32 $0x8  }
0x1b: {  	s15 =	simm.s32 $0x9;
	s16 =	simm.s32 $0x0;
	[dreg:$0x4] =	wrdreg s13  }
0x1c: {  	v0 =	vimm.f32 $0.0e+00;
	[dreg:$0x5] =	wrdreg s4;
	s4 =	simm.s32 $0x20;
	s13 =	simm.s32 $0x4  }
.LBB2_1:
0x1d: {  	s18 =	simm.s32 $0x0  }
0x1e: {  	s17 =	sand.u32 $0x3E00, s18  }
0x1f: {  	s18 =	sand.u32 $0x70, s18;
	s19 =	sshrl.u32 s17, $0x2  }
0x20: {  	s17 =	simm.s32 $0x40;
	s19 =	sor.u32 s18, s19;
	s18 =	simm.s32 $0x0  }
.LBB2_2:
0x21: {  	p0 =	sne.s32 s17, $0x3FC0  }
0x22: {  	[tilespmem:s19+$0x5000] =	vst v0;
	s18 =	sadd.s32 $0x10, s18;
	s19 =	smov.u32 s17;
	s17 =	sadd.s32 $0x40, s17  }
.Ltmp0:
0x23: {  	(pc) =	sbr.rel @p0 .LBB2_2-.Ltmp0, $4  }
0x24: {  	_ = 	snop  }
0x25: {  	s19 =	sand.u32 $0x3E00, s19  }
0x26: {  	s20 =	sand.u32 $0x70, s18;
	s19 =	sshrl.u32 s19, $0x2  }
0x27: {  	s19 =	sor.u32 s20, s19  }
0x28: {  	[tilespmem:s19+$0x5000] =	vst v0;
	s17 =	simm.s32 $0x0;
	s18 =	rddreg [dreg:$0x4]  }
0x29: {  	[tilespmem:s17], [sflag:$0x5] =	stream.linear.gather [hbm4b:s18+s17], $0x2800, $0x38;
	[tilespmem:$0x1D000] =	vst v63  }
0x2a: {  	s19 =	rddreg [dreg:$0x5];
	s20 =	simm.s32 $0x2800  }
0x2b: {  	[tilespmem:s20], [sflag:$0x6] =	stream.linear.gather [hbm4b:s19+s17], $0x2800, $0x38;
	[tilespmem:$0x1D000] =	vst v63  }
0x2c: {  	_ = 	snop  }
0x2d: {  	[spmem:s6] =	stream.linear.scatter [tilespmem:s31], [sflag:$0x1], $0x1000, $0x38;
	[tilespmem:$0x1D000] =	vst v63  }
0x2e: {  	s20 =	rddreg [dreg:$0x6]  }
0x2f: {  	[spmem:s20] =	stream.linear.scatter [tilespmem:s31], [sflag:$0x1], $0x1000, $0x38;
	[tilespmem:$0x1D000] =	vst v63  }
0x30: {  	s19 =	rddreg [dreg:$0x7]  }
0x31: {  	[spmem:s19] =	stream.linear.scatter [tilespmem:s31], [sflag:$0x1], $0x1000, $0x38;
	[tilespmem:$0x1D000] =	vst v63  }
0x32: {  	s20 =	rddreg [dreg:$0x8]  }
0x33: {  	[spmem:s20] =	stream.linear.scatter [tilespmem:s31], [sflag:$0x1], $0x1000, $0x38;
	[tilespmem:$0x1D000] =	vst v63  }
0x34: {  	s19 =	rddreg [dreg:$0x9]  }
0x35: {  	[spmem:s19] =	stream.linear.scatter [tilespmem:s31], [sflag:$0x1], $0x1000, $0x38;
	[tilespmem:$0x1D000] =	vst v63  }
0x36: {  	s20 =	rddreg [dreg:$0xa]  }
0x37: {  	[spmem:s20] =	stream.linear.scatter [tilespmem:s31], [sflag:$0x1], $0x1000, $0x38;
	[tilespmem:$0x1D000] =	vst v63  }
0x38: {  	s19 =	rddreg [dreg:$0xb]  }
0x39: {  	[spmem:s19] =	stream.linear.scatter [tilespmem:s31], [sflag:$0x1], $0x1000, $0x38;
	[tilespmem:$0x1D000] =	vst v63  }
0x3a: {  	s20 =	rddreg [dreg:$0xc]  }
0x3b: {  	[spmem:s20] =	stream.linear.scatter [tilespmem:s31], [sflag:$0x1], $0x1000, $0x38;
	[tilespmem:$0x1D000] =	vst v63  }
0x3c: {  	s19 =	rddreg [dreg:$0xd]  }
0x3d: {  	[spmem:s19] =	stream.linear.scatter [tilespmem:s31], [sflag:$0x1], $0x1000, $0x38;
	[tilespmem:$0x1D000] =	vst v63  }
0x3e: {  	s20 =	rddreg [dreg:$0xe]  }
0x3f: {  	[spmem:s20] =	stream.linear.scatter [tilespmem:s31], [sflag:$0x1], $0x1000, $0x38;
	[tilespmem:$0x1D000] =	vst v63  }
0x40: {  	s19 =	rddreg [dreg:$0xf]  }
0x41: {  	[spmem:s19] =	stream.linear.scatter [tilespmem:s31], [sflag:$0x1], $0x1000, $0x38;
	[tilespmem:$0x1D000] =	vst v63  }
0x42: {  	s20 =	rddreg [dreg:$0x10]  }
0x43: {  	[spmem:s20] =	stream.linear.scatter [tilespmem:s31], [sflag:$0x1], $0x1000, $0x38;
	[tilespmem:$0x1D000] =	vst v63  }
0x44: {  	s19 =	rddreg [dreg:$0x11]  }
0x45: {  	[spmem:s19] =	stream.linear.scatter [tilespmem:s31], [sflag:$0x1], $0x1000, $0x38;
	[tilespmem:$0x1D000] =	vst v63  }
0x46: {  	s20 =	rddreg [dreg:$0x12]  }
0x47: {  	[spmem:s20] =	stream.linear.scatter [tilespmem:s31], [sflag:$0x1], $0x1000, $0x38;
	[tilespmem:$0x1D000] =	vst v63  }
0x48: {  	_ = 	snop  }
0x49: {  	[spmem:s21] =	stream.linear.scatter [tilespmem:s31], [sflag:$0x1], $0x1000, $0x38;
	[tilespmem:$0x1D000] =	vst v63  }
0x4a: {  	_ = 	snop  }
0x4b: {  	[spmem:s22] =	stream.linear.scatter [tilespmem:s31], [sflag:$0x1], $0x1000, $0x38;
	[tilespmem:$0x1D000] =	vst v63  }
0x4c: {  	_ = 	snop  }
0x4d: {  	[spmem:s23] =	stream.linear.scatter [tilespmem:s31], [sflag:$0x1], $0x1000, $0x38;
	[tilespmem:$0x1D000] =	vst v63  }
0x4e: {  	_ = 	snop  }
0x4f: {  	[spmem:s26] =	stream.linear.scatter [tilespmem:s31], [sflag:$0x1], $0x1000, $0x38;
	[tilespmem:$0x1D000] =	vst v63  }
0x50: {  	_ = 	snop  }
0x51: {  	[spmem:s28] =	stream.linear.scatter [tilespmem:s31], [sflag:$0x1], $0x1000, $0x38;
	[tilespmem:$0x1D000] =	vst v63  }
0x52: {  	_ = 	snop  }
0x53: {  	[spmem:s29] =	stream.linear.scatter [tilespmem:s31], [sflag:$0x1], $0x1000, $0x38;
	[tilespmem:$0x1D000] =	vst v63  }
0x54: {  	_ =	swait.ge [sflag:s0], $0x1000  }
0x55: {  	[sflag:s0] =	ssyncset.done $0x0  }
0x56: {  	[sflag:s0] =	ssyncadd.s32 $0xFFFFF000  }
0x57: {  	_ =	swait.ge [sflag:s0], $0x1000  }
0x58: {  	[sflag:s0] =	ssyncset.done $0x0  }
0x59: {  	[sflag:s0] =	ssyncadd.s32 $0xFFFFF000  }
0x5a: {  	_ =	swait.ge [sflag:s0], $0x1000  }
0x5b: {  	[sflag:s0] =	ssyncset.done $0x0  }
0x5c: {  	[sflag:s0] =	ssyncadd.s32 $0xFFFFF000  }
0x5d: {  	_ =	swait.ge [sflag:s0], $0x1000  }
0x5e: {  	[sflag:s0] =	ssyncset.done $0x0  }
0x5f: {  	[sflag:s0] =	ssyncadd.s32 $0xFFFFF000  }
0x60: {  	_ =	swait.ge [sflag:s0], $0x1000  }
0x61: {  	[sflag:s0] =	ssyncset.done $0x0  }
0x62: {  	[sflag:s0] =	ssyncadd.s32 $0xFFFFF000  }
0x63: {  	_ =	swait.ge [sflag:s0], $0x1000  }
0x64: {  	[sflag:s0] =	ssyncset.done $0x0  }
0x65: {  	[sflag:s0] =	ssyncadd.s32 $0xFFFFF000  }
0x66: {  	_ =	swait.ge [sflag:s0], $0x1000  }
0x67: {  	[sflag:s0] =	ssyncset.done $0x0  }
0x68: {  	[sflag:s0] =	ssyncadd.s32 $0xFFFFF000  }
0x69: {  	_ =	swait.ge [sflag:s0], $0x1000  }
0x6a: {  	[sflag:s0] =	ssyncset.done $0x0  }
0x6b: {  	[sflag:s0] =	ssyncadd.s32 $0xFFFFF000  }
0x6c: {  	_ =	swait.ge [sflag:s0], $0x1000  }
0x6d: {  	[sflag:s0] =	ssyncset.done $0x0  }
0x6e: {  	[sflag:s0] =	ssyncadd.s32 $0xFFFFF000  }
0x6f: {  	_ =	swait.ge [sflag:s0], $0x1000  }
0x70: {  	[sflag:s0] =	ssyncset.done $0x0  }
0x71: {  	[sflag:s0] =	ssyncadd.s32 $0xFFFFF000  }
0x72: {  	_ =	swait.ge [sflag:s0], $0x1000  }
0x73: {  	[sflag:s0] =	ssyncset.done $0x0  }
0x74: {  	[sflag:s0] =	ssyncadd.s32 $0xFFFFF000  }
0x75: {  	_ =	swait.ge [sflag:s0], $0x1000  }
0x76: {  	[sflag:s0] =	ssyncset.done $0x0  }
0x77: {  	[sflag:s0] =	ssyncadd.s32 $0xFFFFF000  }
0x78: {  	_ =	swait.ge [sflag:s0], $0x1000  }
0x79: {  	[sflag:s0] =	ssyncset.done $0x0  }
0x7a: {  	[sflag:s0] =	ssyncadd.s32 $0xFFFFF000  }
0x7b: {  	_ =	swait.ge [sflag:s0], $0x1000  }
0x7c: {  	[sflag:s0] =	ssyncset.done $0x0  }
0x7d: {  	[sflag:s0] =	ssyncadd.s32 $0xFFFFF000  }
0x7e: {  	_ =	swait.ge [sflag:s0], $0x1000  }
0x7f: {  	[sflag:s0] =	ssyncset.done $0x0  }
0x80: {  	[sflag:s0] =	ssyncadd.s32 $0xFFFFF000  }
0x81: {  	_ =	swait.ge [sflag:s0], $0x1000  }
0x82: {  	[sflag:s0] =	ssyncset.done $0x0  }
0x83: {  	[sflag:s0] =	ssyncadd.s32 $0xFFFFF000  }
0x84: {  	_ =	swait.ge [sflag:s0], $0x1000  }
0x85: {  	[sflag:s0] =	ssyncset.done $0x0  }
0x86: {  	[sflag:s0] =	ssyncadd.s32 $0xFFFFF000  }
0x87: {  	_ =	swait.ge [sflag:s0], $0x1000  }
0x88: {  	[sflag:s0] =	ssyncset.done $0x0  }
0x89: {  	[sflag:s0] =	ssyncadd.s32 $0xFFFFF000  }
0x8a: {  	_ =	swait.ge [sflag:s0], $0x1000  }
0x8b: {  	[sflag:s0] =	ssyncset.done $0x0  }
0x8c: {  	[sflag:s0] =	ssyncadd.s32 $0xFFFFF000  }
0x8d: {  	_ =	swait.ge [sflag:s0], $0x1000  }
0x8e: {  	[sflag:s0] =	ssyncset.done $0x0  }
0x8f: {  	[sflag:s0] =	ssyncadd.s32 $0xFFFFF000  }
0x90: {  	_ =	swait.ge [sflag:s2], $0x2800  }
0x91: {  	[sflag:s2] =	ssyncset.done $0x0  }
0x92: {  	[sflag:s2] =	ssyncadd.s32 $0xFFFFD800  }
0x93: {  	_ =	swait.ge [sflag:s30], $0x2800  }
0x94: {  	[sflag:s30] =	ssyncset.done $0x0  }
0x95: {  	[sflag:s30] =	ssyncadd.s32 $0xFFFFD800  }
0x96: {  	[bflag:$0x0] =	sbarrier.arrive $0xFFFF  }
0x97: {  	[tilespmem:s31], [sflag:$0x1] =	stream.indirect.gather [hbm4b:s1+s4], $0x80, s17, s4, $0xb8;
	[tilespmem:$0x1D000] =	vst v63  }
0x98: {  	_ = 	snop  }
0x99: {  	[tilespmem:s5], [sflag:$0x2] =	stream.indirect.gather [hbm4b:s1+s4], $0x80, s4, s4, $0xb8;
	[tilespmem:$0x1D000] =	vst v63  }
0x9a: {  	s18 =	simm.s32 $0x40  }
0x9b: {  	[tilespmem:s7], [sflag:$0x3] =	stream.indirect.gather [hbm4b:s1+s4], $0x80, s18, s4, $0xb8;
	[tilespmem:$0x1D000] =	vst v63  }
0x9c: {  	s19 =	simm.s32 $0x60  }
0x9d: {  	[tilespmem:s9], [sflag:$0x4] =	stream.indirect.gather [hbm4b:s1+s8], $0x80, s19, s8, $0xb8;
	[tilespmem:$0x1D000] =	vst v63  }
0x9e: {  	_ =	swait.ge [sflag:s0], $0x1000  }
0x9f: {  	[sflag:s0] =	ssyncset.done $0x0  }
0xa0: {  	s20 =	simm.s32 $0x2800;
	[sflag:s0] =	ssyncadd.s32 $0xFFFFF000  }
0xa1: {  	[spmem:s3] =	stream.indirect.scatter.add.f32 [tilespmem:s31], [sflag:$0x5], $0x80, s20, s4, $0xb8;
	[tilespmem:$0x1D000] =	vst v63  }
0xa2: {  	_ =	swait.ge [sflag:s2], $0x1000  }
0xa3: {  	[sflag:s2] =	ssyncset.done $0x0  }
0xa4: {  	s18 =	simm.s32 $0x80;
	[sflag:s2] =	ssyncadd.s32 $0xFFFFF000  }
0xa5: {  	[tilespmem:s31], [sflag:$0x1] =	stream.indirect.gather [hbm4b:s1+s4], $0x80, s18, s4, $0xb8;
	[tilespmem:$0x1D000] =	vst v63  }
0xa6: {  	_ =	swait.ge [sflag:s10], $0x1000  }
0xa7: {  	[sflag:s10] =	ssyncset.done $0x0  }
0xa8: {  	s19 =	simm.s32 $0x2820;
	[sflag:s10] =	ssyncadd.s32 $0xFFFFF000  }
0xa9: {  	[spmem:s3] =	stream.indirect.scatter.add.f32 [tilespmem:s5], [sflag:$0x6], $0x80, s19, s4, $0xb8;
	[tilespmem:$0x1D000] =	vst v63  }
0xaa: {  	_ =	swait.ge [sflag:s30], $0x1000  }
0xab: {  	[sflag:s30] =	ssyncset.done $0x0  }
0xac: {  	s20 =	simm.s32 $0xA0;
	[sflag:s30] =	ssyncadd.s32 $0xFFFFF000  }
0xad: {  	[tilespmem:s5], [sflag:$0x2] =	stream.indirect.gather [hbm4b:s1+s4], $0x80, s20, s4, $0xb8;
	[tilespmem:$0x1D000] =	vst v63  }
0xae: {  	_ =	swait.ge [sflag:s11], $0x1000  }
0xaf: {  	[sflag:s11] =	ssyncset.done $0x0  }
0xb0: {  	s18 =	simm.s32 $0x2840;
	[sflag:s11] =	ssyncadd.s32 $0xFFFFF000  }
0xb1: {  	[spmem:s3] =	stream.indirect.scatter.add.f32 [tilespmem:s7], [sflag:$0x7], $0x80, s18, s4, $0xb8;
	[tilespmem:$0x1D000] =	vst v63  }
0xb2: {  	_ =	swait.ge [sflag:s12], $0x1000  }
0xb3: {  	[sflag:s12] =	ssyncset.done $0x0  }
0xb4: {  	s19 =	simm.s32 $0xC0;
	[sflag:s12] =	ssyncadd.s32 $0xFFFFF000  }
0xb5: {  	[tilespmem:s7], [sflag:$0x3] =	stream.indirect.gather [hbm4b:s1+s4], $0x80, s19, s4, $0xb8;
	[tilespmem:$0x1D000] =	vst v63  }
0xb6: {  	_ =	swait.ge [sflag:s13], $0xE80  }
0xb7: {  	[sflag:s13] =	ssyncset.done $0x0  }
0xb8: {  	s20 =	simm.s32 $0x2860;
	[sflag:s13] =	ssyncadd.s32 $0xFFFFF180  }
0xb9: {  	[spmem:s3] =	stream.indirect.scatter.add.f32 [tilespmem:s9], [sflag:$0x8], $0x80, s20, s8, $0xb8;
	[tilespmem:$0x1D000] =	vst v63  }
0xba: {  	_ =	swait.ge [sflag:s14], $0xE80  }
0xbb: {  	[sflag:s14] =	ssyncset.done $0x0  }
0xbc: {  	s17 =	simm.s32 $0x200;
	s18 =	simm.s32 $0xE0;
	[sflag:s14] =	ssyncadd.s32 $0xFFFFF180  }
.LBB2_4:
0xbd: {  	[tilespmem:s9], [sflag:$0x4] =	stream.indirect.gather [hbm4b:s1+s8], $0x80, s18, s8, $0xb8;
	[tilespmem:$0x1D000] =	vst v63  }
0xbe: {  	s18 =	smov.u32 s17  }
0xbf: {  	p0 =	sne.s32 s17, $0x9C00;
	s17 =	sadd.s32 $0x200, s17;
	_ =	swait.ge [sflag:s0], $0x1000  }
0xc0: {  	s18 =	sshra.s32 s18, $0x2;
	[sflag:s0] =	ssyncset.done $0x0  }
0xc1: {  	s19 =	sadd.s32 $0x2800, s18;
	[sflag:s0] =	ssyncadd.s32 $0xFFFFF000  }
0xc2: {  	[spmem:s3] =	stream.indirect.scatter.add.f32 [tilespmem:s31], [sflag:$0x5], $0x80, s19, s4, $0xb8;
	[tilespmem:$0x1D000] =	vst v63  }
0xc3: {  	_ =	swait.ge [sflag:s2], $0x1000  }
0xc4: {  	[sflag:s2] =	ssyncset.done $0x0  }
0xc5: {  	s19 =	sadd.s32 $0x80, s18;
	[sflag:s2] =	ssyncadd.s32 $0xFFFFF000  }
0xc6: {  	[tilespmem:s31], [sflag:$0x1] =	stream.indirect.gather [hbm4b:s1+s4], $0x80, s19, s4, $0xb8;
	[tilespmem:$0x1D000] =	vst v63  }
0xc7: {  	_ =	swait.ge [sflag:s10], $0x1000  }
0xc8: {  	[sflag:s10] =	ssyncset.done $0x0  }
0xc9: {  	s19 =	sadd.s32 $0x2820, s18;
	[sflag:s10] =	ssyncadd.s32 $0xFFFFF000  }
0xca: {  	[spmem:s3] =	stream.indirect.scatter.add.f32 [tilespmem:s5], [sflag:$0x6], $0x80, s19, s4, $0xb8;
	[tilespmem:$0x1D000] =	vst v63  }
0xcb: {  	_ =	swait.ge [sflag:s30], $0x1000  }
0xcc: {  	[sflag:s30] =	ssyncset.done $0x0  }
0xcd: {  	s19 =	sadd.s32 $0xA0, s18;
	[sflag:s30] =	ssyncadd.s32 $0xFFFFF000  }
0xce: {  	[tilespmem:s5], [sflag:$0x2] =	stream.indirect.gather [hbm4b:s1+s4], $0x80, s19, s4, $0xb8;
	[tilespmem:$0x1D000] =	vst v63  }
0xcf: {  	_ =	swait.ge [sflag:s11], $0x1000  }
0xd0: {  	[sflag:s11] =	ssyncset.done $0x0  }
0xd1: {  	s19 =	sadd.s32 $0x2840, s18;
	[sflag:s11] =	ssyncadd.s32 $0xFFFFF000  }
0xd2: {  	[spmem:s3] =	stream.indirect.scatter.add.f32 [tilespmem:s7], [sflag:$0x7], $0x80, s19, s4, $0xb8;
	[tilespmem:$0x1D000] =	vst v63  }
0xd3: {  	_ =	swait.ge [sflag:s12], $0x1000  }
0xd4: {  	[sflag:s12] =	ssyncset.done $0x0  }
0xd5: {  	s19 =	sadd.s32 $0xC0, s18;
	[sflag:s12] =	ssyncadd.s32 $0xFFFFF000  }
0xd6: {  	[tilespmem:s7], [sflag:$0x3] =	stream.indirect.gather [hbm4b:s1+s4], $0x80, s19, s4, $0xb8;
	[tilespmem:$0x1D000] =	vst v63  }
0xd7: {  	_ =	swait.ge [sflag:s13], $0xE80  }
0xd8: {  	[sflag:s13] =	ssyncset.done $0x0  }
.Ltmp1:
0xd9: {  	s19 =	sadd.s32 $0x2860, s18;
	[sflag:s13] =	ssyncadd.s32 $0xFFFFF180;
	(pc) =	sbr.rel @p0 .LBB2_4-.Ltmp1, $4  }
0xda: {  	[spmem:s3] =	stream.indirect.scatter.add.f32 [tilespmem:s9], [sflag:$0x8], $0x80, s19, s8, $0xb8;
	[tilespmem:$0x1D000] =	vst v63  }
0xdb: {  	_ =	swait.ge [sflag:s14], $0xE80  }
0xdc: {  	[sflag:s14] =	ssyncset.done $0x0  }
0xdd: {  	s18 =	sadd.s32 $0xE0, s18;
	[sflag:s14] =	ssyncadd.s32 $0xFFFFF180  }
0xde: {  	[tilespmem:s9], [sflag:$0x4] =	stream.indirect.gather [hbm4b:s1+s8], $0x80, s18, s8, $0xb8;
	[tilespmem:$0x1D000] =	vst v63  }
0xdf: {  	_ =	swait.ge [sflag:s0], $0x1000  }
0xe0: {  	[sflag:s0] =	ssyncset.done $0x0  }
0xe1: {  	s17 =	simm.s32 $0x4F80;
	[sflag:s0] =	ssyncadd.s32 $0xFFFFF000  }
0xe2: {  	[spmem:s3] =	stream.indirect.scatter.add.f32 [tilespmem:s31], [sflag:$0x5], $0x80, s17, s4, $0xb8;
	[tilespmem:$0x1D000] =	vst v63  }
0xe3: {  	_ =	swait.ge [sflag:s2], $0x1000  }
0xe4: {  	[sflag:s2] =	ssyncset.done $0x0  }
0xe5: {  	[sflag:s2] =	ssyncadd.s32 $0xFFFFF000  }
0xe6: {  	_ =	swait.ge [sflag:s10], $0x1000  }
0xe7: {  	[sflag:s10] =	ssyncset.done $0x0  }
0xe8: {  	s19 =	simm.s32 $0x4FA0;
	[sflag:s10] =	ssyncadd.s32 $0xFFFFF000  }
0xe9: {  	[spmem:s3] =	stream.indirect.scatter.add.f32 [tilespmem:s5], [sflag:$0x6], $0x80, s19, s4, $0xb8;
	[tilespmem:$0x1D000] =	vst v63  }
0xea: {  	_ =	swait.ge [sflag:s30], $0x1000  }
0xeb: {  	[sflag:s30] =	ssyncset.done $0x0  }
0xec: {  	[sflag:s30] =	ssyncadd.s32 $0xFFFFF000  }
0xed: {  	_ =	swait.ge [sflag:s11], $0x1000  }
0xee: {  	[sflag:s11] =	ssyncset.done $0x0  }
0xef: {  	s20 =	simm.s32 $0x4FC0;
	[sflag:s11] =	ssyncadd.s32 $0xFFFFF000  }
0xf0: {  	[spmem:s3] =	stream.indirect.scatter.add.f32 [tilespmem:s7], [sflag:$0x7], $0x80, s20, s4, $0xb8;
	[tilespmem:$0x1D000] =	vst v63  }
0xf1: {  	_ =	swait.ge [sflag:s12], $0x1000  }
0xf2: {  	[sflag:s12] =	ssyncset.done $0x0  }
0xf3: {  	[sflag:s12] =	ssyncadd.s32 $0xFFFFF000  }
0xf4: {  	_ =	swait.ge [sflag:s13], $0xE80  }
0xf5: {  	[sflag:s13] =	ssyncset.done $0x0  }
0xf6: {  	s18 =	simm.s32 $0x4FE0;
	[sflag:s13] =	ssyncadd.s32 $0xFFFFF180  }
0xf7: {  	[spmem:s3] =	stream.indirect.scatter.add.f32 [tilespmem:s9], [sflag:$0x8], $0x80, s18, s8, $0xb8;
	[tilespmem:$0x1D000] =	vst v63  }
0xf8: {  	s19 =	stileid.u32;
	_ =	swait.ge [sflag:s14], $0xE80  }
0xf9: {  	s16 =	sadd.s32 $0x1, s16;
	s17 =	sshll.u32 s19, $0x6;
	[sflag:s14] =	ssyncset.done $0x0  }
0xfa: {  	p0 =	sne.s32 s16, s25;
	s17 =	sor.u32 $0x1C09, s17;
	[sflag:s14] =	ssyncadd.s32 $0xFFFFF180  }
.Ltmp2:
0xfb: {  	s20 =	sshrl.u32 s6, $0x3;
	[bflag:$0x0] =	sbarrier.arrive $0xFFFF;
	(pc) =	sbr.rel @p0 .LBB2_1-.Ltmp2, $4  }
0xfc: {  	[hbm:s24], [sflag:s17] =	dma.local [spmem:s20], $0x2800  }
0xfd: {  	_ =	swait.ge [sflag:s15], $0x2800  }
0xfe: {  	[sflag:s15] =	ssyncset.done $0x0  }
0xff: {  	[sflag:s15] =	ssyncadd.s32 $0xFFFFD800  }
0x100: {  	_ =	sfence.sel $0x180000  }
0x101: {  	[bflag:$0x0] =	sbarrier.arrive $0xFFFF  }
0x102: {  	_ =	strace $0x9000004D  }
0x103: {  	s0 =	stileid.u32;
	[bflag:$0x2] =	sbarrier.arrive $0xFFFF  }
0x104: {  	p0 =	sne.s32 s0, $0x0;
	s0 =	rddreg [dreg:$0x3]  }
0x105: {  	s0 =	sadd.s32 @!p0 $0x100000, s0  }
0x106: {  	[sflag:s0] =	ssyncadd.tile.s32 @!p0 $0x1;
	_ =	shalt  }
.Lfunc_end2:
_tile_overlayer_lowered:
.L_overlay_start_2:
0x107: {  	(tag) =	ssettag $0x2  }
0x108: {  	s0 =	rddreg [dreg:$0x0];
	s2 =	stileid.u32  }
0x109: {  	s1 =	rddreg [dreg:$0x1];
	p0 =	sne.s32 s2, $0x0  }
0x10a: {  	s3 =	rddreg [dreg:$0x2];
	[bflag:$0x3] =	sbarrier.arrive $0xFFFF;
	s2 =	simm.s32 @!p0 $0x1C09  }
0x10b: {  	[timem:s3], [sflag:s2] =	dma.local @!p0 [hbm:s0], s1  }
0x10c: {  	s0 =	simm.s32 @!p0 $0x9  }
0x10d: {  	_ =	swait.ge @!p0 [sflag:s0], s1  }
0x10e: {  	s1 =	ssub.s32 @!p0 $0x0, s1;
	[sflag:s0] =	ssyncset.done @!p0 $0x0  }
0x10f: {  	[sflag:s0] =	ssyncadd.s32 @!p0 s1  }
0x110: {  	[bflag:$0x3] =	sbarrier.arrive $0xFFFF  }
0x111: {  	_ =	shalt  }

// kernel: kernel.8.cloned.1.call-start
scs
__scs_entry_jumppad:
0x0: {  	(pc) =	sbr.rel $0x88, $3  }
0x1: {  	(tag) =	ssettag $0x0;
	lr =	simm.s32 $0x1  }
0x2: {  	[smem:$0x3F98] =	sst lr;
	_ =	strace $0xD0000000  }
0x3: {  	_ = 	snop  }
0x4: {  	_ = 	snop  }
0x5: {  	_ = 	snop  }
0x6: {  	_ = 	snop  }
0x7: {  	_ = 	snop  }
__scs_overlays_trampoline_lowered:
0x8: {  	[smem:$0x3FA7] =	sst s0  }
0x9: {  	[smem:$0x3FA8] =	sst s1  }
0xa: {  	[smem:$0x3FA9] =	sst s2  }
0xb: {  	[smem:$0x3FAA] =	sst s3  }
0xc: {  	[smem:$0x3FAB] =	sst s4  }
0xd: {  	[smem:$0x3FAC] =	sst s5  }
0xe: {  	[smem:$0x3FAD] =	sst s6  }
0xf: {  	[smem:$0x3FAE] =	sst s7  }
0x10: {  	[smem:$0x3FAF] =	sst s8  }
0x11: {  	[smem:$0x3FB0] =	sst s9;
	s0 =	simm.s32 @!p0 $0x0  }
0x12: {  	s1 =	sld [smem:$0x3F96];
	s0 =	simm.s32 @p0 $0x1  }
0x13: {  	[smem:$0x3FB1] =	sst s0;
	s0 =	simm.s32 @!p1 $0x0  }
0x14: {  	s2 =	sld [smem:$0x3F95];
	s0 =	simm.s32 @p1 $0x1  }
0x15: {  	[smem:$0x3FB2] =	sst s0;
	s0 =	simm.s32 @!p2 $0x0  }
0x16: {  	s3 =	sld [smem:$0x3FDB];
	s0 =	simm.s32 @p2 $0x1  }
0x17: {  	s4 =	simm.s32 $0x1BF5;
	[smem:$0x3FB4] =	sst s0  }
0x18: {  	s0 =	sld [smem:$0x3F97];
	_ =	swait.ge [sflag:s4], $0x0  }
0x19: {  	s7 =	sld [smem:$0x3F98]  }
0x1a: {  	s8 =	sadd.s32 $0xFFFFE003, lr  }
0x1b: {  	s9 =	sadd.s32 $0xFFFFFEF7, lr;
	s5 =	simm.s32 $0xFFFFFFFF;
	p2 =	slt.u32 s8, $0xFFFFF086  }
0x1c: {  	p1 =	slt.u32 s9, $0xF7A;
	s5 =	simm.s32 @!p2 $0x0  }
0x1d: {  	s5 =	simm.s32 @p1 $0x1;
	p0 =	seq.s32 s7, s2  }
0x1e: {  	s7 =	smul.u32 @!p0 $0xF7A, s2;
	p2 =	seq.s32 @!p0 s5, $0x0  }
0x1f: {  	s9 =	smul.u32 $0xF7A, s1;
	s8 =	simm.s32 @!p0 $0x1BF5;
	p2 =	por !p2, p0  }
0x20: {  	[sflag:s8] =	ssyncset.s32 @!p0 $0xFFFFF086;
	s6 =	sadd.s32 @!p0 s3, s7;
	s7 =	simm.s32 @!p0 $0x108  }
0x21: {  	s3 =	sadd.s32 s3, s9;
	s6 =	sadd.s32 @!p0 $0x88, s6;
	s7 =	simm.s32 @p2 $0x1082  }
0x22: {  	[simem:s7], [sflag:s8] =	dma.local @!p0 [hbm:s6], $0xF7A  }
0x23: {  	s9 =	sor.u32 $0xD0000000, s2;
	s6 =	simm.s32 $0x108;
	_ =	swait.ge @!p0 [sflag:s8], $0x0  }
0x24: {  	s3 =	sadd.s32 $0x88, s3;
	s6 =	simm.s32 @!p1 $0x1082;
	[sflag:s4] =	ssyncset.s32 $0xFFFFF086  }
0x25: {  	[simem:s6], [sflag:s4] =	dma.local [hbm:s3], $0xF7A  }
0x26: {  	[smem:$0x3F98] =	sst s1;
	(tag) =	ssettag s2;
	_ =	strace s9  }
0x27: {  	s1 =	sld [smem:$0x3FA8]  }
0x28: {  	s2 =	sld [smem:$0x3FA9]  }
0x29: {  	s4 =	sld [smem:$0x3FAB]  }
0x2a: {  	p0 =	seq.s32 s5, $0x0;
	s5 =	sld [smem:$0x3FAC]  }
0x2b: {  	s6 =	sld [smem:$0x3FAD]  }
0x2c: {  	s7 =	sld [smem:$0x3FAE]  }
0x2d: {  	s3 =	simm.s32 $0x108;
	s8 =	sld [smem:$0x3FAF]  }
0x2e: {  	s3 =	simm.s32 @!p0 $0x1082;
	s9 =	sld [smem:$0x3FB0]  }
0x2f: {  	lr =	sadd.s32 s0, s3;
	s0 =	sld [smem:$0x3FA7]  }
0x30: {  	s3 =	sld [smem:$0x3FAA]  }
0x31: {  	[smem:$0x3FB3] =	sst s10  }
0x32: {  	s10 =	sld [smem:$0x3FB1];
	_ =	sdelay $0x3  }
0x33: {  	p0 =	seq.s32 s10, $0x1;
	s10 =	sld [smem:$0x3FB3];
	_ =	sdelay $0x3  }
0x34: {  	[smem:$0x3FB3] =	sst s10  }
0x35: {  	s10 =	sld [smem:$0x3FB2];
	_ =	sdelay $0x3  }
0x36: {  	p1 =	seq.s32 s10, $0x1;
	s10 =	sld [smem:$0x3FB3];
	_ =	sdelay $0x3  }
0x37: {  	[smem:$0x3FB3] =	sst s10  }
0x38: {  	s10 =	sld [smem:$0x3FB4]  }
0x39: {  	_ = 	snop;
	(pc) =	sbr.ind lr, $3  }
0x3a: {  	_ = 	snop  }
0x3b: {  	_ = 	snop  }
0x3c: {  	p2 =	seq.s32 s10, $0x1;
	s10 =	sld [smem:$0x3FB3]  }
0x3d: {  	_ =	shalt  }
0x3e: {  	_ =	shalt  }
0x3f: {  	_ =	shalt  }
0x40: {  	_ =	shalt  }
0x41: {  	_ =	shalt  }
0x42: {  	_ =	shalt  }
0x43: {  	_ =	shalt  }
0x44: {  	_ =	shalt  }
0x45: {  	_ =	shalt  }
0x46: {  	_ =	shalt  }
0x47: {  	_ =	shalt  }
0x48: {  	_ =	shalt  }
0x49: {  	_ =	shalt  }
0x4a: {  	_ =	shalt  }
0x4b: {  	_ =	shalt  }
0x4c: {  	_ =	shalt  }
0x4d: {  	_ =	shalt  }
0x4e: {  	_ =	shalt  }
0x4f: {  	_ =	shalt  }
0x50: {  	_ =	shalt  }
0x51: {  	_ =	shalt  }
0x52: {  	_ =	shalt  }
0x53: {  	_ =	shalt  }
0x54: {  	_ =	shalt  }
0x55: {  	_ =	shalt  }
0x56: {  	_ =	shalt  }
0x57: {  	_ =	shalt  }
0x58: {  	_ =	shalt  }
0x59: {  	_ =	shalt  }
0x5a: {  	_ =	shalt  }
0x5b: {  	_ =	shalt  }
0x5c: {  	_ =	shalt  }
0x5d: {  	_ =	shalt  }
0x5e: {  	_ =	shalt  }
0x5f: {  	_ =	shalt  }
0x60: {  	_ =	shalt  }
0x61: {  	_ =	shalt  }
0x62: {  	_ =	shalt  }
0x63: {  	_ =	shalt  }
0x64: {  	_ =	shalt  }
0x65: {  	_ =	shalt  }
0x66: {  	_ =	shalt  }
0x67: {  	_ =	shalt  }
0x68: {  	_ =	shalt  }
0x69: {  	_ =	shalt  }
0x6a: {  	_ =	shalt  }
0x6b: {  	_ =	shalt  }
0x6c: {  	_ =	shalt  }
0x6d: {  	_ =	shalt  }
0x6e: {  	_ =	shalt  }
0x6f: {  	_ =	shalt  }
0x70: {  	_ =	shalt  }
0x71: {  	_ =	shalt  }
0x72: {  	_ =	shalt  }
0x73: {  	_ =	shalt  }
0x74: {  	_ =	shalt  }
0x75: {  	_ =	shalt  }
0x76: {  	_ =	shalt  }
0x77: {  	_ =	shalt  }
0x78: {  	_ =	shalt  }
0x79: {  	_ =	shalt  }
0x7a: {  	_ =	shalt  }
0x7b: {  	_ =	shalt  }
0x7c: {  	_ =	shalt  }
0x7d: {  	_ =	shalt  }
0x7e: {  	_ =	shalt  }
0x7f: {  	_ =	shalt  }
0x80: {  	_ =	shalt  }
0x81: {  	_ =	shalt  }
0x82: {  	_ =	shalt  }
0x83: {  	_ =	shalt  }
0x84: {  	_ =	shalt  }
0x85: {  	_ =	shalt  }
0x86: {  	_ =	shalt  }
0x87: {  	_ =	shalt  }
.Lfunc_end0:
.L_simem_size_0:
called_computation_lowered:
.L_overlay_start_0:
0x88: {  	s2 =	sld [smem:$0x3FD9]  }
0x89: {  	s3 =	sld [smem:$0x3FFE];
	_ =	sdelay $0x1  }
0x8a: {  	s1 =	srdreg.scid  }
0x8b: {  	s0 =	sand.u32 $0x1, s1  }
0x8c: {  	s14 =	sshll.u32 s0, $0xA;
	s2 =	sadd.s32 s3, s2  }
0x8d: {  	s2 =	sadd.s32 s2, s14  }
0x8e: {  	[smem:$0x3FBF] =	sst s2  }
0x8f: {  	_ = 	snop  }
0x90: {  	s2 =	sld [smem:$0x3FD0];
	_ =	sdelay $0x2  }
0x91: {  	s15 =	simm.s32 $0xA;
	s4 =	simm.s32 $0x10  }
0x92: {  	[smem:s4], [sflag:s15] =	dma.local [hbm:s2], $0x1  }
0x93: {  	_ =	swait.eq [sflag:s15], $0x1  }
0x94: {  	[sflag:s15] =	ssyncset.done $0x0  }
0x95: {  	[sflag:s15] =	ssyncadd.s32 $0xFFFFFFFF  }
0x96: {  	s16 =	sld [smem:$0x11];
	(tm) =	ssettm $0x1  }
0x97: {  	s17 =	sld [smem:$0x3FFB];
	_ =	sdelay $0x3  }
0x98: {  	_ =	strace s17  }
0x99: {  	s3 =	sld [smem:$0x3FFC];
	_ =	sdelay $0x3  }
0x9a: {  	_ =	strace s3  }
0x9b: {  	s3 =	sld [smem:$0x3FFD];
	_ =	sdelay $0x3  }
0x9c: {  	_ =	strace s3  }
0x9d: {  	_ =	strace $0x8FFFFFFF  }
0x9e: {  	s18 =	sld [smem:$0x3FDB];
	_ =	sdelay $0x1  }
0x9f: {  	s19 =	simm.s32 $_scs_section_size  }
0xa0: {  	s5 =	simm.s32 $_size__tile_overlayer_lowered;
	s6 =	simm.s32 $_tile_overlayer_lowered  }
0xa1: {  	s22 =	simm.s32 $0x1BFF;
	s21 =	sshll.u32 s6, $0x1;
	s3 =	sadd.s32 s19, s18  }
0xa2: {  	s7 =	simm.s32 $0x0;
	s20 =	sshll.u32 s5, $0x1;
	s5 =	sadd.s32 s21, s3  }
0xa3: {  	[timem:s7], [sflag:s22] =	dma.local [hbm:s5], s20  }
0xa4: {  	_ =	swait.ge [sflag:s22], s20  }
0xa5: {  	s4 =	ssub.s32 $0x0, s20;
	[sflag:s22] =	ssyncset.done $0x0  }
0xa6: {  	[sflag:s22] =	ssyncadd.s32 s4;
	_ =	sdelay $0x1  }
0xa7: {  	s23 =	simm.s32 $0x1B8B  }
0xa8: {  	_ =	swait.ge [sflag:s23], $0x1  }
0xa9: {  	[sflag:s23] =	ssyncset.done $0x0  }
0xaa: {  	s25 =	simm.s32 $0x1B8E;
	s24 =	sld [smem:$0x3FFE];
	[sflag:s23] =	ssyncadd.s32 $0xFFFFFFFF  }
0xab: {  	s26 =	simm.s32 $execute0_lowered;
	[smem:$0x3FD2] =	sst s25  }
0xac: {  	s5 =	sshll.u32 s26, $0x1;
	_ =	strace $0x80000046;
	[dreg:$0x1] =	wrdreg $0xFFFFFFFF  }
0xad: {  	s28 =	simm.s32 $_size_execute0_lowered;
	s3 =	sadd.s32 s3, s5;
	[dreg:$0x0] =	wrdreg $0x0  }
0xae: {  	s5 =	sshll.u32 s28, $0x1;
	[dreg:$0x2] =	wrdreg s3  }
0xaf: {  	[dreg:$0x3] =	wrdreg s5  }
0xb0: {  	[dreg:$0x4] =	wrdreg $0xC0  }
0xb1: {  	_ =	task [dreg:s7], $0x5FFFF  }
0xb2: {  	[dreg:$0x1] =	wrdreg $0xFFFFFFFF  }
0xb3: {  	[dreg:$0x0] =	wrdreg $0x60  }
0xb4: {  	[dreg:$0x2] =	wrdreg s24  }
0xb5: {  	[dreg:$0x3] =	wrdreg s16  }
0xb6: {  	[dreg:$0x4] =	wrdreg $0x6B000  }
0xb7: {  	[dreg:$0x5] =	wrdreg $0x1AB000  }
0xb8: {  	[dreg:$0x6] =	wrdreg $0x9  }
0xb9: {  	_ =	task.clear_ibuf [dreg:s7], $0x7FFFF;
	_ =	strace $0x90000046  }
0xba: {  	s29 =	simm.s32 $0x9;
	_ =	strace $0x80000048  }
0xbb: {  	_ =	swait.ge [sflag:s29], $0x1  }
0xbc: {  	[sflag:s29] =	ssyncadd.s32 $0xFFFFFFFF  }
0xbd: {  	_ =	strace $0x90000048  }
0xbe: {  	_ =	sfence  }
0xbf: {  	s30 =	sld [smem:$0x0];
	_ =	sdelay $0x2  }
0xc0: {  	s31 =	sshll.u32 s1, $0xD;
	s1 =	sshrl.u32 s1, $0x2  }
0xc1: {  	s3 =	sand.u32 $0x4000, s31;
	s1 =	sadd.s32 s1, s30  }
0xc2: {  	s0 =	sor.u32 s3, s0;
	s1 =	sshll.u32 s1, $0x11  }
0xc3: {  	s0 =	sor.u32 s1, s0  }
0xc4: {  	s0 =	sadd.s32 $0x8F2B, s0  }
0xc5: {  	[sflag:s0] =	ssyncadd.remote.s32 $0x1  }
0xc6: {  	_ =	sfence.sel $0xFFFF  }
0xc7: {  	[dreg:$0x0] =	wrdreg $0xFFFFFFFF;
	(pc) =	sbr.abs _section_cstart, $3  }
0xc8: {  	[dreg:$0x1] =	wrdreg $0xFFFFFFFF  }
0xc9: {  	_ =	task.clear_ibuf [dreg:s7], $0x2FFFF;
	_ =	strace $0x9FFFFFFF  }
0xca: {  	(tm) =	ssettm $0x7FFFFFFF  }
0xcb: {  	_ =	shalt  }
tec
execute0_lowered:
.L_overlay_start_1:
0x0: {  	(tag) =	ssettag $0x1  }
0x1: {  	s0 =	srdreg.scid;
	s1 =	rddreg [dreg:$0x0]  }
0x2: {  	s5 =	rddreg [dreg:$0x1];
	s16 =	stileid.u32  }
0x3: {  	s2 =	rddreg [dreg:$0x2];
	s8 =	smul.u32 $0x280, s16  }
0x4: {  	s25 =	rddreg [dreg:$0x3];
	s4 =	simm.s32 $0x0;
	s12 =	smul.u32 $0x140000, s16  }
0x5: {  	s28 =	simm.s32 $0x6;
	s29 =	simm.s32 $0xA;
	s13 =	smul.u32 $0x50000, s16  }
0x6: {  	s30 =	simm.s32 $0xE;
	s0 =	sand.u32 $0x1, s0;
	s20 =	smul.u32 $0x14000, s16  }
0x7: {  	[smem:$0x7FF] =	sst s4;
	s11 =	sadd.s32 $0xD000, s1;
	s9 =	smul.u32 $0x2800, s0  }
0x8: {  	s3 =	sshll.u32 s0, $0x4;
	s10 =	smul.u32 $0x1400000, s0;
	s26 =	ssub.s32 $0x2, s0  }
0x9: {  	_ =	strace $0x80000047;
	s15 =	sshrl.u32 s26, $0x1;
	s13 =	sshrl.u32 s13, $0x2  }
0xa: {  	s10 =	sadd.s32 s12, s10;
	s12 =	ssub.s32 s26, s15;
	s15 =	sadd.s32 s13, s2  }
0xb: {  	s0 =	smul.u32 $0x140000, s0;
	s13 =	sadd.s32 $0x2000, s15;
	[dreg:$0x5] =	wrdreg s15  }
0xc: {  	s6 =	sor.u32 s16, s3;
	s17 =	sadd.s32 $0x3000, s15;
	[dreg:$0x9] =	wrdreg s13  }
0xd: {  	s7 =	smul.u32 $0x500, s6;
	s18 =	sadd.s32 $0x4000, s15;
	[dreg:$0xa] =	wrdreg s17  }
0xe: {  	s9 =	sadd.s32 s8, s9;
	s19 =	sadd.s32 $0x5000, s15;
	[dreg:$0xb] =	wrdreg s18  }
0xf: {  	s0 =	sadd.s32 s20, s0;
	s21 =	sadd.s32 $0x6000, s15;
	[dreg:$0xc] =	wrdreg s19  }
0x10: {  	s9 =	sshrl.u32 s9, $0x3;
	s22 =	sadd.s32 $0x7000, s15;
	[dreg:$0xd] =	wrdreg s21  }
0x11: {  	s14 =	sshrl.u32 s10, $0x3;
	s23 =	sadd.s32 $0x8000, s15;
	[dreg:$0xe] =	wrdreg s22  }
0x12: {  	s24 =	sadd.s32 $0x9000, s15;
	s26 =	sor.u32 $0x4000, s10;
	[dreg:$0xf] =	wrdreg s23  }
0x13: {  	s3 =	sadd.s32 $0xB000, s15;
	s10 =	smax.u32 s12, $0x1;
	[dreg:$0x10] =	wrdreg s24  }
0x14: {  	s20 =	sadd.s32 $0x11000, s15;
	s7 =	sadd.s32 s7, s1;
	[dreg:$0x13] =	wrdreg s3  }
0x15: {  	s9 =	sadd.s32 s9, s1;
	s1 =	sadd.s32 s14, s1;
	[dreg:$0x17] =	wrdreg s10  }
0x16: {  	s14 =	sadd.s32 s8, s25;
	s8 =	sadd.s32 $0x1000, s15;
	[dreg:$0x1c] =	wrdreg s20  }
0x17: {  	s0 =	sshrl.u32 s0, $0x3;
	s25 =	sadd.s32 $0xA000, s15;
	[dreg:$0x8] =	wrdreg s8  }
0x18: {  	s31 =	simm.s32 $0x3;
	s0 =	sadd.s32 s5, s0;
	[dreg:$0x11] =	wrdreg s25  }
0x19: {  	s6 =	smul.u32 $0x140000, s6;
	s13 =	sadd.s32 $0xD000, s15;
	[dreg:$0x12] =	wrdreg s0  }
0x1a: {  	s12 =	simm.s32 $0x5;
	s17 =	sadd.s32 $0xE000, s15;
	[dreg:$0x18] =	wrdreg s13  }
0x1b: {  	s6 =	sshrl.u32 s6, $0x3;
	s18 =	sadd.s32 $0xF000, s15;
	[dreg:$0x19] =	wrdreg s17  }
0x1c: {  	s2 =	sshrl.u32 s26, $0x3;
	s19 =	sadd.s32 $0x10000, s15;
	[dreg:$0x1a] =	wrdreg s18  }
0x1d: {  	s21 =	sadd.s32 $0x12000, s15;
	s22 =	sadd.s32 $0x13000, s15;
	[dreg:$0x1b] =	wrdreg s19  }
0x1e: {  	s10 =	simm.s32 $0x2800;
	s7 =	sadd.s32 $0x3000, s7;
	[dreg:$0x1d] =	wrdreg s21  }
0x1f: {  	s25 =	sadd.s32 s2, s11;
	s8 =	sadd.s32 $0xC000, s15;
	[dreg:$0x1e] =	wrdreg s22  }
0x20: {  	s9 =	sadd.s32 $0x50D000, s9;
	s2 =	simm.s32 $0x1;
	[dreg:$0x7] =	wrdreg s14  }
0x21: {  	s17 =	simm.s32 $0x20;
	s0 =	simm.s32 $0x0;
	[dreg:$0x6] =	wrdreg s7  }
0x22: {  	s13 =	simm.s32 $0xF;
	s18 =	simm.s32 $0x0;
	[dreg:$0x15] =	wrdreg s8  }
0x23: {  	s19 =	simm.s32 $0x8;
	s7 =	sadd.s32 s11, s6;
	[dreg:$0x16] =	wrdreg s9  }
0x24: {  	s22 =	simm.s32 $0x10;
	s11 =	sadd.s32 $0x50DA00, s1;
	[dreg:$0x14] =	wrdreg s7  }
0x25: {  	s1 =	simm.s32 $0x9;
	s23 =	sadd.s32 $0x200, s7;
	[smem:$0x7FD] =	sst s11  }
0x26: {  	s8 =	simm.s32 $0x9;
	s24 =	sadd.s32 $0x400, s7;
	[dreg:$0x1f] =	wrdreg s23  }
0x27: {  	s6 =	simm.s32 $0xB;
	s26 =	sadd.s32 $0x600, s7;
	[smem:$0x7FB] =	sst s24  }
0x28: {  	s9 =	simm.s32 $0x4;
	s11 =	simm.s32 $0x6800;
	[smem:$0x7FC] =	sst s26  }
0x29: {  	v0 =	vimm.f32 $0.0e+00;
	v1 =	vimm.f32 $1.000000000e+00;
	s23 =	simm.s32 $0x5800;
	s24 =	simm.s32 $0x5;
	s26 =	simm.s32 $0x2  }
.LBB2_1:
0x2a: {  	s5 =	sand.u32 $0x3E00, s4  }
0x2b: {  	[smem:$0x7FA] =	sst s0;
	s7 =	sand.u32 $0x70, s4;
	s20 =	sshrl.u32 s5, $0x2  }
0x2c: {  	s5 =	simm.s32 $0x40;
	s20 =	sor.u32 s7, s20;
	s7 =	simm.s32 $0x0  }
.LBB2_2:
0x2d: {  	p0 =	sne.s32 s5, $0x3FC0  }
0x2e: {  	[tilespmem:s20+$0x2800] =	vst v0;
	s7 =	sadd.s32 $0x10, s7;
	s20 =	smov.u32 s5;
	s5 =	sadd.s32 $0x40, s5  }
.Ltmp0:
0x2f: {  	(pc) =	sbr.rel @p0 .LBB2_2-.Ltmp0, $4  }
0x30: {  	_ = 	snop  }
0x31: {  	s20 =	sand.u32 $0x3E00, s20  }
0x32: {  	s21 =	sand.u32 $0x70, s7;
	s20 =	sshrl.u32 s20, $0x2  }
0x33: {  	s20 =	sor.u32 s21, s20  }
0x34: {  	[tilespmem:s20+$0x2800] =	vst v0  }
0x35: {  	[tilespmem:$0x6880] =	vst v0  }
0x36: {  	[tilespmem:$0x6890] =	vst v0  }
0x37: {  	[tilespmem:$0x68A0] =	vst v0  }
0x38: {  	[tilespmem:$0x68B0] =	vst v0  }
0x39: {  	[tilespmem:$0x68C0] =	vst v0  }
0x3a: {  	[tilespmem:$0x68D0] =	vst v0  }
0x3b: {  	[tilespmem:$0x68E0] =	vst v0  }
0x3c: {  	[tilespmem:$0x68F0] =	vst v0  }
0x3d: {  	[tilespmem:$0x6900] =	vst v0  }
0x3e: {  	[tilespmem:$0x6910] =	vst v0  }
0x3f: {  	[tilespmem:$0x6920] =	vst v0  }
0x40: {  	[tilespmem:$0x6930] =	vst v0  }
0x41: {  	[tilespmem:$0x6940] =	vst v0  }
0x42: {  	[tilespmem:$0x6950] =	vst v0  }
0x43: {  	[tilespmem:$0x6960] =	vst v0  }
0x44: {  	[tilespmem:$0x6970] =	vst v0  }
0x45: {  	[tilespmem:$0x6980] =	vst v0  }
0x46: {  	[tilespmem:$0x6990] =	vst v0  }
0x47: {  	[tilespmem:$0x69A0] =	vst v0  }
0x48: {  	[tilespmem:$0x69B0] =	vst v0  }
0x49: {  	[tilespmem:$0x69C0] =	vst v0  }
0x4a: {  	[tilespmem:$0x69D0] =	vst v0  }
0x4b: {  	[tilespmem:$0x69E0] =	vst v0  }
0x4c: {  	[tilespmem:$0x69F0] =	vst v0  }
0x4d: {  	[tilespmem:$0x6A00] =	vst v0  }
0x4e: {  	[tilespmem:$0x6A10] =	vst v0  }
0x4f: {  	[tilespmem:$0x6A20] =	vst v0  }
0x50: {  	[tilespmem:$0x6A30] =	vst v0  }
0x51: {  	[tilespmem:$0x6A40] =	vst v0  }
0x52: {  	[tilespmem:$0x6A50] =	vst v0  }
0x53: {  	[tilespmem:$0x6A60] =	vst v0  }
0x54: {  	[tilespmem:$0x6A70] =	vst v0  }
0x55: {  	[tilespmem:$0x6A80] =	vst v0  }
0x56: {  	[tilespmem:$0x6A90] =	vst v0  }
0x57: {  	[tilespmem:$0x6AA0] =	vst v0  }
0x58: {  	[tilespmem:$0x6AB0] =	vst v0  }
0x59: {  	[tilespmem:$0x6AC0] =	vst v0  }
0x5a: {  	[tilespmem:$0x6AD0] =	vst v0  }
0x5b: {  	[tilespmem:$0x6AE0] =	vst v0  }
0x5c: {  	s7 =	simm.s32 $0x0;
	s5 =	rddreg [dreg:$0x6];
	[tilespmem:$0x6AF0] =	vst v0  }
0x5d: {  	[tilespmem:s7], [sflag:$0x5] =	stream.linear.gather [hbm4b:s5+s7], $0x2800, $0x38;
	[tilespmem:$0x1AD80] =	vst v63  }
0x5e: {  	s0 =	simm.s32 $0x6880  }
0x5f: {  	[spmem:s14] =	stream.linear.scatter [tilespmem:s0], [sflag:$0x9], $0x280, $0x38;
	[tilespmem:$0x1AD80] =	vst v63  }
0x60: {  	[tilespmem:$0x6800] =	vst v1  }
0x61: {  	[tilespmem:$0x6810] =	vst v1  }
0x62: {  	[tilespmem:$0x6820] =	vst v1  }
0x63: {  	[tilespmem:$0x6830] =	vst v1  }
0x64: {  	[tilespmem:$0x6840] =	vst v1  }
0x65: {  	[tilespmem:$0x6850] =	vst v1  }
0x66: {  	[tilespmem:$0x6860] =	vst v1  }
0x67: {  	[tilespmem:$0x6870] =	vst v1  }
0x68: {  	[spmem:s15] =	stream.linear.scatter [tilespmem:s10], [sflag:$0x1], $0x1000, $0x38;
	[tilespmem:$0x1AD80] =	vst v63  }
0x69: {  	s0 =	rddreg [dreg:$0x8]  }
0x6a: {  	[spmem:s0] =	stream.linear.scatter [tilespmem:s10], [sflag:$0x1], $0x1000, $0x38;
	[tilespmem:$0x1AD80] =	vst v63  }
0x6b: {  	s3 =	rddreg [dreg:$0x9]  }
0x6c: {  	[spmem:s3] =	stream.linear.scatter [tilespmem:s10], [sflag:$0x1], $0x1000, $0x38;
	[tilespmem:$0x1AD80] =	vst v63  }
0x6d: {  	s4 =	rddreg [dreg:$0xa]  }
0x6e: {  	[spmem:s4] =	stream.linear.scatter [tilespmem:s10], [sflag:$0x1], $0x1000, $0x38;
	[tilespmem:$0x1AD80] =	vst v63  }
0x6f: {  	s14 =	rddreg [dreg:$0xb]  }
0x70: {  	[spmem:s14] =	stream.linear.scatter [tilespmem:s10], [sflag:$0x1], $0x1000, $0x38;
	[tilespmem:$0x1AD80] =	vst v63  }
0x71: {  	s15 =	rddreg [dreg:$0xc]  }
0x72: {  	[spmem:s15] =	stream.linear.scatter [tilespmem:s10], [sflag:$0x1], $0x1000, $0x38;
	[tilespmem:$0x1AD80] =	vst v63  }
0x73: {  	s16 =	rddreg [dreg:$0xd]  }
0x74: {  	[spmem:s16] =	stream.linear.scatter [tilespmem:s10], [sflag:$0x1], $0x1000, $0x38;
	[tilespmem:$0x1AD80] =	vst v63  }
0x75: {  	s20 =	rddreg [dreg:$0xe]  }
0x76: {  	[spmem:s20] =	stream.linear.scatter [tilespmem:s10], [sflag:$0x1], $0x1000, $0x38;
	[tilespmem:$0x1AD80] =	vst v63  }
0x77: {  	s21 =	rddreg [dreg:$0xf]  }
0x78: {  	[spmem:s21] =	stream.linear.scatter [tilespmem:s10], [sflag:$0x1], $0x1000, $0x38;
	[tilespmem:$0x1AD80] =	vst v63  }
0x79: {  	s0 =	rddreg [dreg:$0x10]  }
0x7a: {  	[spmem:s0] =	stream.linear.scatter [tilespmem:s10], [sflag:$0x1], $0x1000, $0x38;
	[tilespmem:$0x1AD80] =	vst v63  }
0x7b: {  	s3 =	rddreg [dreg:$0x11]  }
0x7c: {  	[spmem:s3] =	stream.linear.scatter [tilespmem:s10], [sflag:$0x1], $0x1000, $0x38;
	[tilespmem:$0x1AD80] =	vst v63  }
0x7d: {  	s4 =	rddreg [dreg:$0x13]  }
0x7e: {  	[spmem:s4] =	stream.linear.scatter [tilespmem:s10], [sflag:$0x1], $0x1000, $0x38;
	[tilespmem:$0x1AD80] =	vst v63  }
0x7f: {  	s14 =	rddreg [dreg:$0x15]  }
0x80: {  	[spmem:s14] =	stream.linear.scatter [tilespmem:s10], [sflag:$0x1], $0x1000, $0x38;
	[tilespmem:$0x1AD80] =	vst v63  }
0x81: {  	s15 =	rddreg [dreg:$0x18]  }
0x82: {  	[spmem:s15] =	stream.linear.scatter [tilespmem:s10], [sflag:$0x1], $0x1000, $0x38;
	[tilespmem:$0x1AD80] =	vst v63  }
0x83: {  	s16 =	rddreg [dreg:$0x19]  }
0x84: {  	[spmem:s16] =	stream.linear.scatter [tilespmem:s10], [sflag:$0x1], $0x1000, $0x38;
	[tilespmem:$0x1AD80] =	vst v63  }
0x85: {  	s20 =	rddreg [dreg:$0x1a]  }
0x86: {  	[spmem:s20] =	stream.linear.scatter [tilespmem:s10], [sflag:$0x1], $0x1000, $0x38;
	[tilespmem:$0x1AD80] =	vst v63  }
0x87: {  	s21 =	rddreg [dreg:$0x1b]  }
0x88: {  	[spmem:s21] =	stream.linear.scatter [tilespmem:s10], [sflag:$0x1], $0x1000, $0x38;
	[tilespmem:$0x1AD80] =	vst v63  }
0x89: {  	s3 =	rddreg [dreg:$0x1c]  }
0x8a: {  	[spmem:s3] =	stream.linear.scatter [tilespmem:s10], [sflag:$0x1], $0x1000, $0x38;
	[tilespmem:$0x1AD80] =	vst v63  }
0x8b: {  	s4 =	rddreg [dreg:$0x1d]  }
0x8c: {  	[spmem:s4] =	stream.linear.scatter [tilespmem:s10], [sflag:$0x1], $0x1000, $0x38;
	[tilespmem:$0x1AD80] =	vst v63  }
0x8d: {  	s5 =	rddreg [dreg:$0x1e]  }
0x8e: {  	[spmem:s5] =	stream.linear.scatter [tilespmem:s10], [sflag:$0x1], $0x1000, $0x38;
	[tilespmem:$0x1AD80] =	vst v63  }
0x8f: {  	_ =	swait.ge [sflag:s2], $0x1000  }
0x90: {  	[sflag:s2] =	ssyncset.done $0x0  }
0x91: {  	[sflag:s2] =	ssyncadd.s32 $0xFFFFF000  }
0x92: {  	_ =	swait.ge [sflag:s2], $0x1000  }
0x93: {  	[sflag:s2] =	ssyncset.done $0x0  }
0x94: {  	[sflag:s2] =	ssyncadd.s32 $0xFFFFF000  }
0x95: {  	_ =	swait.ge [sflag:s2], $0x1000  }
0x96: {  	[sflag:s2] =	ssyncset.done $0x0  }
0x97: {  	[sflag:s2] =	ssyncadd.s32 $0xFFFFF000  }
0x98: {  	_ =	swait.ge [sflag:s2], $0x1000  }
0x99: {  	[sflag:s2] =	ssyncset.done $0x0  }
0x9a: {  	[sflag:s2] =	ssyncadd.s32 $0xFFFFF000  }
0x9b: {  	_ =	swait.ge [sflag:s2], $0x1000  }
0x9c: {  	[sflag:s2] =	ssyncset.done $0x0  }
0x9d: {  	[sflag:s2] =	ssyncadd.s32 $0xFFFFF000  }
0x9e: {  	_ =	swait.ge [sflag:s2], $0x1000  }
0x9f: {  	[sflag:s2] =	ssyncset.done $0x0  }
0xa0: {  	[sflag:s2] =	ssyncadd.s32 $0xFFFFF000  }
0xa1: {  	_ =	swait.ge [sflag:s2], $0x1000  }
0xa2: {  	[sflag:s2] =	ssyncset.done $0x0  }
0xa3: {  	[sflag:s2] =	ssyncadd.s32 $0xFFFFF000  }
0xa4: {  	_ =	swait.ge [sflag:s2], $0x1000  }
0xa5: {  	[sflag:s2] =	ssyncset.done $0x0  }
0xa6: {  	[sflag:s2] =	ssyncadd.s32 $0xFFFFF000  }
0xa7: {  	_ =	swait.ge [sflag:s2], $0x1000  }
0xa8: {  	[sflag:s2] =	ssyncset.done $0x0  }
0xa9: {  	[sflag:s2] =	ssyncadd.s32 $0xFFFFF000  }
0xaa: {  	_ =	swait.ge [sflag:s2], $0x1000  }
0xab: {  	[sflag:s2] =	ssyncset.done $0x0  }
0xac: {  	[sflag:s2] =	ssyncadd.s32 $0xFFFFF000  }
0xad: {  	_ =	swait.ge [sflag:s2], $0x1000  }
0xae: {  	[sflag:s2] =	ssyncset.done $0x0  }
0xaf: {  	[sflag:s2] =	ssyncadd.s32 $0xFFFFF000  }
0xb0: {  	_ =	swait.ge [sflag:s2], $0x1000  }
0xb1: {  	[sflag:s2] =	ssyncset.done $0x0  }
0xb2: {  	[sflag:s2] =	ssyncadd.s32 $0xFFFFF000  }
0xb3: {  	_ =	swait.ge [sflag:s2], $0x1000  }
0xb4: {  	[sflag:s2] =	ssyncset.done $0x0  }
0xb5: {  	[sflag:s2] =	ssyncadd.s32 $0xFFFFF000  }
0xb6: {  	_ =	swait.ge [sflag:s2], $0x1000  }
0xb7: {  	[sflag:s2] =	ssyncset.done $0x0  }
0xb8: {  	[sflag:s2] =	ssyncadd.s32 $0xFFFFF000  }
0xb9: {  	_ =	swait.ge [sflag:s2], $0x1000  }
0xba: {  	[sflag:s2] =	ssyncset.done $0x0  }
0xbb: {  	[sflag:s2] =	ssyncadd.s32 $0xFFFFF000  }
0xbc: {  	_ =	swait.ge [sflag:s2], $0x1000  }
0xbd: {  	[sflag:s2] =	ssyncset.done $0x0  }
0xbe: {  	[sflag:s2] =	ssyncadd.s32 $0xFFFFF000  }
0xbf: {  	_ =	swait.ge [sflag:s2], $0x1000  }
0xc0: {  	[sflag:s2] =	ssyncset.done $0x0  }
0xc1: {  	[sflag:s2] =	ssyncadd.s32 $0xFFFFF000  }
0xc2: {  	_ =	swait.ge [sflag:s2], $0x1000  }
0xc3: {  	[sflag:s2] =	ssyncset.done $0x0  }
0xc4: {  	[sflag:s2] =	ssyncadd.s32 $0xFFFFF000  }
0xc5: {  	_ =	swait.ge [sflag:s2], $0x1000  }
0xc6: {  	[sflag:s2] =	ssyncset.done $0x0  }
0xc7: {  	[sflag:s2] =	ssyncadd.s32 $0xFFFFF000  }
0xc8: {  	_ =	swait.ge [sflag:s2], $0x1000  }
0xc9: {  	[sflag:s2] =	ssyncset.done $0x0  }
0xca: {  	[sflag:s2] =	ssyncadd.s32 $0xFFFFF000  }
0xcb: {  	_ =	swait.ge [sflag:s12], $0x2800  }
0xcc: {  	[sflag:s12] =	ssyncset.done $0x0  }
0xcd: {  	[sflag:s12] =	ssyncadd.s32 $0xFFFFD800  }
0xce: {  	_ =	swait.ge [sflag:s1], $0x280  }
0xcf: {  	[sflag:s1] =	ssyncset.done $0x0  }
0xd0: {  	[sflag:s1] =	ssyncadd.s32 $0xFFFFFD80  }
0xd1: {  	[bflag:$0x0] =	sbarrier.arrive $0xFFFF  }
0xd2: {  	s12 =	rddreg [dreg:$0x14]  }
0xd3: {  	s14 =	rddreg [dreg:$0x1f]  }
0xd4: {  	s0 =	simm.s32 $0x1;
	s15 =	simm.s32 $0x3800;
	s16 =	sld [smem:$0x7FB]  }
0xd5: {  	[tilespmem:s10], [sflag:$0x1] =	stream.linear.gather [hbm4b:s12+s7], $0x1000, $0x38;
	[tilespmem:$0x1AD80] =	vst v63  }
0xd6: {  	s20 =	simm.s32 $0x4800;
	s5 =	simm.s32 $0x0;
	s21 =	sld [smem:$0x7FC]  }
0xd7: {  	[tilespmem:s15], [sflag:$0x2] =	stream.linear.gather [hbm4b:s14+s7], $0x1000, $0x38;
	[tilespmem:$0x1AD80] =	vst v63  }
0xd8: {  	s2 =	simm.s32 $0x1D;
	s1 =	simm.s32 $0x7;
	s3 =	rddreg [dreg:$0x2]  }
0xd9: {  	[tilespmem:s20], [sflag:$0x3] =	stream.linear.gather [hbm4b:s16+s7], $0x1000, $0x38;
	[tilespmem:$0x1AD80] =	vst v63  }
0xda: {  	s4 =	rddreg [dreg:$0x3];
	s12 =	simm.s32 $0xD;
	s10 =	simm.s32 $0xC  }
0xdb: {  	[tilespmem:s23], [sflag:$0x4] =	stream.linear.gather [hbm4b:s21+s7], $0xE80, $0x38;
	[tilespmem:$0x1AD80] =	vst v63  }
.LBB2_4:
0xdc: {  	_ =	swait.ge [sflag:s0], $0x1000  }
0xdd: {  	[sflag:s0] =	ssyncset.done $0x0  }
0xde: {  	s15 =	simm.s32 $0x2800;
	s14 =	sld [smem:$0x7FD];
	[sflag:s0] =	ssyncadd.s32 $0xFFFFF000  }
0xdf: {  	[spmem:s3] =	stream.indirect.scatter.add.f32 [tilespmem:s15], [sflag:$0x5], $0x80, s7, s17, $0xb8;
	[tilespmem:$0x1AD80] =	vst v63  }
0xe0: {  	_ = 	snop  }
0xe1: {  	[spmem:s4] =	stream.indirect.scatter.add.f32 [tilespmem:s11], [sflag:$0x9], $0x1, s7, s17, $0xb8;
	[tilespmem:$0x1AD80] =	vst v63  }
0xe2: {  	s20 =	sadd.s32 s5, s14  }
0xe3: {  	[hbm4b:s20+s18] =	stream.linear.scatter [tilespmem:s15], [sflag:$0xD], $0x1000, $0x38;
	[tilespmem:$0x1AD80] =	vst v63  }
0xe4: {  	_ =	swait.ge [sflag:s24], $0x1000  }
0xe5: {  	[sflag:s24] =	ssyncset.done $0x0  }
0xe6: {  	[sflag:s24] =	ssyncadd.s32 $0xFFFFF000  }
0xe7: {  	_ =	swait.ge [sflag:s8], $0x20  }
0xe8: {  	[sflag:s8] =	ssyncset.done $0x0  }
0xe9: {  	[sflag:s8] =	ssyncadd.s32 $0xFFFFFFE0  }
0xea: {  	p0 =	seq.s32 s5, $0x27800;
	_ =	swait.ge [sflag:s12], $0x1000  }
0xeb: {  	s16 =	smov.u32 s25;
	s21 =	sadd.s32 @!p0 s5, s25;
	[sflag:s12] =	ssyncset.done $0x0  }
0xec: {  	s25 =	simm.s32 @!p0 $0x0;
	s14 =	simm.s32 @!p0 $0x2800;
	[sflag:s12] =	ssyncadd.s32 $0xFFFFF000  }
0xed: {  	[tilespmem:s14], [sflag:$0x1] =	stream.linear.gather @!p0 [hbm4b:s21+s25], $0x1000, $0x38;
	[tilespmem:$0x1AD80] =	vst v63  }
0xee: {  	_ =	swait.ge [sflag:s26], $0x1000  }
0xef: {  	[sflag:s26] =	ssyncset.done $0x0  }
0xf0: {  	s15 =	simm.s32 $0x3800;
	s14 =	sadd.s32 $0x20, s7;
	[sflag:s26] =	ssyncadd.s32 $0xFFFFF000  }
0xf1: {  	[spmem:s3] =	stream.indirect.scatter.add.f32 [tilespmem:s15], [sflag:$0x6], $0x80, s14, s17, $0xb8;
	[tilespmem:$0x1AD80] =	vst v63  }
0xf2: {  	_ = 	snop  }
0xf3: {  	[spmem:s4] =	stream.indirect.scatter.add.f32 [tilespmem:s11], [sflag:$0xA], $0x1, s14, s17, $0xb8;
	[tilespmem:$0x1AD80] =	vst v63  }
0xf4: {  	s14 =	sadd.s32 $0x200, s20  }
0xf5: {  	[hbm4b:s14+s18] =	stream.linear.scatter [tilespmem:s15], [sflag:$0xE], $0x1000, $0x38;
	[tilespmem:$0x1AD80] =	vst v63  }
0xf6: {  	_ =	swait.ge [sflag:s28], $0x1000  }
0xf7: {  	[sflag:s28] =	ssyncset.done $0x0  }
0xf8: {  	[sflag:s28] =	ssyncadd.s32 $0xFFFFF000  }
0xf9: {  	_ =	swait.ge [sflag:s29], $0x20  }
0xfa: {  	[sflag:s29] =	ssyncset.done $0x0  }
0xfb: {  	[sflag:s29] =	ssyncadd.s32 $0xFFFFFFE0  }
0xfc: {  	_ =	swait.ge [sflag:s30], $0x1000  }
0xfd: {  	[sflag:s30] =	ssyncset.done $0x0  }
0xfe: {  	s14 =	sadd.s32 @!p0 $0x200, s21;
	s15 =	simm.s32 @!p0 $0x3800;
	[sflag:s30] =	ssyncadd.s32 $0xFFFFF000  }
0xff: {  	[tilespmem:s15], [sflag:$0x2] =	stream.linear.gather @!p0 [hbm4b:s14+s25], $0x1000, $0x38;
	[tilespmem:$0x1AD80] =	vst v63  }
0x100: {  	_ =	swait.ge [sflag:s31], $0x1000  }
0x101: {  	[sflag:s31] =	ssyncset.done $0x0  }
0x102: {  	s14 =	sadd.s32 $0x40, s7;
	s15 =	simm.s32 $0x4800;
	[sflag:s31] =	ssyncadd.s32 $0xFFFFF000  }
0x103: {  	[spmem:s3] =	stream.indirect.scatter.add.f32 [tilespmem:s15], [sflag:$0x7], $0x80, s14, s17, $0xb8;
	[tilespmem:$0x1AD80] =	vst v63  }
0x104: {  	_ = 	snop  }
0x105: {  	[spmem:s4] =	stream.indirect.scatter.add.f32 [tilespmem:s11], [sflag:$0xB], $0x1, s14, s17, $0xb8;
	[tilespmem:$0x1AD80] =	vst v63  }
0x106: {  	s14 =	sadd.s32 $0x400, s20  }
0x107: {  	[hbm4b:s14+s18] =	stream.linear.scatter [tilespmem:s15], [sflag:$0xF], $0x1000, $0x38;
	[tilespmem:$0x1AD80] =	vst v63  }
0x108: {  	_ =	swait.ge [sflag:s1], $0x1000  }
0x109: {  	[sflag:s1] =	ssyncset.done $0x0  }
0x10a: {  	[sflag:s1] =	ssyncadd.s32 $0xFFFFF000  }
0x10b: {  	_ =	swait.ge [sflag:s6], $0x20  }
0x10c: {  	[sflag:s6] =	ssyncset.done $0x0  }
0x10d: {  	[sflag:s6] =	ssyncadd.s32 $0xFFFFFFE0  }
0x10e: {  	_ =	swait.ge [sflag:s13], $0x1000  }
0x10f: {  	[sflag:s13] =	ssyncset.done $0x0  }
0x110: {  	s14 =	sadd.s32 @!p0 $0x400, s21;
	s15 =	simm.s32 @!p0 $0x4800;
	[sflag:s13] =	ssyncadd.s32 $0xFFFFF000  }
0x111: {  	[tilespmem:s15], [sflag:$0x3] =	stream.linear.gather @!p0 [hbm4b:s14+s25], $0x1000, $0x38;
	[tilespmem:$0x1AD80] =	vst v63  }
0x112: {  	_ =	swait.ge [sflag:s9], $0xE80  }
0x113: {  	[sflag:s9] =	ssyncset.done $0x0  }
0x114: {  	s15 =	sadd.s32 $0x60, s7;
	[sflag:s9] =	ssyncadd.s32 $0xFFFFF180  }
0x115: {  	[spmem:s3] =	stream.indirect.scatter.add.f32 [tilespmem:s23], [sflag:$0x8], $0x80, s15, s2, $0xb8;
	[tilespmem:$0x1AD80] =	vst v63  }
0x116: {  	_ = 	snop  }
0x117: {  	[spmem:s4] =	stream.indirect.scatter.add.f32 [tilespmem:s11], [sflag:$0xC], $0x1, s15, s2, $0xb8;
	[tilespmem:$0x1AD80] =	vst v63  }
0x118: {  	s20 =	sadd.s32 $0x600, s20  }
0x119: {  	[hbm4b:s20+s18] =	stream.linear.scatter [tilespmem:s23], [sflag:$0x10], $0xE80, $0x38;
	[tilespmem:$0x1AD80] =	vst v63  }
0x11a: {  	_ =	swait.ge [sflag:s19], $0xE80  }
0x11b: {  	[sflag:s19] =	ssyncset.done $0x0  }
0x11c: {  	[sflag:s19] =	ssyncadd.s32 $0xFFFFF180  }
0x11d: {  	s5 =	sadd.s32 @!p0 $0x800, s5;
	_ =	swait.ge [sflag:s10], $0x1D  }
0x11e: {  	p1 =	sne.s32 @!p0 s5, $0x28000;
	[sflag:s10] =	ssyncset.done $0x0  }
0x11f: {  	p1 =	por p0, !p1;
	[sflag:s10] =	ssyncadd.s32 $0xFFFFFFE3  }
.Ltmp1:
0x120: {  	_ =	swait.ge [sflag:s22], $0xE80;
	(pc) =	sbr.rel @!p1 .LBB2_4-.Ltmp1, $4  }
0x121: {  	[sflag:s22] =	ssyncset.done $0x0  }
0x122: {  	s14 =	sadd.s32 @!p0 $0x600, s21;
	s15 =	simm.s32 @!p0 $0x5800;
	[sflag:s22] =	ssyncadd.s32 $0xFFFFF180  }
0x123: {  	[tilespmem:s15], [sflag:$0x4] =	stream.linear.gather @!p0 [hbm4b:s14+s25], $0xE80, $0x38;
	[tilespmem:$0x1AD80] =	vst v63  }
0x124: {  	s7 =	sadd.s32 @!p0 $0x80, s7;
	s25 =	smov.u32 s16  }
0x125: {  	s5 =	stileid.u32;
	[bflag:$0x0] =	sbarrier.arrive $0xFFFF  }
0x126: {  	s5 =	sshll.u32 s5, $0x6;
	s15 =	rddreg [dreg:$0x5]  }
0x127: {  	s20 =	rddreg [dreg:$0x12];
	s7 =	sor.u32 $0x1C01, s5;
	s14 =	sshrl.u32 s15, $0x3  }
0x128: {  	[hbm:s20], [sflag:s7] =	dma.local [spmem:s14], $0x2800  }
0x129: {  	s14 =	rddreg [dreg:$0x7]  }
0x12a: {  	s5 =	sor.u32 $0x1C09, s5;
	s16 =	rddreg [dreg:$0x16];
	s12 =	sshrl.u32 s14, $0x3  }
0x12b: {  	[hbm:s16], [sflag:s5] =	dma.local [spmem:s12], $0x50  }
0x12c: {  	_ =	swait.ge [sflag:s0], $0x2800  }
0x12d: {  	[sflag:s0] =	ssyncset.done $0x0  }
0x12e: {  	[sflag:s0] =	ssyncadd.s32 $0xFFFFD800  }
0x12f: {  	_ =	swait.ge [sflag:s8], $0x50  }
0x130: {  	s20 =	sld [smem:$0x7FA];
	_ =	sdelay $0x2  }
0x131: {  	s21 =	rddreg [dreg:$0x17];
	s0 =	sadd.s32 $0x1, s20  }
0x132: {  	p0 =	sne.s32 s0, s21  }
.Ltmp2:
0x133: {  	_ = 	snop;
	(pc) =	sbr.rel @p0 .LBB2_1-.Ltmp2, $4  }
0x134: {  	_ = 	snop  }
0x135: {  	s10 =	simm.s32 $0x2800  }
0x136: {  	s1 =	simm.s32 $0x9;
	s4 =	simm.s32 $0x0;
	[sflag:s8] =	ssyncset.done $0x0  }
0x137: {  	s2 =	simm.s32 $0x1;
	s12 =	simm.s32 $0x5;
	[sflag:s8] =	ssyncadd.s32 $0xFFFFFFB0  }
0x138: {  	_ =	sfence.sel $0x180000  }
0x139: {  	[bflag:$0x0] =	sbarrier.arrive $0xFFFF  }
0x13a: {  	_ =	strace $0x90000047  }
0x13b: {  	s0 =	stileid.u32;
	[bflag:$0x2] =	sbarrier.arrive $0xFFFF  }
0x13c: {  	p0 =	sne.s32 s0, $0x0;
	s0 =	rddreg [dreg:$0x4]  }
0x13d: {  	s0 =	sadd.s32 @!p0 $0x100000, s0  }
0x13e: {  	[sflag:s0] =	ssyncadd.tile.s32 @!p0 $0x1;
	_ =	shalt  }
.Lfunc_end2:
_tile_overlayer_lowered:
.L_overlay_start_2:
0x13f: {  	(tag) =	ssettag $0x2  }
0x140: {  	s0 =	rddreg [dreg:$0x0];
	s2 =	stileid.u32  }
0x141: {  	s1 =	rddreg [dreg:$0x1];
	p0 =	sne.s32 s2, $0x0  }
0x142: {  	s3 =	rddreg [dreg:$0x2];
	[bflag:$0x3] =	sbarrier.arrive $0xFFFF;
	s2 =	simm.s32 @!p0 $0x1C11  }
0x143: {  	[timem:s3], [sflag:s2] =	dma.local @!p0 [hbm:s0], s1  }
0x144: {  	s0 =	simm.s32 @!p0 $0x11  }
0x145: {  	_ =	swait.ge @!p0 [sflag:s0], s1  }
0x146: {  	s1 =	ssub.s32 @!p0 $0x0, s1;
	[sflag:s0] =	ssyncset.done @!p0 $0x0  }
0x147: {  	[sflag:s0] =	ssyncadd.s32 @!p0 s1  }
0x148: {  	[bflag:$0x3] =	sbarrier.arrive $0xFFFF  }
0x149: {  	_ =	shalt  }

</sc_bundles>
